<compile_context>
chip_gen: v7x
topology: tpu7x:2x2x1
jax: 0.10.2.dev20260603
libtpu: 0.0.44.dev20260713+nightly
codegen_flags: <defaults>
</compile_context>

<pallas_src>
import functools

import jax
import jax.numpy as jnp
from jax import lax
from jax.experimental import pallas as pl
from jax.experimental.pallas import tpu as pltpu
from jax.experimental.pallas import tpu_sc as plsc

NLAT, NLON = 721, 1440
C = 32
RJ = 40
NCH = NLON // RJ
NPAIR = NCH // 2
L = 16
NG = 46
CFL = 3 * NG * L


TRANS = 360
TRANS_G = TRANS // L
BLK = 12


def _group_plan(g):
    if g == NG - 1:
        return NLAT - L - 1, NLAT - L, NLAT - L, 0 * NG + g, 1 * NG + g, None
    i0 = L * g
    if g == TRANS_G:
        return i0 - 1, i0, i0, 0 * NG + g, 1 * NG + g, (i0 + 1, 2 * NG + g)
    if g < TRANS_G:
        return i0, i0 + 1, i0, 1 * NG + g, 2 * NG + g, None
    return i0 - 1, i0, i0, 0 * NG + g, 1 * NG + g, None


def _stencil_chunk(win_v, cf_v, o_v):
    order = list(range(NG - 2)) + [NG - 1, NG - 2]
    for b0 in range(0, NG, BLK):
        plans = []
        for g in order[b0:b0 + BLK]:
            po, qo, so, ur, vr, third = _group_plan(g)
            u = cf_v[pl.ds(ur * L, L)]
            v = cf_v[pl.ds(vr * L, L)]
            tc = (third[0], cf_v[pl.ds(third[1] * L, L)]) if third else None
            plans.append((po, qo, so, u, v, tc))

        @plsc.parallel_loop(0, RJ, unroll=2)
        def row_body(j, plans=plans):
            for po, qo, so, u, v, tc in plans:
                acc = u * win_v[j, pl.ds(po, L)] + v * win_v[j, pl.ds(qo, L)]
                if tc is not None:
                    acc = acc + tc[1] * win_v[j, pl.ds(tc[0], L)]
                o_v[j, pl.ds(so, L)] = acc


def _sc_lerp(dataT, cf):
    mesh = plsc.VectorSubcoreMesh(core_axis_name="c", subcore_axis_name="s")

    @functools.partial(
        pl.kernel,
        out_type=jax.ShapeDtypeStruct((1, C, NLON, NLAT), jnp.float32),
        mesh=mesh,
        scratch_types=[
            pltpu.VMEM((CFL,), jnp.float32),
            pltpu.VMEM((RJ, NLAT), jnp.float32),
            pltpu.VMEM((RJ, NLAT), jnp.float32),
            pltpu.VMEM((RJ, NLAT), jnp.float32),
            pltpu.VMEM((RJ, NLAT), jnp.float32),
            pltpu.SemaphoreType.DMA,
            pltpu.SemaphoreType.DMA,
            pltpu.SemaphoreType.DMA,
            pltpu.SemaphoreType.DMA,
            pltpu.SemaphoreType.DMA,
        ],
    )
    def k(data_hbm, cf_hbm, out_hbm,
          cf_v, win0, win1, o0, o1,
          semP, semG0, semG1, semO0, semO1):
        wid = lax.axis_index("s") * 2 + lax.axis_index("c")

        def win_issue(c, win_v, sem):
            pltpu.async_copy(data_hbm.at[0, wid, pl.ds(c * RJ, RJ)], win_v, sem)

        def win_wait(win_v, sem):
            pltpu.make_async_copy(
                data_hbm.at[0, wid, pl.ds(0, RJ)], win_v, sem).wait()

        def out_issue(c, o_v, sem):
            pltpu.async_copy(o_v, out_hbm.at[0, wid, pl.ds(c * RJ, RJ)], sem)

        def out_wait(o_v, sem):
            pltpu.make_async_copy(
                o_v, out_hbm.at[0, wid, pl.ds(0, RJ)], sem).wait()

        pltpu.async_copy(cf_hbm, cf_v, semP)
        win_issue(0, win0, semG0)
        pltpu.make_async_copy(cf_hbm, cf_v, semP).wait()

        def pair_body(p, carry):
            cA = 2 * p
            cB = cA + 1

            win_wait(win0, semG0)
            win_issue(cB, win1, semG1)

            @pl.when(p > 0)
            def _():
                out_wait(o0, semO0)

            _stencil_chunk(win0, cf_v, o0)
            out_issue(cA, o0, semO0)
            win_wait(win1, semG1)

            @pl.when(p < NPAIR - 1)
            def _():
                win_issue(cA + 2, win0, semG0)

            @pl.when(p > 0)
            def _():
                out_wait(o1, semO1)

            _stencil_chunk(win1, cf_v, o1)
            out_issue(cB, o1, semO1)
            return carry

        lax.fori_loop(0, NPAIR, pair_body, 0)
        out_wait(o0, semO0)
        out_wait(o1, semO1)

    return k(dataT, cf)


def kernel(data, indices, interp_weights):
    idx = indices.astype(jnp.int32)
    w = interp_weights.reshape(NLAT).astype(jnp.float32)
    i = jnp.arange(NLAT, dtype=jnp.int32)
    dm1 = idx == i - 1
    zero = jnp.zeros((NLAT,), jnp.float32)
    cm = jnp.where(dm1, 1.0 - w, zero)
    c0 = jnp.where(dm1, w, 1.0 - w)
    c1 = jnp.where(dm1, zero, w)
    tailsl = slice(NLAT - L, NLAT)
    cf = jnp.concatenate([
        jnp.concatenate([cm[:NLAT - 1].reshape(NG - 1, L), cm[None, tailsl]]),
        jnp.concatenate([c0[:NLAT - 1].reshape(NG - 1, L), c0[None, tailsl]]),
        jnp.concatenate([c1[:NLAT - 1].reshape(NG - 1, L), c1[None, tailsl]]),
    ]).reshape(CFL)
    dataT = jnp.transpose(data, (0, 1, 3, 2))
    outT = _sc_lerp(dataT, cf)
    return jnp.transpose(outT, (0, 1, 3, 2))

# --- scband reference (transcript-rebuilt; emitter-appended) ---
"""Pipeline reference for scband-grid-converter-10703058501774 (READ-ONLY COPY).

The authoritative reference and input builder live on the scoring server;
editing this copy changes nothing except your own understanding.
"""

import jax, jax.numpy as jnp
import numpy as np

NLAT = 721
NLON = 1440
B = 1
C = 32


def _build_interp():
    # src equiangular latitudes, descending from +pi/2 to -pi/2 (matches lat_rad init arg)
    lat = np.linspace(np.pi / 2, -np.pi / 2, NLAT)
    # legendre_gauss_weights(NLAT, -1, 1): Gauss-Legendre nodes ascending in (-1, 1)
    cost, _ = np.polynomial.legendre.leggauss(NLAT)
    tq = np.arccos(cost) - np.pi / 2.0  # dst latitudes, descending
    permutation = np.arange(NLAT - 1, -1, -1)
    # torch.searchsorted(lat, tq, sorter=permutation) == np.searchsorted(lat[permutation], tq, side='left')
    jj = np.searchsorted(lat[permutation], tq, side='left') - 1
    indices = jj[permutation]
    weights = ((tq - lat[indices]) / np.diff(lat)[indices]).reshape(-1, 1)
    return indices.astype(np.int64), weights.astype(np.float32)


def setup_inputs(seed: int = 0) -> dict:
    key = jax.random.key(seed)
    idx, w = _build_interp()
    data = jax.random.normal(key, (B, C, NLAT, NLON), dtype=jnp.float32)
    return {"data": data, "indices": jnp.asarray(idx), "interp_weights": jnp.asarray(w)}


def reference(data, indices, interp_weights):
    # torch.lerp(a, b, w) = a + w * (b - a)
    a = data[..., indices, :]
    b = data[..., indices + 1, :]
    w = interp_weights.astype(data.dtype)
    return a + w * (b - a)

if __name__ == "__main__":
    import jax
    _d = setup_inputs()
    print(jax.jit(kernel)(*tuple(_d.values())))

</pallas_src>

<mosaic_0001>
#map = affine_map<(d0, d1) -> (0, 0, 0, 0)>
#map1 = affine_map<(d0, d1) -> (0)>
module attributes {stable_mosaic.version = 14 : i64} {
  func.func @k(%arg0: i32, %arg1: i32, %arg2: memref<1x32x1440x721xf32, #tpu.memory_space<hbm>>, %arg3: memref<2208xf32, #tpu.memory_space<hbm>>, %arg4: memref<1x32x1440x721xf32, #tpu.memory_space<hbm>>, %arg5: memref<2208xf32, #tpu.memory_space<vmem>>, %arg6: memref<40x721xf32, #tpu.memory_space<vmem>>, %arg7: memref<40x721xf32, #tpu.memory_space<vmem>>, %arg8: memref<40x721xf32, #tpu.memory_space<vmem>>, %arg9: memref<40x721xf32, #tpu.memory_space<vmem>>, %arg10: memref<!tpu.dma_semaphore, #tpu.memory_space<semaphore_mem>>, %arg11: memref<!tpu.dma_semaphore, #tpu.memory_space<semaphore_mem>>, %arg12: memref<!tpu.dma_semaphore, #tpu.memory_space<semaphore_mem>>, %arg13: memref<!tpu.dma_semaphore, #tpu.memory_space<semaphore_mem>>, %arg14: memref<!tpu.dma_semaphore, #tpu.memory_space<semaphore_mem>>) attributes {dimension_semantics = [#tpu.dimension_semantics<core_parallel>, #tpu.dimension_semantics<subcore_parallel>], iteration_bounds = array<i64: 2, 16>, scalar_prefetch = 0 : i64, scratch_operands = 10 : i64, tpu.core_type = #tpu.core_type<sc_vector_subcore>, window_params = [{transform_indices = #map}, {transform_indices = #map1}, {transform_indices = #map}]} {
    %mul3A = arith.constant 2 : i32
    %mul3A_0 = arith.muli %arg1, %mul3A : i32
    %add3A = arith.addi %mul3A_0, %arg0 : i32
    tpu.enqueue_dma source(%arg3 : memref<2208xf32, #tpu.memory_space<hbm>>) target(%arg5 : memref<2208xf32, #tpu.memory_space<vmem>>) target_semaphore(%arg10 : memref<!tpu.dma_semaphore, #tpu.memory_space<semaphore_mem>>)
    %dma_start3A = arith.constant 0 : i32
    %dma_start3A_1 = arith.constant 0 : i32
    %dma_start3A_2 = arith.constant 0 : i32
    %dma_start3A_3 = tpu.memref_slice %arg2[%dma_start3A, %add3A, %dma_start3A_1, %dma_start3A_2] : memref<1x32x1440x721xf32, #tpu.memory_space<hbm>> -> memref<1x1x40x721xf32, #tpu.memory_space<hbm>>
    %dma_start3A_4 = tpu.memref_squeeze %dma_start3A_3 : memref<1x1x40x721xf32, #tpu.memory_space<hbm>> -> memref<40x721xf32, #tpu.memory_space<hbm>>
    %dma_start3A_5 = arith.constant 0 : i32
    %dma_start3A_6 = arith.constant 0 : i32
    %dma_start3A_7 = tpu.memref_slice %arg2[%dma_start3A, %add3A, %dma_start3A_5, %dma_start3A_6] : memref<1x32x1440x721xf32, #tpu.memory_space<hbm>> -> memref<1x1x40x721xf32, #tpu.memory_space<hbm>>
    %dma_start3A_8 = tpu.memref_squeeze %dma_start3A_7 : memref<1x1x40x721xf32, #tpu.memory_space<hbm>> -> memref<40x721xf32, #tpu.memory_space<hbm>>
    tpu.enqueue_dma source(%dma_start3A_8 : memref<40x721xf32, #tpu.memory_space<hbm>>) target(%arg6 : memref<40x721xf32, #tpu.memory_space<vmem>>) target_semaphore(%arg11 : memref<!tpu.dma_semaphore, #tpu.memory_space<semaphore_mem>>)
    tpu.wait_dma2 semaphore(%arg10 : memref<!tpu.dma_semaphore, #tpu.memory_space<semaphore_mem>>) src(%arg3 : memref<2208xf32, #tpu.memory_space<hbm>>) dst(%arg5 : memref<2208xf32, #tpu.memory_space<vmem>>)
    %scan3A = arith.constant 0 : i32
    %scan3A_9 = arith.constant 0 : i32
    %scan3A_10 = arith.constant 18 : i32
    %scan3A_11 = arith.addi %scan3A_9, %scan3A_10 : i32
    %scan3A_12 = arith.constant 1 : i32
    scf.for %scan3A_31 = %scan3A_9 to %scan3A_11 step %scan3A_12  : i32 {
      %mul3A_32 = arith.constant 2 : i32
      %mul3A_33 = arith.muli %mul3A_32, %scan3A_31 : i32
      %add3A_34 = arith.constant 1 : i32
      %add3A_35 = arith.addi %mul3A_33, %add3A_34 : i32
      %dma_wait3A_36 = arith.constant 0 : i32
      %dma_wait3A_37 = arith.constant 0 : i32
      %dma_wait3A_38 = arith.constant 0 : i32
      %dma_wait3A_39 = tpu.memref_slice %arg2[%dma_wait3A_36, %add3A, %dma_wait3A_37, %dma_wait3A_38] : memref<1x32x1440x721xf32, #tpu.memory_space<hbm>> -> memref<1x1x40x721xf32, #tpu.memory_space<hbm>>
      %dma_wait3A_40 = tpu.memref_squeeze %dma_wait3A_39 : memref<1x1x40x721xf32, #tpu.memory_space<hbm>> -> memref<40x721xf32, #tpu.memory_space<hbm>>
      %dma_wait3A_41 = arith.constant 0 : i32
      %dma_wait3A_42 = arith.constant 0 : i32
      %dma_wait3A_43 = tpu.memref_slice %arg2[%dma_wait3A_36, %add3A, %dma_wait3A_41, %dma_wait3A_42] : memref<1x32x1440x721xf32, #tpu.memory_space<hbm>> -> memref<1x1x40x721xf32, #tpu.memory_space<hbm>>
      %dma_wait3A_44 = tpu.memref_squeeze %dma_wait3A_43 : memref<1x1x40x721xf32, #tpu.memory_space<hbm>> -> memref<40x721xf32, #tpu.memory_space<hbm>>
      tpu.wait_dma2 semaphore(%arg11 : memref<!tpu.dma_semaphore, #tpu.memory_space<semaphore_mem>>) src(%dma_wait3A_44 : memref<40x721xf32, #tpu.memory_space<hbm>>) dst(%arg6 : memref<40x721xf32, #tpu.memory_space<vmem>>)
      %mul3A_45 = arith.constant 40 : i32
      %mul3A_46 = arith.muli %add3A_35, %mul3A_45 : i32
      %dma_start3A_47 = arith.constant 0 : i32
      %dma_start3A_48 = arith.constant 0 : i32
      %dma_start3A_49 = tpu.memref_slice %arg2[%dma_start3A_47, %add3A, %mul3A_46, %dma_start3A_48] : memref<1x32x1440x721xf32, #tpu.memory_space<hbm>> -> memref<1x1x40x721xf32, #tpu.memory_space<hbm>>
      %dma_start3A_50 = tpu.memref_squeeze %dma_start3A_49 : memref<1x1x40x721xf32, #tpu.memory_space<hbm>> -> memref<40x721xf32, #tpu.memory_space<hbm>>
      %dma_start3A_51 = arith.constant 0 : i32
      %dma_start3A_52 = tpu.memref_slice %arg2[%dma_start3A_47, %add3A, %mul3A_46, %dma_start3A_51] : memref<1x32x1440x721xf32, #tpu.memory_space<hbm>> -> memref<1x1x40x721xf32, #tpu.memory_space<hbm>>
      %dma_start3A_53 = tpu.memref_squeeze %dma_start3A_52 : memref<1x1x40x721xf32, #tpu.memory_space<hbm>> -> memref<40x721xf32, #tpu.memory_space<hbm>>
      tpu.enqueue_dma source(%dma_start3A_53 : memref<40x721xf32, #tpu.memory_space<hbm>>) target(%arg7 : memref<40x721xf32, #tpu.memory_space<vmem>>) target_semaphore(%arg12 : memref<!tpu.dma_semaphore, #tpu.memory_space<semaphore_mem>>)
      %gt3A = arith.constant 0 : i32
      %gt3A_54 = arith.cmpi sgt, %scan3A_31, %gt3A : i32
      %convert_element_type3A = arith.extui %gt3A_54 : i1 to i32
      %cond3A = arith.constant 0 : i32
      %cond3A_55 = arith.cmpi ne, %convert_element_type3A, %cond3A : i32
      scf.if %cond3A_55 {
        %dma_wait3A_672 = arith.constant 0 : i32
        %dma_wait3A_673 = arith.constant 0 : i32
        %dma_wait3A_674 = arith.constant 0 : i32
        %dma_wait3A_675 = tpu.memref_slice %arg4[%dma_wait3A_672, %add3A, %dma_wait3A_673, %dma_wait3A_674] : memref<1x32x1440x721xf32, #tpu.memory_space<hbm>> -> memref<1x1x40x721xf32, #tpu.memory_space<hbm>>
        %dma_wait3A_676 = tpu.memref_squeeze %dma_wait3A_675 : memref<1x1x40x721xf32, #tpu.memory_space<hbm>> -> memref<40x721xf32, #tpu.memory_space<hbm>>
        %dma_wait3A_677 = arith.constant 0 : i32
        %dma_wait3A_678 = arith.constant 0 : i32
        %dma_wait3A_679 = tpu.memref_slice %arg4[%dma_wait3A_672, %add3A, %dma_wait3A_677, %dma_wait3A_678] : memref<1x32x1440x721xf32, #tpu.memory_space<hbm>> -> memref<1x1x40x721xf32, #tpu.memory_space<hbm>>
        %dma_wait3A_680 = tpu.memref_squeeze %dma_wait3A_679 : memref<1x1x40x721xf32, #tpu.memory_space<hbm>> -> memref<40x721xf32, #tpu.memory_space<hbm>>
        tpu.wait_dma2 semaphore(%arg13 : memref<!tpu.dma_semaphore, #tpu.memory_space<semaphore_mem>>) src(%arg8 : memref<40x721xf32, #tpu.memory_space<vmem>>) dst(%dma_wait3A_680 : memref<40x721xf32, #tpu.memory_space<hbm>>)
      } else {
      }
      %get3A = arith.constant 736 : index
      %get3A_56 = tpu.vector_load %arg5[%get3A] {strides = array<i32>} : memref<2208xf32, #tpu.memory_space<vmem>>, vector<16xf32>,
      %get3A_57 = vector.shape_cast %get3A_56 : vector<16xf32> to vector<16xf32>
      %get3A_58 = arith.constant 1472 : index
      %get3A_59 = tpu.vector_load %arg5[%get3A_58] {strides = array<i32>} : memref<2208xf32, #tpu.memory_space<vmem>>, vector<16xf32>,
      %get3A_60 = vector.shape_cast %get3A_59 : vector<16xf32> to vector<16xf32>
      %get3A_61 = arith.constant 752 : index
      %get3A_62 = tpu.vector_load %arg5[%get3A_61] {strides = array<i32>} : memref<2208xf32, #tpu.memory_space<vmem>>, vector<16xf32>,
      %get3A_63 = vector.shape_cast %get3A_62 : vector<16xf32> to vector<16xf32>
      %get3A_64 = arith.constant 1488 : index
      %get3A_65 = tpu.vector_load %arg5[%get3A_64] {strides = array<i32>} : memref<2208xf32, #tpu.memory_space<vmem>>, vector<16xf32>,
      %get3A_66 = vector.shape_cast %get3A_65 : vector<16xf32> to vector<16xf32>
      %get3A_67 = arith.constant 768 : index
      %get3A_68 = tpu.vector_load %arg5[%get3A_67] {strides = array<i32>} : memref<2208xf32, #tpu.memory_space<vmem>>, vector<16xf32>,
      %get3A_69 = vector.shape_cast %get3A_68 : vector<16xf32> to vector<16xf32>
      %get3A_70 = arith.constant 1504 : index
      %get3A_71 = tpu.vector_load %arg5[%get3A_70] {strides = array<i32>} : memref<2208xf32, #tpu.memory_space<vmem>>, vector<16xf32>,
      %get3A_72 = vector.shape_cast %get3A_71 : vector<16xf32> to vector<16xf32>
      %get3A_73 = arith.constant 784 : index
      %get3A_74 = tpu.vector_load %arg5[%get3A_73] {strides = array<i32>} : memref<2208xf32, #tpu.memory_space<vmem>>, vector<16xf32>,
      %get3A_75 = vector.shape_cast %get3A_74 : vector<16xf32> to vector<16xf32>
      %get3A_76 = arith.constant 1520 : index
      %get3A_77 = tpu.vector_load %arg5[%get3A_76] {strides = array<i32>} : memref<2208xf32, #tpu.memory_space<vmem>>, vector<16xf32>,
      %get3A_78 = vector.shape_cast %get3A_77 : vector<16xf32> to vector<16xf32>
      %get3A_79 = arith.constant 800 : index
      %get3A_80 = tpu.vector_load %arg5[%get3A_79] {strides = array<i32>} : memref<2208xf32, #tpu.memory_space<vmem>>, vector<16xf32>,
      %get3A_81 = vector.shape_cast %get3A_80 : vector<16xf32> to vector<16xf32>
      %get3A_82 = arith.constant 1536 : index
      %get3A_83 = tpu.vector_load %arg5[%get3A_82] {strides = array<i32>} : memref<2208xf32, #tpu.memory_space<vmem>>, vector<16xf32>,
      %get3A_84 = vector.shape_cast %get3A_83 : vector<16xf32> to vector<16xf32>
      %get3A_85 = arith.constant 816 : index
      %get3A_86 = tpu.vector_load %arg5[%get3A_85] {strides = array<i32>} : memref<2208xf32, #tpu.memory_space<vmem>>, vector<16xf32>,
      %get3A_87 = vector.shape_cast %get3A_86 : vector<16xf32> to vector<16xf32>
      %get3A_88 = arith.constant 1552 : index
      %get3A_89 = tpu.vector_load %arg5[%get3A_88] {strides = array<i32>} : memref<2208xf32, #tpu.memory_space<vmem>>, vector<16xf32>,
      %get3A_90 = vector.shape_cast %get3A_89 : vector<16xf32> to vector<16xf32>
      %get3A_91 = arith.constant 832 : index
      %get3A_92 = tpu.vector_load %arg5[%get3A_91] {strides = array<i32>} : memref<2208xf32, #tpu.memory_space<vmem>>, vector<16xf32>,
      %get3A_93 = vector.shape_cast %get3A_92 : vector<16xf32> to vector<16xf32>
      %get3A_94 = arith.constant 1568 : index
      %get3A_95 = tpu.vector_load %arg5[%get3A_94] {strides = array<i32>} : memref<2208xf32, #tpu.memory_space<vmem>>, vector<16xf32>,
      %get3A_96 = vector.shape_cast %get3A_95 : vector<16xf32> to vector<16xf32>
      %get3A_97 = arith.constant 848 : index
      %get3A_98 = tpu.vector_load %arg5[%get3A_97] {strides = array<i32>} : memref<2208xf32, #tpu.memory_space<vmem>>, vector<16xf32>,
      %get3A_99 = vector.shape_cast %get3A_98 : vector<16xf32> to vector<16xf32>
      %get3A_100 = arith.constant 1584 : index
      %get3A_101 = tpu.vector_load %arg5[%get3A_100] {strides = array<i32>} : memref<2208xf32, #tpu.memory_space<vmem>>, vector<16xf32>,
      %get3A_102 = vector.shape_cast %get3A_101 : vector<16xf32> to vector<16xf32>
      %get3A_103 = arith.constant 864 : index
      %get3A_104 = tpu.vector_load %arg5[%get3A_103] {strides = array<i32>} : memref<2208xf32, #tpu.memory_space<vmem>>, vector<16xf32>,
      %get3A_105 = vector.shape_cast %get3A_104 : vector<16xf32> to vector<16xf32>
      %get3A_106 = arith.constant 1600 : index
      %get3A_107 = tpu.vector_load %arg5[%get3A_106] {strides = array<i32>} : memref<2208xf32, #tpu.memory_space<vmem>>, vector<16xf32>,
      %get3A_108 = vector.shape_cast %get3A_107 : vector<16xf32> to vector<16xf32>
      %get3A_109 = arith.constant 880 : index
      %get3A_110 = tpu.vector_load %arg5[%get3A_109] {strides = array<i32>} : memref<2208xf32, #tpu.memory_space<vmem>>, vector<16xf32>,
      %get3A_111 = vector.shape_cast %get3A_110 : vector<16xf32> to vector<16xf32>
      %get3A_112 = arith.constant 1616 : index
      %get3A_113 = tpu.vector_load %arg5[%get3A_112] {strides = array<i32>} : memref<2208xf32, #tpu.memory_space<vmem>>, vector<16xf32>,
      %get3A_114 = vector.shape_cast %get3A_113 : vector<16xf32> to vector<16xf32>
      %get3A_115 = arith.constant 896 : index
      %get3A_116 = tpu.vector_load %arg5[%get3A_115] {strides = array<i32>} : memref<2208xf32, #tpu.memory_space<vmem>>, vector<16xf32>,
      %get3A_117 = vector.shape_cast %get3A_116 : vector<16xf32> to vector<16xf32>
      %get3A_118 = arith.constant 1632 : index
      %get3A_119 = tpu.vector_load %arg5[%get3A_118] {strides = array<i32>} : memref<2208xf32, #tpu.memory_space<vmem>>, vector<16xf32>,
      %get3A_120 = vector.shape_cast %get3A_119 : vector<16xf32> to vector<16xf32>
      %get3A_121 = arith.constant 912 : index
      %get3A_122 = tpu.vector_load %arg5[%get3A_121] {strides = array<i32>} : memref<2208xf32, #tpu.memory_space<vmem>>, vector<16xf32>,
      %get3A_123 = vector.shape_cast %get3A_122 : vector<16xf32> to vector<16xf32>
      %get3A_124 = arith.constant 1648 : index
      %get3A_125 = tpu.vector_load %arg5[%get3A_124] {strides = array<i32>} : memref<2208xf32, #tpu.memory_space<vmem>>, vector<16xf32>,
      %get3A_126 = vector.shape_cast %get3A_125 : vector<16xf32> to vector<16xf32>
      %parallel_loop3A = arith.constant 0 : i32
      %parallel_loop3A_127 = arith.constant 40 : i32
      %parallel_loop3A_128 = arith.constant 1 : i32
      scf.for %parallel_loop3A_672 = %parallel_loop3A to %parallel_loop3A_127 step %parallel_loop3A_128  : i32 {
        %parallel_loop3A_673 = arith.index_cast %parallel_loop3A_672 : i32 to index
        %parallel_loop3A_674 = arith.constant 0 : index
        %parallel_loop3A_675 = tpu.vector_load %arg6[%parallel_loop3A_673, %parallel_loop3A_674] {strides = array<i32>} : memref<40x721xf32, #tpu.memory_space<vmem>>, vector<1x16xf32>,
        %parallel_loop3A_676 = vector.shape_cast %parallel_loop3A_675 : vector<1x16xf32> to vector<16xf32>
        %parallel_loop3A_677 = arith.mulf %get3A_57, %parallel_loop3A_676 : vector<16xf32>
        %parallel_loop3A_678 = arith.index_cast %parallel_loop3A_672 : i32 to index
        %parallel_loop3A_679 = arith.constant 1 : index
        %parallel_loop3A_680 = tpu.vector_load %arg6[%parallel_loop3A_678, %parallel_loop3A_679] {strides = array<i32>} : memref<40x721xf32, #tpu.memory_space<vmem>>, vector<1x16xf32>,
        %parallel_loop3A_681 = vector.shape_cast %parallel_loop3A_680 : vector<1x16xf32> to vector<16xf32>
        %parallel_loop3A_682 = arith.mulf %get3A_60, %parallel_loop3A_681 : vector<16xf32>
        %parallel_loop3A_683 = arith.addf %parallel_loop3A_677, %parallel_loop3A_682 : vector<16xf32>
        %parallel_loop3A_684 = arith.index_cast %parallel_loop3A_672 : i32 to index
        %parallel_loop3A_685 = arith.constant 0 : index
        %parallel_loop3A_686 = tpu.vector_load %arg8[%parallel_loop3A_684, %parallel_loop3A_685] {strides = array<i32>} : memref<40x721xf32, #tpu.memory_space<vmem>>, vector<1x16xf32>,
        %parallel_loop3A_687 = vector.shape_cast %parallel_loop3A_686 : vector<1x16xf32> to vector<16xf32>
        %parallel_loop3A_688 = vector.shape_cast %parallel_loop3A_683 : vector<16xf32> to vector<1x16xf32>
        tpu.vector_store %arg8[%parallel_loop3A_684, %parallel_loop3A_685], %parallel_loop3A_688 {strides = array<i32>} : memref<40x721xf32, #tpu.memory_space<vmem>>, vector<1x16xf32>,
        %parallel_loop3A_689 = arith.index_cast %parallel_loop3A_672 : i32 to index
        %parallel_loop3A_690 = arith.constant 16 : index
        %parallel_loop3A_691 = tpu.vector_load %arg6[%parallel_loop3A_689, %parallel_loop3A_690] {strides = array<i32>} : memref<40x721xf32, #tpu.memory_space<vmem>>, vector<1x16xf32>,
        %parallel_loop3A_692 = vector.shape_cast %parallel_loop3A_691 : vector<1x16xf32> to vector<16xf32>
        %parallel_loop3A_693 = arith.mulf %get3A_63, %parallel_loop3A_692 : vector<16xf32>
        %parallel_loop3A_694 = arith.index_cast %parallel_loop3A_672 : i32 to index
        %parallel_loop3A_695 = arith.constant 17 : index
        %parallel_loop3A_696 = tpu.vector_load %arg6[%parallel_loop3A_694, %parallel_loop3A_695] {strides = array<i32>} : memref<40x721xf32, #tpu.memory_space<vmem>>, vector<1x16xf32>,
        %parallel_loop3A_697 = vector.shape_cast %parallel_loop3A_696 : vector<1x16xf32> to vector<16xf32>
        %parallel_loop3A_698 = arith.mulf %get3A_66, %parallel_loop3A_697 : vector<16xf32>
        %parallel_loop3A_699 = arith.addf %parallel_loop3A_693, %parallel_loop3A_698 : vector<16xf32>
        %parallel_loop3A_700 = arith.index_cast %parallel_loop3A_672 : i32 to index
        %parallel_loop3A_701 = arith.constant 16 : index
        %parallel_loop3A_702 = tpu.vector_load %arg8[%parallel_loop3A_700, %parallel_loop3A_701] {strides = array<i32>} : memref<40x721xf32, #tpu.memory_space<vmem>>, vector<1x16xf32>,
        %parallel_loop3A_703 = vector.shape_cast %parallel_loop3A_702 : vector<1x16xf32> to vector<16xf32>
        %parallel_loop3A_704 = vector.shape_cast %parallel_loop3A_699 : vector<16xf32> to vector<1x16xf32>
        tpu.vector_store %arg8[%parallel_loop3A_700, %parallel_loop3A_701], %parallel_loop3A_704 {strides = array<i32>} : memref<40x721xf32, #tpu.memory_space<vmem>>, vector<1x16xf32>,
        %parallel_loop3A_705 = arith.index_cast %parallel_loop3A_672 : i32 to index
        %parallel_loop3A_706 = arith.constant 32 : index
        %parallel_loop3A_707 = tpu.vector_load %arg6[%parallel_loop3A_705, %parallel_loop3A_706] {strides = array<i32>} : memref<40x721xf32, #tpu.memory_space<vmem>>, vector<1x16xf32>,
        %parallel_loop3A_708 = vector.shape_cast %parallel_loop3A_707 : vector<1x16xf32> to vector<16xf32>
        %parallel_loop3A_709 = arith.mulf %get3A_69, %parallel_loop3A_708 : vector<16xf32>
        %parallel_loop3A_710 = arith.index_cast %parallel_loop3A_672 : i32 to index
        %parallel_loop3A_711 = arith.constant 33 : index
        %parallel_loop3A_712 = tpu.vector_load %arg6[%parallel_loop3A_710, %parallel_loop3A_711] {strides = array<i32>} : memref<40x721xf32, #tpu.memory_space<vmem>>, vector<1x16xf32>,
        %parallel_loop3A_713 = vector.shape_cast %parallel_loop3A_712 : vector<1x16xf32> to vector<16xf32>
        %parallel_loop3A_714 = arith.mulf %get3A_72, %parallel_loop3A_713 : vector<16xf32>
        %parallel_loop3A_715 = arith.addf %parallel_loop3A_709, %parallel_loop3A_714 : vector<16xf32>
        %parallel_loop3A_716 = arith.index_cast %parallel_loop3A_672 : i32 to index
        %parallel_loop3A_717 = arith.constant 32 : index
        %parallel_loop3A_718 = tpu.vector_load %arg8[%parallel_loop3A_716, %parallel_loop3A_717] {strides = array<i32>} : memref<40x721xf32, #tpu.memory_space<vmem>>, vector<1x16xf32>,
        %parallel_loop3A_719 = vector.shape_cast %parallel_loop3A_718 : vector<1x16xf32> to vector<16xf32>
        %parallel_loop3A_720 = vector.shape_cast %parallel_loop3A_715 : vector<16xf32> to vector<1x16xf32>
        tpu.vector_store %arg8[%parallel_loop3A_716, %parallel_loop3A_717], %parallel_loop3A_720 {strides = array<i32>} : memref<40x721xf32, #tpu.memory_space<vmem>>, vector<1x16xf32>,
        %parallel_loop3A_721 = arith.index_cast %parallel_loop3A_672 : i32 to index
        %parallel_loop3A_722 = arith.constant 48 : index
        %parallel_loop3A_723 = tpu.vector_load %arg6[%parallel_loop3A_721, %parallel_loop3A_722] {strides = array<i32>} : memref<40x721xf32, #tpu.memory_space<vmem>>, vector<1x16xf32>,
        %parallel_loop3A_724 = vector.shape_cast %parallel_loop3A_723 : vector<1x16xf32> to vector<16xf32>
        %parallel_loop3A_725 = arith.mulf %get3A_75, %parallel_loop3A_724 : vector<16xf32>
        %parallel_loop3A_726 = arith.index_cast %parallel_loop3A_672 : i32 to index
        %parallel_loop3A_727 = arith.constant 49 : index
        %parallel_loop3A_728 = tpu.vector_load %arg6[%parallel_loop3A_726, %parallel_loop3A_727] {strides = array<i32>} : memref<40x721xf32, #tpu.memory_space<vmem>>, vector<1x16xf32>,
        %parallel_loop3A_729 = vector.shape_cast %parallel_loop3A_728 : vector<1x16xf32> to vector<16xf32>
        %parallel_loop3A_730 = arith.mulf %get3A_78, %parallel_loop3A_729 : vector<16xf32>
        %parallel_loop3A_731 = arith.addf %parallel_loop3A_725, %parallel_loop3A_730 : vector<16xf32>
        %parallel_loop3A_732 = arith.index_cast %parallel_loop3A_672 : i32 to index
        %parallel_loop3A_733 = arith.constant 48 : index
        %parallel_loop3A_734 = tpu.vector_load %arg8[%parallel_loop3A_732, %parallel_loop3A_733] {strides = array<i32>} : memref<40x721xf32, #tpu.memory_space<vmem>>, vector<1x16xf32>,
        %parallel_loop3A_735 = vector.shape_cast %parallel_loop3A_734 : vector<1x16xf32> to vector<16xf32>
        %parallel_loop3A_736 = vector.shape_cast %parallel_loop3A_731 : vector<16xf32> to vector<1x16xf32>
        tpu.vector_store %arg8[%parallel_loop3A_732, %parallel_loop3A_733], %parallel_loop3A_736 {strides = array<i32>} : memref<40x721xf32, #tpu.memory_space<vmem>>, vector<1x16xf32>,
        %parallel_loop3A_737 = arith.index_cast %parallel_loop3A_672 : i32 to index
        %parallel_loop3A_738 = arith.constant 64 : index
        %parallel_loop3A_739 = tpu.vector_load %arg6[%parallel_loop3A_737, %parallel_loop3A_738] {strides = array<i32>} : memref<40x721xf32, #tpu.memory_space<vmem>>, vector<1x16xf32>,
        %parallel_loop3A_740 = vector.shape_cast %parallel_loop3A_739 : vector<1x16xf32> to vector<16xf32>
        %parallel_loop3A_741 = arith.mulf %get3A_81, %parallel_loop3A_740 : vector<16xf32>
        %parallel_loop3A_742 = arith.index_cast %parallel_loop3A_672 : i32 to index
        %parallel_loop3A_743 = arith.constant 65 : index
        %parallel_loop3A_744 = tpu.vector_load %arg6[%parallel_loop3A_742, %parallel_loop3A_743] {strides = array<i32>} : memref<40x721xf32, #tpu.memory_space<vmem>>, vector<1x16xf32>,
        %parallel_loop3A_745 = vector.shape_cast %parallel_loop3A_744 : vector<1x16xf32> to vector<16xf32>
        %parallel_loop3A_746 = arith.mulf %get3A_84, %parallel_loop3A_745 : vector<16xf32>
        %parallel_loop3A_747 = arith.addf %parallel_loop3A_741, %parallel_loop3A_746 : vector<16xf32>
        %parallel_loop3A_748 = arith.index_cast %parallel_loop3A_672 : i32 to index
        %parallel_loop3A_749 = arith.constant 64 : index
        %parallel_loop3A_750 = tpu.vector_load %arg8[%parallel_loop3A_748, %parallel_loop3A_749] {strides = array<i32>} : memref<40x721xf32, #tpu.memory_space<vmem>>, vector<1x16xf32>,
        %parallel_loop3A_751 = vector.shape_cast %parallel_loop3A_750 : vector<1x16xf32> to vector<16xf32>
        %parallel_loop3A_752 = vector.shape_cast %parallel_loop3A_747 : vector<16xf32> to vector<1x16xf32>
        tpu.vector_store %arg8[%parallel_loop3A_748, %parallel_loop3A_749], %parallel_loop3A_752 {strides = array<i32>} : memref<40x721xf32, #tpu.memory_space<vmem>>, vector<1x16xf32>,
        %parallel_loop3A_753 = arith.index_cast %parallel_loop3A_672 : i32 to index
        %parallel_loop3A_754 = arith.constant 80 : index
        %parallel_loop3A_755 = tpu.vector_load %arg6[%parallel_loop3A_753, %parallel_loop3A_754] {strides = array<i32>} : memref<40x721xf32, #tpu.memory_space<vmem>>, vector<1x16xf32>,
        %parallel_loop3A_756 = vector.shape_cast %parallel_loop3A_755 : vector<1x16xf32> to vector<16xf32>
        %parallel_loop3A_757 = arith.mulf %get3A_87, %parallel_loop3A_756 : vector<16xf32>
        %parallel_loop3A_758 = arith.index_cast %parallel_loop3A_672 : i32 to index
        %parallel_loop3A_759 = arith.constant 81 : index
        %parallel_loop3A_760 = tpu.vector_load %arg6[%parallel_loop3A_758, %parallel_loop3A_759] {strides = array<i32>} : memref<40x721xf32, #tpu.memory_space<vmem>>, vector<1x16xf32>,
        %parallel_loop3A_761 = vector.shape_cast %parallel_loop3A_760 : vector<1x16xf32> to vector<16xf32>
        %parallel_loop3A_762 = arith.mulf %get3A_90, %parallel_loop3A_761 : vector<16xf32>
        %parallel_loop3A_763 = arith.addf %parallel_loop3A_757, %parallel_loop3A_762 : vector<16xf32>
        %parallel_loop3A_764 = arith.index_cast %parallel_loop3A_672 : i32 to index
        %parallel_loop3A_765 = arith.constant 80 : index
        %parallel_loop3A_766 = tpu.vector_load %arg8[%parallel_loop3A_764, %parallel_loop3A_765] {strides = array<i32>} : memref<40x721xf32, #tpu.memory_space<vmem>>, vector<1x16xf32>,
        %parallel_loop3A_767 = vector.shape_cast %parallel_loop3A_766 : vector<1x16xf32> to vector<16xf32>
        %parallel_loop3A_768 = vector.shape_cast %parallel_loop3A_763 : vector<16xf32> to vector<1x16xf32>
        tpu.vector_store %arg8[%parallel_loop3A_764, %parallel_loop3A_765], %parallel_loop3A_768 {strides = array<i32>} : memref<40x721xf32, #tpu.memory_space<vmem>>, vector<1x16xf32>,
        %parallel_loop3A_769 = arith.index_cast %parallel_loop3A_672 : i32 to index
        %parallel_loop3A_770 = arith.constant 96 : index
        %parallel_loop3A_771 = tpu.vector_load %arg6[%parallel_loop3A_769, %parallel_loop3A_770] {strides = array<i32>} : memref<40x721xf32, #tpu.memory_space<vmem>>, vector<1x16xf32>,
        %parallel_loop3A_772 = vector.shape_cast %parallel_loop3A_771 : vector<1x16xf32> to vector<16xf32>
        %parallel_loop3A_773 = arith.mulf %get3A_93, %parallel_loop3A_772 : vector<16xf32>
        %parallel_loop3A_774 = arith.index_cast %parallel_loop3A_672 : i32 to index
        %parallel_loop3A_775 = arith.constant 97 : index
        %parallel_loop3A_776 = tpu.vector_load %arg6[%parallel_loop3A_774, %parallel_loop3A_775] {strides = array<i32>} : memref<40x721xf32, #tpu.memory_space<vmem>>, vector<1x16xf32>,
        %parallel_loop3A_777 = vector.shape_cast %parallel_loop3A_776 : vector<1x16xf32> to vector<16xf32>
        %parallel_loop3A_778 = arith.mulf %get3A_96, %parallel_loop3A_777 : vector<16xf32>
        %parallel_loop3A_779 = arith.addf %parallel_loop3A_773, %parallel_loop3A_778 : vector<16xf32>
        %parallel_loop3A_780 = arith.index_cast %parallel_loop3A_672 : i32 to index
        %parallel_loop3A_781 = arith.constant 96 : index
        %parallel_loop3A_782 = tpu.vector_load %arg8[%parallel_loop3A_780, %parallel_loop3A_781] {strides = array<i32>} : memref<40x721xf32, #tpu.memory_space<vmem>>, vector<1x16xf32>,
        %parallel_loop3A_783 = vector.shape_cast %parallel_loop3A_782 : vector<1x16xf32> to vector<16xf32>
        %parallel_loop3A_784 = vector.shape_cast %parallel_loop3A_779 : vector<16xf32> to vector<1x16xf32>
        tpu.vector_store %arg8[%parallel_loop3A_780, %parallel_loop3A_781], %parallel_loop3A_784 {strides = array<i32>} : memref<40x721xf32, #tpu.memory_space<vmem>>, vector<1x16xf32>,
        %parallel_loop3A_785 = arith.index_cast %parallel_loop3A_672 : i32 to index
        %parallel_loop3A_786 = arith.constant 112 : index
        %parallel_loop3A_787 = tpu.vector_load %arg6[%parallel_loop3A_785, %parallel_loop3A_786] {strides = array<i32>} : memref<40x721xf32, #tpu.memory_space<vmem>>, vector<1x16xf32>,
        %parallel_loop3A_788 = vector.shape_cast %parallel_loop3A_787 : vector<1x16xf32> to vector<16xf32>
        %parallel_loop3A_789 = arith.mulf %get3A_99, %parallel_loop3A_788 : vector<16xf32>
        %parallel_loop3A_790 = arith.index_cast %parallel_loop3A_672 : i32 to index
        %parallel_loop3A_791 = arith.constant 113 : index
        %parallel_loop3A_792 = tpu.vector_load %arg6[%parallel_loop3A_790, %parallel_loop3A_791] {strides = array<i32>} : memref<40x721xf32, #tpu.memory_space<vmem>>, vector<1x16xf32>,
        %parallel_loop3A_793 = vector.shape_cast %parallel_loop3A_792 : vector<1x16xf32> to vector<16xf32>
        %parallel_loop3A_794 = arith.mulf %get3A_102, %parallel_loop3A_793 : vector<16xf32>
        %parallel_loop3A_795 = arith.addf %parallel_loop3A_789, %parallel_loop3A_794 : vector<16xf32>
        %parallel_loop3A_796 = arith.index_cast %parallel_loop3A_672 : i32 to index
        %parallel_loop3A_797 = arith.constant 112 : index
        %parallel_loop3A_798 = tpu.vector_load %arg8[%parallel_loop3A_796, %parallel_loop3A_797] {strides = array<i32>} : memref<40x721xf32, #tpu.memory_space<vmem>>, vector<1x16xf32>,
        %parallel_loop3A_799 = vector.shape_cast %parallel_loop3A_798 : vector<1x16xf32> to vector<16xf32>
        %parallel_loop3A_800 = vector.shape_cast %parallel_loop3A_795 : vector<16xf32> to vector<1x16xf32>
        tpu.vector_store %arg8[%parallel_loop3A_796, %parallel_loop3A_797], %parallel_loop3A_800 {strides = array<i32>} : memref<40x721xf32, #tpu.memory_space<vmem>>, vector<1x16xf32>,
        %parallel_loop3A_801 = arith.index_cast %parallel_loop3A_672 : i32 to index
        %parallel_loop3A_802 = arith.constant 128 : index
        %parallel_loop3A_803 = tpu.vector_load %arg6[%parallel_loop3A_801, %parallel_loop3A_802] {strides = array<i32>} : memref<40x721xf32, #tpu.memory_space<vmem>>, vector<1x16xf32>,
        %parallel_loop3A_804 = vector.shape_cast %parallel_loop3A_803 : vector<1x16xf32> to vector<16xf32>
        %parallel_loop3A_805 = arith.mulf %get3A_105, %parallel_loop3A_804 : vector<16xf32>
        %parallel_loop3A_806 = arith.index_cast %parallel_loop3A_672 : i32 to index
        %parallel_loop3A_807 = arith.constant 129 : index
        %parallel_loop3A_808 = tpu.vector_load %arg6[%parallel_loop3A_806, %parallel_loop3A_807] {strides = array<i32>} : memref<40x721xf32, #tpu.memory_space<vmem>>, vector<1x16xf32>,
        %parallel_loop3A_809 = vector.shape_cast %parallel_loop3A_808 : vector<1x16xf32> to vector<16xf32>
        %parallel_loop3A_810 = arith.mulf %get3A_108, %parallel_loop3A_809 : vector<16xf32>
        %parallel_loop3A_811 = arith.addf %parallel_loop3A_805, %parallel_loop3A_810 : vector<16xf32>
        %parallel_loop3A_812 = arith.index_cast %parallel_loop3A_672 : i32 to index
        %parallel_loop3A_813 = arith.constant 128 : index
        %parallel_loop3A_814 = tpu.vector_load %arg8[%parallel_loop3A_812, %parallel_loop3A_813] {strides = array<i32>} : memref<40x721xf32, #tpu.memory_space<vmem>>, vector<1x16xf32>,
        %parallel_loop3A_815 = vector.shape_cast %parallel_loop3A_814 : vector<1x16xf32> to vector<16xf32>
        %parallel_loop3A_816 = vector.shape_cast %parallel_loop3A_811 : vector<16xf32> to vector<1x16xf32>
        tpu.vector_store %arg8[%parallel_loop3A_812, %parallel_loop3A_813], %parallel_loop3A_816 {strides = array<i32>} : memref<40x721xf32, #tpu.memory_space<vmem>>, vector<1x16xf32>,
        %parallel_loop3A_817 = arith.index_cast %parallel_loop3A_672 : i32 to index
        %parallel_loop3A_818 = arith.constant 144 : index
        %parallel_loop3A_819 = tpu.vector_load %arg6[%parallel_loop3A_817, %parallel_loop3A_818] {strides = array<i32>} : memref<40x721xf32, #tpu.memory_space<vmem>>, vector<1x16xf32>,
        %parallel_loop3A_820 = vector.shape_cast %parallel_loop3A_819 : vector<1x16xf32> to vector<16xf32>
        %parallel_loop3A_821 = arith.mulf %get3A_111, %parallel_loop3A_820 : vector<16xf32>
        %parallel_loop3A_822 = arith.index_cast %parallel_loop3A_672 : i32 to index
        %parallel_loop3A_823 = arith.constant 145 : index
        %parallel_loop3A_824 = tpu.vector_load %arg6[%parallel_loop3A_822, %parallel_loop3A_823] {strides = array<i32>} : memref<40x721xf32, #tpu.memory_space<vmem>>, vector<1x16xf32>,
        %parallel_loop3A_825 = vector.shape_cast %parallel_loop3A_824 : vector<1x16xf32> to vector<16xf32>
        %parallel_loop3A_826 = arith.mulf %get3A_114, %parallel_loop3A_825 : vector<16xf32>
        %parallel_loop3A_827 = arith.addf %parallel_loop3A_821, %parallel_loop3A_826 : vector<16xf32>
        %parallel_loop3A_828 = arith.index_cast %parallel_loop3A_672 : i32 to index
        %parallel_loop3A_829 = arith.constant 144 : index
        %parallel_loop3A_830 = tpu.vector_load %arg8[%parallel_loop3A_828, %parallel_loop3A_829] {strides = array<i32>} : memref<40x721xf32, #tpu.memory_space<vmem>>, vector<1x16xf32>,
        %parallel_loop3A_831 = vector.shape_cast %parallel_loop3A_830 : vector<1x16xf32> to vector<16xf32>
        %parallel_loop3A_832 = vector.shape_cast %parallel_loop3A_827 : vector<16xf32> to vector<1x16xf32>
        tpu.vector_store %arg8[%parallel_loop3A_828, %parallel_loop3A_829], %parallel_loop3A_832 {strides = array<i32>} : memref<40x721xf32, #tpu.memory_space<vmem>>, vector<1x16xf32>,
        %parallel_loop3A_833 = arith.index_cast %parallel_loop3A_672 : i32 to index
        %parallel_loop3A_834 = arith.constant 160 : index
        %parallel_loop3A_835 = tpu.vector_load %arg6[%parallel_loop3A_833, %parallel_loop3A_834] {strides = array<i32>} : memref<40x721xf32, #tpu.memory_space<vmem>>, vector<1x16xf32>,
        %parallel_loop3A_836 = vector.shape_cast %parallel_loop3A_835 : vector<1x16xf32> to vector<16xf32>
        %parallel_loop3A_837 = arith.mulf %get3A_117, %parallel_loop3A_836 : vector<16xf32>
        %parallel_loop3A_838 = arith.index_cast %parallel_loop3A_672 : i32 to index
        %parallel_loop3A_839 = arith.constant 161 : index
        %parallel_loop3A_840 = tpu.vector_load %arg6[%parallel_loop3A_838, %parallel_loop3A_839] {strides = array<i32>} : memref<40x721xf32, #tpu.memory_space<vmem>>, vector<1x16xf32>,
        %parallel_loop3A_841 = vector.shape_cast %parallel_loop3A_840 : vector<1x16xf32> to vector<16xf32>
        %parallel_loop3A_842 = arith.mulf %get3A_120, %parallel_loop3A_841 : vector<16xf32>
        %parallel_loop3A_843 = arith.addf %parallel_loop3A_837, %parallel_loop3A_842 : vector<16xf32>
        %parallel_loop3A_844 = arith.index_cast %parallel_loop3A_672 : i32 to index
        %parallel_loop3A_845 = arith.constant 160 : index
        %parallel_loop3A_846 = tpu.vector_load %arg8[%parallel_loop3A_844, %parallel_loop3A_845] {strides = array<i32>} : memref<40x721xf32, #tpu.memory_space<vmem>>, vector<1x16xf32>,
        %parallel_loop3A_847 = vector.shape_cast %parallel_loop3A_846 : vector<1x16xf32> to vector<16xf32>
        %parallel_loop3A_848 = vector.shape_cast %parallel_loop3A_843 : vector<16xf32> to vector<1x16xf32>
        tpu.vector_store %arg8[%parallel_loop3A_844, %parallel_loop3A_845], %parallel_loop3A_848 {strides = array<i32>} : memref<40x721xf32, #tpu.memory_space<vmem>>, vector<1x16xf32>,
        %parallel_loop3A_849 = arith.index_cast %parallel_loop3A_672 : i32 to index
        %parallel_loop3A_850 = arith.constant 176 : index
        %parallel_loop3A_851 = tpu.vector_load %arg6[%parallel_loop3A_849, %parallel_loop3A_850] {strides = array<i32>} : memref<40x721xf32, #tpu.memory_space<vmem>>, vector<1x16xf32>,
        %parallel_loop3A_852 = vector.shape_cast %parallel_loop3A_851 : vector<1x16xf32> to vector<16xf32>
        %parallel_loop3A_853 = arith.mulf %get3A_123, %parallel_loop3A_852 : vector<16xf32>
        %parallel_loop3A_854 = arith.index_cast %parallel_loop3A_672 : i32 to index
        %parallel_loop3A_855 = arith.constant 177 : index
        %parallel_loop3A_856 = tpu.vector_load %arg6[%parallel_loop3A_854, %parallel_loop3A_855] {strides = array<i32>} : memref<40x721xf32, #tpu.memory_space<vmem>>, vector<1x16xf32>,
        %parallel_loop3A_857 = vector.shape_cast %parallel_loop3A_856 : vector<1x16xf32> to vector<16xf32>
        %parallel_loop3A_858 = arith.mulf %get3A_126, %parallel_loop3A_857 : vector<16xf32>
        %parallel_loop3A_859 = arith.addf %parallel_loop3A_853, %parallel_loop3A_858 : vector<16xf32>
        %parallel_loop3A_860 = arith.index_cast %parallel_loop3A_672 : i32 to index
        %parallel_loop3A_861 = arith.constant 176 : index
        %parallel_loop3A_862 = tpu.vector_load %arg8[%parallel_loop3A_860, %parallel_loop3A_861] {strides = array<i32>} : memref<40x721xf32, #tpu.memory_space<vmem>>, vector<1x16xf32>,
        %parallel_loop3A_863 = vector.shape_cast %parallel_loop3A_862 : vector<1x16xf32> to vector<16xf32>
        %parallel_loop3A_864 = vector.shape_cast %parallel_loop3A_859 : vector<16xf32> to vector<1x16xf32>
        tpu.vector_store %arg8[%parallel_loop3A_860, %parallel_loop3A_861], %parallel_loop3A_864 {strides = array<i32>} : memref<40x721xf32, #tpu.memory_space<vmem>>, vector<1x16xf32>,
      } {sc.loop_unroll_factor = 2 : i64, sc.parallel_access}
      %get3A_129 = arith.constant 928 : index
      %get3A_130 = tpu.vector_load %arg5[%get3A_129] {strides = array<i32>} : memref<2208xf32, #tpu.memory_space<vmem>>, vector<16xf32>,
      %get3A_131 = vector.shape_cast %get3A_130 : vector<16xf32> to vector<16xf32>
      %get3A_132 = arith.constant 1664 : index
      %get3A_133 = tpu.vector_load %arg5[%get3A_132] {strides = array<i32>} : memref<2208xf32, #tpu.memory_space<vmem>>, vector<16xf32>,
      %get3A_134 = vector.shape_cast %get3A_133 : vector<16xf32> to vector<16xf32>
      %get3A_135 = arith.constant 944 : index
      %get3A_136 = tpu.vector_load %arg5[%get3A_135] {strides = array<i32>} : memref<2208xf32, #tpu.memory_space<vmem>>, vector<16xf32>,
      %get3A_137 = vector.shape_cast %get3A_136 : vector<16xf32> to vector<16xf32>
      %get3A_138 = arith.constant 1680 : index
      %get3A_139 = tpu.vector_load %arg5[%get3A_138] {strides = array<i32>} : memref<2208xf32, #tpu.memory_space<vmem>>, vector<16xf32>,
      %get3A_140 = vector.shape_cast %get3A_139 : vector<16xf32> to vector<16xf32>
      %get3A_141 = arith.constant 960 : index
      %get3A_142 = tpu.vector_load %arg5[%get3A_141] {strides = array<i32>} : memref<2208xf32, #tpu.memory_space<vmem>>, vector<16xf32>,
      %get3A_143 = vector.shape_cast %get3A_142 : vector<16xf32> to vector<16xf32>
      %get3A_144 = arith.constant 1696 : index
      %get3A_145 = tpu.vector_load %arg5[%get3A_144] {strides = array<i32>} : memref<2208xf32, #tpu.memory_space<vmem>>, vector<16xf32>,
      %get3A_146 = vector.shape_cast %get3A_145 : vector<16xf32> to vector<16xf32>
      %get3A_147 = arith.constant 976 : index
      %get3A_148 = tpu.vector_load %arg5[%get3A_147] {strides = array<i32>} : memref<2208xf32, #tpu.memory_space<vmem>>, vector<16xf32>,
      %get3A_149 = vector.shape_cast %get3A_148 : vector<16xf32> to vector<16xf32>
      %get3A_150 = arith.constant 1712 : index
      %get3A_151 = tpu.vector_load %arg5[%get3A_150] {strides = array<i32>} : memref<2208xf32, #tpu.memory_space<vmem>>, vector<16xf32>,
      %get3A_152 = vector.shape_cast %get3A_151 : vector<16xf32> to vector<16xf32>
      %get3A_153 = arith.constant 992 : index
      %get3A_154 = tpu.vector_load %arg5[%get3A_153] {strides = array<i32>} : memref<2208xf32, #tpu.memory_space<vmem>>, vector<16xf32>,
      %get3A_155 = vector.shape_cast %get3A_154 : vector<16xf32> to vector<16xf32>
      %get3A_156 = arith.constant 1728 : index
      %get3A_157 = tpu.vector_load %arg5[%get3A_156] {strides = array<i32>} : memref<2208xf32, #tpu.memory_space<vmem>>, vector<16xf32>,
      %get3A_158 = vector.shape_cast %get3A_157 : vector<16xf32> to vector<16xf32>
      %get3A_159 = arith.constant 1008 : index
      %get3A_160 = tpu.vector_load %arg5[%get3A_159] {strides = array<i32>} : memref<2208xf32, #tpu.memory_space<vmem>>, vector<16xf32>,
      %get3A_161 = vector.shape_cast %get3A_160 : vector<16xf32> to vector<16xf32>
      %get3A_162 = arith.constant 1744 : index
      %get3A_163 = tpu.vector_load %arg5[%get3A_162] {strides = array<i32>} : memref<2208xf32, #tpu.memory_space<vmem>>, vector<16xf32>,
      %get3A_164 = vector.shape_cast %get3A_163 : vector<16xf32> to vector<16xf32>
      %get3A_165 = arith.constant 1024 : index
      %get3A_166 = tpu.vector_load %arg5[%get3A_165] {strides = array<i32>} : memref<2208xf32, #tpu.memory_space<vmem>>, vector<16xf32>,
      %get3A_167 = vector.shape_cast %get3A_166 : vector<16xf32> to vector<16xf32>
      %get3A_168 = arith.constant 1760 : index
      %get3A_169 = tpu.vector_load %arg5[%get3A_168] {strides = array<i32>} : memref<2208xf32, #tpu.memory_space<vmem>>, vector<16xf32>,
      %get3A_170 = vector.shape_cast %get3A_169 : vector<16xf32> to vector<16xf32>
      %get3A_171 = arith.constant 1040 : index
      %get3A_172 = tpu.vector_load %arg5[%get3A_171] {strides = array<i32>} : memref<2208xf32, #tpu.memory_space<vmem>>, vector<16xf32>,
      %get3A_173 = vector.shape_cast %get3A_172 : vector<16xf32> to vector<16xf32>
      %get3A_174 = arith.constant 1776 : index
      %get3A_175 = tpu.vector_load %arg5[%get3A_174] {strides = array<i32>} : memref<2208xf32, #tpu.memory_space<vmem>>, vector<16xf32>,
      %get3A_176 = vector.shape_cast %get3A_175 : vector<16xf32> to vector<16xf32>
      %get3A_177 = arith.constant 1056 : index
      %get3A_178 = tpu.vector_load %arg5[%get3A_177] {strides = array<i32>} : memref<2208xf32, #tpu.memory_space<vmem>>, vector<16xf32>,
      %get3A_179 = vector.shape_cast %get3A_178 : vector<16xf32> to vector<16xf32>
      %get3A_180 = arith.constant 1792 : index
      %get3A_181 = tpu.vector_load %arg5[%get3A_180] {strides = array<i32>} : memref<2208xf32, #tpu.memory_space<vmem>>, vector<16xf32>,
      %get3A_182 = vector.shape_cast %get3A_181 : vector<16xf32> to vector<16xf32>
      %get3A_183 = arith.constant 1072 : index
      %get3A_184 = tpu.vector_load %arg5[%get3A_183] {strides = array<i32>} : memref<2208xf32, #tpu.memory_space<vmem>>, vector<16xf32>,
      %get3A_185 = vector.shape_cast %get3A_184 : vector<16xf32> to vector<16xf32>
      %get3A_186 = arith.constant 1808 : index
      %get3A_187 = tpu.vector_load %arg5[%get3A_186] {strides = array<i32>} : memref<2208xf32, #tpu.memory_space<vmem>>, vector<16xf32>,
      %get3A_188 = vector.shape_cast %get3A_187 : vector<16xf32> to vector<16xf32>
      %get3A_189 = arith.constant 352 : index
      %get3A_190 = tpu.vector_load %arg5[%get3A_189] {strides = array<i32>} : memref<2208xf32, #tpu.memory_space<vmem>>, vector<16xf32>,
      %get3A_191 = vector.shape_cast %get3A_190 : vector<16xf32> to vector<16xf32>
      %get3A_192 = arith.constant 1088 : index
      %get3A_193 = tpu.vector_load %arg5[%get3A_192] {strides = array<i32>} : memref<2208xf32, #tpu.memory_space<vmem>>, vector<16xf32>,
      %get3A_194 = vector.shape_cast %get3A_193 : vector<16xf32> to vector<16xf32>
      %get3A_195 = arith.constant 1824 : index
      %get3A_196 = tpu.vector_load %arg5[%get3A_195] {strides = array<i32>} : memref<2208xf32, #tpu.memory_space<vmem>>, vector<16xf32>,
      %get3A_197 = vector.shape_cast %get3A_196 : vector<16xf32> to vector<16xf32>
      %get3A_198 = arith.constant 368 : index
      %get3A_199 = tpu.vector_load %arg5[%get3A_198] {strides = array<i32>} : memref<2208xf32, #tpu.memory_space<vmem>>, vector<16xf32>,
      %get3A_200 = vector.shape_cast %get3A_199 : vector<16xf32> to vector<16xf32>
      %get3A_201 = arith.constant 1104 : index
      %get3A_202 = tpu.vector_load %arg5[%get3A_201] {strides = array<i32>} : memref<2208xf32, #tpu.memory_space<vmem>>, vector<16xf32>,
      %get3A_203 = vector.shape_cast %get3A_202 : vector<16xf32> to vector<16xf32>
      %parallel_loop3A_204 = arith.constant 0 : i32
      %parallel_loop3A_205 = arith.constant 40 : i32
      %parallel_loop3A_206 = arith.constant 1 : i32
      scf.for %parallel_loop3A_672 = %parallel_loop3A_204 to %parallel_loop3A_205 step %parallel_loop3A_206  : i32 {
        %parallel_loop3A_673 = arith.index_cast %parallel_loop3A_672 : i32 to index
        %parallel_loop3A_674 = arith.constant 192 : index
        %parallel_loop3A_675 = tpu.vector_load %arg6[%parallel_loop3A_673, %parallel_loop3A_674] {strides = array<i32>} : memref<40x721xf32, #tpu.memory_space<vmem>>, vector<1x16xf32>,
        %parallel_loop3A_676 = vector.shape_cast %parallel_loop3A_675 : vector<1x16xf32> to vector<16xf32>
        %parallel_loop3A_677 = arith.mulf %get3A_131, %parallel_loop3A_676 : vector<16xf32>
        %parallel_loop3A_678 = arith.index_cast %parallel_loop3A_672 : i32 to index
        %parallel_loop3A_679 = arith.constant 193 : index
        %parallel_loop3A_680 = tpu.vector_load %arg6[%parallel_loop3A_678, %parallel_loop3A_679] {strides = array<i32>} : memref<40x721xf32, #tpu.memory_space<vmem>>, vector<1x16xf32>,
        %parallel_loop3A_681 = vector.shape_cast %parallel_loop3A_680 : vector<1x16xf32> to vector<16xf32>
        %parallel_loop3A_682 = arith.mulf %get3A_134, %parallel_loop3A_681 : vector<16xf32>
        %parallel_loop3A_683 = arith.addf %parallel_loop3A_677, %parallel_loop3A_682 : vector<16xf32>
        %parallel_loop3A_684 = arith.index_cast %parallel_loop3A_672 : i32 to index
        %parallel_loop3A_685 = arith.constant 192 : index
        %parallel_loop3A_686 = tpu.vector_load %arg8[%parallel_loop3A_684, %parallel_loop3A_685] {strides = array<i32>} : memref<40x721xf32, #tpu.memory_space<vmem>>, vector<1x16xf32>,
        %parallel_loop3A_687 = vector.shape_cast %parallel_loop3A_686 : vector<1x16xf32> to vector<16xf32>
        %parallel_loop3A_688 = vector.shape_cast %parallel_loop3A_683 : vector<16xf32> to vector<1x16xf32>
        tpu.vector_store %arg8[%parallel_loop3A_684, %parallel_loop3A_685], %parallel_loop3A_688 {strides = array<i32>} : memref<40x721xf32, #tpu.memory_space<vmem>>, vector<1x16xf32>,
        %parallel_loop3A_689 = arith.index_cast %parallel_loop3A_672 : i32 to index
        %parallel_loop3A_690 = arith.constant 208 : index
        %parallel_loop3A_691 = tpu.vector_load %arg6[%parallel_loop3A_689, %parallel_loop3A_690] {strides = array<i32>} : memref<40x721xf32, #tpu.memory_space<vmem>>, vector<1x16xf32>,
        %parallel_loop3A_692 = vector.shape_cast %parallel_loop3A_691 : vector<1x16xf32> to vector<16xf32>
        %parallel_loop3A_693 = arith.mulf %get3A_137, %parallel_loop3A_692 : vector<16xf32>
        %parallel_loop3A_694 = arith.index_cast %parallel_loop3A_672 : i32 to index
        %parallel_loop3A_695 = arith.constant 209 : index
        %parallel_loop3A_696 = tpu.vector_load %arg6[%parallel_loop3A_694, %parallel_loop3A_695] {strides = array<i32>} : memref<40x721xf32, #tpu.memory_space<vmem>>, vector<1x16xf32>,
        %parallel_loop3A_697 = vector.shape_cast %parallel_loop3A_696 : vector<1x16xf32> to vector<16xf32>
        %parallel_loop3A_698 = arith.mulf %get3A_140, %parallel_loop3A_697 : vector<16xf32>
        %parallel_loop3A_699 = arith.addf %parallel_loop3A_693, %parallel_loop3A_698 : vector<16xf32>
        %parallel_loop3A_700 = arith.index_cast %parallel_loop3A_672 : i32 to index
        %parallel_loop3A_701 = arith.constant 208 : index
        %parallel_loop3A_702 = tpu.vector_load %arg8[%parallel_loop3A_700, %parallel_loop3A_701] {strides = array<i32>} : memref<40x721xf32, #tpu.memory_space<vmem>>, vector<1x16xf32>,
        %parallel_loop3A_703 = vector.shape_cast %parallel_loop3A_702 : vector<1x16xf32> to vector<16xf32>
        %parallel_loop3A_704 = vector.shape_cast %parallel_loop3A_699 : vector<16xf32> to vector<1x16xf32>
        tpu.vector_store %arg8[%parallel_loop3A_700, %parallel_loop3A_701], %parallel_loop3A_704 {strides = array<i32>} : memref<40x721xf32, #tpu.memory_space<vmem>>, vector<1x16xf32>,
        %parallel_loop3A_705 = arith.index_cast %parallel_loop3A_672 : i32 to index
        %parallel_loop3A_706 = arith.constant 224 : index
        %parallel_loop3A_707 = tpu.vector_load %arg6[%parallel_loop3A_705, %parallel_loop3A_706] {strides = array<i32>} : memref<40x721xf32, #tpu.memory_space<vmem>>, vector<1x16xf32>,
        %parallel_loop3A_708 = vector.shape_cast %parallel_loop3A_707 : vector<1x16xf32> to vector<16xf32>
        %parallel_loop3A_709 = arith.mulf %get3A_143, %parallel_loop3A_708 : vector<16xf32>
        %parallel_loop3A_710 = arith.index_cast %parallel_loop3A_672 : i32 to index
        %parallel_loop3A_711 = arith.constant 225 : index
        %parallel_loop3A_712 = tpu.vector_load %arg6[%parallel_loop3A_710, %parallel_loop3A_711] {strides = array<i32>} : memref<40x721xf32, #tpu.memory_space<vmem>>, vector<1x16xf32>,
        %parallel_loop3A_713 = vector.shape_cast %parallel_loop3A_712 : vector<1x16xf32> to vector<16xf32>
        %parallel_loop3A_714 = arith.mulf %get3A_146, %parallel_loop3A_713 : vector<16xf32>
        %parallel_loop3A_715 = arith.addf %parallel_loop3A_709, %parallel_loop3A_714 : vector<16xf32>
        %parallel_loop3A_716 = arith.index_cast %parallel_loop3A_672 : i32 to index
        %parallel_loop3A_717 = arith.constant 224 : index
        %parallel_loop3A_718 = tpu.vector_load %arg8[%parallel_loop3A_716, %parallel_loop3A_717] {strides = array<i32>} : memref<40x721xf32, #tpu.memory_space<vmem>>, vector<1x16xf32>,
        %parallel_loop3A_719 = vector.shape_cast %parallel_loop3A_718 : vector<1x16xf32> to vector<16xf32>
        %parallel_loop3A_720 = vector.shape_cast %parallel_loop3A_715 : vector<16xf32> to vector<1x16xf32>
        tpu.vector_store %arg8[%parallel_loop3A_716, %parallel_loop3A_717], %parallel_loop3A_720 {strides = array<i32>} : memref<40x721xf32, #tpu.memory_space<vmem>>, vector<1x16xf32>,
        %parallel_loop3A_721 = arith.index_cast %parallel_loop3A_672 : i32 to index
        %parallel_loop3A_722 = arith.constant 240 : index
        %parallel_loop3A_723 = tpu.vector_load %arg6[%parallel_loop3A_721, %parallel_loop3A_722] {strides = array<i32>} : memref<40x721xf32, #tpu.memory_space<vmem>>, vector<1x16xf32>,
        %parallel_loop3A_724 = vector.shape_cast %parallel_loop3A_723 : vector<1x16xf32> to vector<16xf32>
        %parallel_loop3A_725 = arith.mulf %get3A_149, %parallel_loop3A_724 : vector<16xf32>
        %parallel_loop3A_726 = arith.index_cast %parallel_loop3A_672 : i32 to index
        %parallel_loop3A_727 = arith.constant 241 : index
        %parallel_loop3A_728 = tpu.vector_load %arg6[%parallel_loop3A_726, %parallel_loop3A_727] {strides = array<i32>} : memref<40x721xf32, #tpu.memory_space<vmem>>, vector<1x16xf32>,
        %parallel_loop3A_729 = vector.shape_cast %parallel_loop3A_728 : vector<1x16xf32> to vector<16xf32>
        %parallel_loop3A_730 = arith.mulf %get3A_152, %parallel_loop3A_729 : vector<16xf32>
        %parallel_loop3A_731 = arith.addf %parallel_loop3A_725, %parallel_loop3A_730 : vector<16xf32>
        %parallel_loop3A_732 = arith.index_cast %parallel_loop3A_672 : i32 to index
        %parallel_loop3A_733 = arith.constant 240 : index
        %parallel_loop3A_734 = tpu.vector_load %arg8[%parallel_loop3A_732, %parallel_loop3A_733] {strides = array<i32>} : memref<40x721xf32, #tpu.memory_space<vmem>>, vector<1x16xf32>,
        %parallel_loop3A_735 = vector.shape_cast %parallel_loop3A_734 : vector<1x16xf32> to vector<16xf32>
        %parallel_loop3A_736 = vector.shape_cast %parallel_loop3A_731 : vector<16xf32> to vector<1x16xf32>
        tpu.vector_store %arg8[%parallel_loop3A_732, %parallel_loop3A_733], %parallel_loop3A_736 {strides = array<i32>} : memref<40x721xf32, #tpu.memory_space<vmem>>, vector<1x16xf32>,
        %parallel_loop3A_737 = arith.index_cast %parallel_loop3A_672 : i32 to index
        %parallel_loop3A_738 = arith.constant 256 : index
        %parallel_loop3A_739 = tpu.vector_load %arg6[%parallel_loop3A_737, %parallel_loop3A_738] {strides = array<i32>} : memref<40x721xf32, #tpu.memory_space<vmem>>, vector<1x16xf32>,
        %parallel_loop3A_740 = vector.shape_cast %parallel_loop3A_739 : vector<1x16xf32> to vector<16xf32>
        %parallel_loop3A_741 = arith.mulf %get3A_155, %parallel_loop3A_740 : vector<16xf32>
        %parallel_loop3A_742 = arith.index_cast %parallel_loop3A_672 : i32 to index
        %parallel_loop3A_743 = arith.constant 257 : index
        %parallel_loop3A_744 = tpu.vector_load %arg6[%parallel_loop3A_742, %parallel_loop3A_743] {strides = array<i32>} : memref<40x721xf32, #tpu.memory_space<vmem>>, vector<1x16xf32>,
        %parallel_loop3A_745 = vector.shape_cast %parallel_loop3A_744 : vector<1x16xf32> to vector<16xf32>
        %parallel_loop3A_746 = arith.mulf %get3A_158, %parallel_loop3A_745 : vector<16xf32>
        %parallel_loop3A_747 = arith.addf %parallel_loop3A_741, %parallel_loop3A_746 : vector<16xf32>
        %parallel_loop3A_748 = arith.index_cast %parallel_loop3A_672 : i32 to index
        %parallel_loop3A_749 = arith.constant 256 : index
        %parallel_loop3A_750 = tpu.vector_load %arg8[%parallel_loop3A_748, %parallel_loop3A_749] {strides = array<i32>} : memref<40x721xf32, #tpu.memory_space<vmem>>, vector<1x16xf32>,
        %parallel_loop3A_751 = vector.shape_cast %parallel_loop3A_750 : vector<1x16xf32> to vector<16xf32>
        %parallel_loop3A_752 = vector.shape_cast %parallel_loop3A_747 : vector<16xf32> to vector<1x16xf32>
        tpu.vector_store %arg8[%parallel_loop3A_748, %parallel_loop3A_749], %parallel_loop3A_752 {strides = array<i32>} : memref<40x721xf32, #tpu.memory_space<vmem>>, vector<1x16xf32>,
        %parallel_loop3A_753 = arith.index_cast %parallel_loop3A_672 : i32 to index
        %parallel_loop3A_754 = arith.constant 272 : index
        %parallel_loop3A_755 = tpu.vector_load %arg6[%parallel_loop3A_753, %parallel_loop3A_754] {strides = array<i32>} : memref<40x721xf32, #tpu.memory_space<vmem>>, vector<1x16xf32>,
        %parallel_loop3A_756 = vector.shape_cast %parallel_loop3A_755 : vector<1x16xf32> to vector<16xf32>
        %parallel_loop3A_757 = arith.mulf %get3A_161, %parallel_loop3A_756 : vector<16xf32>
        %parallel_loop3A_758 = arith.index_cast %parallel_loop3A_672 : i32 to index
        %parallel_loop3A_759 = arith.constant 273 : index
        %parallel_loop3A_760 = tpu.vector_load %arg6[%parallel_loop3A_758, %parallel_loop3A_759] {strides = array<i32>} : memref<40x721xf32, #tpu.memory_space<vmem>>, vector<1x16xf32>,
        %parallel_loop3A_761 = vector.shape_cast %parallel_loop3A_760 : vector<1x16xf32> to vector<16xf32>
        %parallel_loop3A_762 = arith.mulf %get3A_164, %parallel_loop3A_761 : vector<16xf32>
        %parallel_loop3A_763 = arith.addf %parallel_loop3A_757, %parallel_loop3A_762 : vector<16xf32>
        %parallel_loop3A_764 = arith.index_cast %parallel_loop3A_672 : i32 to index
        %parallel_loop3A_765 = arith.constant 272 : index
        %parallel_loop3A_766 = tpu.vector_load %arg8[%parallel_loop3A_764, %parallel_loop3A_765] {strides = array<i32>} : memref<40x721xf32, #tpu.memory_space<vmem>>, vector<1x16xf32>,
        %parallel_loop3A_767 = vector.shape_cast %parallel_loop3A_766 : vector<1x16xf32> to vector<16xf32>
        %parallel_loop3A_768 = vector.shape_cast %parallel_loop3A_763 : vector<16xf32> to vector<1x16xf32>
        tpu.vector_store %arg8[%parallel_loop3A_764, %parallel_loop3A_765], %parallel_loop3A_768 {strides = array<i32>} : memref<40x721xf32, #tpu.memory_space<vmem>>, vector<1x16xf32>,
        %parallel_loop3A_769 = arith.index_cast %parallel_loop3A_672 : i32 to index
        %parallel_loop3A_770 = arith.constant 288 : index
        %parallel_loop3A_771 = tpu.vector_load %arg6[%parallel_loop3A_769, %parallel_loop3A_770] {strides = array<i32>} : memref<40x721xf32, #tpu.memory_space<vmem>>, vector<1x16xf32>,
        %parallel_loop3A_772 = vector.shape_cast %parallel_loop3A_771 : vector<1x16xf32> to vector<16xf32>
        %parallel_loop3A_773 = arith.mulf %get3A_167, %parallel_loop3A_772 : vector<16xf32>
        %parallel_loop3A_774 = arith.index_cast %parallel_loop3A_672 : i32 to index
        %parallel_loop3A_775 = arith.constant 289 : index
        %parallel_loop3A_776 = tpu.vector_load %arg6[%parallel_loop3A_774, %parallel_loop3A_775] {strides = array<i32>} : memref<40x721xf32, #tpu.memory_space<vmem>>, vector<1x16xf32>,
        %parallel_loop3A_777 = vector.shape_cast %parallel_loop3A_776 : vector<1x16xf32> to vector<16xf32>
        %parallel_loop3A_778 = arith.mulf %get3A_170, %parallel_loop3A_777 : vector<16xf32>
        %parallel_loop3A_779 = arith.addf %parallel_loop3A_773, %parallel_loop3A_778 : vector<16xf32>
        %parallel_loop3A_780 = arith.index_cast %parallel_loop3A_672 : i32 to index
        %parallel_loop3A_781 = arith.constant 288 : index
        %parallel_loop3A_782 = tpu.vector_load %arg8[%parallel_loop3A_780, %parallel_loop3A_781] {strides = array<i32>} : memref<40x721xf32, #tpu.memory_space<vmem>>, vector<1x16xf32>,
        %parallel_loop3A_783 = vector.shape_cast %parallel_loop3A_782 : vector<1x16xf32> to vector<16xf32>
        %parallel_loop3A_784 = vector.shape_cast %parallel_loop3A_779 : vector<16xf32> to vector<1x16xf32>
        tpu.vector_store %arg8[%parallel_loop3A_780, %parallel_loop3A_781], %parallel_loop3A_784 {strides = array<i32>} : memref<40x721xf32, #tpu.memory_space<vmem>>, vector<1x16xf32>,
        %parallel_loop3A_785 = arith.index_cast %parallel_loop3A_672 : i32 to index
        %parallel_loop3A_786 = arith.constant 304 : index
        %parallel_loop3A_787 = tpu.vector_load %arg6[%parallel_loop3A_785, %parallel_loop3A_786] {strides = array<i32>} : memref<40x721xf32, #tpu.memory_space<vmem>>, vector<1x16xf32>,
        %parallel_loop3A_788 = vector.shape_cast %parallel_loop3A_787 : vector<1x16xf32> to vector<16xf32>
        %parallel_loop3A_789 = arith.mulf %get3A_173, %parallel_loop3A_788 : vector<16xf32>
        %parallel_loop3A_790 = arith.index_cast %parallel_loop3A_672 : i32 to index
        %parallel_loop3A_791 = arith.constant 305 : index
        %parallel_loop3A_792 = tpu.vector_load %arg6[%parallel_loop3A_790, %parallel_loop3A_791] {strides = array<i32>} : memref<40x721xf32, #tpu.memory_space<vmem>>, vector<1x16xf32>,
        %parallel_loop3A_793 = vector.shape_cast %parallel_loop3A_792 : vector<1x16xf32> to vector<16xf32>
        %parallel_loop3A_794 = arith.mulf %get3A_176, %parallel_loop3A_793 : vector<16xf32>
        %parallel_loop3A_795 = arith.addf %parallel_loop3A_789, %parallel_loop3A_794 : vector<16xf32>
        %parallel_loop3A_796 = arith.index_cast %parallel_loop3A_672 : i32 to index
        %parallel_loop3A_797 = arith.constant 304 : index
        %parallel_loop3A_798 = tpu.vector_load %arg8[%parallel_loop3A_796, %parallel_loop3A_797] {strides = array<i32>} : memref<40x721xf32, #tpu.memory_space<vmem>>, vector<1x16xf32>,
        %parallel_loop3A_799 = vector.shape_cast %parallel_loop3A_798 : vector<1x16xf32> to vector<16xf32>
        %parallel_loop3A_800 = vector.shape_cast %parallel_loop3A_795 : vector<16xf32> to vector<1x16xf32>
        tpu.vector_store %arg8[%parallel_loop3A_796, %parallel_loop3A_797], %parallel_loop3A_800 {strides = array<i32>} : memref<40x721xf32, #tpu.memory_space<vmem>>, vector<1x16xf32>,
        %parallel_loop3A_801 = arith.index_cast %parallel_loop3A_672 : i32 to index
        %parallel_loop3A_802 = arith.constant 320 : index
        %parallel_loop3A_803 = tpu.vector_load %arg6[%parallel_loop3A_801, %parallel_loop3A_802] {strides = array<i32>} : memref<40x721xf32, #tpu.memory_space<vmem>>, vector<1x16xf32>,
        %parallel_loop3A_804 = vector.shape_cast %parallel_loop3A_803 : vector<1x16xf32> to vector<16xf32>
        %parallel_loop3A_805 = arith.mulf %get3A_179, %parallel_loop3A_804 : vector<16xf32>
        %parallel_loop3A_806 = arith.index_cast %parallel_loop3A_672 : i32 to index
        %parallel_loop3A_807 = arith.constant 321 : index
        %parallel_loop3A_808 = tpu.vector_load %arg6[%parallel_loop3A_806, %parallel_loop3A_807] {strides = array<i32>} : memref<40x721xf32, #tpu.memory_space<vmem>>, vector<1x16xf32>,
        %parallel_loop3A_809 = vector.shape_cast %parallel_loop3A_808 : vector<1x16xf32> to vector<16xf32>
        %parallel_loop3A_810 = arith.mulf %get3A_182, %parallel_loop3A_809 : vector<16xf32>
        %parallel_loop3A_811 = arith.addf %parallel_loop3A_805, %parallel_loop3A_810 : vector<16xf32>
        %parallel_loop3A_812 = arith.index_cast %parallel_loop3A_672 : i32 to index
        %parallel_loop3A_813 = arith.constant 320 : index
        %parallel_loop3A_814 = tpu.vector_load %arg8[%parallel_loop3A_812, %parallel_loop3A_813] {strides = array<i32>} : memref<40x721xf32, #tpu.memory_space<vmem>>, vector<1x16xf32>,
        %parallel_loop3A_815 = vector.shape_cast %parallel_loop3A_814 : vector<1x16xf32> to vector<16xf32>
        %parallel_loop3A_816 = vector.shape_cast %parallel_loop3A_811 : vector<16xf32> to vector<1x16xf32>
        tpu.vector_store %arg8[%parallel_loop3A_812, %parallel_loop3A_813], %parallel_loop3A_816 {strides = array<i32>} : memref<40x721xf32, #tpu.memory_space<vmem>>, vector<1x16xf32>,
        %parallel_loop3A_817 = arith.index_cast %parallel_loop3A_672 : i32 to index
        %parallel_loop3A_818 = arith.constant 336 : index
        %parallel_loop3A_819 = tpu.vector_load %arg6[%parallel_loop3A_817, %parallel_loop3A_818] {strides = array<i32>} : memref<40x721xf32, #tpu.memory_space<vmem>>, vector<1x16xf32>,
        %parallel_loop3A_820 = vector.shape_cast %parallel_loop3A_819 : vector<1x16xf32> to vector<16xf32>
        %parallel_loop3A_821 = arith.mulf %get3A_185, %parallel_loop3A_820 : vector<16xf32>
        %parallel_loop3A_822 = arith.index_cast %parallel_loop3A_672 : i32 to index
        %parallel_loop3A_823 = arith.constant 337 : index
        %parallel_loop3A_824 = tpu.vector_load %arg6[%parallel_loop3A_822, %parallel_loop3A_823] {strides = array<i32>} : memref<40x721xf32, #tpu.memory_space<vmem>>, vector<1x16xf32>,
        %parallel_loop3A_825 = vector.shape_cast %parallel_loop3A_824 : vector<1x16xf32> to vector<16xf32>
        %parallel_loop3A_826 = arith.mulf %get3A_188, %parallel_loop3A_825 : vector<16xf32>
        %parallel_loop3A_827 = arith.addf %parallel_loop3A_821, %parallel_loop3A_826 : vector<16xf32>
        %parallel_loop3A_828 = arith.index_cast %parallel_loop3A_672 : i32 to index
        %parallel_loop3A_829 = arith.constant 336 : index
        %parallel_loop3A_830 = tpu.vector_load %arg8[%parallel_loop3A_828, %parallel_loop3A_829] {strides = array<i32>} : memref<40x721xf32, #tpu.memory_space<vmem>>, vector<1x16xf32>,
        %parallel_loop3A_831 = vector.shape_cast %parallel_loop3A_830 : vector<1x16xf32> to vector<16xf32>
        %parallel_loop3A_832 = vector.shape_cast %parallel_loop3A_827 : vector<16xf32> to vector<1x16xf32>
        tpu.vector_store %arg8[%parallel_loop3A_828, %parallel_loop3A_829], %parallel_loop3A_832 {strides = array<i32>} : memref<40x721xf32, #tpu.memory_space<vmem>>, vector<1x16xf32>,
        %parallel_loop3A_833 = arith.index_cast %parallel_loop3A_672 : i32 to index
        %parallel_loop3A_834 = arith.constant 351 : index
        %parallel_loop3A_835 = tpu.vector_load %arg6[%parallel_loop3A_833, %parallel_loop3A_834] {strides = array<i32>} : memref<40x721xf32, #tpu.memory_space<vmem>>, vector<1x16xf32>,
        %parallel_loop3A_836 = vector.shape_cast %parallel_loop3A_835 : vector<1x16xf32> to vector<16xf32>
        %parallel_loop3A_837 = arith.mulf %get3A_191, %parallel_loop3A_836 : vector<16xf32>
        %parallel_loop3A_838 = arith.index_cast %parallel_loop3A_672 : i32 to index
        %parallel_loop3A_839 = arith.constant 352 : index
        %parallel_loop3A_840 = tpu.vector_load %arg6[%parallel_loop3A_838, %parallel_loop3A_839] {strides = array<i32>} : memref<40x721xf32, #tpu.memory_space<vmem>>, vector<1x16xf32>,
        %parallel_loop3A_841 = vector.shape_cast %parallel_loop3A_840 : vector<1x16xf32> to vector<16xf32>
        %parallel_loop3A_842 = arith.mulf %get3A_194, %parallel_loop3A_841 : vector<16xf32>
        %parallel_loop3A_843 = arith.addf %parallel_loop3A_837, %parallel_loop3A_842 : vector<16xf32>
        %parallel_loop3A_844 = arith.index_cast %parallel_loop3A_672 : i32 to index
        %parallel_loop3A_845 = arith.constant 353 : index
        %parallel_loop3A_846 = tpu.vector_load %arg6[%parallel_loop3A_844, %parallel_loop3A_845] {strides = array<i32>} : memref<40x721xf32, #tpu.memory_space<vmem>>, vector<1x16xf32>,
        %parallel_loop3A_847 = vector.shape_cast %parallel_loop3A_846 : vector<1x16xf32> to vector<16xf32>
        %parallel_loop3A_848 = arith.mulf %get3A_197, %parallel_loop3A_847 : vector<16xf32>
        %parallel_loop3A_849 = arith.addf %parallel_loop3A_843, %parallel_loop3A_848 : vector<16xf32>
        %parallel_loop3A_850 = arith.index_cast %parallel_loop3A_672 : i32 to index
        %parallel_loop3A_851 = arith.constant 352 : index
        %parallel_loop3A_852 = tpu.vector_load %arg8[%parallel_loop3A_850, %parallel_loop3A_851] {strides = array<i32>} : memref<40x721xf32, #tpu.memory_space<vmem>>, vector<1x16xf32>,
        %parallel_loop3A_853 = vector.shape_cast %parallel_loop3A_852 : vector<1x16xf32> to vector<16xf32>
        %parallel_loop3A_854 = vector.shape_cast %parallel_loop3A_849 : vector<16xf32> to vector<1x16xf32>
        tpu.vector_store %arg8[%parallel_loop3A_850, %parallel_loop3A_851], %parallel_loop3A_854 {strides = array<i32>} : memref<40x721xf32, #tpu.memory_space<vmem>>, vector<1x16xf32>,
        %parallel_loop3A_855 = arith.index_cast %parallel_loop3A_672 : i32 to index
        %parallel_loop3A_856 = arith.constant 367 : index
        %parallel_loop3A_857 = tpu.vector_load %arg6[%parallel_loop3A_855, %parallel_loop3A_856] {strides = array<i32>} : memref<40x721xf32, #tpu.memory_space<vmem>>, vector<1x16xf32>,
        %parallel_loop3A_858 = vector.shape_cast %parallel_loop3A_857 : vector<1x16xf32> to vector<16xf32>
        %parallel_loop3A_859 = arith.mulf %get3A_200, %parallel_loop3A_858 : vector<16xf32>
        %parallel_loop3A_860 = arith.index_cast %parallel_loop3A_672 : i32 to index
        %parallel_loop3A_861 = arith.constant 368 : index
        %parallel_loop3A_862 = tpu.vector_load %arg6[%parallel_loop3A_860, %parallel_loop3A_861] {strides = array<i32>} : memref<40x721xf32, #tpu.memory_space<vmem>>, vector<1x16xf32>,
        %parallel_loop3A_863 = vector.shape_cast %parallel_loop3A_862 : vector<1x16xf32> to vector<16xf32>
        %parallel_loop3A_864 = arith.mulf %get3A_203, %parallel_loop3A_863 : vector<16xf32>
        %parallel_loop3A_865 = arith.addf %parallel_loop3A_859, %parallel_loop3A_864 : vector<16xf32>
        %parallel_loop3A_866 = arith.index_cast %parallel_loop3A_672 : i32 to index
        %parallel_loop3A_867 = arith.constant 368 : index
        %parallel_loop3A_868 = tpu.vector_load %arg8[%parallel_loop3A_866, %parallel_loop3A_867] {strides = array<i32>} : memref<40x721xf32, #tpu.memory_space<vmem>>, vector<1x16xf32>,
        %parallel_loop3A_869 = vector.shape_cast %parallel_loop3A_868 : vector<1x16xf32> to vector<16xf32>
        %parallel_loop3A_870 = vector.shape_cast %parallel_loop3A_865 : vector<16xf32> to vector<1x16xf32>
        tpu.vector_store %arg8[%parallel_loop3A_866, %parallel_loop3A_867], %parallel_loop3A_870 {strides = array<i32>} : memref<40x721xf32, #tpu.memory_space<vmem>>, vector<1x16xf32>,
      } {sc.loop_unroll_factor = 2 : i64, sc.parallel_access}
      %get3A_207 = arith.constant 384 : index
      %get3A_208 = tpu.vector_load %arg5[%get3A_207] {strides = array<i32>} : memref<2208xf32, #tpu.memory_space<vmem>>, vector<16xf32>,
      %get3A_209 = vector.shape_cast %get3A_208 : vector<16xf32> to vector<16xf32>
      %get3A_210 = arith.constant 1120 : index
      %get3A_211 = tpu.vector_load %arg5[%get3A_210] {strides = array<i32>} : memref<2208xf32, #tpu.memory_space<vmem>>, vector<16xf32>,
      %get3A_212 = vector.shape_cast %get3A_211 : vector<16xf32> to vector<16xf32>
      %get3A_213 = arith.constant 400 : index
      %get3A_214 = tpu.vector_load %arg5[%get3A_213] {strides = array<i32>} : memref<2208xf32, #tpu.memory_space<vmem>>, vector<16xf32>,
      %get3A_215 = vector.shape_cast %get3A_214 : vector<16xf32> to vector<16xf32>
      %get3A_216 = arith.constant 1136 : index
      %get3A_217 = tpu.vector_load %arg5[%get3A_216] {strides = array<i32>} : memref<2208xf32, #tpu.memory_space<vmem>>, vector<16xf32>,
      %get3A_218 = vector.shape_cast %get3A_217 : vector<16xf32> to vector<16xf32>
      %get3A_219 = arith.constant 416 : index
      %get3A_220 = tpu.vector_load %arg5[%get3A_219] {strides = array<i32>} : memref<2208xf32, #tpu.memory_space<vmem>>, vector<16xf32>,
      %get3A_221 = vector.shape_cast %get3A_220 : vector<16xf32> to vector<16xf32>
      %get3A_222 = arith.constant 1152 : index
      %get3A_223 = tpu.vector_load %arg5[%get3A_222] {strides = array<i32>} : memref<2208xf32, #tpu.memory_space<vmem>>, vector<16xf32>,
      %get3A_224 = vector.shape_cast %get3A_223 : vector<16xf32> to vector<16xf32>
      %get3A_225 = arith.constant 432 : index
      %get3A_226 = tpu.vector_load %arg5[%get3A_225] {strides = array<i32>} : memref<2208xf32, #tpu.memory_space<vmem>>, vector<16xf32>,
      %get3A_227 = vector.shape_cast %get3A_226 : vector<16xf32> to vector<16xf32>
      %get3A_228 = arith.constant 1168 : index
      %get3A_229 = tpu.vector_load %arg5[%get3A_228] {strides = array<i32>} : memref<2208xf32, #tpu.memory_space<vmem>>, vector<16xf32>,
      %get3A_230 = vector.shape_cast %get3A_229 : vector<16xf32> to vector<16xf32>
      %get3A_231 = arith.constant 448 : index
      %get3A_232 = tpu.vector_load %arg5[%get3A_231] {strides = array<i32>} : memref<2208xf32, #tpu.memory_space<vmem>>, vector<16xf32>,
      %get3A_233 = vector.shape_cast %get3A_232 : vector<16xf32> to vector<16xf32>
      %get3A_234 = arith.constant 1184 : index
      %get3A_235 = tpu.vector_load %arg5[%get3A_234] {strides = array<i32>} : memref<2208xf32, #tpu.memory_space<vmem>>, vector<16xf32>,
      %get3A_236 = vector.shape_cast %get3A_235 : vector<16xf32> to vector<16xf32>
      %get3A_237 = arith.constant 464 : index
      %get3A_238 = tpu.vector_load %arg5[%get3A_237] {strides = array<i32>} : memref<2208xf32, #tpu.memory_space<vmem>>, vector<16xf32>,
      %get3A_239 = vector.shape_cast %get3A_238 : vector<16xf32> to vector<16xf32>
      %get3A_240 = arith.constant 1200 : index
      %get3A_241 = tpu.vector_load %arg5[%get3A_240] {strides = array<i32>} : memref<2208xf32, #tpu.memory_space<vmem>>, vector<16xf32>,
      %get3A_242 = vector.shape_cast %get3A_241 : vector<16xf32> to vector<16xf32>
      %get3A_243 = arith.constant 480 : index
      %get3A_244 = tpu.vector_load %arg5[%get3A_243] {strides = array<i32>} : memref<2208xf32, #tpu.memory_space<vmem>>, vector<16xf32>,
      %get3A_245 = vector.shape_cast %get3A_244 : vector<16xf32> to vector<16xf32>
      %get3A_246 = arith.constant 1216 : index
      %get3A_247 = tpu.vector_load %arg5[%get3A_246] {strides = array<i32>} : memref<2208xf32, #tpu.memory_space<vmem>>, vector<16xf32>,
      %get3A_248 = vector.shape_cast %get3A_247 : vector<16xf32> to vector<16xf32>
      %get3A_249 = arith.constant 496 : index
      %get3A_250 = tpu.vector_load %arg5[%get3A_249] {strides = array<i32>} : memref<2208xf32, #tpu.memory_space<vmem>>, vector<16xf32>,
      %get3A_251 = vector.shape_cast %get3A_250 : vector<16xf32> to vector<16xf32>
      %get3A_252 = arith.constant 1232 : index
      %get3A_253 = tpu.vector_load %arg5[%get3A_252] {strides = array<i32>} : memref<2208xf32, #tpu.memory_space<vmem>>, vector<16xf32>,
      %get3A_254 = vector.shape_cast %get3A_253 : vector<16xf32> to vector<16xf32>
      %get3A_255 = arith.constant 512 : index
      %get3A_256 = tpu.vector_load %arg5[%get3A_255] {strides = array<i32>} : memref<2208xf32, #tpu.memory_space<vmem>>, vector<16xf32>,
      %get3A_257 = vector.shape_cast %get3A_256 : vector<16xf32> to vector<16xf32>
      %get3A_258 = arith.constant 1248 : index
      %get3A_259 = tpu.vector_load %arg5[%get3A_258] {strides = array<i32>} : memref<2208xf32, #tpu.memory_space<vmem>>, vector<16xf32>,
      %get3A_260 = vector.shape_cast %get3A_259 : vector<16xf32> to vector<16xf32>
      %get3A_261 = arith.constant 528 : index
      %get3A_262 = tpu.vector_load %arg5[%get3A_261] {strides = array<i32>} : memref<2208xf32, #tpu.memory_space<vmem>>, vector<16xf32>,
      %get3A_263 = vector.shape_cast %get3A_262 : vector<16xf32> to vector<16xf32>
      %get3A_264 = arith.constant 1264 : index
      %get3A_265 = tpu.vector_load %arg5[%get3A_264] {strides = array<i32>} : memref<2208xf32, #tpu.memory_space<vmem>>, vector<16xf32>,
      %get3A_266 = vector.shape_cast %get3A_265 : vector<16xf32> to vector<16xf32>
      %get3A_267 = arith.constant 544 : index
      %get3A_268 = tpu.vector_load %arg5[%get3A_267] {strides = array<i32>} : memref<2208xf32, #tpu.memory_space<vmem>>, vector<16xf32>,
      %get3A_269 = vector.shape_cast %get3A_268 : vector<16xf32> to vector<16xf32>
      %get3A_270 = arith.constant 1280 : index
      %get3A_271 = tpu.vector_load %arg5[%get3A_270] {strides = array<i32>} : memref<2208xf32, #tpu.memory_space<vmem>>, vector<16xf32>,
      %get3A_272 = vector.shape_cast %get3A_271 : vector<16xf32> to vector<16xf32>
      %get3A_273 = arith.constant 560 : index
      %get3A_274 = tpu.vector_load %arg5[%get3A_273] {strides = array<i32>} : memref<2208xf32, #tpu.memory_space<vmem>>, vector<16xf32>,
      %get3A_275 = vector.shape_cast %get3A_274 : vector<16xf32> to vector<16xf32>
      %get3A_276 = arith.constant 1296 : index
      %get3A_277 = tpu.vector_load %arg5[%get3A_276] {strides = array<i32>} : memref<2208xf32, #tpu.memory_space<vmem>>, vector<16xf32>,
      %get3A_278 = vector.shape_cast %get3A_277 : vector<16xf32> to vector<16xf32>
      %parallel_loop3A_279 = arith.constant 0 : i32
      %parallel_loop3A_280 = arith.constant 40 : i32
      %parallel_loop3A_281 = arith.constant 1 : i32
      scf.for %parallel_loop3A_672 = %parallel_loop3A_279 to %parallel_loop3A_280 step %parallel_loop3A_281  : i32 {
        %parallel_loop3A_673 = arith.index_cast %parallel_loop3A_672 : i32 to index
        %parallel_loop3A_674 = arith.constant 383 : index
        %parallel_loop3A_675 = tpu.vector_load %arg6[%parallel_loop3A_673, %parallel_loop3A_674] {strides = array<i32>} : memref<40x721xf32, #tpu.memory_space<vmem>>, vector<1x16xf32>,
        %parallel_loop3A_676 = vector.shape_cast %parallel_loop3A_675 : vector<1x16xf32> to vector<16xf32>
        %parallel_loop3A_677 = arith.mulf %get3A_209, %parallel_loop3A_676 : vector<16xf32>
        %parallel_loop3A_678 = arith.index_cast %parallel_loop3A_672 : i32 to index
        %parallel_loop3A_679 = arith.constant 384 : index
        %parallel_loop3A_680 = tpu.vector_load %arg6[%parallel_loop3A_678, %parallel_loop3A_679] {strides = array<i32>} : memref<40x721xf32, #tpu.memory_space<vmem>>, vector<1x16xf32>,
        %parallel_loop3A_681 = vector.shape_cast %parallel_loop3A_680 : vector<1x16xf32> to vector<16xf32>
        %parallel_loop3A_682 = arith.mulf %get3A_212, %parallel_loop3A_681 : vector<16xf32>
        %parallel_loop3A_683 = arith.addf %parallel_loop3A_677, %parallel_loop3A_682 : vector<16xf32>
        %parallel_loop3A_684 = arith.index_cast %parallel_loop3A_672 : i32 to index
        %parallel_loop3A_685 = arith.constant 384 : index
        %parallel_loop3A_686 = tpu.vector_load %arg8[%parallel_loop3A_684, %parallel_loop3A_685] {strides = array<i32>} : memref<40x721xf32, #tpu.memory_space<vmem>>, vector<1x16xf32>,
        %parallel_loop3A_687 = vector.shape_cast %parallel_loop3A_686 : vector<1x16xf32> to vector<16xf32>
        %parallel_loop3A_688 = vector.shape_cast %parallel_loop3A_683 : vector<16xf32> to vector<1x16xf32>
        tpu.vector_store %arg8[%parallel_loop3A_684, %parallel_loop3A_685], %parallel_loop3A_688 {strides = array<i32>} : memref<40x721xf32, #tpu.memory_space<vmem>>, vector<1x16xf32>,
        %parallel_loop3A_689 = arith.index_cast %parallel_loop3A_672 : i32 to index
        %parallel_loop3A_690 = arith.constant 399 : index
        %parallel_loop3A_691 = tpu.vector_load %arg6[%parallel_loop3A_689, %parallel_loop3A_690] {strides = array<i32>} : memref<40x721xf32, #tpu.memory_space<vmem>>, vector<1x16xf32>,
        %parallel_loop3A_692 = vector.shape_cast %parallel_loop3A_691 : vector<1x16xf32> to vector<16xf32>
        %parallel_loop3A_693 = arith.mulf %get3A_215, %parallel_loop3A_692 : vector<16xf32>
        %parallel_loop3A_694 = arith.index_cast %parallel_loop3A_672 : i32 to index
        %parallel_loop3A_695 = arith.constant 400 : index
        %parallel_loop3A_696 = tpu.vector_load %arg6[%parallel_loop3A_694, %parallel_loop3A_695] {strides = array<i32>} : memref<40x721xf32, #tpu.memory_space<vmem>>, vector<1x16xf32>,
        %parallel_loop3A_697 = vector.shape_cast %parallel_loop3A_696 : vector<1x16xf32> to vector<16xf32>
        %parallel_loop3A_698 = arith.mulf %get3A_218, %parallel_loop3A_697 : vector<16xf32>
        %parallel_loop3A_699 = arith.addf %parallel_loop3A_693, %parallel_loop3A_698 : vector<16xf32>
        %parallel_loop3A_700 = arith.index_cast %parallel_loop3A_672 : i32 to index
        %parallel_loop3A_701 = arith.constant 400 : index
        %parallel_loop3A_702 = tpu.vector_load %arg8[%parallel_loop3A_700, %parallel_loop3A_701] {strides = array<i32>} : memref<40x721xf32, #tpu.memory_space<vmem>>, vector<1x16xf32>,
        %parallel_loop3A_703 = vector.shape_cast %parallel_loop3A_702 : vector<1x16xf32> to vector<16xf32>
        %parallel_loop3A_704 = vector.shape_cast %parallel_loop3A_699 : vector<16xf32> to vector<1x16xf32>
        tpu.vector_store %arg8[%parallel_loop3A_700, %parallel_loop3A_701], %parallel_loop3A_704 {strides = array<i32>} : memref<40x721xf32, #tpu.memory_space<vmem>>, vector<1x16xf32>,
        %parallel_loop3A_705 = arith.index_cast %parallel_loop3A_672 : i32 to index
        %parallel_loop3A_706 = arith.constant 415 : index
        %parallel_loop3A_707 = tpu.vector_load %arg6[%parallel_loop3A_705, %parallel_loop3A_706] {strides = array<i32>} : memref<40x721xf32, #tpu.memory_space<vmem>>, vector<1x16xf32>,
        %parallel_loop3A_708 = vector.shape_cast %parallel_loop3A_707 : vector<1x16xf32> to vector<16xf32>
        %parallel_loop3A_709 = arith.mulf %get3A_221, %parallel_loop3A_708 : vector<16xf32>
        %parallel_loop3A_710 = arith.index_cast %parallel_loop3A_672 : i32 to index
        %parallel_loop3A_711 = arith.constant 416 : index
        %parallel_loop3A_712 = tpu.vector_load %arg6[%parallel_loop3A_710, %parallel_loop3A_711] {strides = array<i32>} : memref<40x721xf32, #tpu.memory_space<vmem>>, vector<1x16xf32>,
        %parallel_loop3A_713 = vector.shape_cast %parallel_loop3A_712 : vector<1x16xf32> to vector<16xf32>
        %parallel_loop3A_714 = arith.mulf %get3A_224, %parallel_loop3A_713 : vector<16xf32>
        %parallel_loop3A_715 = arith.addf %parallel_loop3A_709, %parallel_loop3A_714 : vector<16xf32>
        %parallel_loop3A_716 = arith.index_cast %parallel_loop3A_672 : i32 to index
        %parallel_loop3A_717 = arith.constant 416 : index
        %parallel_loop3A_718 = tpu.vector_load %arg8[%parallel_loop3A_716, %parallel_loop3A_717] {strides = array<i32>} : memref<40x721xf32, #tpu.memory_space<vmem>>, vector<1x16xf32>,
        %parallel_loop3A_719 = vector.shape_cast %parallel_loop3A_718 : vector<1x16xf32> to vector<16xf32>
        %parallel_loop3A_720 = vector.shape_cast %parallel_loop3A_715 : vector<16xf32> to vector<1x16xf32>
        tpu.vector_store %arg8[%parallel_loop3A_716, %parallel_loop3A_717], %parallel_loop3A_720 {strides = array<i32>} : memref<40x721xf32, #tpu.memory_space<vmem>>, vector<1x16xf32>,
        %parallel_loop3A_721 = arith.index_cast %parallel_loop3A_672 : i32 to index
        %parallel_loop3A_722 = arith.constant 431 : index
        %parallel_loop3A_723 = tpu.vector_load %arg6[%parallel_loop3A_721, %parallel_loop3A_722] {strides = array<i32>} : memref<40x721xf32, #tpu.memory_space<vmem>>, vector<1x16xf32>,
        %parallel_loop3A_724 = vector.shape_cast %parallel_loop3A_723 : vector<1x16xf32> to vector<16xf32>
        %parallel_loop3A_725 = arith.mulf %get3A_227, %parallel_loop3A_724 : vector<16xf32>
        %parallel_loop3A_726 = arith.index_cast %parallel_loop3A_672 : i32 to index
        %parallel_loop3A_727 = arith.constant 432 : index
        %parallel_loop3A_728 = tpu.vector_load %arg6[%parallel_loop3A_726, %parallel_loop3A_727] {strides = array<i32>} : memref<40x721xf32, #tpu.memory_space<vmem>>, vector<1x16xf32>,
        %parallel_loop3A_729 = vector.shape_cast %parallel_loop3A_728 : vector<1x16xf32> to vector<16xf32>
        %parallel_loop3A_730 = arith.mulf %get3A_230, %parallel_loop3A_729 : vector<16xf32>
        %parallel_loop3A_731 = arith.addf %parallel_loop3A_725, %parallel_loop3A_730 : vector<16xf32>
        %parallel_loop3A_732 = arith.index_cast %parallel_loop3A_672 : i32 to index
        %parallel_loop3A_733 = arith.constant 432 : index
        %parallel_loop3A_734 = tpu.vector_load %arg8[%parallel_loop3A_732, %parallel_loop3A_733] {strides = array<i32>} : memref<40x721xf32, #tpu.memory_space<vmem>>, vector<1x16xf32>,
        %parallel_loop3A_735 = vector.shape_cast %parallel_loop3A_734 : vector<1x16xf32> to vector<16xf32>
        %parallel_loop3A_736 = vector.shape_cast %parallel_loop3A_731 : vector<16xf32> to vector<1x16xf32>
        tpu.vector_store %arg8[%parallel_loop3A_732, %parallel_loop3A_733], %parallel_loop3A_736 {strides = array<i32>} : memref<40x721xf32, #tpu.memory_space<vmem>>, vector<1x16xf32>,
        %parallel_loop3A_737 = arith.index_cast %parallel_loop3A_672 : i32 to index
        %parallel_loop3A_738 = arith.constant 447 : index
        %parallel_loop3A_739 = tpu.vector_load %arg6[%parallel_loop3A_737, %parallel_loop3A_738] {strides = array<i32>} : memref<40x721xf32, #tpu.memory_space<vmem>>, vector<1x16xf32>,
        %parallel_loop3A_740 = vector.shape_cast %parallel_loop3A_739 : vector<1x16xf32> to vector<16xf32>
        %parallel_loop3A_741 = arith.mulf %get3A_233, %parallel_loop3A_740 : vector<16xf32>
        %parallel_loop3A_742 = arith.index_cast %parallel_loop3A_672 : i32 to index
        %parallel_loop3A_743 = arith.constant 448 : index
        %parallel_loop3A_744 = tpu.vector_load %arg6[%parallel_loop3A_742, %parallel_loop3A_743] {strides = array<i32>} : memref<40x721xf32, #tpu.memory_space<vmem>>, vector<1x16xf32>,
        %parallel_loop3A_745 = vector.shape_cast %parallel_loop3A_744 : vector<1x16xf32> to vector<16xf32>
        %parallel_loop3A_746 = arith.mulf %get3A_236, %parallel_loop3A_745 : vector<16xf32>
        %parallel_loop3A_747 = arith.addf %parallel_loop3A_741, %parallel_loop3A_746 : vector<16xf32>
        %parallel_loop3A_748 = arith.index_cast %parallel_loop3A_672 : i32 to index
        %parallel_loop3A_749 = arith.constant 448 : index
        %parallel_loop3A_750 = tpu.vector_load %arg8[%parallel_loop3A_748, %parallel_loop3A_749] {strides = array<i32>} : memref<40x721xf32, #tpu.memory_space<vmem>>, vector<1x16xf32>,
        %parallel_loop3A_751 = vector.shape_cast %parallel_loop3A_750 : vector<1x16xf32> to vector<16xf32>
        %parallel_loop3A_752 = vector.shape_cast %parallel_loop3A_747 : vector<16xf32> to vector<1x16xf32>
        tpu.vector_store %arg8[%parallel_loop3A_748, %parallel_loop3A_749], %parallel_loop3A_752 {strides = array<i32>} : memref<40x721xf32, #tpu.memory_space<vmem>>, vector<1x16xf32>,
        %parallel_loop3A_753 = arith.index_cast %parallel_loop3A_672 : i32 to index
        %parallel_loop3A_754 = arith.constant 463 : index
        %parallel_loop3A_755 = tpu.vector_load %arg6[%parallel_loop3A_753, %parallel_loop3A_754] {strides = array<i32>} : memref<40x721xf32, #tpu.memory_space<vmem>>, vector<1x16xf32>,
        %parallel_loop3A_756 = vector.shape_cast %parallel_loop3A_755 : vector<1x16xf32> to vector<16xf32>
        %parallel_loop3A_757 = arith.mulf %get3A_239, %parallel_loop3A_756 : vector<16xf32>
        %parallel_loop3A_758 = arith.index_cast %parallel_loop3A_672 : i32 to index
        %parallel_loop3A_759 = arith.constant 464 : index
        %parallel_loop3A_760 = tpu.vector_load %arg6[%parallel_loop3A_758, %parallel_loop3A_759] {strides = array<i32>} : memref<40x721xf32, #tpu.memory_space<vmem>>, vector<1x16xf32>,
        %parallel_loop3A_761 = vector.shape_cast %parallel_loop3A_760 : vector<1x16xf32> to vector<16xf32>
        %parallel_loop3A_762 = arith.mulf %get3A_242, %parallel_loop3A_761 : vector<16xf32>
        %parallel_loop3A_763 = arith.addf %parallel_loop3A_757, %parallel_loop3A_762 : vector<16xf32>
        %parallel_loop3A_764 = arith.index_cast %parallel_loop3A_672 : i32 to index
        %parallel_loop3A_765 = arith.constant 464 : index
        %parallel_loop3A_766 = tpu.vector_load %arg8[%parallel_loop3A_764, %parallel_loop3A_765] {strides = array<i32>} : memref<40x721xf32, #tpu.memory_space<vmem>>, vector<1x16xf32>,
        %parallel_loop3A_767 = vector.shape_cast %parallel_loop3A_766 : vector<1x16xf32> to vector<16xf32>
        %parallel_loop3A_768 = vector.shape_cast %parallel_loop3A_763 : vector<16xf32> to vector<1x16xf32>
        tpu.vector_store %arg8[%parallel_loop3A_764, %parallel_loop3A_765], %parallel_loop3A_768 {strides = array<i32>} : memref<40x721xf32, #tpu.memory_space<vmem>>, vector<1x16xf32>,
        %parallel_loop3A_769 = arith.index_cast %parallel_loop3A_672 : i32 to index
        %parallel_loop3A_770 = arith.constant 479 : index
        %parallel_loop3A_771 = tpu.vector_load %arg6[%parallel_loop3A_769, %parallel_loop3A_770] {strides = array<i32>} : memref<40x721xf32, #tpu.memory_space<vmem>>, vector<1x16xf32>,
        %parallel_loop3A_772 = vector.shape_cast %parallel_loop3A_771 : vector<1x16xf32> to vector<16xf32>
        %parallel_loop3A_773 = arith.mulf %get3A_245, %parallel_loop3A_772 : vector<16xf32>
        %parallel_loop3A_774 = arith.index_cast %parallel_loop3A_672 : i32 to index
        %parallel_loop3A_775 = arith.constant 480 : index
        %parallel_loop3A_776 = tpu.vector_load %arg6[%parallel_loop3A_774, %parallel_loop3A_775] {strides = array<i32>} : memref<40x721xf32, #tpu.memory_space<vmem>>, vector<1x16xf32>,
        %parallel_loop3A_777 = vector.shape_cast %parallel_loop3A_776 : vector<1x16xf32> to vector<16xf32>
        %parallel_loop3A_778 = arith.mulf %get3A_248, %parallel_loop3A_777 : vector<16xf32>
        %parallel_loop3A_779 = arith.addf %parallel_loop3A_773, %parallel_loop3A_778 : vector<16xf32>
        %parallel_loop3A_780 = arith.index_cast %parallel_loop3A_672 : i32 to index
        %parallel_loop3A_781 = arith.constant 480 : index
        %parallel_loop3A_782 = tpu.vector_load %arg8[%parallel_loop3A_780, %parallel_loop3A_781] {strides = array<i32>} : memref<40x721xf32, #tpu.memory_space<vmem>>, vector<1x16xf32>,
        %parallel_loop3A_783 = vector.shape_cast %parallel_loop3A_782 : vector<1x16xf32> to vector<16xf32>
        %parallel_loop3A_784 = vector.shape_cast %parallel_loop3A_779 : vector<16xf32> to vector<1x16xf32>
        tpu.vector_store %arg8[%parallel_loop3A_780, %parallel_loop3A_781], %parallel_loop3A_784 {strides = array<i32>} : memref<40x721xf32, #tpu.memory_space<vmem>>, vector<1x16xf32>,
        %parallel_loop3A_785 = arith.index_cast %parallel_loop3A_672 : i32 to index
        %parallel_loop3A_786 = arith.constant 495 : index
        %parallel_loop3A_787 = tpu.vector_load %arg6[%parallel_loop3A_785, %parallel_loop3A_786] {strides = array<i32>} : memref<40x721xf32, #tpu.memory_space<vmem>>, vector<1x16xf32>,
        %parallel_loop3A_788 = vector.shape_cast %parallel_loop3A_787 : vector<1x16xf32> to vector<16xf32>
        %parallel_loop3A_789 = arith.mulf %get3A_251, %parallel_loop3A_788 : vector<16xf32>
        %parallel_loop3A_790 = arith.index_cast %parallel_loop3A_672 : i32 to index
        %parallel_loop3A_791 = arith.constant 496 : index
        %parallel_loop3A_792 = tpu.vector_load %arg6[%parallel_loop3A_790, %parallel_loop3A_791] {strides = array<i32>} : memref<40x721xf32, #tpu.memory_space<vmem>>, vector<1x16xf32>,
        %parallel_loop3A_793 = vector.shape_cast %parallel_loop3A_792 : vector<1x16xf32> to vector<16xf32>
        %parallel_loop3A_794 = arith.mulf %get3A_254, %parallel_loop3A_793 : vector<16xf32>
        %parallel_loop3A_795 = arith.addf %parallel_loop3A_789, %parallel_loop3A_794 : vector<16xf32>
        %parallel_loop3A_796 = arith.index_cast %parallel_loop3A_672 : i32 to index
        %parallel_loop3A_797 = arith.constant 496 : index
        %parallel_loop3A_798 = tpu.vector_load %arg8[%parallel_loop3A_796, %parallel_loop3A_797] {strides = array<i32>} : memref<40x721xf32, #tpu.memory_space<vmem>>, vector<1x16xf32>,
        %parallel_loop3A_799 = vector.shape_cast %parallel_loop3A_798 : vector<1x16xf32> to vector<16xf32>
        %parallel_loop3A_800 = vector.shape_cast %parallel_loop3A_795 : vector<16xf32> to vector<1x16xf32>
        tpu.vector_store %arg8[%parallel_loop3A_796, %parallel_loop3A_797], %parallel_loop3A_800 {strides = array<i32>} : memref<40x721xf32, #tpu.memory_space<vmem>>, vector<1x16xf32>,
        %parallel_loop3A_801 = arith.index_cast %parallel_loop3A_672 : i32 to index
        %parallel_loop3A_802 = arith.constant 511 : index
        %parallel_loop3A_803 = tpu.vector_load %arg6[%parallel_loop3A_801, %parallel_loop3A_802] {strides = array<i32>} : memref<40x721xf32, #tpu.memory_space<vmem>>, vector<1x16xf32>,
        %parallel_loop3A_804 = vector.shape_cast %parallel_loop3A_803 : vector<1x16xf32> to vector<16xf32>
        %parallel_loop3A_805 = arith.mulf %get3A_257, %parallel_loop3A_804 : vector<16xf32>
        %parallel_loop3A_806 = arith.index_cast %parallel_loop3A_672 : i32 to index
        %parallel_loop3A_807 = arith.constant 512 : index
        %parallel_loop3A_808 = tpu.vector_load %arg6[%parallel_loop3A_806, %parallel_loop3A_807] {strides = array<i32>} : memref<40x721xf32, #tpu.memory_space<vmem>>, vector<1x16xf32>,
        %parallel_loop3A_809 = vector.shape_cast %parallel_loop3A_808 : vector<1x16xf32> to vector<16xf32>
        %parallel_loop3A_810 = arith.mulf %get3A_260, %parallel_loop3A_809 : vector<16xf32>
        %parallel_loop3A_811 = arith.addf %parallel_loop3A_805, %parallel_loop3A_810 : vector<16xf32>
        %parallel_loop3A_812 = arith.index_cast %parallel_loop3A_672 : i32 to index
        %parallel_loop3A_813 = arith.constant 512 : index
        %parallel_loop3A_814 = tpu.vector_load %arg8[%parallel_loop3A_812, %parallel_loop3A_813] {strides = array<i32>} : memref<40x721xf32, #tpu.memory_space<vmem>>, vector<1x16xf32>,
        %parallel_loop3A_815 = vector.shape_cast %parallel_loop3A_814 : vector<1x16xf32> to vector<16xf32>
        %parallel_loop3A_816 = vector.shape_cast %parallel_loop3A_811 : vector<16xf32> to vector<1x16xf32>
        tpu.vector_store %arg8[%parallel_loop3A_812, %parallel_loop3A_813], %parallel_loop3A_816 {strides = array<i32>} : memref<40x721xf32, #tpu.memory_space<vmem>>, vector<1x16xf32>,
        %parallel_loop3A_817 = arith.index_cast %parallel_loop3A_672 : i32 to index
        %parallel_loop3A_818 = arith.constant 527 : index
        %parallel_loop3A_819 = tpu.vector_load %arg6[%parallel_loop3A_817, %parallel_loop3A_818] {strides = array<i32>} : memref<40x721xf32, #tpu.memory_space<vmem>>, vector<1x16xf32>,
        %parallel_loop3A_820 = vector.shape_cast %parallel_loop3A_819 : vector<1x16xf32> to vector<16xf32>
        %parallel_loop3A_821 = arith.mulf %get3A_263, %parallel_loop3A_820 : vector<16xf32>
        %parallel_loop3A_822 = arith.index_cast %parallel_loop3A_672 : i32 to index
        %parallel_loop3A_823 = arith.constant 528 : index
        %parallel_loop3A_824 = tpu.vector_load %arg6[%parallel_loop3A_822, %parallel_loop3A_823] {strides = array<i32>} : memref<40x721xf32, #tpu.memory_space<vmem>>, vector<1x16xf32>,
        %parallel_loop3A_825 = vector.shape_cast %parallel_loop3A_824 : vector<1x16xf32> to vector<16xf32>
        %parallel_loop3A_826 = arith.mulf %get3A_266, %parallel_loop3A_825 : vector<16xf32>
        %parallel_loop3A_827 = arith.addf %parallel_loop3A_821, %parallel_loop3A_826 : vector<16xf32>
        %parallel_loop3A_828 = arith.index_cast %parallel_loop3A_672 : i32 to index
        %parallel_loop3A_829 = arith.constant 528 : index
        %parallel_loop3A_830 = tpu.vector_load %arg8[%parallel_loop3A_828, %parallel_loop3A_829] {strides = array<i32>} : memref<40x721xf32, #tpu.memory_space<vmem>>, vector<1x16xf32>,
        %parallel_loop3A_831 = vector.shape_cast %parallel_loop3A_830 : vector<1x16xf32> to vector<16xf32>
        %parallel_loop3A_832 = vector.shape_cast %parallel_loop3A_827 : vector<16xf32> to vector<1x16xf32>
        tpu.vector_store %arg8[%parallel_loop3A_828, %parallel_loop3A_829], %parallel_loop3A_832 {strides = array<i32>} : memref<40x721xf32, #tpu.memory_space<vmem>>, vector<1x16xf32>,
        %parallel_loop3A_833 = arith.index_cast %parallel_loop3A_672 : i32 to index
        %parallel_loop3A_834 = arith.constant 543 : index
        %parallel_loop3A_835 = tpu.vector_load %arg6[%parallel_loop3A_833, %parallel_loop3A_834] {strides = array<i32>} : memref<40x721xf32, #tpu.memory_space<vmem>>, vector<1x16xf32>,
        %parallel_loop3A_836 = vector.shape_cast %parallel_loop3A_835 : vector<1x16xf32> to vector<16xf32>
        %parallel_loop3A_837 = arith.mulf %get3A_269, %parallel_loop3A_836 : vector<16xf32>
        %parallel_loop3A_838 = arith.index_cast %parallel_loop3A_672 : i32 to index
        %parallel_loop3A_839 = arith.constant 544 : index
        %parallel_loop3A_840 = tpu.vector_load %arg6[%parallel_loop3A_838, %parallel_loop3A_839] {strides = array<i32>} : memref<40x721xf32, #tpu.memory_space<vmem>>, vector<1x16xf32>,
        %parallel_loop3A_841 = vector.shape_cast %parallel_loop3A_840 : vector<1x16xf32> to vector<16xf32>
        %parallel_loop3A_842 = arith.mulf %get3A_272, %parallel_loop3A_841 : vector<16xf32>
        %parallel_loop3A_843 = arith.addf %parallel_loop3A_837, %parallel_loop3A_842 : vector<16xf32>
        %parallel_loop3A_844 = arith.index_cast %parallel_loop3A_672 : i32 to index
        %parallel_loop3A_845 = arith.constant 544 : index
        %parallel_loop3A_846 = tpu.vector_load %arg8[%parallel_loop3A_844, %parallel_loop3A_845] {strides = array<i32>} : memref<40x721xf32, #tpu.memory_space<vmem>>, vector<1x16xf32>,
        %parallel_loop3A_847 = vector.shape_cast %parallel_loop3A_846 : vector<1x16xf32> to vector<16xf32>
        %parallel_loop3A_848 = vector.shape_cast %parallel_loop3A_843 : vector<16xf32> to vector<1x16xf32>
        tpu.vector_store %arg8[%parallel_loop3A_844, %parallel_loop3A_845], %parallel_loop3A_848 {strides = array<i32>} : memref<40x721xf32, #tpu.memory_space<vmem>>, vector<1x16xf32>,
        %parallel_loop3A_849 = arith.index_cast %parallel_loop3A_672 : i32 to index
        %parallel_loop3A_850 = arith.constant 559 : index
        %parallel_loop3A_851 = tpu.vector_load %arg6[%parallel_loop3A_849, %parallel_loop3A_850] {strides = array<i32>} : memref<40x721xf32, #tpu.memory_space<vmem>>, vector<1x16xf32>,
        %parallel_loop3A_852 = vector.shape_cast %parallel_loop3A_851 : vector<1x16xf32> to vector<16xf32>
        %parallel_loop3A_853 = arith.mulf %get3A_275, %parallel_loop3A_852 : vector<16xf32>
        %parallel_loop3A_854 = arith.index_cast %parallel_loop3A_672 : i32 to index
        %parallel_loop3A_855 = arith.constant 560 : index
        %parallel_loop3A_856 = tpu.vector_load %arg6[%parallel_loop3A_854, %parallel_loop3A_855] {strides = array<i32>} : memref<40x721xf32, #tpu.memory_space<vmem>>, vector<1x16xf32>,
        %parallel_loop3A_857 = vector.shape_cast %parallel_loop3A_856 : vector<1x16xf32> to vector<16xf32>
        %parallel_loop3A_858 = arith.mulf %get3A_278, %parallel_loop3A_857 : vector<16xf32>
        %parallel_loop3A_859 = arith.addf %parallel_loop3A_853, %parallel_loop3A_858 : vector<16xf32>
        %parallel_loop3A_860 = arith.index_cast %parallel_loop3A_672 : i32 to index
        %parallel_loop3A_861 = arith.constant 560 : index
        %parallel_loop3A_862 = tpu.vector_load %arg8[%parallel_loop3A_860, %parallel_loop3A_861] {strides = array<i32>} : memref<40x721xf32, #tpu.memory_space<vmem>>, vector<1x16xf32>,
        %parallel_loop3A_863 = vector.shape_cast %parallel_loop3A_862 : vector<1x16xf32> to vector<16xf32>
        %parallel_loop3A_864 = vector.shape_cast %parallel_loop3A_859 : vector<16xf32> to vector<1x16xf32>
        tpu.vector_store %arg8[%parallel_loop3A_860, %parallel_loop3A_861], %parallel_loop3A_864 {strides = array<i32>} : memref<40x721xf32, #tpu.memory_space<vmem>>, vector<1x16xf32>,
      } {sc.loop_unroll_factor = 2 : i64, sc.parallel_access}
      %get3A_282 = arith.constant 576 : index
      %get3A_283 = tpu.vector_load %arg5[%get3A_282] {strides = array<i32>} : memref<2208xf32, #tpu.memory_space<vmem>>, vector<16xf32>,
      %get3A_284 = vector.shape_cast %get3A_283 : vector<16xf32> to vector<16xf32>
      %get3A_285 = arith.constant 1312 : index
      %get3A_286 = tpu.vector_load %arg5[%get3A_285] {strides = array<i32>} : memref<2208xf32, #tpu.memory_space<vmem>>, vector<16xf32>,
      %get3A_287 = vector.shape_cast %get3A_286 : vector<16xf32> to vector<16xf32>
      %get3A_288 = arith.constant 592 : index
      %get3A_289 = tpu.vector_load %arg5[%get3A_288] {strides = array<i32>} : memref<2208xf32, #tpu.memory_space<vmem>>, vector<16xf32>,
      %get3A_290 = vector.shape_cast %get3A_289 : vector<16xf32> to vector<16xf32>
      %get3A_291 = arith.constant 1328 : index
      %get3A_292 = tpu.vector_load %arg5[%get3A_291] {strides = array<i32>} : memref<2208xf32, #tpu.memory_space<vmem>>, vector<16xf32>,
      %get3A_293 = vector.shape_cast %get3A_292 : vector<16xf32> to vector<16xf32>
      %get3A_294 = arith.constant 608 : index
      %get3A_295 = tpu.vector_load %arg5[%get3A_294] {strides = array<i32>} : memref<2208xf32, #tpu.memory_space<vmem>>, vector<16xf32>,
      %get3A_296 = vector.shape_cast %get3A_295 : vector<16xf32> to vector<16xf32>
      %get3A_297 = arith.constant 1344 : index
      %get3A_298 = tpu.vector_load %arg5[%get3A_297] {strides = array<i32>} : memref<2208xf32, #tpu.memory_space<vmem>>, vector<16xf32>,
      %get3A_299 = vector.shape_cast %get3A_298 : vector<16xf32> to vector<16xf32>
      %get3A_300 = arith.constant 624 : index
      %get3A_301 = tpu.vector_load %arg5[%get3A_300] {strides = array<i32>} : memref<2208xf32, #tpu.memory_space<vmem>>, vector<16xf32>,
      %get3A_302 = vector.shape_cast %get3A_301 : vector<16xf32> to vector<16xf32>
      %get3A_303 = arith.constant 1360 : index
      %get3A_304 = tpu.vector_load %arg5[%get3A_303] {strides = array<i32>} : memref<2208xf32, #tpu.memory_space<vmem>>, vector<16xf32>,
      %get3A_305 = vector.shape_cast %get3A_304 : vector<16xf32> to vector<16xf32>
      %get3A_306 = arith.constant 640 : index
      %get3A_307 = tpu.vector_load %arg5[%get3A_306] {strides = array<i32>} : memref<2208xf32, #tpu.memory_space<vmem>>, vector<16xf32>,
      %get3A_308 = vector.shape_cast %get3A_307 : vector<16xf32> to vector<16xf32>
      %get3A_309 = arith.constant 1376 : index
      %get3A_310 = tpu.vector_load %arg5[%get3A_309] {strides = array<i32>} : memref<2208xf32, #tpu.memory_space<vmem>>, vector<16xf32>,
      %get3A_311 = vector.shape_cast %get3A_310 : vector<16xf32> to vector<16xf32>
      %get3A_312 = arith.constant 656 : index
      %get3A_313 = tpu.vector_load %arg5[%get3A_312] {strides = array<i32>} : memref<2208xf32, #tpu.memory_space<vmem>>, vector<16xf32>,
      %get3A_314 = vector.shape_cast %get3A_313 : vector<16xf32> to vector<16xf32>
      %get3A_315 = arith.constant 1392 : index
      %get3A_316 = tpu.vector_load %arg5[%get3A_315] {strides = array<i32>} : memref<2208xf32, #tpu.memory_space<vmem>>, vector<16xf32>,
      %get3A_317 = vector.shape_cast %get3A_316 : vector<16xf32> to vector<16xf32>
      %get3A_318 = arith.constant 672 : index
      %get3A_319 = tpu.vector_load %arg5[%get3A_318] {strides = array<i32>} : memref<2208xf32, #tpu.memory_space<vmem>>, vector<16xf32>,
      %get3A_320 = vector.shape_cast %get3A_319 : vector<16xf32> to vector<16xf32>
      %get3A_321 = arith.constant 1408 : index
      %get3A_322 = tpu.vector_load %arg5[%get3A_321] {strides = array<i32>} : memref<2208xf32, #tpu.memory_space<vmem>>, vector<16xf32>,
      %get3A_323 = vector.shape_cast %get3A_322 : vector<16xf32> to vector<16xf32>
      %get3A_324 = arith.constant 688 : index
      %get3A_325 = tpu.vector_load %arg5[%get3A_324] {strides = array<i32>} : memref<2208xf32, #tpu.memory_space<vmem>>, vector<16xf32>,
      %get3A_326 = vector.shape_cast %get3A_325 : vector<16xf32> to vector<16xf32>
      %get3A_327 = arith.constant 1424 : index
      %get3A_328 = tpu.vector_load %arg5[%get3A_327] {strides = array<i32>} : memref<2208xf32, #tpu.memory_space<vmem>>, vector<16xf32>,
      %get3A_329 = vector.shape_cast %get3A_328 : vector<16xf32> to vector<16xf32>
      %get3A_330 = arith.constant 720 : index
      %get3A_331 = tpu.vector_load %arg5[%get3A_330] {strides = array<i32>} : memref<2208xf32, #tpu.memory_space<vmem>>, vector<16xf32>,
      %get3A_332 = vector.shape_cast %get3A_331 : vector<16xf32> to vector<16xf32>
      %get3A_333 = arith.constant 1456 : index
      %get3A_334 = tpu.vector_load %arg5[%get3A_333] {strides = array<i32>} : memref<2208xf32, #tpu.memory_space<vmem>>, vector<16xf32>,
      %get3A_335 = vector.shape_cast %get3A_334 : vector<16xf32> to vector<16xf32>
      %get3A_336 = arith.constant 704 : index
      %get3A_337 = tpu.vector_load %arg5[%get3A_336] {strides = array<i32>} : memref<2208xf32, #tpu.memory_space<vmem>>, vector<16xf32>,
      %get3A_338 = vector.shape_cast %get3A_337 : vector<16xf32> to vector<16xf32>
      %get3A_339 = arith.constant 1440 : index
      %get3A_340 = tpu.vector_load %arg5[%get3A_339] {strides = array<i32>} : memref<2208xf32, #tpu.memory_space<vmem>>, vector<16xf32>,
      %get3A_341 = vector.shape_cast %get3A_340 : vector<16xf32> to vector<16xf32>
      %parallel_loop3A_342 = arith.constant 0 : i32
      %parallel_loop3A_343 = arith.constant 40 : i32
      %parallel_loop3A_344 = arith.constant 1 : i32
      scf.for %parallel_loop3A_672 = %parallel_loop3A_342 to %parallel_loop3A_343 step %parallel_loop3A_344  : i32 {
        %parallel_loop3A_673 = arith.index_cast %parallel_loop3A_672 : i32 to index
        %parallel_loop3A_674 = arith.constant 575 : index
        %parallel_loop3A_675 = tpu.vector_load %arg6[%parallel_loop3A_673, %parallel_loop3A_674] {strides = array<i32>} : memref<40x721xf32, #tpu.memory_space<vmem>>, vector<1x16xf32>,
        %parallel_loop3A_676 = vector.shape_cast %parallel_loop3A_675 : vector<1x16xf32> to vector<16xf32>
        %parallel_loop3A_677 = arith.mulf %get3A_284, %parallel_loop3A_676 : vector<16xf32>
        %parallel_loop3A_678 = arith.index_cast %parallel_loop3A_672 : i32 to index
        %parallel_loop3A_679 = arith.constant 576 : index
        %parallel_loop3A_680 = tpu.vector_load %arg6[%parallel_loop3A_678, %parallel_loop3A_679] {strides = array<i32>} : memref<40x721xf32, #tpu.memory_space<vmem>>, vector<1x16xf32>,
        %parallel_loop3A_681 = vector.shape_cast %parallel_loop3A_680 : vector<1x16xf32> to vector<16xf32>
        %parallel_loop3A_682 = arith.mulf %get3A_287, %parallel_loop3A_681 : vector<16xf32>
        %parallel_loop3A_683 = arith.addf %parallel_loop3A_677, %parallel_loop3A_682 : vector<16xf32>
        %parallel_loop3A_684 = arith.index_cast %parallel_loop3A_672 : i32 to index
        %parallel_loop3A_685 = arith.constant 576 : index
        %parallel_loop3A_686 = tpu.vector_load %arg8[%parallel_loop3A_684, %parallel_loop3A_685] {strides = array<i32>} : memref<40x721xf32, #tpu.memory_space<vmem>>, vector<1x16xf32>,
        %parallel_loop3A_687 = vector.shape_cast %parallel_loop3A_686 : vector<1x16xf32> to vector<16xf32>
        %parallel_loop3A_688 = vector.shape_cast %parallel_loop3A_683 : vector<16xf32> to vector<1x16xf32>
        tpu.vector_store %arg8[%parallel_loop3A_684, %parallel_loop3A_685], %parallel_loop3A_688 {strides = array<i32>} : memref<40x721xf32, #tpu.memory_space<vmem>>, vector<1x16xf32>,
        %parallel_loop3A_689 = arith.index_cast %parallel_loop3A_672 : i32 to index
        %parallel_loop3A_690 = arith.constant 591 : index
        %parallel_loop3A_691 = tpu.vector_load %arg6[%parallel_loop3A_689, %parallel_loop3A_690] {strides = array<i32>} : memref<40x721xf32, #tpu.memory_space<vmem>>, vector<1x16xf32>,
        %parallel_loop3A_692 = vector.shape_cast %parallel_loop3A_691 : vector<1x16xf32> to vector<16xf32>
        %parallel_loop3A_693 = arith.mulf %get3A_290, %parallel_loop3A_692 : vector<16xf32>
        %parallel_loop3A_694 = arith.index_cast %parallel_loop3A_672 : i32 to index
        %parallel_loop3A_695 = arith.constant 592 : index
        %parallel_loop3A_696 = tpu.vector_load %arg6[%parallel_loop3A_694, %parallel_loop3A_695] {strides = array<i32>} : memref<40x721xf32, #tpu.memory_space<vmem>>, vector<1x16xf32>,
        %parallel_loop3A_697 = vector.shape_cast %parallel_loop3A_696 : vector<1x16xf32> to vector<16xf32>
        %parallel_loop3A_698 = arith.mulf %get3A_293, %parallel_loop3A_697 : vector<16xf32>
        %parallel_loop3A_699 = arith.addf %parallel_loop3A_693, %parallel_loop3A_698 : vector<16xf32>
        %parallel_loop3A_700 = arith.index_cast %parallel_loop3A_672 : i32 to index
        %parallel_loop3A_701 = arith.constant 592 : index
        %parallel_loop3A_702 = tpu.vector_load %arg8[%parallel_loop3A_700, %parallel_loop3A_701] {strides = array<i32>} : memref<40x721xf32, #tpu.memory_space<vmem>>, vector<1x16xf32>,
        %parallel_loop3A_703 = vector.shape_cast %parallel_loop3A_702 : vector<1x16xf32> to vector<16xf32>
        %parallel_loop3A_704 = vector.shape_cast %parallel_loop3A_699 : vector<16xf32> to vector<1x16xf32>
        tpu.vector_store %arg8[%parallel_loop3A_700, %parallel_loop3A_701], %parallel_loop3A_704 {strides = array<i32>} : memref<40x721xf32, #tpu.memory_space<vmem>>, vector<1x16xf32>,
        %parallel_loop3A_705 = arith.index_cast %parallel_loop3A_672 : i32 to index
        %parallel_loop3A_706 = arith.constant 607 : index
        %parallel_loop3A_707 = tpu.vector_load %arg6[%parallel_loop3A_705, %parallel_loop3A_706] {strides = array<i32>} : memref<40x721xf32, #tpu.memory_space<vmem>>, vector<1x16xf32>,
        %parallel_loop3A_708 = vector.shape_cast %parallel_loop3A_707 : vector<1x16xf32> to vector<16xf32>
        %parallel_loop3A_709 = arith.mulf %get3A_296, %parallel_loop3A_708 : vector<16xf32>
        %parallel_loop3A_710 = arith.index_cast %parallel_loop3A_672 : i32 to index
        %parallel_loop3A_711 = arith.constant 608 : index
        %parallel_loop3A_712 = tpu.vector_load %arg6[%parallel_loop3A_710, %parallel_loop3A_711] {strides = array<i32>} : memref<40x721xf32, #tpu.memory_space<vmem>>, vector<1x16xf32>,
        %parallel_loop3A_713 = vector.shape_cast %parallel_loop3A_712 : vector<1x16xf32> to vector<16xf32>
        %parallel_loop3A_714 = arith.mulf %get3A_299, %parallel_loop3A_713 : vector<16xf32>
        %parallel_loop3A_715 = arith.addf %parallel_loop3A_709, %parallel_loop3A_714 : vector<16xf32>
        %parallel_loop3A_716 = arith.index_cast %parallel_loop3A_672 : i32 to index
        %parallel_loop3A_717 = arith.constant 608 : index
        %parallel_loop3A_718 = tpu.vector_load %arg8[%parallel_loop3A_716, %parallel_loop3A_717] {strides = array<i32>} : memref<40x721xf32, #tpu.memory_space<vmem>>, vector<1x16xf32>,
        %parallel_loop3A_719 = vector.shape_cast %parallel_loop3A_718 : vector<1x16xf32> to vector<16xf32>
        %parallel_loop3A_720 = vector.shape_cast %parallel_loop3A_715 : vector<16xf32> to vector<1x16xf32>
        tpu.vector_store %arg8[%parallel_loop3A_716, %parallel_loop3A_717], %parallel_loop3A_720 {strides = array<i32>} : memref<40x721xf32, #tpu.memory_space<vmem>>, vector<1x16xf32>,
        %parallel_loop3A_721 = arith.index_cast %parallel_loop3A_672 : i32 to index
        %parallel_loop3A_722 = arith.constant 623 : index
        %parallel_loop3A_723 = tpu.vector_load %arg6[%parallel_loop3A_721, %parallel_loop3A_722] {strides = array<i32>} : memref<40x721xf32, #tpu.memory_space<vmem>>, vector<1x16xf32>,
        %parallel_loop3A_724 = vector.shape_cast %parallel_loop3A_723 : vector<1x16xf32> to vector<16xf32>
        %parallel_loop3A_725 = arith.mulf %get3A_302, %parallel_loop3A_724 : vector<16xf32>
        %parallel_loop3A_726 = arith.index_cast %parallel_loop3A_672 : i32 to index
        %parallel_loop3A_727 = arith.constant 624 : index
        %parallel_loop3A_728 = tpu.vector_load %arg6[%parallel_loop3A_726, %parallel_loop3A_727] {strides = array<i32>} : memref<40x721xf32, #tpu.memory_space<vmem>>, vector<1x16xf32>,
        %parallel_loop3A_729 = vector.shape_cast %parallel_loop3A_728 : vector<1x16xf32> to vector<16xf32>
        %parallel_loop3A_730 = arith.mulf %get3A_305, %parallel_loop3A_729 : vector<16xf32>
        %parallel_loop3A_731 = arith.addf %parallel_loop3A_725, %parallel_loop3A_730 : vector<16xf32>
        %parallel_loop3A_732 = arith.index_cast %parallel_loop3A_672 : i32 to index
        %parallel_loop3A_733 = arith.constant 624 : index
        %parallel_loop3A_734 = tpu.vector_load %arg8[%parallel_loop3A_732, %parallel_loop3A_733] {strides = array<i32>} : memref<40x721xf32, #tpu.memory_space<vmem>>, vector<1x16xf32>,
        %parallel_loop3A_735 = vector.shape_cast %parallel_loop3A_734 : vector<1x16xf32> to vector<16xf32>
        %parallel_loop3A_736 = vector.shape_cast %parallel_loop3A_731 : vector<16xf32> to vector<1x16xf32>
        tpu.vector_store %arg8[%parallel_loop3A_732, %parallel_loop3A_733], %parallel_loop3A_736 {strides = array<i32>} : memref<40x721xf32, #tpu.memory_space<vmem>>, vector<1x16xf32>,
        %parallel_loop3A_737 = arith.index_cast %parallel_loop3A_672 : i32 to index
        %parallel_loop3A_738 = arith.constant 639 : index
        %parallel_loop3A_739 = tpu.vector_load %arg6[%parallel_loop3A_737, %parallel_loop3A_738] {strides = array<i32>} : memref<40x721xf32, #tpu.memory_space<vmem>>, vector<1x16xf32>,
        %parallel_loop3A_740 = vector.shape_cast %parallel_loop3A_739 : vector<1x16xf32> to vector<16xf32>
        %parallel_loop3A_741 = arith.mulf %get3A_308, %parallel_loop3A_740 : vector<16xf32>
        %parallel_loop3A_742 = arith.index_cast %parallel_loop3A_672 : i32 to index
        %parallel_loop3A_743 = arith.constant 640 : index
        %parallel_loop3A_744 = tpu.vector_load %arg6[%parallel_loop3A_742, %parallel_loop3A_743] {strides = array<i32>} : memref<40x721xf32, #tpu.memory_space<vmem>>, vector<1x16xf32>,
        %parallel_loop3A_745 = vector.shape_cast %parallel_loop3A_744 : vector<1x16xf32> to vector<16xf32>
        %parallel_loop3A_746 = arith.mulf %get3A_311, %parallel_loop3A_745 : vector<16xf32>
        %parallel_loop3A_747 = arith.addf %parallel_loop3A_741, %parallel_loop3A_746 : vector<16xf32>
        %parallel_loop3A_748 = arith.index_cast %parallel_loop3A_672 : i32 to index
        %parallel_loop3A_749 = arith.constant 640 : index
        %parallel_loop3A_750 = tpu.vector_load %arg8[%parallel_loop3A_748, %parallel_loop3A_749] {strides = array<i32>} : memref<40x721xf32, #tpu.memory_space<vmem>>, vector<1x16xf32>,
        %parallel_loop3A_751 = vector.shape_cast %parallel_loop3A_750 : vector<1x16xf32> to vector<16xf32>
        %parallel_loop3A_752 = vector.shape_cast %parallel_loop3A_747 : vector<16xf32> to vector<1x16xf32>
        tpu.vector_store %arg8[%parallel_loop3A_748, %parallel_loop3A_749], %parallel_loop3A_752 {strides = array<i32>} : memref<40x721xf32, #tpu.memory_space<vmem>>, vector<1x16xf32>,
        %parallel_loop3A_753 = arith.index_cast %parallel_loop3A_672 : i32 to index
        %parallel_loop3A_754 = arith.constant 655 : index
        %parallel_loop3A_755 = tpu.vector_load %arg6[%parallel_loop3A_753, %parallel_loop3A_754] {strides = array<i32>} : memref<40x721xf32, #tpu.memory_space<vmem>>, vector<1x16xf32>,
        %parallel_loop3A_756 = vector.shape_cast %parallel_loop3A_755 : vector<1x16xf32> to vector<16xf32>
        %parallel_loop3A_757 = arith.mulf %get3A_314, %parallel_loop3A_756 : vector<16xf32>
        %parallel_loop3A_758 = arith.index_cast %parallel_loop3A_672 : i32 to index
        %parallel_loop3A_759 = arith.constant 656 : index
        %parallel_loop3A_760 = tpu.vector_load %arg6[%parallel_loop3A_758, %parallel_loop3A_759] {strides = array<i32>} : memref<40x721xf32, #tpu.memory_space<vmem>>, vector<1x16xf32>,
        %parallel_loop3A_761 = vector.shape_cast %parallel_loop3A_760 : vector<1x16xf32> to vector<16xf32>
        %parallel_loop3A_762 = arith.mulf %get3A_317, %parallel_loop3A_761 : vector<16xf32>
        %parallel_loop3A_763 = arith.addf %parallel_loop3A_757, %parallel_loop3A_762 : vector<16xf32>
        %parallel_loop3A_764 = arith.index_cast %parallel_loop3A_672 : i32 to index
        %parallel_loop3A_765 = arith.constant 656 : index
        %parallel_loop3A_766 = tpu.vector_load %arg8[%parallel_loop3A_764, %parallel_loop3A_765] {strides = array<i32>} : memref<40x721xf32, #tpu.memory_space<vmem>>, vector<1x16xf32>,
        %parallel_loop3A_767 = vector.shape_cast %parallel_loop3A_766 : vector<1x16xf32> to vector<16xf32>
        %parallel_loop3A_768 = vector.shape_cast %parallel_loop3A_763 : vector<16xf32> to vector<1x16xf32>
        tpu.vector_store %arg8[%parallel_loop3A_764, %parallel_loop3A_765], %parallel_loop3A_768 {strides = array<i32>} : memref<40x721xf32, #tpu.memory_space<vmem>>, vector<1x16xf32>,
        %parallel_loop3A_769 = arith.index_cast %parallel_loop3A_672 : i32 to index
        %parallel_loop3A_770 = arith.constant 671 : index
        %parallel_loop3A_771 = tpu.vector_load %arg6[%parallel_loop3A_769, %parallel_loop3A_770] {strides = array<i32>} : memref<40x721xf32, #tpu.memory_space<vmem>>, vector<1x16xf32>,
        %parallel_loop3A_772 = vector.shape_cast %parallel_loop3A_771 : vector<1x16xf32> to vector<16xf32>
        %parallel_loop3A_773 = arith.mulf %get3A_320, %parallel_loop3A_772 : vector<16xf32>
        %parallel_loop3A_774 = arith.index_cast %parallel_loop3A_672 : i32 to index
        %parallel_loop3A_775 = arith.constant 672 : index
        %parallel_loop3A_776 = tpu.vector_load %arg6[%parallel_loop3A_774, %parallel_loop3A_775] {strides = array<i32>} : memref<40x721xf32, #tpu.memory_space<vmem>>, vector<1x16xf32>,
        %parallel_loop3A_777 = vector.shape_cast %parallel_loop3A_776 : vector<1x16xf32> to vector<16xf32>
        %parallel_loop3A_778 = arith.mulf %get3A_323, %parallel_loop3A_777 : vector<16xf32>
        %parallel_loop3A_779 = arith.addf %parallel_loop3A_773, %parallel_loop3A_778 : vector<16xf32>
        %parallel_loop3A_780 = arith.index_cast %parallel_loop3A_672 : i32 to index
        %parallel_loop3A_781 = arith.constant 672 : index
        %parallel_loop3A_782 = tpu.vector_load %arg8[%parallel_loop3A_780, %parallel_loop3A_781] {strides = array<i32>} : memref<40x721xf32, #tpu.memory_space<vmem>>, vector<1x16xf32>,
        %parallel_loop3A_783 = vector.shape_cast %parallel_loop3A_782 : vector<1x16xf32> to vector<16xf32>
        %parallel_loop3A_784 = vector.shape_cast %parallel_loop3A_779 : vector<16xf32> to vector<1x16xf32>
        tpu.vector_store %arg8[%parallel_loop3A_780, %parallel_loop3A_781], %parallel_loop3A_784 {strides = array<i32>} : memref<40x721xf32, #tpu.memory_space<vmem>>, vector<1x16xf32>,
        %parallel_loop3A_785 = arith.index_cast %parallel_loop3A_672 : i32 to index
        %parallel_loop3A_786 = arith.constant 687 : index
        %parallel_loop3A_787 = tpu.vector_load %arg6[%parallel_loop3A_785, %parallel_loop3A_786] {strides = array<i32>} : memref<40x721xf32, #tpu.memory_space<vmem>>, vector<1x16xf32>,
        %parallel_loop3A_788 = vector.shape_cast %parallel_loop3A_787 : vector<1x16xf32> to vector<16xf32>
        %parallel_loop3A_789 = arith.mulf %get3A_326, %parallel_loop3A_788 : vector<16xf32>
        %parallel_loop3A_790 = arith.index_cast %parallel_loop3A_672 : i32 to index
        %parallel_loop3A_791 = arith.constant 688 : index
        %parallel_loop3A_792 = tpu.vector_load %arg6[%parallel_loop3A_790, %parallel_loop3A_791] {strides = array<i32>} : memref<40x721xf32, #tpu.memory_space<vmem>>, vector<1x16xf32>,
        %parallel_loop3A_793 = vector.shape_cast %parallel_loop3A_792 : vector<1x16xf32> to vector<16xf32>
        %parallel_loop3A_794 = arith.mulf %get3A_329, %parallel_loop3A_793 : vector<16xf32>
        %parallel_loop3A_795 = arith.addf %parallel_loop3A_789, %parallel_loop3A_794 : vector<16xf32>
        %parallel_loop3A_796 = arith.index_cast %parallel_loop3A_672 : i32 to index
        %parallel_loop3A_797 = arith.constant 688 : index
        %parallel_loop3A_798 = tpu.vector_load %arg8[%parallel_loop3A_796, %parallel_loop3A_797] {strides = array<i32>} : memref<40x721xf32, #tpu.memory_space<vmem>>, vector<1x16xf32>,
        %parallel_loop3A_799 = vector.shape_cast %parallel_loop3A_798 : vector<1x16xf32> to vector<16xf32>
        %parallel_loop3A_800 = vector.shape_cast %parallel_loop3A_795 : vector<16xf32> to vector<1x16xf32>
        tpu.vector_store %arg8[%parallel_loop3A_796, %parallel_loop3A_797], %parallel_loop3A_800 {strides = array<i32>} : memref<40x721xf32, #tpu.memory_space<vmem>>, vector<1x16xf32>,
        %parallel_loop3A_801 = arith.index_cast %parallel_loop3A_672 : i32 to index
        %parallel_loop3A_802 = arith.constant 704 : index
        %parallel_loop3A_803 = tpu.vector_load %arg6[%parallel_loop3A_801, %parallel_loop3A_802] {strides = array<i32>} : memref<40x721xf32, #tpu.memory_space<vmem>>, vector<1x16xf32>,
        %parallel_loop3A_804 = vector.shape_cast %parallel_loop3A_803 : vector<1x16xf32> to vector<16xf32>
        %parallel_loop3A_805 = arith.mulf %get3A_332, %parallel_loop3A_804 : vector<16xf32>
        %parallel_loop3A_806 = arith.index_cast %parallel_loop3A_672 : i32 to index
        %parallel_loop3A_807 = arith.constant 705 : index
        %parallel_loop3A_808 = tpu.vector_load %arg6[%parallel_loop3A_806, %parallel_loop3A_807] {strides = array<i32>} : memref<40x721xf32, #tpu.memory_space<vmem>>, vector<1x16xf32>,
        %parallel_loop3A_809 = vector.shape_cast %parallel_loop3A_808 : vector<1x16xf32> to vector<16xf32>
        %parallel_loop3A_810 = arith.mulf %get3A_335, %parallel_loop3A_809 : vector<16xf32>
        %parallel_loop3A_811 = arith.addf %parallel_loop3A_805, %parallel_loop3A_810 : vector<16xf32>
        %parallel_loop3A_812 = arith.index_cast %parallel_loop3A_672 : i32 to index
        %parallel_loop3A_813 = arith.constant 705 : index
        %parallel_loop3A_814 = tpu.vector_load %arg8[%parallel_loop3A_812, %parallel_loop3A_813] {strides = array<i32>} : memref<40x721xf32, #tpu.memory_space<vmem>>, vector<1x16xf32>,
        %parallel_loop3A_815 = vector.shape_cast %parallel_loop3A_814 : vector<1x16xf32> to vector<16xf32>
        %parallel_loop3A_816 = vector.shape_cast %parallel_loop3A_811 : vector<16xf32> to vector<1x16xf32>
        tpu.vector_store %arg8[%parallel_loop3A_812, %parallel_loop3A_813], %parallel_loop3A_816 {strides = array<i32>} : memref<40x721xf32, #tpu.memory_space<vmem>>, vector<1x16xf32>,
        %parallel_loop3A_817 = arith.index_cast %parallel_loop3A_672 : i32 to index
        %parallel_loop3A_818 = arith.constant 703 : index
        %parallel_loop3A_819 = tpu.vector_load %arg6[%parallel_loop3A_817, %parallel_loop3A_818] {strides = array<i32>} : memref<40x721xf32, #tpu.memory_space<vmem>>, vector<1x16xf32>,
        %parallel_loop3A_820 = vector.shape_cast %parallel_loop3A_819 : vector<1x16xf32> to vector<16xf32>
        %parallel_loop3A_821 = arith.mulf %get3A_338, %parallel_loop3A_820 : vector<16xf32>
        %parallel_loop3A_822 = arith.index_cast %parallel_loop3A_672 : i32 to index
        %parallel_loop3A_823 = arith.constant 704 : index
        %parallel_loop3A_824 = tpu.vector_load %arg6[%parallel_loop3A_822, %parallel_loop3A_823] {strides = array<i32>} : memref<40x721xf32, #tpu.memory_space<vmem>>, vector<1x16xf32>,
        %parallel_loop3A_825 = vector.shape_cast %parallel_loop3A_824 : vector<1x16xf32> to vector<16xf32>
        %parallel_loop3A_826 = arith.mulf %get3A_341, %parallel_loop3A_825 : vector<16xf32>
        %parallel_loop3A_827 = arith.addf %parallel_loop3A_821, %parallel_loop3A_826 : vector<16xf32>
        %parallel_loop3A_828 = arith.index_cast %parallel_loop3A_672 : i32 to index
        %parallel_loop3A_829 = arith.constant 704 : index
        %parallel_loop3A_830 = tpu.vector_load %arg8[%parallel_loop3A_828, %parallel_loop3A_829] {strides = array<i32>} : memref<40x721xf32, #tpu.memory_space<vmem>>, vector<1x16xf32>,
        %parallel_loop3A_831 = vector.shape_cast %parallel_loop3A_830 : vector<1x16xf32> to vector<16xf32>
        %parallel_loop3A_832 = vector.shape_cast %parallel_loop3A_827 : vector<16xf32> to vector<1x16xf32>
        tpu.vector_store %arg8[%parallel_loop3A_828, %parallel_loop3A_829], %parallel_loop3A_832 {strides = array<i32>} : memref<40x721xf32, #tpu.memory_space<vmem>>, vector<1x16xf32>,
      } {sc.loop_unroll_factor = 2 : i64, sc.parallel_access}
      %mul3A_345 = arith.constant 40 : i32
      %mul3A_346 = arith.muli %mul3A_33, %mul3A_345 : i32
      %dma_start3A_347 = arith.constant 0 : i32
      %dma_start3A_348 = arith.constant 0 : i32
      %dma_start3A_349 = tpu.memref_slice %arg4[%dma_start3A_347, %add3A, %mul3A_346, %dma_start3A_348] : memref<1x32x1440x721xf32, #tpu.memory_space<hbm>> -> memref<1x1x40x721xf32, #tpu.memory_space<hbm>>
      %dma_start3A_350 = tpu.memref_squeeze %dma_start3A_349 : memref<1x1x40x721xf32, #tpu.memory_space<hbm>> -> memref<40x721xf32, #tpu.memory_space<hbm>>
      %dma_start3A_351 = arith.constant 0 : i32
      %dma_start3A_352 = tpu.memref_slice %arg4[%dma_start3A_347, %add3A, %mul3A_346, %dma_start3A_351] : memref<1x32x1440x721xf32, #tpu.memory_space<hbm>> -> memref<1x1x40x721xf32, #tpu.memory_space<hbm>>
      %dma_start3A_353 = tpu.memref_squeeze %dma_start3A_352 : memref<1x1x40x721xf32, #tpu.memory_space<hbm>> -> memref<40x721xf32, #tpu.memory_space<hbm>>
      tpu.enqueue_dma source(%arg8 : memref<40x721xf32, #tpu.memory_space<vmem>>) target(%dma_start3A_353 : memref<40x721xf32, #tpu.memory_space<hbm>>) target_semaphore(%arg13 : memref<!tpu.dma_semaphore, #tpu.memory_space<semaphore_mem>>)
      %dma_wait3A_354 = arith.constant 0 : i32
      %dma_wait3A_355 = arith.constant 0 : i32
      %dma_wait3A_356 = arith.constant 0 : i32
      %dma_wait3A_357 = tpu.memref_slice %arg2[%dma_wait3A_354, %add3A, %dma_wait3A_355, %dma_wait3A_356] : memref<1x32x1440x721xf32, #tpu.memory_space<hbm>> -> memref<1x1x40x721xf32, #tpu.memory_space<hbm>>
      %dma_wait3A_358 = tpu.memref_squeeze %dma_wait3A_357 : memref<1x1x40x721xf32, #tpu.memory_space<hbm>> -> memref<40x721xf32, #tpu.memory_space<hbm>>
      %dma_wait3A_359 = arith.constant 0 : i32
      %dma_wait3A_360 = arith.constant 0 : i32
      %dma_wait3A_361 = tpu.memref_slice %arg2[%dma_wait3A_354, %add3A, %dma_wait3A_359, %dma_wait3A_360] : memref<1x32x1440x721xf32, #tpu.memory_space<hbm>> -> memref<1x1x40x721xf32, #tpu.memory_space<hbm>>
      %dma_wait3A_362 = tpu.memref_squeeze %dma_wait3A_361 : memref<1x1x40x721xf32, #tpu.memory_space<hbm>> -> memref<40x721xf32, #tpu.memory_space<hbm>>
      tpu.wait_dma2 semaphore(%arg12 : memref<!tpu.dma_semaphore, #tpu.memory_space<semaphore_mem>>) src(%dma_wait3A_362 : memref<40x721xf32, #tpu.memory_space<hbm>>) dst(%arg7 : memref<40x721xf32, #tpu.memory_space<vmem>>)
      %lt3A = arith.constant 17 : i32
      %lt3A_363 = arith.cmpi slt, %scan3A_31, %lt3A : i32
      %convert_element_type3A_364 = arith.extui %lt3A_363 : i1 to i32
      %cond3A_365 = arith.constant 0 : i32
      %cond3A_366 = arith.cmpi ne, %convert_element_type3A_364, %cond3A_365 : i32
      scf.if %cond3A_366 {
        %add3A_672 = arith.constant 2 : i32
        %add3A_673 = arith.addi %mul3A_33, %add3A_672 : i32
        %mul3A_674 = arith.constant 40 : i32
        %mul3A_675 = arith.muli %add3A_673, %mul3A_674 : i32
        %dma_start3A_676 = arith.constant 0 : i32
        %dma_start3A_677 = arith.constant 0 : i32
        %dma_start3A_678 = tpu.memref_slice %arg2[%dma_start3A_676, %add3A, %mul3A_675, %dma_start3A_677] : memref<1x32x1440x721xf32, #tpu.memory_space<hbm>> -> memref<1x1x40x721xf32, #tpu.memory_space<hbm>>
        %dma_start3A_679 = tpu.memref_squeeze %dma_start3A_678 : memref<1x1x40x721xf32, #tpu.memory_space<hbm>> -> memref<40x721xf32, #tpu.memory_space<hbm>>
        %dma_start3A_680 = arith.constant 0 : i32
        %dma_start3A_681 = tpu.memref_slice %arg2[%dma_start3A_676, %add3A, %mul3A_675, %dma_start3A_680] : memref<1x32x1440x721xf32, #tpu.memory_space<hbm>> -> memref<1x1x40x721xf32, #tpu.memory_space<hbm>>
        %dma_start3A_682 = tpu.memref_squeeze %dma_start3A_681 : memref<1x1x40x721xf32, #tpu.memory_space<hbm>> -> memref<40x721xf32, #tpu.memory_space<hbm>>
        tpu.enqueue_dma source(%dma_start3A_682 : memref<40x721xf32, #tpu.memory_space<hbm>>) target(%arg6 : memref<40x721xf32, #tpu.memory_space<vmem>>) target_semaphore(%arg11 : memref<!tpu.dma_semaphore, #tpu.memory_space<semaphore_mem>>)
      } else {
      }
      %gt3A_367 = arith.constant 0 : i32
      %gt3A_368 = arith.cmpi sgt, %scan3A_31, %gt3A_367 : i32
      %convert_element_type3A_369 = arith.extui %gt3A_368 : i1 to i32
      %cond3A_370 = arith.constant 0 : i32
      %cond3A_371 = arith.cmpi ne, %convert_element_type3A_369, %cond3A_370 : i32
      scf.if %cond3A_371 {
        %dma_wait3A_672 = arith.constant 0 : i32
        %dma_wait3A_673 = arith.constant 0 : i32
        %dma_wait3A_674 = arith.constant 0 : i32
        %dma_wait3A_675 = tpu.memref_slice %arg4[%dma_wait3A_672, %add3A, %dma_wait3A_673, %dma_wait3A_674] : memref<1x32x1440x721xf32, #tpu.memory_space<hbm>> -> memref<1x1x40x721xf32, #tpu.memory_space<hbm>>
        %dma_wait3A_676 = tpu.memref_squeeze %dma_wait3A_675 : memref<1x1x40x721xf32, #tpu.memory_space<hbm>> -> memref<40x721xf32, #tpu.memory_space<hbm>>
        %dma_wait3A_677 = arith.constant 0 : i32
        %dma_wait3A_678 = arith.constant 0 : i32
        %dma_wait3A_679 = tpu.memref_slice %arg4[%dma_wait3A_672, %add3A, %dma_wait3A_677, %dma_wait3A_678] : memref<1x32x1440x721xf32, #tpu.memory_space<hbm>> -> memref<1x1x40x721xf32, #tpu.memory_space<hbm>>
        %dma_wait3A_680 = tpu.memref_squeeze %dma_wait3A_679 : memref<1x1x40x721xf32, #tpu.memory_space<hbm>> -> memref<40x721xf32, #tpu.memory_space<hbm>>
        tpu.wait_dma2 semaphore(%arg14 : memref<!tpu.dma_semaphore, #tpu.memory_space<semaphore_mem>>) src(%arg9 : memref<40x721xf32, #tpu.memory_space<vmem>>) dst(%dma_wait3A_680 : memref<40x721xf32, #tpu.memory_space<hbm>>)
      } else {
      }
      %get3A_372 = arith.constant 736 : index
      %get3A_373 = tpu.vector_load %arg5[%get3A_372] {strides = array<i32>} : memref<2208xf32, #tpu.memory_space<vmem>>, vector<16xf32>,
      %get3A_374 = vector.shape_cast %get3A_373 : vector<16xf32> to vector<16xf32>
      %get3A_375 = arith.constant 1472 : index
      %get3A_376 = tpu.vector_load %arg5[%get3A_375] {strides = array<i32>} : memref<2208xf32, #tpu.memory_space<vmem>>, vector<16xf32>,
      %get3A_377 = vector.shape_cast %get3A_376 : vector<16xf32> to vector<16xf32>
      %get3A_378 = arith.constant 752 : index
      %get3A_379 = tpu.vector_load %arg5[%get3A_378] {strides = array<i32>} : memref<2208xf32, #tpu.memory_space<vmem>>, vector<16xf32>,
      %get3A_380 = vector.shape_cast %get3A_379 : vector<16xf32> to vector<16xf32>
      %get3A_381 = arith.constant 1488 : index
      %get3A_382 = tpu.vector_load %arg5[%get3A_381] {strides = array<i32>} : memref<2208xf32, #tpu.memory_space<vmem>>, vector<16xf32>,
      %get3A_383 = vector.shape_cast %get3A_382 : vector<16xf32> to vector<16xf32>
      %get3A_384 = arith.constant 768 : index
      %get3A_385 = tpu.vector_load %arg5[%get3A_384] {strides = array<i32>} : memref<2208xf32, #tpu.memory_space<vmem>>, vector<16xf32>,
      %get3A_386 = vector.shape_cast %get3A_385 : vector<16xf32> to vector<16xf32>
      %get3A_387 = arith.constant 1504 : index
      %get3A_388 = tpu.vector_load %arg5[%get3A_387] {strides = array<i32>} : memref<2208xf32, #tpu.memory_space<vmem>>, vector<16xf32>,
      %get3A_389 = vector.shape_cast %get3A_388 : vector<16xf32> to vector<16xf32>
      %get3A_390 = arith.constant 784 : index
      %get3A_391 = tpu.vector_load %arg5[%get3A_390] {strides = array<i32>} : memref<2208xf32, #tpu.memory_space<vmem>>, vector<16xf32>,
      %get3A_392 = vector.shape_cast %get3A_391 : vector<16xf32> to vector<16xf32>
      %get3A_393 = arith.constant 1520 : index
      %get3A_394 = tpu.vector_load %arg5[%get3A_393] {strides = array<i32>} : memref<2208xf32, #tpu.memory_space<vmem>>, vector<16xf32>,
      %get3A_395 = vector.shape_cast %get3A_394 : vector<16xf32> to vector<16xf32>
      %get3A_396 = arith.constant 800 : index
      %get3A_397 = tpu.vector_load %arg5[%get3A_396] {strides = array<i32>} : memref<2208xf32, #tpu.memory_space<vmem>>, vector<16xf32>,
      %get3A_398 = vector.shape_cast %get3A_397 : vector<16xf32> to vector<16xf32>
      %get3A_399 = arith.constant 1536 : index
      %get3A_400 = tpu.vector_load %arg5[%get3A_399] {strides = array<i32>} : memref<2208xf32, #tpu.memory_space<vmem>>, vector<16xf32>,
      %get3A_401 = vector.shape_cast %get3A_400 : vector<16xf32> to vector<16xf32>
      %get3A_402 = arith.constant 816 : index
      %get3A_403 = tpu.vector_load %arg5[%get3A_402] {strides = array<i32>} : memref<2208xf32, #tpu.memory_space<vmem>>, vector<16xf32>,
      %get3A_404 = vector.shape_cast %get3A_403 : vector<16xf32> to vector<16xf32>
      %get3A_405 = arith.constant 1552 : index
      %get3A_406 = tpu.vector_load %arg5[%get3A_405] {strides = array<i32>} : memref<2208xf32, #tpu.memory_space<vmem>>, vector<16xf32>,
      %get3A_407 = vector.shape_cast %get3A_406 : vector<16xf32> to vector<16xf32>
      %get3A_408 = arith.constant 832 : index
      %get3A_409 = tpu.vector_load %arg5[%get3A_408] {strides = array<i32>} : memref<2208xf32, #tpu.memory_space<vmem>>, vector<16xf32>,
      %get3A_410 = vector.shape_cast %get3A_409 : vector<16xf32> to vector<16xf32>
      %get3A_411 = arith.constant 1568 : index
      %get3A_412 = tpu.vector_load %arg5[%get3A_411] {strides = array<i32>} : memref<2208xf32, #tpu.memory_space<vmem>>, vector<16xf32>,
      %get3A_413 = vector.shape_cast %get3A_412 : vector<16xf32> to vector<16xf32>
      %get3A_414 = arith.constant 848 : index
      %get3A_415 = tpu.vector_load %arg5[%get3A_414] {strides = array<i32>} : memref<2208xf32, #tpu.memory_space<vmem>>, vector<16xf32>,
      %get3A_416 = vector.shape_cast %get3A_415 : vector<16xf32> to vector<16xf32>
      %get3A_417 = arith.constant 1584 : index
      %get3A_418 = tpu.vector_load %arg5[%get3A_417] {strides = array<i32>} : memref<2208xf32, #tpu.memory_space<vmem>>, vector<16xf32>,
      %get3A_419 = vector.shape_cast %get3A_418 : vector<16xf32> to vector<16xf32>
      %get3A_420 = arith.constant 864 : index
      %get3A_421 = tpu.vector_load %arg5[%get3A_420] {strides = array<i32>} : memref<2208xf32, #tpu.memory_space<vmem>>, vector<16xf32>,
      %get3A_422 = vector.shape_cast %get3A_421 : vector<16xf32> to vector<16xf32>
      %get3A_423 = arith.constant 1600 : index
      %get3A_424 = tpu.vector_load %arg5[%get3A_423] {strides = array<i32>} : memref<2208xf32, #tpu.memory_space<vmem>>, vector<16xf32>,
      %get3A_425 = vector.shape_cast %get3A_424 : vector<16xf32> to vector<16xf32>
      %get3A_426 = arith.constant 880 : index
      %get3A_427 = tpu.vector_load %arg5[%get3A_426] {strides = array<i32>} : memref<2208xf32, #tpu.memory_space<vmem>>, vector<16xf32>,
      %get3A_428 = vector.shape_cast %get3A_427 : vector<16xf32> to vector<16xf32>
      %get3A_429 = arith.constant 1616 : index
      %get3A_430 = tpu.vector_load %arg5[%get3A_429] {strides = array<i32>} : memref<2208xf32, #tpu.memory_space<vmem>>, vector<16xf32>,
      %get3A_431 = vector.shape_cast %get3A_430 : vector<16xf32> to vector<16xf32>
      %get3A_432 = arith.constant 896 : index
      %get3A_433 = tpu.vector_load %arg5[%get3A_432] {strides = array<i32>} : memref<2208xf32, #tpu.memory_space<vmem>>, vector<16xf32>,
      %get3A_434 = vector.shape_cast %get3A_433 : vector<16xf32> to vector<16xf32>
      %get3A_435 = arith.constant 1632 : index
      %get3A_436 = tpu.vector_load %arg5[%get3A_435] {strides = array<i32>} : memref<2208xf32, #tpu.memory_space<vmem>>, vector<16xf32>,
      %get3A_437 = vector.shape_cast %get3A_436 : vector<16xf32> to vector<16xf32>
      %get3A_438 = arith.constant 912 : index
      %get3A_439 = tpu.vector_load %arg5[%get3A_438] {strides = array<i32>} : memref<2208xf32, #tpu.memory_space<vmem>>, vector<16xf32>,
      %get3A_440 = vector.shape_cast %get3A_439 : vector<16xf32> to vector<16xf32>
      %get3A_441 = arith.constant 1648 : index
      %get3A_442 = tpu.vector_load %arg5[%get3A_441] {strides = array<i32>} : memref<2208xf32, #tpu.memory_space<vmem>>, vector<16xf32>,
      %get3A_443 = vector.shape_cast %get3A_442 : vector<16xf32> to vector<16xf32>
      %parallel_loop3A_444 = arith.constant 0 : i32
      %parallel_loop3A_445 = arith.constant 40 : i32
      %parallel_loop3A_446 = arith.constant 1 : i32
      scf.for %parallel_loop3A_672 = %parallel_loop3A_444 to %parallel_loop3A_445 step %parallel_loop3A_446  : i32 {
        %parallel_loop3A_673 = arith.index_cast %parallel_loop3A_672 : i32 to index
        %parallel_loop3A_674 = arith.constant 0 : index
        %parallel_loop3A_675 = tpu.vector_load %arg7[%parallel_loop3A_673, %parallel_loop3A_674] {strides = array<i32>} : memref<40x721xf32, #tpu.memory_space<vmem>>, vector<1x16xf32>,
        %parallel_loop3A_676 = vector.shape_cast %parallel_loop3A_675 : vector<1x16xf32> to vector<16xf32>
        %parallel_loop3A_677 = arith.mulf %get3A_374, %parallel_loop3A_676 : vector<16xf32>
        %parallel_loop3A_678 = arith.index_cast %parallel_loop3A_672 : i32 to index
        %parallel_loop3A_679 = arith.constant 1 : index
        %parallel_loop3A_680 = tpu.vector_load %arg7[%parallel_loop3A_678, %parallel_loop3A_679] {strides = array<i32>} : memref<40x721xf32, #tpu.memory_space<vmem>>, vector<1x16xf32>,
        %parallel_loop3A_681 = vector.shape_cast %parallel_loop3A_680 : vector<1x16xf32> to vector<16xf32>
        %parallel_loop3A_682 = arith.mulf %get3A_377, %parallel_loop3A_681 : vector<16xf32>
        %parallel_loop3A_683 = arith.addf %parallel_loop3A_677, %parallel_loop3A_682 : vector<16xf32>
        %parallel_loop3A_684 = arith.index_cast %parallel_loop3A_672 : i32 to index
        %parallel_loop3A_685 = arith.constant 0 : index
        %parallel_loop3A_686 = tpu.vector_load %arg9[%parallel_loop3A_684, %parallel_loop3A_685] {strides = array<i32>} : memref<40x721xf32, #tpu.memory_space<vmem>>, vector<1x16xf32>,
        %parallel_loop3A_687 = vector.shape_cast %parallel_loop3A_686 : vector<1x16xf32> to vector<16xf32>
        %parallel_loop3A_688 = vector.shape_cast %parallel_loop3A_683 : vector<16xf32> to vector<1x16xf32>
        tpu.vector_store %arg9[%parallel_loop3A_684, %parallel_loop3A_685], %parallel_loop3A_688 {strides = array<i32>} : memref<40x721xf32, #tpu.memory_space<vmem>>, vector<1x16xf32>,
        %parallel_loop3A_689 = arith.index_cast %parallel_loop3A_672 : i32 to index
        %parallel_loop3A_690 = arith.constant 16 : index
        %parallel_loop3A_691 = tpu.vector_load %arg7[%parallel_loop3A_689, %parallel_loop3A_690] {strides = array<i32>} : memref<40x721xf32, #tpu.memory_space<vmem>>, vector<1x16xf32>,
        %parallel_loop3A_692 = vector.shape_cast %parallel_loop3A_691 : vector<1x16xf32> to vector<16xf32>
        %parallel_loop3A_693 = arith.mulf %get3A_380, %parallel_loop3A_692 : vector<16xf32>
        %parallel_loop3A_694 = arith.index_cast %parallel_loop3A_672 : i32 to index
        %parallel_loop3A_695 = arith.constant 17 : index
        %parallel_loop3A_696 = tpu.vector_load %arg7[%parallel_loop3A_694, %parallel_loop3A_695] {strides = array<i32>} : memref<40x721xf32, #tpu.memory_space<vmem>>, vector<1x16xf32>,
        %parallel_loop3A_697 = vector.shape_cast %parallel_loop3A_696 : vector<1x16xf32> to vector<16xf32>
        %parallel_loop3A_698 = arith.mulf %get3A_383, %parallel_loop3A_697 : vector<16xf32>
        %parallel_loop3A_699 = arith.addf %parallel_loop3A_693, %parallel_loop3A_698 : vector<16xf32>
        %parallel_loop3A_700 = arith.index_cast %parallel_loop3A_672 : i32 to index
        %parallel_loop3A_701 = arith.constant 16 : index
        %parallel_loop3A_702 = tpu.vector_load %arg9[%parallel_loop3A_700, %parallel_loop3A_701] {strides = array<i32>} : memref<40x721xf32, #tpu.memory_space<vmem>>, vector<1x16xf32>,
        %parallel_loop3A_703 = vector.shape_cast %parallel_loop3A_702 : vector<1x16xf32> to vector<16xf32>
        %parallel_loop3A_704 = vector.shape_cast %parallel_loop3A_699 : vector<16xf32> to vector<1x16xf32>
        tpu.vector_store %arg9[%parallel_loop3A_700, %parallel_loop3A_701], %parallel_loop3A_704 {strides = array<i32>} : memref<40x721xf32, #tpu.memory_space<vmem>>, vector<1x16xf32>,
        %parallel_loop3A_705 = arith.index_cast %parallel_loop3A_672 : i32 to index
        %parallel_loop3A_706 = arith.constant 32 : index
        %parallel_loop3A_707 = tpu.vector_load %arg7[%parallel_loop3A_705, %parallel_loop3A_706] {strides = array<i32>} : memref<40x721xf32, #tpu.memory_space<vmem>>, vector<1x16xf32>,
        %parallel_loop3A_708 = vector.shape_cast %parallel_loop3A_707 : vector<1x16xf32> to vector<16xf32>
        %parallel_loop3A_709 = arith.mulf %get3A_386, %parallel_loop3A_708 : vector<16xf32>
        %parallel_loop3A_710 = arith.index_cast %parallel_loop3A_672 : i32 to index
        %parallel_loop3A_711 = arith.constant 33 : index
        %parallel_loop3A_712 = tpu.vector_load %arg7[%parallel_loop3A_710, %parallel_loop3A_711] {strides = array<i32>} : memref<40x721xf32, #tpu.memory_space<vmem>>, vector<1x16xf32>,
        %parallel_loop3A_713 = vector.shape_cast %parallel_loop3A_712 : vector<1x16xf32> to vector<16xf32>
        %parallel_loop3A_714 = arith.mulf %get3A_389, %parallel_loop3A_713 : vector<16xf32>
        %parallel_loop3A_715 = arith.addf %parallel_loop3A_709, %parallel_loop3A_714 : vector<16xf32>
        %parallel_loop3A_716 = arith.index_cast %parallel_loop3A_672 : i32 to index
        %parallel_loop3A_717 = arith.constant 32 : index
        %parallel_loop3A_718 = tpu.vector_load %arg9[%parallel_loop3A_716, %parallel_loop3A_717] {strides = array<i32>} : memref<40x721xf32, #tpu.memory_space<vmem>>, vector<1x16xf32>,
        %parallel_loop3A_719 = vector.shape_cast %parallel_loop3A_718 : vector<1x16xf32> to vector<16xf32>
        %parallel_loop3A_720 = vector.shape_cast %parallel_loop3A_715 : vector<16xf32> to vector<1x16xf32>
        tpu.vector_store %arg9[%parallel_loop3A_716, %parallel_loop3A_717], %parallel_loop3A_720 {strides = array<i32>} : memref<40x721xf32, #tpu.memory_space<vmem>>, vector<1x16xf32>,
        %parallel_loop3A_721 = arith.index_cast %parallel_loop3A_672 : i32 to index
        %parallel_loop3A_722 = arith.constant 48 : index
        %parallel_loop3A_723 = tpu.vector_load %arg7[%parallel_loop3A_721, %parallel_loop3A_722] {strides = array<i32>} : memref<40x721xf32, #tpu.memory_space<vmem>>, vector<1x16xf32>,
        %parallel_loop3A_724 = vector.shape_cast %parallel_loop3A_723 : vector<1x16xf32> to vector<16xf32>
        %parallel_loop3A_725 = arith.mulf %get3A_392, %parallel_loop3A_724 : vector<16xf32>
        %parallel_loop3A_726 = arith.index_cast %parallel_loop3A_672 : i32 to index
        %parallel_loop3A_727 = arith.constant 49 : index
        %parallel_loop3A_728 = tpu.vector_load %arg7[%parallel_loop3A_726, %parallel_loop3A_727] {strides = array<i32>} : memref<40x721xf32, #tpu.memory_space<vmem>>, vector<1x16xf32>,
        %parallel_loop3A_729 = vector.shape_cast %parallel_loop3A_728 : vector<1x16xf32> to vector<16xf32>
        %parallel_loop3A_730 = arith.mulf %get3A_395, %parallel_loop3A_729 : vector<16xf32>
        %parallel_loop3A_731 = arith.addf %parallel_loop3A_725, %parallel_loop3A_730 : vector<16xf32>
        %parallel_loop3A_732 = arith.index_cast %parallel_loop3A_672 : i32 to index
        %parallel_loop3A_733 = arith.constant 48 : index
        %parallel_loop3A_734 = tpu.vector_load %arg9[%parallel_loop3A_732, %parallel_loop3A_733] {strides = array<i32>} : memref<40x721xf32, #tpu.memory_space<vmem>>, vector<1x16xf32>,
        %parallel_loop3A_735 = vector.shape_cast %parallel_loop3A_734 : vector<1x16xf32> to vector<16xf32>
        %parallel_loop3A_736 = vector.shape_cast %parallel_loop3A_731 : vector<16xf32> to vector<1x16xf32>
        tpu.vector_store %arg9[%parallel_loop3A_732, %parallel_loop3A_733], %parallel_loop3A_736 {strides = array<i32>} : memref<40x721xf32, #tpu.memory_space<vmem>>, vector<1x16xf32>,
        %parallel_loop3A_737 = arith.index_cast %parallel_loop3A_672 : i32 to index
        %parallel_loop3A_738 = arith.constant 64 : index
        %parallel_loop3A_739 = tpu.vector_load %arg7[%parallel_loop3A_737, %parallel_loop3A_738] {strides = array<i32>} : memref<40x721xf32, #tpu.memory_space<vmem>>, vector<1x16xf32>,
        %parallel_loop3A_740 = vector.shape_cast %parallel_loop3A_739 : vector<1x16xf32> to vector<16xf32>
        %parallel_loop3A_741 = arith.mulf %get3A_398, %parallel_loop3A_740 : vector<16xf32>
        %parallel_loop3A_742 = arith.index_cast %parallel_loop3A_672 : i32 to index
        %parallel_loop3A_743 = arith.constant 65 : index
        %parallel_loop3A_744 = tpu.vector_load %arg7[%parallel_loop3A_742, %parallel_loop3A_743] {strides = array<i32>} : memref<40x721xf32, #tpu.memory_space<vmem>>, vector<1x16xf32>,
        %parallel_loop3A_745 = vector.shape_cast %parallel_loop3A_744 : vector<1x16xf32> to vector<16xf32>
        %parallel_loop3A_746 = arith.mulf %get3A_401, %parallel_loop3A_745 : vector<16xf32>
        %parallel_loop3A_747 = arith.addf %parallel_loop3A_741, %parallel_loop3A_746 : vector<16xf32>
        %parallel_loop3A_748 = arith.index_cast %parallel_loop3A_672 : i32 to index
        %parallel_loop3A_749 = arith.constant 64 : index
        %parallel_loop3A_750 = tpu.vector_load %arg9[%parallel_loop3A_748, %parallel_loop3A_749] {strides = array<i32>} : memref<40x721xf32, #tpu.memory_space<vmem>>, vector<1x16xf32>,
        %parallel_loop3A_751 = vector.shape_cast %parallel_loop3A_750 : vector<1x16xf32> to vector<16xf32>
        %parallel_loop3A_752 = vector.shape_cast %parallel_loop3A_747 : vector<16xf32> to vector<1x16xf32>
        tpu.vector_store %arg9[%parallel_loop3A_748, %parallel_loop3A_749], %parallel_loop3A_752 {strides = array<i32>} : memref<40x721xf32, #tpu.memory_space<vmem>>, vector<1x16xf32>,
        %parallel_loop3A_753 = arith.index_cast %parallel_loop3A_672 : i32 to index
        %parallel_loop3A_754 = arith.constant 80 : index
        %parallel_loop3A_755 = tpu.vector_load %arg7[%parallel_loop3A_753, %parallel_loop3A_754] {strides = array<i32>} : memref<40x721xf32, #tpu.memory_space<vmem>>, vector<1x16xf32>,
        %parallel_loop3A_756 = vector.shape_cast %parallel_loop3A_755 : vector<1x16xf32> to vector<16xf32>
        %parallel_loop3A_757 = arith.mulf %get3A_404, %parallel_loop3A_756 : vector<16xf32>
        %parallel_loop3A_758 = arith.index_cast %parallel_loop3A_672 : i32 to index
        %parallel_loop3A_759 = arith.constant 81 : index
        %parallel_loop3A_760 = tpu.vector_load %arg7[%parallel_loop3A_758, %parallel_loop3A_759] {strides = array<i32>} : memref<40x721xf32, #tpu.memory_space<vmem>>, vector<1x16xf32>,
        %parallel_loop3A_761 = vector.shape_cast %parallel_loop3A_760 : vector<1x16xf32> to vector<16xf32>
        %parallel_loop3A_762 = arith.mulf %get3A_407, %parallel_loop3A_761 : vector<16xf32>
        %parallel_loop3A_763 = arith.addf %parallel_loop3A_757, %parallel_loop3A_762 : vector<16xf32>
        %parallel_loop3A_764 = arith.index_cast %parallel_loop3A_672 : i32 to index
        %parallel_loop3A_765 = arith.constant 80 : index
        %parallel_loop3A_766 = tpu.vector_load %arg9[%parallel_loop3A_764, %parallel_loop3A_765] {strides = array<i32>} : memref<40x721xf32, #tpu.memory_space<vmem>>, vector<1x16xf32>,
        %parallel_loop3A_767 = vector.shape_cast %parallel_loop3A_766 : vector<1x16xf32> to vector<16xf32>
        %parallel_loop3A_768 = vector.shape_cast %parallel_loop3A_763 : vector<16xf32> to vector<1x16xf32>
        tpu.vector_store %arg9[%parallel_loop3A_764, %parallel_loop3A_765], %parallel_loop3A_768 {strides = array<i32>} : memref<40x721xf32, #tpu.memory_space<vmem>>, vector<1x16xf32>,
        %parallel_loop3A_769 = arith.index_cast %parallel_loop3A_672 : i32 to index
        %parallel_loop3A_770 = arith.constant 96 : index
        %parallel_loop3A_771 = tpu.vector_load %arg7[%parallel_loop3A_769, %parallel_loop3A_770] {strides = array<i32>} : memref<40x721xf32, #tpu.memory_space<vmem>>, vector<1x16xf32>,
        %parallel_loop3A_772 = vector.shape_cast %parallel_loop3A_771 : vector<1x16xf32> to vector<16xf32>
        %parallel_loop3A_773 = arith.mulf %get3A_410, %parallel_loop3A_772 : vector<16xf32>
        %parallel_loop3A_774 = arith.index_cast %parallel_loop3A_672 : i32 to index
        %parallel_loop3A_775 = arith.constant 97 : index
        %parallel_loop3A_776 = tpu.vector_load %arg7[%parallel_loop3A_774, %parallel_loop3A_775] {strides = array<i32>} : memref<40x721xf32, #tpu.memory_space<vmem>>, vector<1x16xf32>,
        %parallel_loop3A_777 = vector.shape_cast %parallel_loop3A_776 : vector<1x16xf32> to vector<16xf32>
        %parallel_loop3A_778 = arith.mulf %get3A_413, %parallel_loop3A_777 : vector<16xf32>
        %parallel_loop3A_779 = arith.addf %parallel_loop3A_773, %parallel_loop3A_778 : vector<16xf32>
        %parallel_loop3A_780 = arith.index_cast %parallel_loop3A_672 : i32 to index
        %parallel_loop3A_781 = arith.constant 96 : index
        %parallel_loop3A_782 = tpu.vector_load %arg9[%parallel_loop3A_780, %parallel_loop3A_781] {strides = array<i32>} : memref<40x721xf32, #tpu.memory_space<vmem>>, vector<1x16xf32>,
        %parallel_loop3A_783 = vector.shape_cast %parallel_loop3A_782 : vector<1x16xf32> to vector<16xf32>
        %parallel_loop3A_784 = vector.shape_cast %parallel_loop3A_779 : vector<16xf32> to vector<1x16xf32>
        tpu.vector_store %arg9[%parallel_loop3A_780, %parallel_loop3A_781], %parallel_loop3A_784 {strides = array<i32>} : memref<40x721xf32, #tpu.memory_space<vmem>>, vector<1x16xf32>,
        %parallel_loop3A_785 = arith.index_cast %parallel_loop3A_672 : i32 to index
        %parallel_loop3A_786 = arith.constant 112 : index
        %parallel_loop3A_787 = tpu.vector_load %arg7[%parallel_loop3A_785, %parallel_loop3A_786] {strides = array<i32>} : memref<40x721xf32, #tpu.memory_space<vmem>>, vector<1x16xf32>,
        %parallel_loop3A_788 = vector.shape_cast %parallel_loop3A_787 : vector<1x16xf32> to vector<16xf32>
        %parallel_loop3A_789 = arith.mulf %get3A_416, %parallel_loop3A_788 : vector<16xf32>
        %parallel_loop3A_790 = arith.index_cast %parallel_loop3A_672 : i32 to index
        %parallel_loop3A_791 = arith.constant 113 : index
        %parallel_loop3A_792 = tpu.vector_load %arg7[%parallel_loop3A_790, %parallel_loop3A_791] {strides = array<i32>} : memref<40x721xf32, #tpu.memory_space<vmem>>, vector<1x16xf32>,
        %parallel_loop3A_793 = vector.shape_cast %parallel_loop3A_792 : vector<1x16xf32> to vector<16xf32>
        %parallel_loop3A_794 = arith.mulf %get3A_419, %parallel_loop3A_793 : vector<16xf32>
        %parallel_loop3A_795 = arith.addf %parallel_loop3A_789, %parallel_loop3A_794 : vector<16xf32>
        %parallel_loop3A_796 = arith.index_cast %parallel_loop3A_672 : i32 to index
        %parallel_loop3A_797 = arith.constant 112 : index
        %parallel_loop3A_798 = tpu.vector_load %arg9[%parallel_loop3A_796, %parallel_loop3A_797] {strides = array<i32>} : memref<40x721xf32, #tpu.memory_space<vmem>>, vector<1x16xf32>,
        %parallel_loop3A_799 = vector.shape_cast %parallel_loop3A_798 : vector<1x16xf32> to vector<16xf32>
        %parallel_loop3A_800 = vector.shape_cast %parallel_loop3A_795 : vector<16xf32> to vector<1x16xf32>
        tpu.vector_store %arg9[%parallel_loop3A_796, %parallel_loop3A_797], %parallel_loop3A_800 {strides = array<i32>} : memref<40x721xf32, #tpu.memory_space<vmem>>, vector<1x16xf32>,
        %parallel_loop3A_801 = arith.index_cast %parallel_loop3A_672 : i32 to index
        %parallel_loop3A_802 = arith.constant 128 : index
        %parallel_loop3A_803 = tpu.vector_load %arg7[%parallel_loop3A_801, %parallel_loop3A_802] {strides = array<i32>} : memref<40x721xf32, #tpu.memory_space<vmem>>, vector<1x16xf32>,
        %parallel_loop3A_804 = vector.shape_cast %parallel_loop3A_803 : vector<1x16xf32> to vector<16xf32>
        %parallel_loop3A_805 = arith.mulf %get3A_422, %parallel_loop3A_804 : vector<16xf32>
        %parallel_loop3A_806 = arith.index_cast %parallel_loop3A_672 : i32 to index
        %parallel_loop3A_807 = arith.constant 129 : index
        %parallel_loop3A_808 = tpu.vector_load %arg7[%parallel_loop3A_806, %parallel_loop3A_807] {strides = array<i32>} : memref<40x721xf32, #tpu.memory_space<vmem>>, vector<1x16xf32>,
        %parallel_loop3A_809 = vector.shape_cast %parallel_loop3A_808 : vector<1x16xf32> to vector<16xf32>
        %parallel_loop3A_810 = arith.mulf %get3A_425, %parallel_loop3A_809 : vector<16xf32>
        %parallel_loop3A_811 = arith.addf %parallel_loop3A_805, %parallel_loop3A_810 : vector<16xf32>
        %parallel_loop3A_812 = arith.index_cast %parallel_loop3A_672 : i32 to index
        %parallel_loop3A_813 = arith.constant 128 : index
        %parallel_loop3A_814 = tpu.vector_load %arg9[%parallel_loop3A_812, %parallel_loop3A_813] {strides = array<i32>} : memref<40x721xf32, #tpu.memory_space<vmem>>, vector<1x16xf32>,
        %parallel_loop3A_815 = vector.shape_cast %parallel_loop3A_814 : vector<1x16xf32> to vector<16xf32>
        %parallel_loop3A_816 = vector.shape_cast %parallel_loop3A_811 : vector<16xf32> to vector<1x16xf32>
        tpu.vector_store %arg9[%parallel_loop3A_812, %parallel_loop3A_813], %parallel_loop3A_816 {strides = array<i32>} : memref<40x721xf32, #tpu.memory_space<vmem>>, vector<1x16xf32>,
        %parallel_loop3A_817 = arith.index_cast %parallel_loop3A_672 : i32 to index
        %parallel_loop3A_818 = arith.constant 144 : index
        %parallel_loop3A_819 = tpu.vector_load %arg7[%parallel_loop3A_817, %parallel_loop3A_818] {strides = array<i32>} : memref<40x721xf32, #tpu.memory_space<vmem>>, vector<1x16xf32>,
        %parallel_loop3A_820 = vector.shape_cast %parallel_loop3A_819 : vector<1x16xf32> to vector<16xf32>
        %parallel_loop3A_821 = arith.mulf %get3A_428, %parallel_loop3A_820 : vector<16xf32>
        %parallel_loop3A_822 = arith.index_cast %parallel_loop3A_672 : i32 to index
        %parallel_loop3A_823 = arith.constant 145 : index
        %parallel_loop3A_824 = tpu.vector_load %arg7[%parallel_loop3A_822, %parallel_loop3A_823] {strides = array<i32>} : memref<40x721xf32, #tpu.memory_space<vmem>>, vector<1x16xf32>,
        %parallel_loop3A_825 = vector.shape_cast %parallel_loop3A_824 : vector<1x16xf32> to vector<16xf32>
        %parallel_loop3A_826 = arith.mulf %get3A_431, %parallel_loop3A_825 : vector<16xf32>
        %parallel_loop3A_827 = arith.addf %parallel_loop3A_821, %parallel_loop3A_826 : vector<16xf32>
        %parallel_loop3A_828 = arith.index_cast %parallel_loop3A_672 : i32 to index
        %parallel_loop3A_829 = arith.constant 144 : index
        %parallel_loop3A_830 = tpu.vector_load %arg9[%parallel_loop3A_828, %parallel_loop3A_829] {strides = array<i32>} : memref<40x721xf32, #tpu.memory_space<vmem>>, vector<1x16xf32>,
        %parallel_loop3A_831 = vector.shape_cast %parallel_loop3A_830 : vector<1x16xf32> to vector<16xf32>
        %parallel_loop3A_832 = vector.shape_cast %parallel_loop3A_827 : vector<16xf32> to vector<1x16xf32>
        tpu.vector_store %arg9[%parallel_loop3A_828, %parallel_loop3A_829], %parallel_loop3A_832 {strides = array<i32>} : memref<40x721xf32, #tpu.memory_space<vmem>>, vector<1x16xf32>,
        %parallel_loop3A_833 = arith.index_cast %parallel_loop3A_672 : i32 to index
        %parallel_loop3A_834 = arith.constant 160 : index
        %parallel_loop3A_835 = tpu.vector_load %arg7[%parallel_loop3A_833, %parallel_loop3A_834] {strides = array<i32>} : memref<40x721xf32, #tpu.memory_space<vmem>>, vector<1x16xf32>,
        %parallel_loop3A_836 = vector.shape_cast %parallel_loop3A_835 : vector<1x16xf32> to vector<16xf32>
        %parallel_loop3A_837 = arith.mulf %get3A_434, %parallel_loop3A_836 : vector<16xf32>
        %parallel_loop3A_838 = arith.index_cast %parallel_loop3A_672 : i32 to index
        %parallel_loop3A_839 = arith.constant 161 : index
        %parallel_loop3A_840 = tpu.vector_load %arg7[%parallel_loop3A_838, %parallel_loop3A_839] {strides = array<i32>} : memref<40x721xf32, #tpu.memory_space<vmem>>, vector<1x16xf32>,
        %parallel_loop3A_841 = vector.shape_cast %parallel_loop3A_840 : vector<1x16xf32> to vector<16xf32>
        %parallel_loop3A_842 = arith.mulf %get3A_437, %parallel_loop3A_841 : vector<16xf32>
        %parallel_loop3A_843 = arith.addf %parallel_loop3A_837, %parallel_loop3A_842 : vector<16xf32>
        %parallel_loop3A_844 = arith.index_cast %parallel_loop3A_672 : i32 to index
        %parallel_loop3A_845 = arith.constant 160 : index
        %parallel_loop3A_846 = tpu.vector_load %arg9[%parallel_loop3A_844, %parallel_loop3A_845] {strides = array<i32>} : memref<40x721xf32, #tpu.memory_space<vmem>>, vector<1x16xf32>,
        %parallel_loop3A_847 = vector.shape_cast %parallel_loop3A_846 : vector<1x16xf32> to vector<16xf32>
        %parallel_loop3A_848 = vector.shape_cast %parallel_loop3A_843 : vector<16xf32> to vector<1x16xf32>
        tpu.vector_store %arg9[%parallel_loop3A_844, %parallel_loop3A_845], %parallel_loop3A_848 {strides = array<i32>} : memref<40x721xf32, #tpu.memory_space<vmem>>, vector<1x16xf32>,
        %parallel_loop3A_849 = arith.index_cast %parallel_loop3A_672 : i32 to index
        %parallel_loop3A_850 = arith.constant 176 : index
        %parallel_loop3A_851 = tpu.vector_load %arg7[%parallel_loop3A_849, %parallel_loop3A_850] {strides = array<i32>} : memref<40x721xf32, #tpu.memory_space<vmem>>, vector<1x16xf32>,
        %parallel_loop3A_852 = vector.shape_cast %parallel_loop3A_851 : vector<1x16xf32> to vector<16xf32>
        %parallel_loop3A_853 = arith.mulf %get3A_440, %parallel_loop3A_852 : vector<16xf32>
        %parallel_loop3A_854 = arith.index_cast %parallel_loop3A_672 : i32 to index
        %parallel_loop3A_855 = arith.constant 177 : index
        %parallel_loop3A_856 = tpu.vector_load %arg7[%parallel_loop3A_854, %parallel_loop3A_855] {strides = array<i32>} : memref<40x721xf32, #tpu.memory_space<vmem>>, vector<1x16xf32>,
        %parallel_loop3A_857 = vector.shape_cast %parallel_loop3A_856 : vector<1x16xf32> to vector<16xf32>
        %parallel_loop3A_858 = arith.mulf %get3A_443, %parallel_loop3A_857 : vector<16xf32>
        %parallel_loop3A_859 = arith.addf %parallel_loop3A_853, %parallel_loop3A_858 : vector<16xf32>
        %parallel_loop3A_860 = arith.index_cast %parallel_loop3A_672 : i32 to index
        %parallel_loop3A_861 = arith.constant 176 : index
        %parallel_loop3A_862 = tpu.vector_load %arg9[%parallel_loop3A_860, %parallel_loop3A_861] {strides = array<i32>} : memref<40x721xf32, #tpu.memory_space<vmem>>, vector<1x16xf32>,
        %parallel_loop3A_863 = vector.shape_cast %parallel_loop3A_862 : vector<1x16xf32> to vector<16xf32>
        %parallel_loop3A_864 = vector.shape_cast %parallel_loop3A_859 : vector<16xf32> to vector<1x16xf32>
        tpu.vector_store %arg9[%parallel_loop3A_860, %parallel_loop3A_861], %parallel_loop3A_864 {strides = array<i32>} : memref<40x721xf32, #tpu.memory_space<vmem>>, vector<1x16xf32>,
      } {sc.loop_unroll_factor = 2 : i64, sc.parallel_access}
      %get3A_447 = arith.constant 928 : index
      %get3A_448 = tpu.vector_load %arg5[%get3A_447] {strides = array<i32>} : memref<2208xf32, #tpu.memory_space<vmem>>, vector<16xf32>,
      %get3A_449 = vector.shape_cast %get3A_448 : vector<16xf32> to vector<16xf32>
      %get3A_450 = arith.constant 1664 : index
      %get3A_451 = tpu.vector_load %arg5[%get3A_450] {strides = array<i32>} : memref<2208xf32, #tpu.memory_space<vmem>>, vector<16xf32>,
      %get3A_452 = vector.shape_cast %get3A_451 : vector<16xf32> to vector<16xf32>
      %get3A_453 = arith.constant 944 : index
      %get3A_454 = tpu.vector_load %arg5[%get3A_453] {strides = array<i32>} : memref<2208xf32, #tpu.memory_space<vmem>>, vector<16xf32>,
      %get3A_455 = vector.shape_cast %get3A_454 : vector<16xf32> to vector<16xf32>
      %get3A_456 = arith.constant 1680 : index
      %get3A_457 = tpu.vector_load %arg5[%get3A_456] {strides = array<i32>} : memref<2208xf32, #tpu.memory_space<vmem>>, vector<16xf32>,
      %get3A_458 = vector.shape_cast %get3A_457 : vector<16xf32> to vector<16xf32>
      %get3A_459 = arith.constant 960 : index
      %get3A_460 = tpu.vector_load %arg5[%get3A_459] {strides = array<i32>} : memref<2208xf32, #tpu.memory_space<vmem>>, vector<16xf32>,
      %get3A_461 = vector.shape_cast %get3A_460 : vector<16xf32> to vector<16xf32>
      %get3A_462 = arith.constant 1696 : index
      %get3A_463 = tpu.vector_load %arg5[%get3A_462] {strides = array<i32>} : memref<2208xf32, #tpu.memory_space<vmem>>, vector<16xf32>,
      %get3A_464 = vector.shape_cast %get3A_463 : vector<16xf32> to vector<16xf32>
      %get3A_465 = arith.constant 976 : index
      %get3A_466 = tpu.vector_load %arg5[%get3A_465] {strides = array<i32>} : memref<2208xf32, #tpu.memory_space<vmem>>, vector<16xf32>,
      %get3A_467 = vector.shape_cast %get3A_466 : vector<16xf32> to vector<16xf32>
      %get3A_468 = arith.constant 1712 : index
      %get3A_469 = tpu.vector_load %arg5[%get3A_468] {strides = array<i32>} : memref<2208xf32, #tpu.memory_space<vmem>>, vector<16xf32>,
      %get3A_470 = vector.shape_cast %get3A_469 : vector<16xf32> to vector<16xf32>
      %get3A_471 = arith.constant 992 : index
      %get3A_472 = tpu.vector_load %arg5[%get3A_471] {strides = array<i32>} : memref<2208xf32, #tpu.memory_space<vmem>>, vector<16xf32>,
      %get3A_473 = vector.shape_cast %get3A_472 : vector<16xf32> to vector<16xf32>
      %get3A_474 = arith.constant 1728 : index
      %get3A_475 = tpu.vector_load %arg5[%get3A_474] {strides = array<i32>} : memref<2208xf32, #tpu.memory_space<vmem>>, vector<16xf32>,
      %get3A_476 = vector.shape_cast %get3A_475 : vector<16xf32> to vector<16xf32>
      %get3A_477 = arith.constant 1008 : index
      %get3A_478 = tpu.vector_load %arg5[%get3A_477] {strides = array<i32>} : memref<2208xf32, #tpu.memory_space<vmem>>, vector<16xf32>,
      %get3A_479 = vector.shape_cast %get3A_478 : vector<16xf32> to vector<16xf32>
      %get3A_480 = arith.constant 1744 : index
      %get3A_481 = tpu.vector_load %arg5[%get3A_480] {strides = array<i32>} : memref<2208xf32, #tpu.memory_space<vmem>>, vector<16xf32>,
      %get3A_482 = vector.shape_cast %get3A_481 : vector<16xf32> to vector<16xf32>
      %get3A_483 = arith.constant 1024 : index
      %get3A_484 = tpu.vector_load %arg5[%get3A_483] {strides = array<i32>} : memref<2208xf32, #tpu.memory_space<vmem>>, vector<16xf32>,
      %get3A_485 = vector.shape_cast %get3A_484 : vector<16xf32> to vector<16xf32>
      %get3A_486 = arith.constant 1760 : index
      %get3A_487 = tpu.vector_load %arg5[%get3A_486] {strides = array<i32>} : memref<2208xf32, #tpu.memory_space<vmem>>, vector<16xf32>,
      %get3A_488 = vector.shape_cast %get3A_487 : vector<16xf32> to vector<16xf32>
      %get3A_489 = arith.constant 1040 : index
      %get3A_490 = tpu.vector_load %arg5[%get3A_489] {strides = array<i32>} : memref<2208xf32, #tpu.memory_space<vmem>>, vector<16xf32>,
      %get3A_491 = vector.shape_cast %get3A_490 : vector<16xf32> to vector<16xf32>
      %get3A_492 = arith.constant 1776 : index
      %get3A_493 = tpu.vector_load %arg5[%get3A_492] {strides = array<i32>} : memref<2208xf32, #tpu.memory_space<vmem>>, vector<16xf32>,
      %get3A_494 = vector.shape_cast %get3A_493 : vector<16xf32> to vector<16xf32>
      %get3A_495 = arith.constant 1056 : index
      %get3A_496 = tpu.vector_load %arg5[%get3A_495] {strides = array<i32>} : memref<2208xf32, #tpu.memory_space<vmem>>, vector<16xf32>,
      %get3A_497 = vector.shape_cast %get3A_496 : vector<16xf32> to vector<16xf32>
      %get3A_498 = arith.constant 1792 : index
      %get3A_499 = tpu.vector_load %arg5[%get3A_498] {strides = array<i32>} : memref<2208xf32, #tpu.memory_space<vmem>>, vector<16xf32>,
      %get3A_500 = vector.shape_cast %get3A_499 : vector<16xf32> to vector<16xf32>
      %get3A_501 = arith.constant 1072 : index
      %get3A_502 = tpu.vector_load %arg5[%get3A_501] {strides = array<i32>} : memref<2208xf32, #tpu.memory_space<vmem>>, vector<16xf32>,
      %get3A_503 = vector.shape_cast %get3A_502 : vector<16xf32> to vector<16xf32>
      %get3A_504 = arith.constant 1808 : index
      %get3A_505 = tpu.vector_load %arg5[%get3A_504] {strides = array<i32>} : memref<2208xf32, #tpu.memory_space<vmem>>, vector<16xf32>,
      %get3A_506 = vector.shape_cast %get3A_505 : vector<16xf32> to vector<16xf32>
      %get3A_507 = arith.constant 352 : index
      %get3A_508 = tpu.vector_load %arg5[%get3A_507] {strides = array<i32>} : memref<2208xf32, #tpu.memory_space<vmem>>, vector<16xf32>,
      %get3A_509 = vector.shape_cast %get3A_508 : vector<16xf32> to vector<16xf32>
      %get3A_510 = arith.constant 1088 : index
      %get3A_511 = tpu.vector_load %arg5[%get3A_510] {strides = array<i32>} : memref<2208xf32, #tpu.memory_space<vmem>>, vector<16xf32>,
      %get3A_512 = vector.shape_cast %get3A_511 : vector<16xf32> to vector<16xf32>
      %get3A_513 = arith.constant 1824 : index
      %get3A_514 = tpu.vector_load %arg5[%get3A_513] {strides = array<i32>} : memref<2208xf32, #tpu.memory_space<vmem>>, vector<16xf32>,
      %get3A_515 = vector.shape_cast %get3A_514 : vector<16xf32> to vector<16xf32>
      %get3A_516 = arith.constant 368 : index
      %get3A_517 = tpu.vector_load %arg5[%get3A_516] {strides = array<i32>} : memref<2208xf32, #tpu.memory_space<vmem>>, vector<16xf32>,
      %get3A_518 = vector.shape_cast %get3A_517 : vector<16xf32> to vector<16xf32>
      %get3A_519 = arith.constant 1104 : index
      %get3A_520 = tpu.vector_load %arg5[%get3A_519] {strides = array<i32>} : memref<2208xf32, #tpu.memory_space<vmem>>, vector<16xf32>,
      %get3A_521 = vector.shape_cast %get3A_520 : vector<16xf32> to vector<16xf32>
      %parallel_loop3A_522 = arith.constant 0 : i32
      %parallel_loop3A_523 = arith.constant 40 : i32
      %parallel_loop3A_524 = arith.constant 1 : i32
      scf.for %parallel_loop3A_672 = %parallel_loop3A_522 to %parallel_loop3A_523 step %parallel_loop3A_524  : i32 {
        %parallel_loop3A_673 = arith.index_cast %parallel_loop3A_672 : i32 to index
        %parallel_loop3A_674 = arith.constant 192 : index
        %parallel_loop3A_675 = tpu.vector_load %arg7[%parallel_loop3A_673, %parallel_loop3A_674] {strides = array<i32>} : memref<40x721xf32, #tpu.memory_space<vmem>>, vector<1x16xf32>,
        %parallel_loop3A_676 = vector.shape_cast %parallel_loop3A_675 : vector<1x16xf32> to vector<16xf32>
        %parallel_loop3A_677 = arith.mulf %get3A_449, %parallel_loop3A_676 : vector<16xf32>
        %parallel_loop3A_678 = arith.index_cast %parallel_loop3A_672 : i32 to index
        %parallel_loop3A_679 = arith.constant 193 : index
        %parallel_loop3A_680 = tpu.vector_load %arg7[%parallel_loop3A_678, %parallel_loop3A_679] {strides = array<i32>} : memref<40x721xf32, #tpu.memory_space<vmem>>, vector<1x16xf32>,
        %parallel_loop3A_681 = vector.shape_cast %parallel_loop3A_680 : vector<1x16xf32> to vector<16xf32>
        %parallel_loop3A_682 = arith.mulf %get3A_452, %parallel_loop3A_681 : vector<16xf32>
        %parallel_loop3A_683 = arith.addf %parallel_loop3A_677, %parallel_loop3A_682 : vector<16xf32>
        %parallel_loop3A_684 = arith.index_cast %parallel_loop3A_672 : i32 to index
        %parallel_loop3A_685 = arith.constant 192 : index
        %parallel_loop3A_686 = tpu.vector_load %arg9[%parallel_loop3A_684, %parallel_loop3A_685] {strides = array<i32>} : memref<40x721xf32, #tpu.memory_space<vmem>>, vector<1x16xf32>,
        %parallel_loop3A_687 = vector.shape_cast %parallel_loop3A_686 : vector<1x16xf32> to vector<16xf32>
        %parallel_loop3A_688 = vector.shape_cast %parallel_loop3A_683 : vector<16xf32> to vector<1x16xf32>
        tpu.vector_store %arg9[%parallel_loop3A_684, %parallel_loop3A_685], %parallel_loop3A_688 {strides = array<i32>} : memref<40x721xf32, #tpu.memory_space<vmem>>, vector<1x16xf32>,
        %parallel_loop3A_689 = arith.index_cast %parallel_loop3A_672 : i32 to index
        %parallel_loop3A_690 = arith.constant 208 : index
        %parallel_loop3A_691 = tpu.vector_load %arg7[%parallel_loop3A_689, %parallel_loop3A_690] {strides = array<i32>} : memref<40x721xf32, #tpu.memory_space<vmem>>, vector<1x16xf32>,
        %parallel_loop3A_692 = vector.shape_cast %parallel_loop3A_691 : vector<1x16xf32> to vector<16xf32>
        %parallel_loop3A_693 = arith.mulf %get3A_455, %parallel_loop3A_692 : vector<16xf32>
        %parallel_loop3A_694 = arith.index_cast %parallel_loop3A_672 : i32 to index
        %parallel_loop3A_695 = arith.constant 209 : index
        %parallel_loop3A_696 = tpu.vector_load %arg7[%parallel_loop3A_694, %parallel_loop3A_695] {strides = array<i32>} : memref<40x721xf32, #tpu.memory_space<vmem>>, vector<1x16xf32>,
        %parallel_loop3A_697 = vector.shape_cast %parallel_loop3A_696 : vector<1x16xf32> to vector<16xf32>
        %parallel_loop3A_698 = arith.mulf %get3A_458, %parallel_loop3A_697 : vector<16xf32>
        %parallel_loop3A_699 = arith.addf %parallel_loop3A_693, %parallel_loop3A_698 : vector<16xf32>
        %parallel_loop3A_700 = arith.index_cast %parallel_loop3A_672 : i32 to index
        %parallel_loop3A_701 = arith.constant 208 : index
        %parallel_loop3A_702 = tpu.vector_load %arg9[%parallel_loop3A_700, %parallel_loop3A_701] {strides = array<i32>} : memref<40x721xf32, #tpu.memory_space<vmem>>, vector<1x16xf32>,
        %parallel_loop3A_703 = vector.shape_cast %parallel_loop3A_702 : vector<1x16xf32> to vector<16xf32>
        %parallel_loop3A_704 = vector.shape_cast %parallel_loop3A_699 : vector<16xf32> to vector<1x16xf32>
        tpu.vector_store %arg9[%parallel_loop3A_700, %parallel_loop3A_701], %parallel_loop3A_704 {strides = array<i32>} : memref<40x721xf32, #tpu.memory_space<vmem>>, vector<1x16xf32>,
        %parallel_loop3A_705 = arith.index_cast %parallel_loop3A_672 : i32 to index
        %parallel_loop3A_706 = arith.constant 224 : index
        %parallel_loop3A_707 = tpu.vector_load %arg7[%parallel_loop3A_705, %parallel_loop3A_706] {strides = array<i32>} : memref<40x721xf32, #tpu.memory_space<vmem>>, vector<1x16xf32>,
        %parallel_loop3A_708 = vector.shape_cast %parallel_loop3A_707 : vector<1x16xf32> to vector<16xf32>
        %parallel_loop3A_709 = arith.mulf %get3A_461, %parallel_loop3A_708 : vector<16xf32>
        %parallel_loop3A_710 = arith.index_cast %parallel_loop3A_672 : i32 to index
        %parallel_loop3A_711 = arith.constant 225 : index
        %parallel_loop3A_712 = tpu.vector_load %arg7[%parallel_loop3A_710, %parallel_loop3A_711] {strides = array<i32>} : memref<40x721xf32, #tpu.memory_space<vmem>>, vector<1x16xf32>,
        %parallel_loop3A_713 = vector.shape_cast %parallel_loop3A_712 : vector<1x16xf32> to vector<16xf32>
        %parallel_loop3A_714 = arith.mulf %get3A_464, %parallel_loop3A_713 : vector<16xf32>
        %parallel_loop3A_715 = arith.addf %parallel_loop3A_709, %parallel_loop3A_714 : vector<16xf32>
        %parallel_loop3A_716 = arith.index_cast %parallel_loop3A_672 : i32 to index
        %parallel_loop3A_717 = arith.constant 224 : index
        %parallel_loop3A_718 = tpu.vector_load %arg9[%parallel_loop3A_716, %parallel_loop3A_717] {strides = array<i32>} : memref<40x721xf32, #tpu.memory_space<vmem>>, vector<1x16xf32>,
        %parallel_loop3A_719 = vector.shape_cast %parallel_loop3A_718 : vector<1x16xf32> to vector<16xf32>
        %parallel_loop3A_720 = vector.shape_cast %parallel_loop3A_715 : vector<16xf32> to vector<1x16xf32>
        tpu.vector_store %arg9[%parallel_loop3A_716, %parallel_loop3A_717], %parallel_loop3A_720 {strides = array<i32>} : memref<40x721xf32, #tpu.memory_space<vmem>>, vector<1x16xf32>,
        %parallel_loop3A_721 = arith.index_cast %parallel_loop3A_672 : i32 to index
        %parallel_loop3A_722 = arith.constant 240 : index
        %parallel_loop3A_723 = tpu.vector_load %arg7[%parallel_loop3A_721, %parallel_loop3A_722] {strides = array<i32>} : memref<40x721xf32, #tpu.memory_space<vmem>>, vector<1x16xf32>,
        %parallel_loop3A_724 = vector.shape_cast %parallel_loop3A_723 : vector<1x16xf32> to vector<16xf32>
        %parallel_loop3A_725 = arith.mulf %get3A_467, %parallel_loop3A_724 : vector<16xf32>
        %parallel_loop3A_726 = arith.index_cast %parallel_loop3A_672 : i32 to index
        %parallel_loop3A_727 = arith.constant 241 : index
        %parallel_loop3A_728 = tpu.vector_load %arg7[%parallel_loop3A_726, %parallel_loop3A_727] {strides = array<i32>} : memref<40x721xf32, #tpu.memory_space<vmem>>, vector<1x16xf32>,
        %parallel_loop3A_729 = vector.shape_cast %parallel_loop3A_728 : vector<1x16xf32> to vector<16xf32>
        %parallel_loop3A_730 = arith.mulf %get3A_470, %parallel_loop3A_729 : vector<16xf32>
        %parallel_loop3A_731 = arith.addf %parallel_loop3A_725, %parallel_loop3A_730 : vector<16xf32>
        %parallel_loop3A_732 = arith.index_cast %parallel_loop3A_672 : i32 to index
        %parallel_loop3A_733 = arith.constant 240 : index
        %parallel_loop3A_734 = tpu.vector_load %arg9[%parallel_loop3A_732, %parallel_loop3A_733] {strides = array<i32>} : memref<40x721xf32, #tpu.memory_space<vmem>>, vector<1x16xf32>,
        %parallel_loop3A_735 = vector.shape_cast %parallel_loop3A_734 : vector<1x16xf32> to vector<16xf32>
        %parallel_loop3A_736 = vector.shape_cast %parallel_loop3A_731 : vector<16xf32> to vector<1x16xf32>
        tpu.vector_store %arg9[%parallel_loop3A_732, %parallel_loop3A_733], %parallel_loop3A_736 {strides = array<i32>} : memref<40x721xf32, #tpu.memory_space<vmem>>, vector<1x16xf32>,
        %parallel_loop3A_737 = arith.index_cast %parallel_loop3A_672 : i32 to index
        %parallel_loop3A_738 = arith.constant 256 : index
        %parallel_loop3A_739 = tpu.vector_load %arg7[%parallel_loop3A_737, %parallel_loop3A_738] {strides = array<i32>} : memref<40x721xf32, #tpu.memory_space<vmem>>, vector<1x16xf32>,
        %parallel_loop3A_740 = vector.shape_cast %parallel_loop3A_739 : vector<1x16xf32> to vector<16xf32>
        %parallel_loop3A_741 = arith.mulf %get3A_473, %parallel_loop3A_740 : vector<16xf32>
        %parallel_loop3A_742 = arith.index_cast %parallel_loop3A_672 : i32 to index
        %parallel_loop3A_743 = arith.constant 257 : index
        %parallel_loop3A_744 = tpu.vector_load %arg7[%parallel_loop3A_742, %parallel_loop3A_743] {strides = array<i32>} : memref<40x721xf32, #tpu.memory_space<vmem>>, vector<1x16xf32>,
        %parallel_loop3A_745 = vector.shape_cast %parallel_loop3A_744 : vector<1x16xf32> to vector<16xf32>
        %parallel_loop3A_746 = arith.mulf %get3A_476, %parallel_loop3A_745 : vector<16xf32>
        %parallel_loop3A_747 = arith.addf %parallel_loop3A_741, %parallel_loop3A_746 : vector<16xf32>
        %parallel_loop3A_748 = arith.index_cast %parallel_loop3A_672 : i32 to index
        %parallel_loop3A_749 = arith.constant 256 : index
        %parallel_loop3A_750 = tpu.vector_load %arg9[%parallel_loop3A_748, %parallel_loop3A_749] {strides = array<i32>} : memref<40x721xf32, #tpu.memory_space<vmem>>, vector<1x16xf32>,
        %parallel_loop3A_751 = vector.shape_cast %parallel_loop3A_750 : vector<1x16xf32> to vector<16xf32>
        %parallel_loop3A_752 = vector.shape_cast %parallel_loop3A_747 : vector<16xf32> to vector<1x16xf32>
        tpu.vector_store %arg9[%parallel_loop3A_748, %parallel_loop3A_749], %parallel_loop3A_752 {strides = array<i32>} : memref<40x721xf32, #tpu.memory_space<vmem>>, vector<1x16xf32>,
        %parallel_loop3A_753 = arith.index_cast %parallel_loop3A_672 : i32 to index
        %parallel_loop3A_754 = arith.constant 272 : index
        %parallel_loop3A_755 = tpu.vector_load %arg7[%parallel_loop3A_753, %parallel_loop3A_754] {strides = array<i32>} : memref<40x721xf32, #tpu.memory_space<vmem>>, vector<1x16xf32>,
        %parallel_loop3A_756 = vector.shape_cast %parallel_loop3A_755 : vector<1x16xf32> to vector<16xf32>
        %parallel_loop3A_757 = arith.mulf %get3A_479, %parallel_loop3A_756 : vector<16xf32>
        %parallel_loop3A_758 = arith.index_cast %parallel_loop3A_672 : i32 to index
        %parallel_loop3A_759 = arith.constant 273 : index
        %parallel_loop3A_760 = tpu.vector_load %arg7[%parallel_loop3A_758, %parallel_loop3A_759] {strides = array<i32>} : memref<40x721xf32, #tpu.memory_space<vmem>>, vector<1x16xf32>,
        %parallel_loop3A_761 = vector.shape_cast %parallel_loop3A_760 : vector<1x16xf32> to vector<16xf32>
        %parallel_loop3A_762 = arith.mulf %get3A_482, %parallel_loop3A_761 : vector<16xf32>
        %parallel_loop3A_763 = arith.addf %parallel_loop3A_757, %parallel_loop3A_762 : vector<16xf32>
        %parallel_loop3A_764 = arith.index_cast %parallel_loop3A_672 : i32 to index
        %parallel_loop3A_765 = arith.constant 272 : index
        %parallel_loop3A_766 = tpu.vector_load %arg9[%parallel_loop3A_764, %parallel_loop3A_765] {strides = array<i32>} : memref<40x721xf32, #tpu.memory_space<vmem>>, vector<1x16xf32>,
        %parallel_loop3A_767 = vector.shape_cast %parallel_loop3A_766 : vector<1x16xf32> to vector<16xf32>
        %parallel_loop3A_768 = vector.shape_cast %parallel_loop3A_763 : vector<16xf32> to vector<1x16xf32>
        tpu.vector_store %arg9[%parallel_loop3A_764, %parallel_loop3A_765], %parallel_loop3A_768 {strides = array<i32>} : memref<40x721xf32, #tpu.memory_space<vmem>>, vector<1x16xf32>,
        %parallel_loop3A_769 = arith.index_cast %parallel_loop3A_672 : i32 to index
        %parallel_loop3A_770 = arith.constant 288 : index
        %parallel_loop3A_771 = tpu.vector_load %arg7[%parallel_loop3A_769, %parallel_loop3A_770] {strides = array<i32>} : memref<40x721xf32, #tpu.memory_space<vmem>>, vector<1x16xf32>,
        %parallel_loop3A_772 = vector.shape_cast %parallel_loop3A_771 : vector<1x16xf32> to vector<16xf32>
        %parallel_loop3A_773 = arith.mulf %get3A_485, %parallel_loop3A_772 : vector<16xf32>
        %parallel_loop3A_774 = arith.index_cast %parallel_loop3A_672 : i32 to index
        %parallel_loop3A_775 = arith.constant 289 : index
        %parallel_loop3A_776 = tpu.vector_load %arg7[%parallel_loop3A_774, %parallel_loop3A_775] {strides = array<i32>} : memref<40x721xf32, #tpu.memory_space<vmem>>, vector<1x16xf32>,
        %parallel_loop3A_777 = vector.shape_cast %parallel_loop3A_776 : vector<1x16xf32> to vector<16xf32>
        %parallel_loop3A_778 = arith.mulf %get3A_488, %parallel_loop3A_777 : vector<16xf32>
        %parallel_loop3A_779 = arith.addf %parallel_loop3A_773, %parallel_loop3A_778 : vector<16xf32>
        %parallel_loop3A_780 = arith.index_cast %parallel_loop3A_672 : i32 to index
        %parallel_loop3A_781 = arith.constant 288 : index
        %parallel_loop3A_782 = tpu.vector_load %arg9[%parallel_loop3A_780, %parallel_loop3A_781] {strides = array<i32>} : memref<40x721xf32, #tpu.memory_space<vmem>>, vector<1x16xf32>,
        %parallel_loop3A_783 = vector.shape_cast %parallel_loop3A_782 : vector<1x16xf32> to vector<16xf32>
        %parallel_loop3A_784 = vector.shape_cast %parallel_loop3A_779 : vector<16xf32> to vector<1x16xf32>
        tpu.vector_store %arg9[%parallel_loop3A_780, %parallel_loop3A_781], %parallel_loop3A_784 {strides = array<i32>} : memref<40x721xf32, #tpu.memory_space<vmem>>, vector<1x16xf32>,
        %parallel_loop3A_785 = arith.index_cast %parallel_loop3A_672 : i32 to index
        %parallel_loop3A_786 = arith.constant 304 : index
        %parallel_loop3A_787 = tpu.vector_load %arg7[%parallel_loop3A_785, %parallel_loop3A_786] {strides = array<i32>} : memref<40x721xf32, #tpu.memory_space<vmem>>, vector<1x16xf32>,
        %parallel_loop3A_788 = vector.shape_cast %parallel_loop3A_787 : vector<1x16xf32> to vector<16xf32>
        %parallel_loop3A_789 = arith.mulf %get3A_491, %parallel_loop3A_788 : vector<16xf32>
        %parallel_loop3A_790 = arith.index_cast %parallel_loop3A_672 : i32 to index
        %parallel_loop3A_791 = arith.constant 305 : index
        %parallel_loop3A_792 = tpu.vector_load %arg7[%parallel_loop3A_790, %parallel_loop3A_791] {strides = array<i32>} : memref<40x721xf32, #tpu.memory_space<vmem>>, vector<1x16xf32>,
        %parallel_loop3A_793 = vector.shape_cast %parallel_loop3A_792 : vector<1x16xf32> to vector<16xf32>
        %parallel_loop3A_794 = arith.mulf %get3A_494, %parallel_loop3A_793 : vector<16xf32>
        %parallel_loop3A_795 = arith.addf %parallel_loop3A_789, %parallel_loop3A_794 : vector<16xf32>
        %parallel_loop3A_796 = arith.index_cast %parallel_loop3A_672 : i32 to index
        %parallel_loop3A_797 = arith.constant 304 : index
        %parallel_loop3A_798 = tpu.vector_load %arg9[%parallel_loop3A_796, %parallel_loop3A_797] {strides = array<i32>} : memref<40x721xf32, #tpu.memory_space<vmem>>, vector<1x16xf32>,
        %parallel_loop3A_799 = vector.shape_cast %parallel_loop3A_798 : vector<1x16xf32> to vector<16xf32>
        %parallel_loop3A_800 = vector.shape_cast %parallel_loop3A_795 : vector<16xf32> to vector<1x16xf32>
        tpu.vector_store %arg9[%parallel_loop3A_796, %parallel_loop3A_797], %parallel_loop3A_800 {strides = array<i32>} : memref<40x721xf32, #tpu.memory_space<vmem>>, vector<1x16xf32>,
        %parallel_loop3A_801 = arith.index_cast %parallel_loop3A_672 : i32 to index
        %parallel_loop3A_802 = arith.constant 320 : index
        %parallel_loop3A_803 = tpu.vector_load %arg7[%parallel_loop3A_801, %parallel_loop3A_802] {strides = array<i32>} : memref<40x721xf32, #tpu.memory_space<vmem>>, vector<1x16xf32>,
        %parallel_loop3A_804 = vector.shape_cast %parallel_loop3A_803 : vector<1x16xf32> to vector<16xf32>
        %parallel_loop3A_805 = arith.mulf %get3A_497, %parallel_loop3A_804 : vector<16xf32>
        %parallel_loop3A_806 = arith.index_cast %parallel_loop3A_672 : i32 to index
        %parallel_loop3A_807 = arith.constant 321 : index
        %parallel_loop3A_808 = tpu.vector_load %arg7[%parallel_loop3A_806, %parallel_loop3A_807] {strides = array<i32>} : memref<40x721xf32, #tpu.memory_space<vmem>>, vector<1x16xf32>,
        %parallel_loop3A_809 = vector.shape_cast %parallel_loop3A_808 : vector<1x16xf32> to vector<16xf32>
        %parallel_loop3A_810 = arith.mulf %get3A_500, %parallel_loop3A_809 : vector<16xf32>
        %parallel_loop3A_811 = arith.addf %parallel_loop3A_805, %parallel_loop3A_810 : vector<16xf32>
        %parallel_loop3A_812 = arith.index_cast %parallel_loop3A_672 : i32 to index
        %parallel_loop3A_813 = arith.constant 320 : index
        %parallel_loop3A_814 = tpu.vector_load %arg9[%parallel_loop3A_812, %parallel_loop3A_813] {strides = array<i32>} : memref<40x721xf32, #tpu.memory_space<vmem>>, vector<1x16xf32>,
        %parallel_loop3A_815 = vector.shape_cast %parallel_loop3A_814 : vector<1x16xf32> to vector<16xf32>
        %parallel_loop3A_816 = vector.shape_cast %parallel_loop3A_811 : vector<16xf32> to vector<1x16xf32>
        tpu.vector_store %arg9[%parallel_loop3A_812, %parallel_loop3A_813], %parallel_loop3A_816 {strides = array<i32>} : memref<40x721xf32, #tpu.memory_space<vmem>>, vector<1x16xf32>,
        %parallel_loop3A_817 = arith.index_cast %parallel_loop3A_672 : i32 to index
        %parallel_loop3A_818 = arith.constant 336 : index
        %parallel_loop3A_819 = tpu.vector_load %arg7[%parallel_loop3A_817, %parallel_loop3A_818] {strides = array<i32>} : memref<40x721xf32, #tpu.memory_space<vmem>>, vector<1x16xf32>,
        %parallel_loop3A_820 = vector.shape_cast %parallel_loop3A_819 : vector<1x16xf32> to vector<16xf32>
        %parallel_loop3A_821 = arith.mulf %get3A_503, %parallel_loop3A_820 : vector<16xf32>
        %parallel_loop3A_822 = arith.index_cast %parallel_loop3A_672 : i32 to index
        %parallel_loop3A_823 = arith.constant 337 : index
        %parallel_loop3A_824 = tpu.vector_load %arg7[%parallel_loop3A_822, %parallel_loop3A_823] {strides = array<i32>} : memref<40x721xf32, #tpu.memory_space<vmem>>, vector<1x16xf32>,
        %parallel_loop3A_825 = vector.shape_cast %parallel_loop3A_824 : vector<1x16xf32> to vector<16xf32>
        %parallel_loop3A_826 = arith.mulf %get3A_506, %parallel_loop3A_825 : vector<16xf32>
        %parallel_loop3A_827 = arith.addf %parallel_loop3A_821, %parallel_loop3A_826 : vector<16xf32>
        %parallel_loop3A_828 = arith.index_cast %parallel_loop3A_672 : i32 to index
        %parallel_loop3A_829 = arith.constant 336 : index
        %parallel_loop3A_830 = tpu.vector_load %arg9[%parallel_loop3A_828, %parallel_loop3A_829] {strides = array<i32>} : memref<40x721xf32, #tpu.memory_space<vmem>>, vector<1x16xf32>,
        %parallel_loop3A_831 = vector.shape_cast %parallel_loop3A_830 : vector<1x16xf32> to vector<16xf32>
        %parallel_loop3A_832 = vector.shape_cast %parallel_loop3A_827 : vector<16xf32> to vector<1x16xf32>
        tpu.vector_store %arg9[%parallel_loop3A_828, %parallel_loop3A_829], %parallel_loop3A_832 {strides = array<i32>} : memref<40x721xf32, #tpu.memory_space<vmem>>, vector<1x16xf32>,
        %parallel_loop3A_833 = arith.index_cast %parallel_loop3A_672 : i32 to index
        %parallel_loop3A_834 = arith.constant 351 : index
        %parallel_loop3A_835 = tpu.vector_load %arg7[%parallel_loop3A_833, %parallel_loop3A_834] {strides = array<i32>} : memref<40x721xf32, #tpu.memory_space<vmem>>, vector<1x16xf32>,
        %parallel_loop3A_836 = vector.shape_cast %parallel_loop3A_835 : vector<1x16xf32> to vector<16xf32>
        %parallel_loop3A_837 = arith.mulf %get3A_509, %parallel_loop3A_836 : vector<16xf32>
        %parallel_loop3A_838 = arith.index_cast %parallel_loop3A_672 : i32 to index
        %parallel_loop3A_839 = arith.constant 352 : index
        %parallel_loop3A_840 = tpu.vector_load %arg7[%parallel_loop3A_838, %parallel_loop3A_839] {strides = array<i32>} : memref<40x721xf32, #tpu.memory_space<vmem>>, vector<1x16xf32>,
        %parallel_loop3A_841 = vector.shape_cast %parallel_loop3A_840 : vector<1x16xf32> to vector<16xf32>
        %parallel_loop3A_842 = arith.mulf %get3A_512, %parallel_loop3A_841 : vector<16xf32>
        %parallel_loop3A_843 = arith.addf %parallel_loop3A_837, %parallel_loop3A_842 : vector<16xf32>
        %parallel_loop3A_844 = arith.index_cast %parallel_loop3A_672 : i32 to index
        %parallel_loop3A_845 = arith.constant 353 : index
        %parallel_loop3A_846 = tpu.vector_load %arg7[%parallel_loop3A_844, %parallel_loop3A_845] {strides = array<i32>} : memref<40x721xf32, #tpu.memory_space<vmem>>, vector<1x16xf32>,
        %parallel_loop3A_847 = vector.shape_cast %parallel_loop3A_846 : vector<1x16xf32> to vector<16xf32>
        %parallel_loop3A_848 = arith.mulf %get3A_515, %parallel_loop3A_847 : vector<16xf32>
        %parallel_loop3A_849 = arith.addf %parallel_loop3A_843, %parallel_loop3A_848 : vector<16xf32>
        %parallel_loop3A_850 = arith.index_cast %parallel_loop3A_672 : i32 to index
        %parallel_loop3A_851 = arith.constant 352 : index
        %parallel_loop3A_852 = tpu.vector_load %arg9[%parallel_loop3A_850, %parallel_loop3A_851] {strides = array<i32>} : memref<40x721xf32, #tpu.memory_space<vmem>>, vector<1x16xf32>,
        %parallel_loop3A_853 = vector.shape_cast %parallel_loop3A_852 : vector<1x16xf32> to vector<16xf32>
        %parallel_loop3A_854 = vector.shape_cast %parallel_loop3A_849 : vector<16xf32> to vector<1x16xf32>
        tpu.vector_store %arg9[%parallel_loop3A_850, %parallel_loop3A_851], %parallel_loop3A_854 {strides = array<i32>} : memref<40x721xf32, #tpu.memory_space<vmem>>, vector<1x16xf32>,
        %parallel_loop3A_855 = arith.index_cast %parallel_loop3A_672 : i32 to index
        %parallel_loop3A_856 = arith.constant 367 : index
        %parallel_loop3A_857 = tpu.vector_load %arg7[%parallel_loop3A_855, %parallel_loop3A_856] {strides = array<i32>} : memref<40x721xf32, #tpu.memory_space<vmem>>, vector<1x16xf32>,
        %parallel_loop3A_858 = vector.shape_cast %parallel_loop3A_857 : vector<1x16xf32> to vector<16xf32>
        %parallel_loop3A_859 = arith.mulf %get3A_518, %parallel_loop3A_858 : vector<16xf32>
        %parallel_loop3A_860 = arith.index_cast %parallel_loop3A_672 : i32 to index
        %parallel_loop3A_861 = arith.constant 368 : index
        %parallel_loop3A_862 = tpu.vector_load %arg7[%parallel_loop3A_860, %parallel_loop3A_861] {strides = array<i32>} : memref<40x721xf32, #tpu.memory_space<vmem>>, vector<1x16xf32>,
        %parallel_loop3A_863 = vector.shape_cast %parallel_loop3A_862 : vector<1x16xf32> to vector<16xf32>
        %parallel_loop3A_864 = arith.mulf %get3A_521, %parallel_loop3A_863 : vector<16xf32>
        %parallel_loop3A_865 = arith.addf %parallel_loop3A_859, %parallel_loop3A_864 : vector<16xf32>
        %parallel_loop3A_866 = arith.index_cast %parallel_loop3A_672 : i32 to index
        %parallel_loop3A_867 = arith.constant 368 : index
        %parallel_loop3A_868 = tpu.vector_load %arg9[%parallel_loop3A_866, %parallel_loop3A_867] {strides = array<i32>} : memref<40x721xf32, #tpu.memory_space<vmem>>, vector<1x16xf32>,
        %parallel_loop3A_869 = vector.shape_cast %parallel_loop3A_868 : vector<1x16xf32> to vector<16xf32>
        %parallel_loop3A_870 = vector.shape_cast %parallel_loop3A_865 : vector<16xf32> to vector<1x16xf32>
        tpu.vector_store %arg9[%parallel_loop3A_866, %parallel_loop3A_867], %parallel_loop3A_870 {strides = array<i32>} : memref<40x721xf32, #tpu.memory_space<vmem>>, vector<1x16xf32>,
      } {sc.loop_unroll_factor = 2 : i64, sc.parallel_access}
      %get3A_525 = arith.constant 384 : index
      %get3A_526 = tpu.vector_load %arg5[%get3A_525] {strides = array<i32>} : memref<2208xf32, #tpu.memory_space<vmem>>, vector<16xf32>,
      %get3A_527 = vector.shape_cast %get3A_526 : vector<16xf32> to vector<16xf32>
      %get3A_528 = arith.constant 1120 : index
      %get3A_529 = tpu.vector_load %arg5[%get3A_528] {strides = array<i32>} : memref<2208xf32, #tpu.memory_space<vmem>>, vector<16xf32>,
      %get3A_530 = vector.shape_cast %get3A_529 : vector<16xf32> to vector<16xf32>
      %get3A_531 = arith.constant 400 : index
      %get3A_532 = tpu.vector_load %arg5[%get3A_531] {strides = array<i32>} : memref<2208xf32, #tpu.memory_space<vmem>>, vector<16xf32>,
      %get3A_533 = vector.shape_cast %get3A_532 : vector<16xf32> to vector<16xf32>
      %get3A_534 = arith.constant 1136 : index
      %get3A_535 = tpu.vector_load %arg5[%get3A_534] {strides = array<i32>} : memref<2208xf32, #tpu.memory_space<vmem>>, vector<16xf32>,
      %get3A_536 = vector.shape_cast %get3A_535 : vector<16xf32> to vector<16xf32>
      %get3A_537 = arith.constant 416 : index
      %get3A_538 = tpu.vector_load %arg5[%get3A_537] {strides = array<i32>} : memref<2208xf32, #tpu.memory_space<vmem>>, vector<16xf32>,
      %get3A_539 = vector.shape_cast %get3A_538 : vector<16xf32> to vector<16xf32>
      %get3A_540 = arith.constant 1152 : index
      %get3A_541 = tpu.vector_load %arg5[%get3A_540] {strides = array<i32>} : memref<2208xf32, #tpu.memory_space<vmem>>, vector<16xf32>,
      %get3A_542 = vector.shape_cast %get3A_541 : vector<16xf32> to vector<16xf32>
      %get3A_543 = arith.constant 432 : index
      %get3A_544 = tpu.vector_load %arg5[%get3A_543] {strides = array<i32>} : memref<2208xf32, #tpu.memory_space<vmem>>, vector<16xf32>,
      %get3A_545 = vector.shape_cast %get3A_544 : vector<16xf32> to vector<16xf32>
      %get3A_546 = arith.constant 1168 : index
      %get3A_547 = tpu.vector_load %arg5[%get3A_546] {strides = array<i32>} : memref<2208xf32, #tpu.memory_space<vmem>>, vector<16xf32>,
      %get3A_548 = vector.shape_cast %get3A_547 : vector<16xf32> to vector<16xf32>
      %get3A_549 = arith.constant 448 : index
      %get3A_550 = tpu.vector_load %arg5[%get3A_549] {strides = array<i32>} : memref<2208xf32, #tpu.memory_space<vmem>>, vector<16xf32>,
      %get3A_551 = vector.shape_cast %get3A_550 : vector<16xf32> to vector<16xf32>
      %get3A_552 = arith.constant 1184 : index
      %get3A_553 = tpu.vector_load %arg5[%get3A_552] {strides = array<i32>} : memref<2208xf32, #tpu.memory_space<vmem>>, vector<16xf32>,
      %get3A_554 = vector.shape_cast %get3A_553 : vector<16xf32> to vector<16xf32>
      %get3A_555 = arith.constant 464 : index
      %get3A_556 = tpu.vector_load %arg5[%get3A_555] {strides = array<i32>} : memref<2208xf32, #tpu.memory_space<vmem>>, vector<16xf32>,
      %get3A_557 = vector.shape_cast %get3A_556 : vector<16xf32> to vector<16xf32>
      %get3A_558 = arith.constant 1200 : index
      %get3A_559 = tpu.vector_load %arg5[%get3A_558] {strides = array<i32>} : memref<2208xf32, #tpu.memory_space<vmem>>, vector<16xf32>,
      %get3A_560 = vector.shape_cast %get3A_559 : vector<16xf32> to vector<16xf32>
      %get3A_561 = arith.constant 480 : index
      %get3A_562 = tpu.vector_load %arg5[%get3A_561] {strides = array<i32>} : memref<2208xf32, #tpu.memory_space<vmem>>, vector<16xf32>,
      %get3A_563 = vector.shape_cast %get3A_562 : vector<16xf32> to vector<16xf32>
      %get3A_564 = arith.constant 1216 : index
      %get3A_565 = tpu.vector_load %arg5[%get3A_564] {strides = array<i32>} : memref<2208xf32, #tpu.memory_space<vmem>>, vector<16xf32>,
      %get3A_566 = vector.shape_cast %get3A_565 : vector<16xf32> to vector<16xf32>
      %get3A_567 = arith.constant 496 : index
      %get3A_568 = tpu.vector_load %arg5[%get3A_567] {strides = array<i32>} : memref<2208xf32, #tpu.memory_space<vmem>>, vector<16xf32>,
      %get3A_569 = vector.shape_cast %get3A_568 : vector<16xf32> to vector<16xf32>
      %get3A_570 = arith.constant 1232 : index
      %get3A_571 = tpu.vector_load %arg5[%get3A_570] {strides = array<i32>} : memref<2208xf32, #tpu.memory_space<vmem>>, vector<16xf32>,
      %get3A_572 = vector.shape_cast %get3A_571 : vector<16xf32> to vector<16xf32>
      %get3A_573 = arith.constant 512 : index
      %get3A_574 = tpu.vector_load %arg5[%get3A_573] {strides = array<i32>} : memref<2208xf32, #tpu.memory_space<vmem>>, vector<16xf32>,
      %get3A_575 = vector.shape_cast %get3A_574 : vector<16xf32> to vector<16xf32>
      %get3A_576 = arith.constant 1248 : index
      %get3A_577 = tpu.vector_load %arg5[%get3A_576] {strides = array<i32>} : memref<2208xf32, #tpu.memory_space<vmem>>, vector<16xf32>,
      %get3A_578 = vector.shape_cast %get3A_577 : vector<16xf32> to vector<16xf32>
      %get3A_579 = arith.constant 528 : index
      %get3A_580 = tpu.vector_load %arg5[%get3A_579] {strides = array<i32>} : memref<2208xf32, #tpu.memory_space<vmem>>, vector<16xf32>,
      %get3A_581 = vector.shape_cast %get3A_580 : vector<16xf32> to vector<16xf32>
      %get3A_582 = arith.constant 1264 : index
      %get3A_583 = tpu.vector_load %arg5[%get3A_582] {strides = array<i32>} : memref<2208xf32, #tpu.memory_space<vmem>>, vector<16xf32>,
      %get3A_584 = vector.shape_cast %get3A_583 : vector<16xf32> to vector<16xf32>
      %get3A_585 = arith.constant 544 : index
      %get3A_586 = tpu.vector_load %arg5[%get3A_585] {strides = array<i32>} : memref<2208xf32, #tpu.memory_space<vmem>>, vector<16xf32>,
      %get3A_587 = vector.shape_cast %get3A_586 : vector<16xf32> to vector<16xf32>
      %get3A_588 = arith.constant 1280 : index
      %get3A_589 = tpu.vector_load %arg5[%get3A_588] {strides = array<i32>} : memref<2208xf32, #tpu.memory_space<vmem>>, vector<16xf32>,
      %get3A_590 = vector.shape_cast %get3A_589 : vector<16xf32> to vector<16xf32>
      %get3A_591 = arith.constant 560 : index
      %get3A_592 = tpu.vector_load %arg5[%get3A_591] {strides = array<i32>} : memref<2208xf32, #tpu.memory_space<vmem>>, vector<16xf32>,
      %get3A_593 = vector.shape_cast %get3A_592 : vector<16xf32> to vector<16xf32>
      %get3A_594 = arith.constant 1296 : index
      %get3A_595 = tpu.vector_load %arg5[%get3A_594] {strides = array<i32>} : memref<2208xf32, #tpu.memory_space<vmem>>, vector<16xf32>,
      %get3A_596 = vector.shape_cast %get3A_595 : vector<16xf32> to vector<16xf32>
      %parallel_loop3A_597 = arith.constant 0 : i32
      %parallel_loop3A_598 = arith.constant 40 : i32
      %parallel_loop3A_599 = arith.constant 1 : i32
      scf.for %parallel_loop3A_672 = %parallel_loop3A_597 to %parallel_loop3A_598 step %parallel_loop3A_599  : i32 {
        %parallel_loop3A_673 = arith.index_cast %parallel_loop3A_672 : i32 to index
        %parallel_loop3A_674 = arith.constant 383 : index
        %parallel_loop3A_675 = tpu.vector_load %arg7[%parallel_loop3A_673, %parallel_loop3A_674] {strides = array<i32>} : memref<40x721xf32, #tpu.memory_space<vmem>>, vector<1x16xf32>,
        %parallel_loop3A_676 = vector.shape_cast %parallel_loop3A_675 : vector<1x16xf32> to vector<16xf32>
        %parallel_loop3A_677 = arith.mulf %get3A_527, %parallel_loop3A_676 : vector<16xf32>
        %parallel_loop3A_678 = arith.index_cast %parallel_loop3A_672 : i32 to index
        %parallel_loop3A_679 = arith.constant 384 : index
        %parallel_loop3A_680 = tpu.vector_load %arg7[%parallel_loop3A_678, %parallel_loop3A_679] {strides = array<i32>} : memref<40x721xf32, #tpu.memory_space<vmem>>, vector<1x16xf32>,
        %parallel_loop3A_681 = vector.shape_cast %parallel_loop3A_680 : vector<1x16xf32> to vector<16xf32>
        %parallel_loop3A_682 = arith.mulf %get3A_530, %parallel_loop3A_681 : vector<16xf32>
        %parallel_loop3A_683 = arith.addf %parallel_loop3A_677, %parallel_loop3A_682 : vector<16xf32>
        %parallel_loop3A_684 = arith.index_cast %parallel_loop3A_672 : i32 to index
        %parallel_loop3A_685 = arith.constant 384 : index
        %parallel_loop3A_686 = tpu.vector_load %arg9[%parallel_loop3A_684, %parallel_loop3A_685] {strides = array<i32>} : memref<40x721xf32, #tpu.memory_space<vmem>>, vector<1x16xf32>,
        %parallel_loop3A_687 = vector.shape_cast %parallel_loop3A_686 : vector<1x16xf32> to vector<16xf32>
        %parallel_loop3A_688 = vector.shape_cast %parallel_loop3A_683 : vector<16xf32> to vector<1x16xf32>
        tpu.vector_store %arg9[%parallel_loop3A_684, %parallel_loop3A_685], %parallel_loop3A_688 {strides = array<i32>} : memref<40x721xf32, #tpu.memory_space<vmem>>, vector<1x16xf32>,
        %parallel_loop3A_689 = arith.index_cast %parallel_loop3A_672 : i32 to index
        %parallel_loop3A_690 = arith.constant 399 : index
        %parallel_loop3A_691 = tpu.vector_load %arg7[%parallel_loop3A_689, %parallel_loop3A_690] {strides = array<i32>} : memref<40x721xf32, #tpu.memory_space<vmem>>, vector<1x16xf32>,
        %parallel_loop3A_692 = vector.shape_cast %parallel_loop3A_691 : vector<1x16xf32> to vector<16xf32>
        %parallel_loop3A_693 = arith.mulf %get3A_533, %parallel_loop3A_692 : vector<16xf32>
        %parallel_loop3A_694 = arith.index_cast %parallel_loop3A_672 : i32 to index
        %parallel_loop3A_695 = arith.constant 400 : index
        %parallel_loop3A_696 = tpu.vector_load %arg7[%parallel_loop3A_694, %parallel_loop3A_695] {strides = array<i32>} : memref<40x721xf32, #tpu.memory_space<vmem>>, vector<1x16xf32>,
        %parallel_loop3A_697 = vector.shape_cast %parallel_loop3A_696 : vector<1x16xf32> to vector<16xf32>
        %parallel_loop3A_698 = arith.mulf %get3A_536, %parallel_loop3A_697 : vector<16xf32>
        %parallel_loop3A_699 = arith.addf %parallel_loop3A_693, %parallel_loop3A_698 : vector<16xf32>
        %parallel_loop3A_700 = arith.index_cast %parallel_loop3A_672 : i32 to index
        %parallel_loop3A_701 = arith.constant 400 : index
        %parallel_loop3A_702 = tpu.vector_load %arg9[%parallel_loop3A_700, %parallel_loop3A_701] {strides = array<i32>} : memref<40x721xf32, #tpu.memory_space<vmem>>, vector<1x16xf32>,
        %parallel_loop3A_703 = vector.shape_cast %parallel_loop3A_702 : vector<1x16xf32> to vector<16xf32>
        %parallel_loop3A_704 = vector.shape_cast %parallel_loop3A_699 : vector<16xf32> to vector<1x16xf32>
        tpu.vector_store %arg9[%parallel_loop3A_700, %parallel_loop3A_701], %parallel_loop3A_704 {strides = array<i32>} : memref<40x721xf32, #tpu.memory_space<vmem>>, vector<1x16xf32>,
        %parallel_loop3A_705 = arith.index_cast %parallel_loop3A_672 : i32 to index
        %parallel_loop3A_706 = arith.constant 415 : index
        %parallel_loop3A_707 = tpu.vector_load %arg7[%parallel_loop3A_705, %parallel_loop3A_706] {strides = array<i32>} : memref<40x721xf32, #tpu.memory_space<vmem>>, vector<1x16xf32>,
        %parallel_loop3A_708 = vector.shape_cast %parallel_loop3A_707 : vector<1x16xf32> to vector<16xf32>
        %parallel_loop3A_709 = arith.mulf %get3A_539, %parallel_loop3A_708 : vector<16xf32>
        %parallel_loop3A_710 = arith.index_cast %parallel_loop3A_672 : i32 to index
        %parallel_loop3A_711 = arith.constant 416 : index
        %parallel_loop3A_712 = tpu.vector_load %arg7[%parallel_loop3A_710, %parallel_loop3A_711] {strides = array<i32>} : memref<40x721xf32, #tpu.memory_space<vmem>>, vector<1x16xf32>,
        %parallel_loop3A_713 = vector.shape_cast %parallel_loop3A_712 : vector<1x16xf32> to vector<16xf32>
        %parallel_loop3A_714 = arith.mulf %get3A_542, %parallel_loop3A_713 : vector<16xf32>
        %parallel_loop3A_715 = arith.addf %parallel_loop3A_709, %parallel_loop3A_714 : vector<16xf32>
        %parallel_loop3A_716 = arith.index_cast %parallel_loop3A_672 : i32 to index
        %parallel_loop3A_717 = arith.constant 416 : index
        %parallel_loop3A_718 = tpu.vector_load %arg9[%parallel_loop3A_716, %parallel_loop3A_717] {strides = array<i32>} : memref<40x721xf32, #tpu.memory_space<vmem>>, vector<1x16xf32>,
        %parallel_loop3A_719 = vector.shape_cast %parallel_loop3A_718 : vector<1x16xf32> to vector<16xf32>
        %parallel_loop3A_720 = vector.shape_cast %parallel_loop3A_715 : vector<16xf32> to vector<1x16xf32>
        tpu.vector_store %arg9[%parallel_loop3A_716, %parallel_loop3A_717], %parallel_loop3A_720 {strides = array<i32>} : memref<40x721xf32, #tpu.memory_space<vmem>>, vector<1x16xf32>,
        %parallel_loop3A_721 = arith.index_cast %parallel_loop3A_672 : i32 to index
        %parallel_loop3A_722 = arith.constant 431 : index
        %parallel_loop3A_723 = tpu.vector_load %arg7[%parallel_loop3A_721, %parallel_loop3A_722] {strides = array<i32>} : memref<40x721xf32, #tpu.memory_space<vmem>>, vector<1x16xf32>,
        %parallel_loop3A_724 = vector.shape_cast %parallel_loop3A_723 : vector<1x16xf32> to vector<16xf32>
        %parallel_loop3A_725 = arith.mulf %get3A_545, %parallel_loop3A_724 : vector<16xf32>
        %parallel_loop3A_726 = arith.index_cast %parallel_loop3A_672 : i32 to index
        %parallel_loop3A_727 = arith.constant 432 : index
        %parallel_loop3A_728 = tpu.vector_load %arg7[%parallel_loop3A_726, %parallel_loop3A_727] {strides = array<i32>} : memref<40x721xf32, #tpu.memory_space<vmem>>, vector<1x16xf32>,
        %parallel_loop3A_729 = vector.shape_cast %parallel_loop3A_728 : vector<1x16xf32> to vector<16xf32>
        %parallel_loop3A_730 = arith.mulf %get3A_548, %parallel_loop3A_729 : vector<16xf32>
        %parallel_loop3A_731 = arith.addf %parallel_loop3A_725, %parallel_loop3A_730 : vector<16xf32>
        %parallel_loop3A_732 = arith.index_cast %parallel_loop3A_672 : i32 to index
        %parallel_loop3A_733 = arith.constant 432 : index
        %parallel_loop3A_734 = tpu.vector_load %arg9[%parallel_loop3A_732, %parallel_loop3A_733] {strides = array<i32>} : memref<40x721xf32, #tpu.memory_space<vmem>>, vector<1x16xf32>,
        %parallel_loop3A_735 = vector.shape_cast %parallel_loop3A_734 : vector<1x16xf32> to vector<16xf32>
        %parallel_loop3A_736 = vector.shape_cast %parallel_loop3A_731 : vector<16xf32> to vector<1x16xf32>
        tpu.vector_store %arg9[%parallel_loop3A_732, %parallel_loop3A_733], %parallel_loop3A_736 {strides = array<i32>} : memref<40x721xf32, #tpu.memory_space<vmem>>, vector<1x16xf32>,
        %parallel_loop3A_737 = arith.index_cast %parallel_loop3A_672 : i32 to index
        %parallel_loop3A_738 = arith.constant 447 : index
        %parallel_loop3A_739 = tpu.vector_load %arg7[%parallel_loop3A_737, %parallel_loop3A_738] {strides = array<i32>} : memref<40x721xf32, #tpu.memory_space<vmem>>, vector<1x16xf32>,
        %parallel_loop3A_740 = vector.shape_cast %parallel_loop3A_739 : vector<1x16xf32> to vector<16xf32>
        %parallel_loop3A_741 = arith.mulf %get3A_551, %parallel_loop3A_740 : vector<16xf32>
        %parallel_loop3A_742 = arith.index_cast %parallel_loop3A_672 : i32 to index
        %parallel_loop3A_743 = arith.constant 448 : index
        %parallel_loop3A_744 = tpu.vector_load %arg7[%parallel_loop3A_742, %parallel_loop3A_743] {strides = array<i32>} : memref<40x721xf32, #tpu.memory_space<vmem>>, vector<1x16xf32>,
        %parallel_loop3A_745 = vector.shape_cast %parallel_loop3A_744 : vector<1x16xf32> to vector<16xf32>
        %parallel_loop3A_746 = arith.mulf %get3A_554, %parallel_loop3A_745 : vector<16xf32>
        %parallel_loop3A_747 = arith.addf %parallel_loop3A_741, %parallel_loop3A_746 : vector<16xf32>
        %parallel_loop3A_748 = arith.index_cast %parallel_loop3A_672 : i32 to index
        %parallel_loop3A_749 = arith.constant 448 : index
        %parallel_loop3A_750 = tpu.vector_load %arg9[%parallel_loop3A_748, %parallel_loop3A_749] {strides = array<i32>} : memref<40x721xf32, #tpu.memory_space<vmem>>, vector<1x16xf32>,
        %parallel_loop3A_751 = vector.shape_cast %parallel_loop3A_750 : vector<1x16xf32> to vector<16xf32>
        %parallel_loop3A_752 = vector.shape_cast %parallel_loop3A_747 : vector<16xf32> to vector<1x16xf32>
        tpu.vector_store %arg9[%parallel_loop3A_748, %parallel_loop3A_749], %parallel_loop3A_752 {strides = array<i32>} : memref<40x721xf32, #tpu.memory_space<vmem>>, vector<1x16xf32>,
        %parallel_loop3A_753 = arith.index_cast %parallel_loop3A_672 : i32 to index
        %parallel_loop3A_754 = arith.constant 463 : index
        %parallel_loop3A_755 = tpu.vector_load %arg7[%parallel_loop3A_753, %parallel_loop3A_754] {strides = array<i32>} : memref<40x721xf32, #tpu.memory_space<vmem>>, vector<1x16xf32>,
        %parallel_loop3A_756 = vector.shape_cast %parallel_loop3A_755 : vector<1x16xf32> to vector<16xf32>
        %parallel_loop3A_757 = arith.mulf %get3A_557, %parallel_loop3A_756 : vector<16xf32>
        %parallel_loop3A_758 = arith.index_cast %parallel_loop3A_672 : i32 to index
        %parallel_loop3A_759 = arith.constant 464 : index
        %parallel_loop3A_760 = tpu.vector_load %arg7[%parallel_loop3A_758, %parallel_loop3A_759] {strides = array<i32>} : memref<40x721xf32, #tpu.memory_space<vmem>>, vector<1x16xf32>,
        %parallel_loop3A_761 = vector.shape_cast %parallel_loop3A_760 : vector<1x16xf32> to vector<16xf32>
        %parallel_loop3A_762 = arith.mulf %get3A_560, %parallel_loop3A_761 : vector<16xf32>
        %parallel_loop3A_763 = arith.addf %parallel_loop3A_757, %parallel_loop3A_762 : vector<16xf32>
        %parallel_loop3A_764 = arith.index_cast %parallel_loop3A_672 : i32 to index
        %parallel_loop3A_765 = arith.constant 464 : index
        %parallel_loop3A_766 = tpu.vector_load %arg9[%parallel_loop3A_764, %parallel_loop3A_765] {strides = array<i32>} : memref<40x721xf32, #tpu.memory_space<vmem>>, vector<1x16xf32>,
        %parallel_loop3A_767 = vector.shape_cast %parallel_loop3A_766 : vector<1x16xf32> to vector<16xf32>
        %parallel_loop3A_768 = vector.shape_cast %parallel_loop3A_763 : vector<16xf32> to vector<1x16xf32>
        tpu.vector_store %arg9[%parallel_loop3A_764, %parallel_loop3A_765], %parallel_loop3A_768 {strides = array<i32>} : memref<40x721xf32, #tpu.memory_space<vmem>>, vector<1x16xf32>,
        %parallel_loop3A_769 = arith.index_cast %parallel_loop3A_672 : i32 to index
        %parallel_loop3A_770 = arith.constant 479 : index
        %parallel_loop3A_771 = tpu.vector_load %arg7[%parallel_loop3A_769, %parallel_loop3A_770] {strides = array<i32>} : memref<40x721xf32, #tpu.memory_space<vmem>>, vector<1x16xf32>,
        %parallel_loop3A_772 = vector.shape_cast %parallel_loop3A_771 : vector<1x16xf32> to vector<16xf32>
        %parallel_loop3A_773 = arith.mulf %get3A_563, %parallel_loop3A_772 : vector<16xf32>
        %parallel_loop3A_774 = arith.index_cast %parallel_loop3A_672 : i32 to index
        %parallel_loop3A_775 = arith.constant 480 : index
        %parallel_loop3A_776 = tpu.vector_load %arg7[%parallel_loop3A_774, %parallel_loop3A_775] {strides = array<i32>} : memref<40x721xf32, #tpu.memory_space<vmem>>, vector<1x16xf32>,
        %parallel_loop3A_777 = vector.shape_cast %parallel_loop3A_776 : vector<1x16xf32> to vector<16xf32>
        %parallel_loop3A_778 = arith.mulf %get3A_566, %parallel_loop3A_777 : vector<16xf32>
        %parallel_loop3A_779 = arith.addf %parallel_loop3A_773, %parallel_loop3A_778 : vector<16xf32>
        %parallel_loop3A_780 = arith.index_cast %parallel_loop3A_672 : i32 to index
        %parallel_loop3A_781 = arith.constant 480 : index
        %parallel_loop3A_782 = tpu.vector_load %arg9[%parallel_loop3A_780, %parallel_loop3A_781] {strides = array<i32>} : memref<40x721xf32, #tpu.memory_space<vmem>>, vector<1x16xf32>,
        %parallel_loop3A_783 = vector.shape_cast %parallel_loop3A_782 : vector<1x16xf32> to vector<16xf32>
        %parallel_loop3A_784 = vector.shape_cast %parallel_loop3A_779 : vector<16xf32> to vector<1x16xf32>
        tpu.vector_store %arg9[%parallel_loop3A_780, %parallel_loop3A_781], %parallel_loop3A_784 {strides = array<i32>} : memref<40x721xf32, #tpu.memory_space<vmem>>, vector<1x16xf32>,
        %parallel_loop3A_785 = arith.index_cast %parallel_loop3A_672 : i32 to index
        %parallel_loop3A_786 = arith.constant 495 : index
        %parallel_loop3A_787 = tpu.vector_load %arg7[%parallel_loop3A_785, %parallel_loop3A_786] {strides = array<i32>} : memref<40x721xf32, #tpu.memory_space<vmem>>, vector<1x16xf32>,
        %parallel_loop3A_788 = vector.shape_cast %parallel_loop3A_787 : vector<1x16xf32> to vector<16xf32>
        %parallel_loop3A_789 = arith.mulf %get3A_569, %parallel_loop3A_788 : vector<16xf32>
        %parallel_loop3A_790 = arith.index_cast %parallel_loop3A_672 : i32 to index
        %parallel_loop3A_791 = arith.constant 496 : index
        %parallel_loop3A_792 = tpu.vector_load %arg7[%parallel_loop3A_790, %parallel_loop3A_791] {strides = array<i32>} : memref<40x721xf32, #tpu.memory_space<vmem>>, vector<1x16xf32>,
        %parallel_loop3A_793 = vector.shape_cast %parallel_loop3A_792 : vector<1x16xf32> to vector<16xf32>
        %parallel_loop3A_794 = arith.mulf %get3A_572, %parallel_loop3A_793 : vector<16xf32>
        %parallel_loop3A_795 = arith.addf %parallel_loop3A_789, %parallel_loop3A_794 : vector<16xf32>
        %parallel_loop3A_796 = arith.index_cast %parallel_loop3A_672 : i32 to index
        %parallel_loop3A_797 = arith.constant 496 : index
        %parallel_loop3A_798 = tpu.vector_load %arg9[%parallel_loop3A_796, %parallel_loop3A_797] {strides = array<i32>} : memref<40x721xf32, #tpu.memory_space<vmem>>, vector<1x16xf32>,
        %parallel_loop3A_799 = vector.shape_cast %parallel_loop3A_798 : vector<1x16xf32> to vector<16xf32>
        %parallel_loop3A_800 = vector.shape_cast %parallel_loop3A_795 : vector<16xf32> to vector<1x16xf32>
        tpu.vector_store %arg9[%parallel_loop3A_796, %parallel_loop3A_797], %parallel_loop3A_800 {strides = array<i32>} : memref<40x721xf32, #tpu.memory_space<vmem>>, vector<1x16xf32>,
        %parallel_loop3A_801 = arith.index_cast %parallel_loop3A_672 : i32 to index
        %parallel_loop3A_802 = arith.constant 511 : index
        %parallel_loop3A_803 = tpu.vector_load %arg7[%parallel_loop3A_801, %parallel_loop3A_802] {strides = array<i32>} : memref<40x721xf32, #tpu.memory_space<vmem>>, vector<1x16xf32>,
        %parallel_loop3A_804 = vector.shape_cast %parallel_loop3A_803 : vector<1x16xf32> to vector<16xf32>
        %parallel_loop3A_805 = arith.mulf %get3A_575, %parallel_loop3A_804 : vector<16xf32>
        %parallel_loop3A_806 = arith.index_cast %parallel_loop3A_672 : i32 to index
        %parallel_loop3A_807 = arith.constant 512 : index
        %parallel_loop3A_808 = tpu.vector_load %arg7[%parallel_loop3A_806, %parallel_loop3A_807] {strides = array<i32>} : memref<40x721xf32, #tpu.memory_space<vmem>>, vector<1x16xf32>,
        %parallel_loop3A_809 = vector.shape_cast %parallel_loop3A_808 : vector<1x16xf32> to vector<16xf32>
        %parallel_loop3A_810 = arith.mulf %get3A_578, %parallel_loop3A_809 : vector<16xf32>
        %parallel_loop3A_811 = arith.addf %parallel_loop3A_805, %parallel_loop3A_810 : vector<16xf32>
        %parallel_loop3A_812 = arith.index_cast %parallel_loop3A_672 : i32 to index
        %parallel_loop3A_813 = arith.constant 512 : index
        %parallel_loop3A_814 = tpu.vector_load %arg9[%parallel_loop3A_812, %parallel_loop3A_813] {strides = array<i32>} : memref<40x721xf32, #tpu.memory_space<vmem>>, vector<1x16xf32>,
        %parallel_loop3A_815 = vector.shape_cast %parallel_loop3A_814 : vector<1x16xf32> to vector<16xf32>
        %parallel_loop3A_816 = vector.shape_cast %parallel_loop3A_811 : vector<16xf32> to vector<1x16xf32>
        tpu.vector_store %arg9[%parallel_loop3A_812, %parallel_loop3A_813], %parallel_loop3A_816 {strides = array<i32>} : memref<40x721xf32, #tpu.memory_space<vmem>>, vector<1x16xf32>,
        %parallel_loop3A_817 = arith.index_cast %parallel_loop3A_672 : i32 to index
        %parallel_loop3A_818 = arith.constant 527 : index
        %parallel_loop3A_819 = tpu.vector_load %arg7[%parallel_loop3A_817, %parallel_loop3A_818] {strides = array<i32>} : memref<40x721xf32, #tpu.memory_space<vmem>>, vector<1x16xf32>,
        %parallel_loop3A_820 = vector.shape_cast %parallel_loop3A_819 : vector<1x16xf32> to vector<16xf32>
        %parallel_loop3A_821 = arith.mulf %get3A_581, %parallel_loop3A_820 : vector<16xf32>
        %parallel_loop3A_822 = arith.index_cast %parallel_loop3A_672 : i32 to index
        %parallel_loop3A_823 = arith.constant 528 : index
        %parallel_loop3A_824 = tpu.vector_load %arg7[%parallel_loop3A_822, %parallel_loop3A_823] {strides = array<i32>} : memref<40x721xf32, #tpu.memory_space<vmem>>, vector<1x16xf32>,
        %parallel_loop3A_825 = vector.shape_cast %parallel_loop3A_824 : vector<1x16xf32> to vector<16xf32>
        %parallel_loop3A_826 = arith.mulf %get3A_584, %parallel_loop3A_825 : vector<16xf32>
        %parallel_loop3A_827 = arith.addf %parallel_loop3A_821, %parallel_loop3A_826 : vector<16xf32>
        %parallel_loop3A_828 = arith.index_cast %parallel_loop3A_672 : i32 to index
        %parallel_loop3A_829 = arith.constant 528 : index
        %parallel_loop3A_830 = tpu.vector_load %arg9[%parallel_loop3A_828, %parallel_loop3A_829] {strides = array<i32>} : memref<40x721xf32, #tpu.memory_space<vmem>>, vector<1x16xf32>,
        %parallel_loop3A_831 = vector.shape_cast %parallel_loop3A_830 : vector<1x16xf32> to vector<16xf32>
        %parallel_loop3A_832 = vector.shape_cast %parallel_loop3A_827 : vector<16xf32> to vector<1x16xf32>
        tpu.vector_store %arg9[%parallel_loop3A_828, %parallel_loop3A_829], %parallel_loop3A_832 {strides = array<i32>} : memref<40x721xf32, #tpu.memory_space<vmem>>, vector<1x16xf32>,
        %parallel_loop3A_833 = arith.index_cast %parallel_loop3A_672 : i32 to index
        %parallel_loop3A_834 = arith.constant 543 : index
        %parallel_loop3A_835 = tpu.vector_load %arg7[%parallel_loop3A_833, %parallel_loop3A_834] {strides = array<i32>} : memref<40x721xf32, #tpu.memory_space<vmem>>, vector<1x16xf32>,
        %parallel_loop3A_836 = vector.shape_cast %parallel_loop3A_835 : vector<1x16xf32> to vector<16xf32>
        %parallel_loop3A_837 = arith.mulf %get3A_587, %parallel_loop3A_836 : vector<16xf32>
        %parallel_loop3A_838 = arith.index_cast %parallel_loop3A_672 : i32 to index
        %parallel_loop3A_839 = arith.constant 544 : index
        %parallel_loop3A_840 = tpu.vector_load %arg7[%parallel_loop3A_838, %parallel_loop3A_839] {strides = array<i32>} : memref<40x721xf32, #tpu.memory_space<vmem>>, vector<1x16xf32>,
        %parallel_loop3A_841 = vector.shape_cast %parallel_loop3A_840 : vector<1x16xf32> to vector<16xf32>
        %parallel_loop3A_842 = arith.mulf %get3A_590, %parallel_loop3A_841 : vector<16xf32>
        %parallel_loop3A_843 = arith.addf %parallel_loop3A_837, %parallel_loop3A_842 : vector<16xf32>
        %parallel_loop3A_844 = arith.index_cast %parallel_loop3A_672 : i32 to index
        %parallel_loop3A_845 = arith.constant 544 : index
        %parallel_loop3A_846 = tpu.vector_load %arg9[%parallel_loop3A_844, %parallel_loop3A_845] {strides = array<i32>} : memref<40x721xf32, #tpu.memory_space<vmem>>, vector<1x16xf32>,
        %parallel_loop3A_847 = vector.shape_cast %parallel_loop3A_846 : vector<1x16xf32> to vector<16xf32>
        %parallel_loop3A_848 = vector.shape_cast %parallel_loop3A_843 : vector<16xf32> to vector<1x16xf32>
        tpu.vector_store %arg9[%parallel_loop3A_844, %parallel_loop3A_845], %parallel_loop3A_848 {strides = array<i32>} : memref<40x721xf32, #tpu.memory_space<vmem>>, vector<1x16xf32>,
        %parallel_loop3A_849 = arith.index_cast %parallel_loop3A_672 : i32 to index
        %parallel_loop3A_850 = arith.constant 559 : index
        %parallel_loop3A_851 = tpu.vector_load %arg7[%parallel_loop3A_849, %parallel_loop3A_850] {strides = array<i32>} : memref<40x721xf32, #tpu.memory_space<vmem>>, vector<1x16xf32>,
        %parallel_loop3A_852 = vector.shape_cast %parallel_loop3A_851 : vector<1x16xf32> to vector<16xf32>
        %parallel_loop3A_853 = arith.mulf %get3A_593, %parallel_loop3A_852 : vector<16xf32>
        %parallel_loop3A_854 = arith.index_cast %parallel_loop3A_672 : i32 to index
        %parallel_loop3A_855 = arith.constant 560 : index
        %parallel_loop3A_856 = tpu.vector_load %arg7[%parallel_loop3A_854, %parallel_loop3A_855] {strides = array<i32>} : memref<40x721xf32, #tpu.memory_space<vmem>>, vector<1x16xf32>,
        %parallel_loop3A_857 = vector.shape_cast %parallel_loop3A_856 : vector<1x16xf32> to vector<16xf32>
        %parallel_loop3A_858 = arith.mulf %get3A_596, %parallel_loop3A_857 : vector<16xf32>
        %parallel_loop3A_859 = arith.addf %parallel_loop3A_853, %parallel_loop3A_858 : vector<16xf32>
        %parallel_loop3A_860 = arith.index_cast %parallel_loop3A_672 : i32 to index
        %parallel_loop3A_861 = arith.constant 560 : index
        %parallel_loop3A_862 = tpu.vector_load %arg9[%parallel_loop3A_860, %parallel_loop3A_861] {strides = array<i32>} : memref<40x721xf32, #tpu.memory_space<vmem>>, vector<1x16xf32>,
        %parallel_loop3A_863 = vector.shape_cast %parallel_loop3A_862 : vector<1x16xf32> to vector<16xf32>
        %parallel_loop3A_864 = vector.shape_cast %parallel_loop3A_859 : vector<16xf32> to vector<1x16xf32>
        tpu.vector_store %arg9[%parallel_loop3A_860, %parallel_loop3A_861], %parallel_loop3A_864 {strides = array<i32>} : memref<40x721xf32, #tpu.memory_space<vmem>>, vector<1x16xf32>,
      } {sc.loop_unroll_factor = 2 : i64, sc.parallel_access}
      %get3A_600 = arith.constant 576 : index
      %get3A_601 = tpu.vector_load %arg5[%get3A_600] {strides = array<i32>} : memref<2208xf32, #tpu.memory_space<vmem>>, vector<16xf32>,
      %get3A_602 = vector.shape_cast %get3A_601 : vector<16xf32> to vector<16xf32>
      %get3A_603 = arith.constant 1312 : index
      %get3A_604 = tpu.vector_load %arg5[%get3A_603] {strides = array<i32>} : memref<2208xf32, #tpu.memory_space<vmem>>, vector<16xf32>,
      %get3A_605 = vector.shape_cast %get3A_604 : vector<16xf32> to vector<16xf32>
      %get3A_606 = arith.constant 592 : index
      %get3A_607 = tpu.vector_load %arg5[%get3A_606] {strides = array<i32>} : memref<2208xf32, #tpu.memory_space<vmem>>, vector<16xf32>,
      %get3A_608 = vector.shape_cast %get3A_607 : vector<16xf32> to vector<16xf32>
      %get3A_609 = arith.constant 1328 : index
      %get3A_610 = tpu.vector_load %arg5[%get3A_609] {strides = array<i32>} : memref<2208xf32, #tpu.memory_space<vmem>>, vector<16xf32>,
      %get3A_611 = vector.shape_cast %get3A_610 : vector<16xf32> to vector<16xf32>
      %get3A_612 = arith.constant 608 : index
      %get3A_613 = tpu.vector_load %arg5[%get3A_612] {strides = array<i32>} : memref<2208xf32, #tpu.memory_space<vmem>>, vector<16xf32>,
      %get3A_614 = vector.shape_cast %get3A_613 : vector<16xf32> to vector<16xf32>
      %get3A_615 = arith.constant 1344 : index
      %get3A_616 = tpu.vector_load %arg5[%get3A_615] {strides = array<i32>} : memref<2208xf32, #tpu.memory_space<vmem>>, vector<16xf32>,
      %get3A_617 = vector.shape_cast %get3A_616 : vector<16xf32> to vector<16xf32>
      %get3A_618 = arith.constant 624 : index
      %get3A_619 = tpu.vector_load %arg5[%get3A_618] {strides = array<i32>} : memref<2208xf32, #tpu.memory_space<vmem>>, vector<16xf32>,
      %get3A_620 = vector.shape_cast %get3A_619 : vector<16xf32> to vector<16xf32>
      %get3A_621 = arith.constant 1360 : index
      %get3A_622 = tpu.vector_load %arg5[%get3A_621] {strides = array<i32>} : memref<2208xf32, #tpu.memory_space<vmem>>, vector<16xf32>,
      %get3A_623 = vector.shape_cast %get3A_622 : vector<16xf32> to vector<16xf32>
      %get3A_624 = arith.constant 640 : index
      %get3A_625 = tpu.vector_load %arg5[%get3A_624] {strides = array<i32>} : memref<2208xf32, #tpu.memory_space<vmem>>, vector<16xf32>,
      %get3A_626 = vector.shape_cast %get3A_625 : vector<16xf32> to vector<16xf32>
      %get3A_627 = arith.constant 1376 : index
      %get3A_628 = tpu.vector_load %arg5[%get3A_627] {strides = array<i32>} : memref<2208xf32, #tpu.memory_space<vmem>>, vector<16xf32>,
      %get3A_629 = vector.shape_cast %get3A_628 : vector<16xf32> to vector<16xf32>
      %get3A_630 = arith.constant 656 : index
      %get3A_631 = tpu.vector_load %arg5[%get3A_630] {strides = array<i32>} : memref<2208xf32, #tpu.memory_space<vmem>>, vector<16xf32>,
      %get3A_632 = vector.shape_cast %get3A_631 : vector<16xf32> to vector<16xf32>
      %get3A_633 = arith.constant 1392 : index
      %get3A_634 = tpu.vector_load %arg5[%get3A_633] {strides = array<i32>} : memref<2208xf32, #tpu.memory_space<vmem>>, vector<16xf32>,
      %get3A_635 = vector.shape_cast %get3A_634 : vector<16xf32> to vector<16xf32>
      %get3A_636 = arith.constant 672 : index
      %get3A_637 = tpu.vector_load %arg5[%get3A_636] {strides = array<i32>} : memref<2208xf32, #tpu.memory_space<vmem>>, vector<16xf32>,
      %get3A_638 = vector.shape_cast %get3A_637 : vector<16xf32> to vector<16xf32>
      %get3A_639 = arith.constant 1408 : index
      %get3A_640 = tpu.vector_load %arg5[%get3A_639] {strides = array<i32>} : memref<2208xf32, #tpu.memory_space<vmem>>, vector<16xf32>,
      %get3A_641 = vector.shape_cast %get3A_640 : vector<16xf32> to vector<16xf32>
      %get3A_642 = arith.constant 688 : index
      %get3A_643 = tpu.vector_load %arg5[%get3A_642] {strides = array<i32>} : memref<2208xf32, #tpu.memory_space<vmem>>, vector<16xf32>,
      %get3A_644 = vector.shape_cast %get3A_643 : vector<16xf32> to vector<16xf32>
      %get3A_645 = arith.constant 1424 : index
      %get3A_646 = tpu.vector_load %arg5[%get3A_645] {strides = array<i32>} : memref<2208xf32, #tpu.memory_space<vmem>>, vector<16xf32>,
      %get3A_647 = vector.shape_cast %get3A_646 : vector<16xf32> to vector<16xf32>
      %get3A_648 = arith.constant 720 : index
      %get3A_649 = tpu.vector_load %arg5[%get3A_648] {strides = array<i32>} : memref<2208xf32, #tpu.memory_space<vmem>>, vector<16xf32>,
      %get3A_650 = vector.shape_cast %get3A_649 : vector<16xf32> to vector<16xf32>
      %get3A_651 = arith.constant 1456 : index
      %get3A_652 = tpu.vector_load %arg5[%get3A_651] {strides = array<i32>} : memref<2208xf32, #tpu.memory_space<vmem>>, vector<16xf32>,
      %get3A_653 = vector.shape_cast %get3A_652 : vector<16xf32> to vector<16xf32>
      %get3A_654 = arith.constant 704 : index
      %get3A_655 = tpu.vector_load %arg5[%get3A_654] {strides = array<i32>} : memref<2208xf32, #tpu.memory_space<vmem>>, vector<16xf32>,
      %get3A_656 = vector.shape_cast %get3A_655 : vector<16xf32> to vector<16xf32>
      %get3A_657 = arith.constant 1440 : index
      %get3A_658 = tpu.vector_load %arg5[%get3A_657] {strides = array<i32>} : memref<2208xf32, #tpu.memory_space<vmem>>, vector<16xf32>,
      %get3A_659 = vector.shape_cast %get3A_658 : vector<16xf32> to vector<16xf32>
      %parallel_loop3A_660 = arith.constant 0 : i32
      %parallel_loop3A_661 = arith.constant 40 : i32
      %parallel_loop3A_662 = arith.constant 1 : i32
      scf.for %parallel_loop3A_672 = %parallel_loop3A_660 to %parallel_loop3A_661 step %parallel_loop3A_662  : i32 {
        %parallel_loop3A_673 = arith.index_cast %parallel_loop3A_672 : i32 to index
        %parallel_loop3A_674 = arith.constant 575 : index
        %parallel_loop3A_675 = tpu.vector_load %arg7[%parallel_loop3A_673, %parallel_loop3A_674] {strides = array<i32>} : memref<40x721xf32, #tpu.memory_space<vmem>>, vector<1x16xf32>,
        %parallel_loop3A_676 = vector.shape_cast %parallel_loop3A_675 : vector<1x16xf32> to vector<16xf32>
        %parallel_loop3A_677 = arith.mulf %get3A_602, %parallel_loop3A_676 : vector<16xf32>
        %parallel_loop3A_678 = arith.index_cast %parallel_loop3A_672 : i32 to index
        %parallel_loop3A_679 = arith.constant 576 : index
        %parallel_loop3A_680 = tpu.vector_load %arg7[%parallel_loop3A_678, %parallel_loop3A_679] {strides = array<i32>} : memref<40x721xf32, #tpu.memory_space<vmem>>, vector<1x16xf32>,
        %parallel_loop3A_681 = vector.shape_cast %parallel_loop3A_680 : vector<1x16xf32> to vector<16xf32>
        %parallel_loop3A_682 = arith.mulf %get3A_605, %parallel_loop3A_681 : vector<16xf32>
        %parallel_loop3A_683 = arith.addf %parallel_loop3A_677, %parallel_loop3A_682 : vector<16xf32>
        %parallel_loop3A_684 = arith.index_cast %parallel_loop3A_672 : i32 to index
        %parallel_loop3A_685 = arith.constant 576 : index
        %parallel_loop3A_686 = tpu.vector_load %arg9[%parallel_loop3A_684, %parallel_loop3A_685] {strides = array<i32>} : memref<40x721xf32, #tpu.memory_space<vmem>>, vector<1x16xf32>,
        %parallel_loop3A_687 = vector.shape_cast %parallel_loop3A_686 : vector<1x16xf32> to vector<16xf32>
        %parallel_loop3A_688 = vector.shape_cast %parallel_loop3A_683 : vector<16xf32> to vector<1x16xf32>
        tpu.vector_store %arg9[%parallel_loop3A_684, %parallel_loop3A_685], %parallel_loop3A_688 {strides = array<i32>} : memref<40x721xf32, #tpu.memory_space<vmem>>, vector<1x16xf32>,
        %parallel_loop3A_689 = arith.index_cast %parallel_loop3A_672 : i32 to index
        %parallel_loop3A_690 = arith.constant 591 : index
        %parallel_loop3A_691 = tpu.vector_load %arg7[%parallel_loop3A_689, %parallel_loop3A_690] {strides = array<i32>} : memref<40x721xf32, #tpu.memory_space<vmem>>, vector<1x16xf32>,
        %parallel_loop3A_692 = vector.shape_cast %parallel_loop3A_691 : vector<1x16xf32> to vector<16xf32>
        %parallel_loop3A_693 = arith.mulf %get3A_608, %parallel_loop3A_692 : vector<16xf32>
        %parallel_loop3A_694 = arith.index_cast %parallel_loop3A_672 : i32 to index
        %parallel_loop3A_695 = arith.constant 592 : index
        %parallel_loop3A_696 = tpu.vector_load %arg7[%parallel_loop3A_694, %parallel_loop3A_695] {strides = array<i32>} : memref<40x721xf32, #tpu.memory_space<vmem>>, vector<1x16xf32>,
        %parallel_loop3A_697 = vector.shape_cast %parallel_loop3A_696 : vector<1x16xf32> to vector<16xf32>
        %parallel_loop3A_698 = arith.mulf %get3A_611, %parallel_loop3A_697 : vector<16xf32>
        %parallel_loop3A_699 = arith.addf %parallel_loop3A_693, %parallel_loop3A_698 : vector<16xf32>
        %parallel_loop3A_700 = arith.index_cast %parallel_loop3A_672 : i32 to index
        %parallel_loop3A_701 = arith.constant 592 : index
        %parallel_loop3A_702 = tpu.vector_load %arg9[%parallel_loop3A_700, %parallel_loop3A_701] {strides = array<i32>} : memref<40x721xf32, #tpu.memory_space<vmem>>, vector<1x16xf32>,
        %parallel_loop3A_703 = vector.shape_cast %parallel_loop3A_702 : vector<1x16xf32> to vector<16xf32>
        %parallel_loop3A_704 = vector.shape_cast %parallel_loop3A_699 : vector<16xf32> to vector<1x16xf32>
        tpu.vector_store %arg9[%parallel_loop3A_700, %parallel_loop3A_701], %parallel_loop3A_704 {strides = array<i32>} : memref<40x721xf32, #tpu.memory_space<vmem>>, vector<1x16xf32>,
        %parallel_loop3A_705 = arith.index_cast %parallel_loop3A_672 : i32 to index
        %parallel_loop3A_706 = arith.constant 607 : index
        %parallel_loop3A_707 = tpu.vector_load %arg7[%parallel_loop3A_705, %parallel_loop3A_706] {strides = array<i32>} : memref<40x721xf32, #tpu.memory_space<vmem>>, vector<1x16xf32>,
        %parallel_loop3A_708 = vector.shape_cast %parallel_loop3A_707 : vector<1x16xf32> to vector<16xf32>
        %parallel_loop3A_709 = arith.mulf %get3A_614, %parallel_loop3A_708 : vector<16xf32>
        %parallel_loop3A_710 = arith.index_cast %parallel_loop3A_672 : i32 to index
        %parallel_loop3A_711 = arith.constant 608 : index
        %parallel_loop3A_712 = tpu.vector_load %arg7[%parallel_loop3A_710, %parallel_loop3A_711] {strides = array<i32>} : memref<40x721xf32, #tpu.memory_space<vmem>>, vector<1x16xf32>,
        %parallel_loop3A_713 = vector.shape_cast %parallel_loop3A_712 : vector<1x16xf32> to vector<16xf32>
        %parallel_loop3A_714 = arith.mulf %get3A_617, %parallel_loop3A_713 : vector<16xf32>
        %parallel_loop3A_715 = arith.addf %parallel_loop3A_709, %parallel_loop3A_714 : vector<16xf32>
        %parallel_loop3A_716 = arith.index_cast %parallel_loop3A_672 : i32 to index
        %parallel_loop3A_717 = arith.constant 608 : index
        %parallel_loop3A_718 = tpu.vector_load %arg9[%parallel_loop3A_716, %parallel_loop3A_717] {strides = array<i32>} : memref<40x721xf32, #tpu.memory_space<vmem>>, vector<1x16xf32>,
        %parallel_loop3A_719 = vector.shape_cast %parallel_loop3A_718 : vector<1x16xf32> to vector<16xf32>
        %parallel_loop3A_720 = vector.shape_cast %parallel_loop3A_715 : vector<16xf32> to vector<1x16xf32>
        tpu.vector_store %arg9[%parallel_loop3A_716, %parallel_loop3A_717], %parallel_loop3A_720 {strides = array<i32>} : memref<40x721xf32, #tpu.memory_space<vmem>>, vector<1x16xf32>,
        %parallel_loop3A_721 = arith.index_cast %parallel_loop3A_672 : i32 to index
        %parallel_loop3A_722 = arith.constant 623 : index
        %parallel_loop3A_723 = tpu.vector_load %arg7[%parallel_loop3A_721, %parallel_loop3A_722] {strides = array<i32>} : memref<40x721xf32, #tpu.memory_space<vmem>>, vector<1x16xf32>,
        %parallel_loop3A_724 = vector.shape_cast %parallel_loop3A_723 : vector<1x16xf32> to vector<16xf32>
        %parallel_loop3A_725 = arith.mulf %get3A_620, %parallel_loop3A_724 : vector<16xf32>
        %parallel_loop3A_726 = arith.index_cast %parallel_loop3A_672 : i32 to index
        %parallel_loop3A_727 = arith.constant 624 : index
        %parallel_loop3A_728 = tpu.vector_load %arg7[%parallel_loop3A_726, %parallel_loop3A_727] {strides = array<i32>} : memref<40x721xf32, #tpu.memory_space<vmem>>, vector<1x16xf32>,
        %parallel_loop3A_729 = vector.shape_cast %parallel_loop3A_728 : vector<1x16xf32> to vector<16xf32>
        %parallel_loop3A_730 = arith.mulf %get3A_623, %parallel_loop3A_729 : vector<16xf32>
        %parallel_loop3A_731 = arith.addf %parallel_loop3A_725, %parallel_loop3A_730 : vector<16xf32>
        %parallel_loop3A_732 = arith.index_cast %parallel_loop3A_672 : i32 to index
        %parallel_loop3A_733 = arith.constant 624 : index
        %parallel_loop3A_734 = tpu.vector_load %arg9[%parallel_loop3A_732, %parallel_loop3A_733] {strides = array<i32>} : memref<40x721xf32, #tpu.memory_space<vmem>>, vector<1x16xf32>,
        %parallel_loop3A_735 = vector.shape_cast %parallel_loop3A_734 : vector<1x16xf32> to vector<16xf32>
        %parallel_loop3A_736 = vector.shape_cast %parallel_loop3A_731 : vector<16xf32> to vector<1x16xf32>
        tpu.vector_store %arg9[%parallel_loop3A_732, %parallel_loop3A_733], %parallel_loop3A_736 {strides = array<i32>} : memref<40x721xf32, #tpu.memory_space<vmem>>, vector<1x16xf32>,
        %parallel_loop3A_737 = arith.index_cast %parallel_loop3A_672 : i32 to index
        %parallel_loop3A_738 = arith.constant 639 : index
        %parallel_loop3A_739 = tpu.vector_load %arg7[%parallel_loop3A_737, %parallel_loop3A_738] {strides = array<i32>} : memref<40x721xf32, #tpu.memory_space<vmem>>, vector<1x16xf32>,
        %parallel_loop3A_740 = vector.shape_cast %parallel_loop3A_739 : vector<1x16xf32> to vector<16xf32>
        %parallel_loop3A_741 = arith.mulf %get3A_626, %parallel_loop3A_740 : vector<16xf32>
        %parallel_loop3A_742 = arith.index_cast %parallel_loop3A_672 : i32 to index
        %parallel_loop3A_743 = arith.constant 640 : index
        %parallel_loop3A_744 = tpu.vector_load %arg7[%parallel_loop3A_742, %parallel_loop3A_743] {strides = array<i32>} : memref<40x721xf32, #tpu.memory_space<vmem>>, vector<1x16xf32>,
        %parallel_loop3A_745 = vector.shape_cast %parallel_loop3A_744 : vector<1x16xf32> to vector<16xf32>
        %parallel_loop3A_746 = arith.mulf %get3A_629, %parallel_loop3A_745 : vector<16xf32>
        %parallel_loop3A_747 = arith.addf %parallel_loop3A_741, %parallel_loop3A_746 : vector<16xf32>
        %parallel_loop3A_748 = arith.index_cast %parallel_loop3A_672 : i32 to index
        %parallel_loop3A_749 = arith.constant 640 : index
        %parallel_loop3A_750 = tpu.vector_load %arg9[%parallel_loop3A_748, %parallel_loop3A_749] {strides = array<i32>} : memref<40x721xf32, #tpu.memory_space<vmem>>, vector<1x16xf32>,
        %parallel_loop3A_751 = vector.shape_cast %parallel_loop3A_750 : vector<1x16xf32> to vector<16xf32>
        %parallel_loop3A_752 = vector.shape_cast %parallel_loop3A_747 : vector<16xf32> to vector<1x16xf32>
        tpu.vector_store %arg9[%parallel_loop3A_748, %parallel_loop3A_749], %parallel_loop3A_752 {strides = array<i32>} : memref<40x721xf32, #tpu.memory_space<vmem>>, vector<1x16xf32>,
        %parallel_loop3A_753 = arith.index_cast %parallel_loop3A_672 : i32 to index
        %parallel_loop3A_754 = arith.constant 655 : index
        %parallel_loop3A_755 = tpu.vector_load %arg7[%parallel_loop3A_753, %parallel_loop3A_754] {strides = array<i32>} : memref<40x721xf32, #tpu.memory_space<vmem>>, vector<1x16xf32>,
        %parallel_loop3A_756 = vector.shape_cast %parallel_loop3A_755 : vector<1x16xf32> to vector<16xf32>
        %parallel_loop3A_757 = arith.mulf %get3A_632, %parallel_loop3A_756 : vector<16xf32>
        %parallel_loop3A_758 = arith.index_cast %parallel_loop3A_672 : i32 to index
        %parallel_loop3A_759 = arith.constant 656 : index
        %parallel_loop3A_760 = tpu.vector_load %arg7[%parallel_loop3A_758, %parallel_loop3A_759] {strides = array<i32>} : memref<40x721xf32, #tpu.memory_space<vmem>>, vector<1x16xf32>,
        %parallel_loop3A_761 = vector.shape_cast %parallel_loop3A_760 : vector<1x16xf32> to vector<16xf32>
        %parallel_loop3A_762 = arith.mulf %get3A_635, %parallel_loop3A_761 : vector<16xf32>
        %parallel_loop3A_763 = arith.addf %parallel_loop3A_757, %parallel_loop3A_762 : vector<16xf32>
        %parallel_loop3A_764 = arith.index_cast %parallel_loop3A_672 : i32 to index
        %parallel_loop3A_765 = arith.constant 656 : index
        %parallel_loop3A_766 = tpu.vector_load %arg9[%parallel_loop3A_764, %parallel_loop3A_765] {strides = array<i32>} : memref<40x721xf32, #tpu.memory_space<vmem>>, vector<1x16xf32>,
        %parallel_loop3A_767 = vector.shape_cast %parallel_loop3A_766 : vector<1x16xf32> to vector<16xf32>
        %parallel_loop3A_768 = vector.shape_cast %parallel_loop3A_763 : vector<16xf32> to vector<1x16xf32>
        tpu.vector_store %arg9[%parallel_loop3A_764, %parallel_loop3A_765], %parallel_loop3A_768 {strides = array<i32>} : memref<40x721xf32, #tpu.memory_space<vmem>>, vector<1x16xf32>,
        %parallel_loop3A_769 = arith.index_cast %parallel_loop3A_672 : i32 to index
        %parallel_loop3A_770 = arith.constant 671 : index
        %parallel_loop3A_771 = tpu.vector_load %arg7[%parallel_loop3A_769, %parallel_loop3A_770] {strides = array<i32>} : memref<40x721xf32, #tpu.memory_space<vmem>>, vector<1x16xf32>,
        %parallel_loop3A_772 = vector.shape_cast %parallel_loop3A_771 : vector<1x16xf32> to vector<16xf32>
        %parallel_loop3A_773 = arith.mulf %get3A_638, %parallel_loop3A_772 : vector<16xf32>
        %parallel_loop3A_774 = arith.index_cast %parallel_loop3A_672 : i32 to index
        %parallel_loop3A_775 = arith.constant 672 : index
        %parallel_loop3A_776 = tpu.vector_load %arg7[%parallel_loop3A_774, %parallel_loop3A_775] {strides = array<i32>} : memref<40x721xf32, #tpu.memory_space<vmem>>, vector<1x16xf32>,
        %parallel_loop3A_777 = vector.shape_cast %parallel_loop3A_776 : vector<1x16xf32> to vector<16xf32>
        %parallel_loop3A_778 = arith.mulf %get3A_641, %parallel_loop3A_777 : vector<16xf32>
        %parallel_loop3A_779 = arith.addf %parallel_loop3A_773, %parallel_loop3A_778 : vector<16xf32>
        %parallel_loop3A_780 = arith.index_cast %parallel_loop3A_672 : i32 to index
        %parallel_loop3A_781 = arith.constant 672 : index
        %parallel_loop3A_782 = tpu.vector_load %arg9[%parallel_loop3A_780, %parallel_loop3A_781] {strides = array<i32>} : memref<40x721xf32, #tpu.memory_space<vmem>>, vector<1x16xf32>,
        %parallel_loop3A_783 = vector.shape_cast %parallel_loop3A_782 : vector<1x16xf32> to vector<16xf32>
        %parallel_loop3A_784 = vector.shape_cast %parallel_loop3A_779 : vector<16xf32> to vector<1x16xf32>
        tpu.vector_store %arg9[%parallel_loop3A_780, %parallel_loop3A_781], %parallel_loop3A_784 {strides = array<i32>} : memref<40x721xf32, #tpu.memory_space<vmem>>, vector<1x16xf32>,
        %parallel_loop3A_785 = arith.index_cast %parallel_loop3A_672 : i32 to index
        %parallel_loop3A_786 = arith.constant 687 : index
        %parallel_loop3A_787 = tpu.vector_load %arg7[%parallel_loop3A_785, %parallel_loop3A_786] {strides = array<i32>} : memref<40x721xf32, #tpu.memory_space<vmem>>, vector<1x16xf32>,
        %parallel_loop3A_788 = vector.shape_cast %parallel_loop3A_787 : vector<1x16xf32> to vector<16xf32>
        %parallel_loop3A_789 = arith.mulf %get3A_644, %parallel_loop3A_788 : vector<16xf32>
        %parallel_loop3A_790 = arith.index_cast %parallel_loop3A_672 : i32 to index
        %parallel_loop3A_791 = arith.constant 688 : index
        %parallel_loop3A_792 = tpu.vector_load %arg7[%parallel_loop3A_790, %parallel_loop3A_791] {strides = array<i32>} : memref<40x721xf32, #tpu.memory_space<vmem>>, vector<1x16xf32>,
        %parallel_loop3A_793 = vector.shape_cast %parallel_loop3A_792 : vector<1x16xf32> to vector<16xf32>
        %parallel_loop3A_794 = arith.mulf %get3A_647, %parallel_loop3A_793 : vector<16xf32>
        %parallel_loop3A_795 = arith.addf %parallel_loop3A_789, %parallel_loop3A_794 : vector<16xf32>
        %parallel_loop3A_796 = arith.index_cast %parallel_loop3A_672 : i32 to index
        %parallel_loop3A_797 = arith.constant 688 : index
        %parallel_loop3A_798 = tpu.vector_load %arg9[%parallel_loop3A_796, %parallel_loop3A_797] {strides = array<i32>} : memref<40x721xf32, #tpu.memory_space<vmem>>, vector<1x16xf32>,
        %parallel_loop3A_799 = vector.shape_cast %parallel_loop3A_798 : vector<1x16xf32> to vector<16xf32>
        %parallel_loop3A_800 = vector.shape_cast %parallel_loop3A_795 : vector<16xf32> to vector<1x16xf32>
        tpu.vector_store %arg9[%parallel_loop3A_796, %parallel_loop3A_797], %parallel_loop3A_800 {strides = array<i32>} : memref<40x721xf32, #tpu.memory_space<vmem>>, vector<1x16xf32>,
        %parallel_loop3A_801 = arith.index_cast %parallel_loop3A_672 : i32 to index
        %parallel_loop3A_802 = arith.constant 704 : index
        %parallel_loop3A_803 = tpu.vector_load %arg7[%parallel_loop3A_801, %parallel_loop3A_802] {strides = array<i32>} : memref<40x721xf32, #tpu.memory_space<vmem>>, vector<1x16xf32>,
        %parallel_loop3A_804 = vector.shape_cast %parallel_loop3A_803 : vector<1x16xf32> to vector<16xf32>
        %parallel_loop3A_805 = arith.mulf %get3A_650, %parallel_loop3A_804 : vector<16xf32>
        %parallel_loop3A_806 = arith.index_cast %parallel_loop3A_672 : i32 to index
        %parallel_loop3A_807 = arith.constant 705 : index
        %parallel_loop3A_808 = tpu.vector_load %arg7[%parallel_loop3A_806, %parallel_loop3A_807] {strides = array<i32>} : memref<40x721xf32, #tpu.memory_space<vmem>>, vector<1x16xf32>,
        %parallel_loop3A_809 = vector.shape_cast %parallel_loop3A_808 : vector<1x16xf32> to vector<16xf32>
        %parallel_loop3A_810 = arith.mulf %get3A_653, %parallel_loop3A_809 : vector<16xf32>
        %parallel_loop3A_811 = arith.addf %parallel_loop3A_805, %parallel_loop3A_810 : vector<16xf32>
        %parallel_loop3A_812 = arith.index_cast %parallel_loop3A_672 : i32 to index
        %parallel_loop3A_813 = arith.constant 705 : index
        %parallel_loop3A_814 = tpu.vector_load %arg9[%parallel_loop3A_812, %parallel_loop3A_813] {strides = array<i32>} : memref<40x721xf32, #tpu.memory_space<vmem>>, vector<1x16xf32>,
        %parallel_loop3A_815 = vector.shape_cast %parallel_loop3A_814 : vector<1x16xf32> to vector<16xf32>
        %parallel_loop3A_816 = vector.shape_cast %parallel_loop3A_811 : vector<16xf32> to vector<1x16xf32>
        tpu.vector_store %arg9[%parallel_loop3A_812, %parallel_loop3A_813], %parallel_loop3A_816 {strides = array<i32>} : memref<40x721xf32, #tpu.memory_space<vmem>>, vector<1x16xf32>,
        %parallel_loop3A_817 = arith.index_cast %parallel_loop3A_672 : i32 to index
        %parallel_loop3A_818 = arith.constant 703 : index
        %parallel_loop3A_819 = tpu.vector_load %arg7[%parallel_loop3A_817, %parallel_loop3A_818] {strides = array<i32>} : memref<40x721xf32, #tpu.memory_space<vmem>>, vector<1x16xf32>,
        %parallel_loop3A_820 = vector.shape_cast %parallel_loop3A_819 : vector<1x16xf32> to vector<16xf32>
        %parallel_loop3A_821 = arith.mulf %get3A_656, %parallel_loop3A_820 : vector<16xf32>
        %parallel_loop3A_822 = arith.index_cast %parallel_loop3A_672 : i32 to index
        %parallel_loop3A_823 = arith.constant 704 : index
        %parallel_loop3A_824 = tpu.vector_load %arg7[%parallel_loop3A_822, %parallel_loop3A_823] {strides = array<i32>} : memref<40x721xf32, #tpu.memory_space<vmem>>, vector<1x16xf32>,
        %parallel_loop3A_825 = vector.shape_cast %parallel_loop3A_824 : vector<1x16xf32> to vector<16xf32>
        %parallel_loop3A_826 = arith.mulf %get3A_659, %parallel_loop3A_825 : vector<16xf32>
        %parallel_loop3A_827 = arith.addf %parallel_loop3A_821, %parallel_loop3A_826 : vector<16xf32>
        %parallel_loop3A_828 = arith.index_cast %parallel_loop3A_672 : i32 to index
        %parallel_loop3A_829 = arith.constant 704 : index
        %parallel_loop3A_830 = tpu.vector_load %arg9[%parallel_loop3A_828, %parallel_loop3A_829] {strides = array<i32>} : memref<40x721xf32, #tpu.memory_space<vmem>>, vector<1x16xf32>,
        %parallel_loop3A_831 = vector.shape_cast %parallel_loop3A_830 : vector<1x16xf32> to vector<16xf32>
        %parallel_loop3A_832 = vector.shape_cast %parallel_loop3A_827 : vector<16xf32> to vector<1x16xf32>
        tpu.vector_store %arg9[%parallel_loop3A_828, %parallel_loop3A_829], %parallel_loop3A_832 {strides = array<i32>} : memref<40x721xf32, #tpu.memory_space<vmem>>, vector<1x16xf32>,
      } {sc.loop_unroll_factor = 2 : i64, sc.parallel_access}
      %mul3A_663 = arith.constant 40 : i32
      %mul3A_664 = arith.muli %add3A_35, %mul3A_663 : i32
      %dma_start3A_665 = arith.constant 0 : i32
      %dma_start3A_666 = arith.constant 0 : i32
      %dma_start3A_667 = tpu.memref_slice %arg4[%dma_start3A_665, %add3A, %mul3A_664, %dma_start3A_666] : memref<1x32x1440x721xf32, #tpu.memory_space<hbm>> -> memref<1x1x40x721xf32, #tpu.memory_space<hbm>>
      %dma_start3A_668 = tpu.memref_squeeze %dma_start3A_667 : memref<1x1x40x721xf32, #tpu.memory_space<hbm>> -> memref<40x721xf32, #tpu.memory_space<hbm>>
      %dma_start3A_669 = arith.constant 0 : i32
      %dma_start3A_670 = tpu.memref_slice %arg4[%dma_start3A_665, %add3A, %mul3A_664, %dma_start3A_669] : memref<1x32x1440x721xf32, #tpu.memory_space<hbm>> -> memref<1x1x40x721xf32, #tpu.memory_space<hbm>>
      %dma_start3A_671 = tpu.memref_squeeze %dma_start3A_670 : memref<1x1x40x721xf32, #tpu.memory_space<hbm>> -> memref<40x721xf32, #tpu.memory_space<hbm>>
      tpu.enqueue_dma source(%arg9 : memref<40x721xf32, #tpu.memory_space<vmem>>) target(%dma_start3A_671 : memref<40x721xf32, #tpu.memory_space<hbm>>) target_semaphore(%arg14 : memref<!tpu.dma_semaphore, #tpu.memory_space<semaphore_mem>>)
    }
    %scan3A_13 = arith.constant 18 : i32
    %dma_wait3A = arith.constant 0 : i32
    %dma_wait3A_14 = arith.constant 0 : i32
    %dma_wait3A_15 = arith.constant 0 : i32
    %dma_wait3A_16 = tpu.memref_slice %arg4[%dma_wait3A, %add3A, %dma_wait3A_14, %dma_wait3A_15] : memref<1x32x1440x721xf32, #tpu.memory_space<hbm>> -> memref<1x1x40x721xf32, #tpu.memory_space<hbm>>
    %dma_wait3A_17 = tpu.memref_squeeze %dma_wait3A_16 : memref<1x1x40x721xf32, #tpu.memory_space<hbm>> -> memref<40x721xf32, #tpu.memory_space<hbm>>
    %dma_wait3A_18 = arith.constant 0 : i32
    %dma_wait3A_19 = arith.constant 0 : i32
    %dma_wait3A_20 = tpu.memref_slice %arg4[%dma_wait3A, %add3A, %dma_wait3A_18, %dma_wait3A_19] : memref<1x32x1440x721xf32, #tpu.memory_space<hbm>> -> memref<1x1x40x721xf32, #tpu.memory_space<hbm>>
    %dma_wait3A_21 = tpu.memref_squeeze %dma_wait3A_20 : memref<1x1x40x721xf32, #tpu.memory_space<hbm>> -> memref<40x721xf32, #tpu.memory_space<hbm>>
    tpu.wait_dma2 semaphore(%arg13 : memref<!tpu.dma_semaphore, #tpu.memory_space<semaphore_mem>>) src(%arg8 : memref<40x721xf32, #tpu.memory_space<vmem>>) dst(%dma_wait3A_21 : memref<40x721xf32, #tpu.memory_space<hbm>>)
    %dma_wait3A_22 = arith.constant 0 : i32
    %dma_wait3A_23 = arith.constant 0 : i32
    %dma_wait3A_24 = arith.constant 0 : i32
    %dma_wait3A_25 = tpu.memref_slice %arg4[%dma_wait3A_22, %add3A, %dma_wait3A_23, %dma_wait3A_24] : memref<1x32x1440x721xf32, #tpu.memory_space<hbm>> -> memref<1x1x40x721xf32, #tpu.memory_space<hbm>>
    %dma_wait3A_26 = tpu.memref_squeeze %dma_wait3A_25 : memref<1x1x40x721xf32, #tpu.memory_space<hbm>> -> memref<40x721xf32, #tpu.memory_space<hbm>>
    %dma_wait3A_27 = arith.constant 0 : i32
    %dma_wait3A_28 = arith.constant 0 : i32
    %dma_wait3A_29 = tpu.memref_slice %arg4[%dma_wait3A_22, %add3A, %dma_wait3A_27, %dma_wait3A_28] : memref<1x32x1440x721xf32, #tpu.memory_space<hbm>> -> memref<1x1x40x721xf32, #tpu.memory_space<hbm>>
    %dma_wait3A_30 = tpu.memref_squeeze %dma_wait3A_29 : memref<1x1x40x721xf32, #tpu.memory_space<hbm>> -> memref<40x721xf32, #tpu.memory_space<hbm>>
    tpu.wait_dma2 semaphore(%arg14 : memref<!tpu.dma_semaphore, #tpu.memory_space<semaphore_mem>>) src(%arg9 : memref<40x721xf32, #tpu.memory_space<vmem>>) dst(%dma_wait3A_30 : memref<40x721xf32, #tpu.memory_space<hbm>>)
    return
  }
}

</mosaic_0001>

<sc_bundles>
// kernel: kernel.3.cloned.1.call-start
scs
__scs_entry_jumppad:
0x0: {  	(pc) =	sbr.rel $0x88, $3  }
0x1: {  	(tag) =	ssettag $0x0;
	lr =	simm.s32 $0x1  }
0x2: {  	[smem:$0x3F9E] =	sst lr;
	_ =	strace $0xD0000000  }
0x3: {  	_ = 	snop  }
0x4: {  	_ = 	snop  }
0x5: {  	_ = 	snop  }
0x6: {  	_ = 	snop  }
0x7: {  	_ = 	snop  }
__scs_overlays_trampoline_lowered:
0x8: {  	[smem:$0x3FAD] =	sst s0  }
0x9: {  	[smem:$0x3FAE] =	sst s1  }
0xa: {  	[smem:$0x3FAF] =	sst s2  }
0xb: {  	[smem:$0x3FB0] =	sst s3  }
0xc: {  	[smem:$0x3FB1] =	sst s4  }
0xd: {  	[smem:$0x3FB2] =	sst s5  }
0xe: {  	[smem:$0x3FB3] =	sst s6  }
0xf: {  	[smem:$0x3FB4] =	sst s7  }
0x10: {  	[smem:$0x3FB5] =	sst s8  }
0x11: {  	[smem:$0x3FB6] =	sst s9;
	s0 =	simm.s32 @!p0 $0x0  }
0x12: {  	s1 =	sld [smem:$0x3F9C];
	s0 =	simm.s32 @p0 $0x1  }
0x13: {  	[smem:$0x3FB7] =	sst s0;
	s0 =	simm.s32 @!p1 $0x0  }
0x14: {  	s2 =	sld [smem:$0x3F9B];
	s0 =	simm.s32 @p1 $0x1  }
0x15: {  	[smem:$0x3FB8] =	sst s0;
	s0 =	simm.s32 @!p2 $0x0  }
0x16: {  	s3 =	sld [smem:$0x3FDB];
	s0 =	simm.s32 @p2 $0x1  }
0x17: {  	s4 =	simm.s32 $0x1BF5;
	[smem:$0x3FBA] =	sst s0  }
0x18: {  	s0 =	sld [smem:$0x3F9D];
	_ =	swait.ge [sflag:s4], $0x0  }
0x19: {  	s7 =	sld [smem:$0x3F9E]  }
0x1a: {  	s8 =	sadd.s32 $0xFFFFE003, lr  }
0x1b: {  	s9 =	sadd.s32 $0xFFFFFEF7, lr;
	s5 =	simm.s32 $0xFFFFFFFF;
	p2 =	slt.u32 s8, $0xFFFFF086  }
0x1c: {  	p1 =	slt.u32 s9, $0xF7A;
	s5 =	simm.s32 @!p2 $0x0  }
0x1d: {  	s5 =	simm.s32 @p1 $0x1;
	p0 =	seq.s32 s7, s2  }
0x1e: {  	s7 =	smul.u32 @!p0 $0xF7A, s2;
	p2 =	seq.s32 @!p0 s5, $0x0  }
0x1f: {  	s9 =	smul.u32 $0xF7A, s1;
	s8 =	simm.s32 @!p0 $0x1BF5;
	p2 =	por !p2, p0  }
0x20: {  	[sflag:s8] =	ssyncset.s32 @!p0 $0xFFFFF086;
	s6 =	sadd.s32 @!p0 s3, s7;
	s7 =	simm.s32 @!p0 $0x108  }
0x21: {  	s3 =	sadd.s32 s3, s9;
	s6 =	sadd.s32 @!p0 $0x88, s6;
	s7 =	simm.s32 @p2 $0x1082  }
0x22: {  	[simem:s7], [sflag:s8] =	dma.local @!p0 [hbm:s6], $0xF7A  }
0x23: {  	s9 =	sor.u32 $0xD0000000, s2;
	s6 =	simm.s32 $0x108;
	_ =	swait.ge @!p0 [sflag:s8], $0x0  }
0x24: {  	s3 =	sadd.s32 $0x88, s3;
	s6 =	simm.s32 @!p1 $0x1082;
	[sflag:s4] =	ssyncset.s32 $0xFFFFF086  }
0x25: {  	[simem:s6], [sflag:s4] =	dma.local [hbm:s3], $0xF7A  }
0x26: {  	[smem:$0x3F9E] =	sst s1;
	(tag) =	ssettag s2;
	_ =	strace s9  }
0x27: {  	s1 =	sld [smem:$0x3FAE]  }
0x28: {  	s2 =	sld [smem:$0x3FAF]  }
0x29: {  	s4 =	sld [smem:$0x3FB1]  }
0x2a: {  	p0 =	seq.s32 s5, $0x0;
	s5 =	sld [smem:$0x3FB2]  }
0x2b: {  	s6 =	sld [smem:$0x3FB3]  }
0x2c: {  	s7 =	sld [smem:$0x3FB4]  }
0x2d: {  	s3 =	simm.s32 $0x108;
	s8 =	sld [smem:$0x3FB5]  }
0x2e: {  	s3 =	simm.s32 @!p0 $0x1082;
	s9 =	sld [smem:$0x3FB6]  }
0x2f: {  	lr =	sadd.s32 s0, s3;
	s0 =	sld [smem:$0x3FAD]  }
0x30: {  	s3 =	sld [smem:$0x3FB0]  }
0x31: {  	[smem:$0x3FB9] =	sst s10  }
0x32: {  	s10 =	sld [smem:$0x3FB7];
	_ =	sdelay $0x3  }
0x33: {  	p0 =	seq.s32 s10, $0x1;
	s10 =	sld [smem:$0x3FB9];
	_ =	sdelay $0x3  }
0x34: {  	[smem:$0x3FB9] =	sst s10  }
0x35: {  	s10 =	sld [smem:$0x3FB8];
	_ =	sdelay $0x3  }
0x36: {  	p1 =	seq.s32 s10, $0x1;
	s10 =	sld [smem:$0x3FB9];
	_ =	sdelay $0x3  }
0x37: {  	[smem:$0x3FB9] =	sst s10  }
0x38: {  	s10 =	sld [smem:$0x3FBA]  }
0x39: {  	_ = 	snop;
	(pc) =	sbr.ind lr, $3  }
0x3a: {  	_ = 	snop  }
0x3b: {  	_ = 	snop  }
0x3c: {  	p2 =	seq.s32 s10, $0x1;
	s10 =	sld [smem:$0x3FB9]  }
0x3d: {  	_ =	shalt  }
0x3e: {  	_ =	shalt  }
0x3f: {  	_ =	shalt  }
0x40: {  	_ =	shalt  }
0x41: {  	_ =	shalt  }
0x42: {  	_ =	shalt  }
0x43: {  	_ =	shalt  }
0x44: {  	_ =	shalt  }
0x45: {  	_ =	shalt  }
0x46: {  	_ =	shalt  }
0x47: {  	_ =	shalt  }
0x48: {  	_ =	shalt  }
0x49: {  	_ =	shalt  }
0x4a: {  	_ =	shalt  }
0x4b: {  	_ =	shalt  }
0x4c: {  	_ =	shalt  }
0x4d: {  	_ =	shalt  }
0x4e: {  	_ =	shalt  }
0x4f: {  	_ =	shalt  }
0x50: {  	_ =	shalt  }
0x51: {  	_ =	shalt  }
0x52: {  	_ =	shalt  }
0x53: {  	_ =	shalt  }
0x54: {  	_ =	shalt  }
0x55: {  	_ =	shalt  }
0x56: {  	_ =	shalt  }
0x57: {  	_ =	shalt  }
0x58: {  	_ =	shalt  }
0x59: {  	_ =	shalt  }
0x5a: {  	_ =	shalt  }
0x5b: {  	_ =	shalt  }
0x5c: {  	_ =	shalt  }
0x5d: {  	_ =	shalt  }
0x5e: {  	_ =	shalt  }
0x5f: {  	_ =	shalt  }
0x60: {  	_ =	shalt  }
0x61: {  	_ =	shalt  }
0x62: {  	_ =	shalt  }
0x63: {  	_ =	shalt  }
0x64: {  	_ =	shalt  }
0x65: {  	_ =	shalt  }
0x66: {  	_ =	shalt  }
0x67: {  	_ =	shalt  }
0x68: {  	_ =	shalt  }
0x69: {  	_ =	shalt  }
0x6a: {  	_ =	shalt  }
0x6b: {  	_ =	shalt  }
0x6c: {  	_ =	shalt  }
0x6d: {  	_ =	shalt  }
0x6e: {  	_ =	shalt  }
0x6f: {  	_ =	shalt  }
0x70: {  	_ =	shalt  }
0x71: {  	_ =	shalt  }
0x72: {  	_ =	shalt  }
0x73: {  	_ =	shalt  }
0x74: {  	_ =	shalt  }
0x75: {  	_ =	shalt  }
0x76: {  	_ =	shalt  }
0x77: {  	_ =	shalt  }
0x78: {  	_ =	shalt  }
0x79: {  	_ =	shalt  }
0x7a: {  	_ =	shalt  }
0x7b: {  	_ =	shalt  }
0x7c: {  	_ =	shalt  }
0x7d: {  	_ =	shalt  }
0x7e: {  	_ =	shalt  }
0x7f: {  	_ =	shalt  }
0x80: {  	_ =	shalt  }
0x81: {  	_ =	shalt  }
0x82: {  	_ =	shalt  }
0x83: {  	_ =	shalt  }
0x84: {  	_ =	shalt  }
0x85: {  	_ =	shalt  }
0x86: {  	_ =	shalt  }
0x87: {  	_ =	shalt  }
.Lfunc_end0:
.L_simem_size_0:
called_computation_lowered:
.L_overlay_start_0:
0x88: {  	s2 =	sld [smem:$0x3FD9]  }
0x89: {  	s3 =	sld [smem:$0x3FFE];
	_ =	sdelay $0x1  }
0x8a: {  	s1 =	srdreg.scid  }
0x8b: {  	s0 =	sand.u32 $0x1, s1  }
0x8c: {  	s17 =	sshll.u32 s0, $0xA;
	s2 =	sadd.s32 s3, s2  }
0x8d: {  	s2 =	sadd.s32 s2, s17  }
0x8e: {  	[smem:$0x3FC5] =	sst s2  }
0x8f: {  	_ = 	snop  }
0x90: {  	s2 =	sld [smem:$0x3FC9]  }
0x91: {  	s18 =	sld [smem:$0x3FD0];
	(tm) =	ssettm $0x1  }
0x92: {  	s4 =	sld [smem:$0x3FFB];
	_ =	sdelay $0x3  }
0x93: {  	_ =	strace s4  }
0x94: {  	s4 =	sld [smem:$0x3FFC];
	_ =	sdelay $0x3  }
0x95: {  	_ =	strace s4  }
0x96: {  	s4 =	sld [smem:$0x3FFD];
	_ =	sdelay $0x3  }
0x97: {  	_ =	strace s4  }
0x98: {  	_ =	strace $0x8FFFFFFF  }
0x99: {  	s19 =	sld [smem:$0x3FDB];
	_ =	sdelay $0x1  }
0x9a: {  	s5 =	simm.s32 $_scs_section_size  }
0x9b: {  	s6 =	simm.s32 $_size__tile_overlayer_lowered;
	s7 =	simm.s32 $_tile_overlayer_lowered  }
0x9c: {  	s22 =	simm.s32 $0x1BFF;
	s21 =	sshll.u32 s7, $0x1;
	s4 =	sadd.s32 s5, s19  }
0x9d: {  	s8 =	simm.s32 $0x0;
	s20 =	sshll.u32 s6, $0x1;
	s6 =	sadd.s32 s21, s4  }
0x9e: {  	[timem:s8], [sflag:s22] =	dma.local [hbm:s6], s20  }
0x9f: {  	_ =	swait.ge [sflag:s22], s20  }
0xa0: {  	s5 =	ssub.s32 $0x0, s20;
	[sflag:s22] =	ssyncset.done $0x0  }
0xa1: {  	[sflag:s22] =	ssyncadd.s32 s5;
	_ =	sdelay $0x1  }
0xa2: {  	s23 =	simm.s32 $0x1B8B  }
0xa3: {  	_ =	swait.ge [sflag:s23], $0x1  }
0xa4: {  	[sflag:s23] =	ssyncset.done $0x0  }
0xa5: {  	s25 =	simm.s32 $0x1B8E;
	s24 =	sld [smem:$0x3FFE];
	[sflag:s23] =	ssyncadd.s32 $0xFFFFFFFF  }
0xa6: {  	s26 =	simm.s32 $execute0_lowered;
	[smem:$0x3FD2] =	sst s25  }
0xa7: {  	s6 =	sshll.u32 s26, $0x1;
	_ =	strace $0x80000046;
	[dreg:$0x1] =	wrdreg $0xFFFFFFFF  }
0xa8: {  	s28 =	simm.s32 $_size_execute0_lowered;
	s4 =	sadd.s32 s4, s6;
	[dreg:$0x0] =	wrdreg $0x0  }
0xa9: {  	s6 =	sshll.u32 s28, $0x1;
	[dreg:$0x2] =	wrdreg s4  }
0xaa: {  	[dreg:$0x3] =	wrdreg s6  }
0xab: {  	[dreg:$0x4] =	wrdreg $0xC0  }
0xac: {  	_ =	task [dreg:s8], $0x5FFFF  }
0xad: {  	[dreg:$0x1] =	wrdreg $0xFFFFFFFF  }
0xae: {  	[dreg:$0x0] =	wrdreg $0x60  }
0xaf: {  	[dreg:$0x2] =	wrdreg s2  }
0xb0: {  	[dreg:$0x3] =	wrdreg s24  }
0xb1: {  	[dreg:$0x4] =	wrdreg s18  }
0xb2: {  	[dreg:$0x5] =	wrdreg $0x9  }
0xb3: {  	_ =	task.clear_ibuf [dreg:s8], $0x6FFFF;
	_ =	strace $0x90000046  }
0xb4: {  	s29 =	simm.s32 $0x9;
	_ =	strace $0x80000048  }
0xb5: {  	_ =	swait.ge [sflag:s29], $0x1  }
0xb6: {  	[sflag:s29] =	ssyncadd.s32 $0xFFFFFFFF  }
0xb7: {  	_ =	strace $0x90000048  }
0xb8: {  	_ =	sfence  }
0xb9: {  	s30 =	sld [smem:$0x0];
	_ =	sdelay $0x2  }
0xba: {  	s31 =	sshll.u32 s1, $0xD;
	s1 =	sshrl.u32 s1, $0x2  }
0xbb: {  	s3 =	sand.u32 $0x4000, s31;
	s1 =	sadd.s32 s1, s30  }
0xbc: {  	s0 =	sor.u32 s3, s0;
	s1 =	sshll.u32 s1, $0x11  }
0xbd: {  	s0 =	sor.u32 s1, s0  }
0xbe: {  	s0 =	sadd.s32 $0x8F2B, s0  }
0xbf: {  	[sflag:s0] =	ssyncadd.remote.s32 $0x1  }
0xc0: {  	_ =	sfence.sel $0xFFFF  }
0xc1: {  	[dreg:$0x0] =	wrdreg $0xFFFFFFFF;
	(pc) =	sbr.abs _section_cstart, $3  }
0xc2: {  	[dreg:$0x1] =	wrdreg $0xFFFFFFFF  }
0xc3: {  	_ =	task.clear_ibuf [dreg:s8], $0x2FFFF;
	_ =	strace $0x9FFFFFFF  }
0xc4: {  	(tm) =	ssettm $0x7FFFFFFF  }
0xc5: {  	_ =	shalt  }
tec
execute0_lowered:
.L_overlay_start_1:
0x0: {  	(tag) =	ssettag $0x1  }
0x1: {  	s1 =	rddreg [dreg:$0x0]  }
0x2: {  	s0 =	rddreg [dreg:$0x1];
	s2 =	srdreg.scid  }
0x3: {  	s4 =	stileid.u32;
	v0 =	vimm.s32 $0xFEDCBA9;
	s3 =	rddreg [dreg:$0x2];
	v1 =	vimm.s32 $0x87654321;
	s10 =	simm.s32 $0x1  }
0x4: {  	v2 =	vimm.s32 $0xEDCBA987;
	v3 =	vimm.s32 $0x6543210F;
	s11 =	simm.s32 $0x2;
	s12 =	simm.s32 $0x8100;
	s13 =	simm.s32 $0xF900;
	v0 =	vunpack.c.l.s4.s8 v0  }
0x5: {  	s14 =	simm.s32 $0x3;
	s2 =	sand.u32 $0x1, s2;
	s5 =	sshll.u32 s4, $0x1;
	v1 =	vunpack.c.l.s4.s8 v1;
	v2 =	vunpack.c.l.s4.s8 v2;
	v3 =	vunpack.c.l.s4.s8 v3  }
0x6: {  	s15 =	simm.s32 $0x17100;
	s16 =	simm.s32 $0x4;
	s5 =	sor.u32 s2, s5;
	v0 =	vunpack.c.0.s8.s32 v0  }
0x7: {  	s17 =	simm.s32 $0x5;
	s4 =	simm.s32 $0x0;
	s5 =	smul.u32 $0x10E000, s5;
	v1 =	vunpack.c.0.s8.s32 v1;
	v2 =	vunpack.c.0.s8.s32 v2;
	v3 =	vunpack.c.0.s8.s32 v3  }
0x8: {  	s0 =	sadd.s32 $0x600, s0;
	[smem:$0x7FF] =	sst s4;
	s2 =	ssub.s32 $0x2, s2  }
0x9: {  	_ =	strace $0x80000047;
	s6 =	sshrl.u32 s2, $0x1;
	s31 =	sshrl.u32 s5, $0x3;
	v0 =	vcombine.low v1, v0;
	v1 =	vcombine.low v3, v2  }
0xa: {  	vm0 =	vmmov $0x7fff;
	[dreg:$0x4] =	wrdreg s0;
	s30 =	ssub.s32 s2, s6;
	s2 =	sadd.s32 s1, s31  }
0xb: {  	vm1 =	vmmov $0x1;
	s18 =	simm.s32 $0x0;
	s8 =	smax.u32 s30, $0x1;
	[dreg:$0x5] =	wrdreg s2;
	v0 =	vand.u32 $0xF, v0;
	v1 =	vand.u32 $0xF, v1  }
.LBB2_1:
0xc: {  	s0 =	rddreg [dreg:$0x4]  }
0xd: {  	[tilespmem:s4], [sflag:$0x1] =	stream.linear.gather [hbm4b:s0+s4], $0x900, $0x38;
	[tilespmem:$0x1E900] =	vst v63  }
0xe: {  	s31 =	rddreg [dreg:$0x5];
	s2 =	simm.s32 $0x900  }
0xf: {  	[tilespmem:s2], [sflag:$0x2] =	stream.linear.gather [hbm4b:s31+s4], $0x7800, $0x38;
	[tilespmem:$0x1E900] =	vst v63  }
0x10: {  	_ =	swait.ge [sflag:s10], $0x900  }
0x11: {  	[sflag:s10] =	ssyncset.done $0x0  }
0x12: {  	s19 =	simm.s32 $0x0;
	[sflag:s10] =	ssyncadd.s32 $0xFFFFF700  }
.LBB2_2:
0x13: {  	s21 =	smul.u32 $0x50, s19;
	_ =	sdelay $0x1  }
0x14: {  	s0 =	sadd.s32 $0x28, s21  }
0x15: {  	s0 =	sshrl.u32 s0, $0x3  }
0x16: {  	s0 =	smul.u32 $0x1800, s0;
	_ =	sdelay $0x1  }
0x17: {  	_ =	swait.ge [sflag:s11], $0x7800;
	s0 =	sadd.s32 s5, s0  }
0x18: {  	[sflag:s11] =	ssyncset.done $0x0;
	s20 =	sshrl.u32 s0, $0x3  }
0x19: {  	p0 =	seq.s32 s19, $0x0;
	[sflag:s11] =	ssyncadd.s32 $0xFFFF8800;
	s0 =	sadd.s32 s1, s20  }
0x1a: {  	[tilespmem:s12], [sflag:$0x3] =	stream.linear.gather [hbm4b:s0+s4], $0x7800, $0x38;
	[tilespmem:$0x1E900] =	vst v63  }
0x1b: {  	s0 =	simm.s32 @!p0 $0x4  }
0x1c: {  	_ =	swait.ge @!p0 [sflag:s0], $0x7800  }
0x1d: {  	[sflag:s0] =	ssyncset.done @!p0 $0x0  }
0x1e: {  	[sflag:s0] =	ssyncadd.s32 @!p0 $0xFFFF8800  }
0x1f: {  	v14 =	vld [tilespmem:$0x2E0]  }
0x20: {  	v15 =	vld [tilespmem:$0x5C0]  }
0x21: {  	v16 =	vld [tilespmem:$0x2F0]  }
0x22: {  	v17 =	vld [tilespmem:$0x5D0]  }
0x23: {  	v18 =	vld [tilespmem:$0x300]  }
0x24: {  	v20 =	vld [tilespmem:$0x5E0]  }
0x25: {  	v21 =	vld [tilespmem:$0x310]  }
0x26: {  	v22 =	vld [tilespmem:$0x5F0]  }
0x27: {  	v23 =	vld [tilespmem:$0x320]  }
0x28: {  	v19 =	vld [tilespmem:$0x600]  }
0x29: {  	v13 =	vld [tilespmem:$0x330]  }
0x2a: {  	v12 =	vld [tilespmem:$0x610]  }
0x2b: {  	v11 =	vld [tilespmem:$0x340]  }
0x2c: {  	v10 =	vld [tilespmem:$0x620]  }
0x2d: {  	v9 =	vld [tilespmem:$0x350]  }
0x2e: {  	v8 =	vld [tilespmem:$0x630]  }
0x2f: {  	v7 =	vld [tilespmem:$0x360]  }
0x30: {  	v6 =	vld [tilespmem:$0x640]  }
0x31: {  	s31 =	simm.s32 $0x0;
	v4 =	vld [tilespmem:$0x370]  }
0x32: {  	s23 =	simm.s32 $0x0;
	s0 =	smul.u32 $0x1800, s31;
	v5 =	vld [tilespmem:$0x650]  }
0x33: {  	s2 =	sand.u32 $0x300, s23;
	v24 =	vld [tilespmem:$0x390]  }
0x34: {  	v25 =	vld [tilespmem:$0x670];
	s22 =	sor.u32 s2, s0  }
0x35: {  	v26 =	vld [tilespmem:s22+$0xDB0]  }
0x36: {  	v27 =	vld.msk [tilespmem:s22+$0xDC0], $0x1  }
0x37: {  	v28 =	vld [tilespmem:s22+$0x900]  }
0x38: {  	v29 =	vld.msk [tilespmem:s22+$0x910], $0x1  }
0x39: {  	v30 =	vld [tilespmem:s22+$0x910]  }
0x3a: {  	v31 =	vld.msk [tilespmem:s22+$0x920], $0x1  }
0x3b: {  	v32 =	vld [tilespmem:s22+$0x920]  }
0x3c: {  	v34 =	vld.msk [tilespmem:s22+$0x930], $0x1;
	v33 =	vperm.xlane v26, v0;
	v27 =	vperm.xlane v27, v0  }
0x3d: {  	v36 =	vld [tilespmem:s22+$0x930];
	v35 =	vperm.xlane v28, v0;
	v29 =	vperm.xlane v29, v0  }
0x3e: {  	v37 =	vld [tilespmem:s22+$0x940];
	v28 =	vmul.f32 v28, v14;
	v26 =	vmul.f32 v26, v24  }
0x3f: {  	v54 =	vld.msk [tilespmem:s22+$0x940], $0x1;
	v55 =	vperm.xlane v30, v0;
	v31 =	vperm.xlane v31, v0  }
0x40: {  	v38 =	vld.msk [tilespmem:s22+$0x950], $0x1;
	v39 =	vperm.xlane v32, v0;
	v30 =	vmul.f32 v30, v16  }
0x41: {  	v2 =	vld [tilespmem:$0x380];
	v34 =	vperm.xlane v34, v0;
	v27 =	vsel vm0, v33, v27;
	v29 =	vsel vm0, v35, v29  }
0x42: {  	v3 =	vld [tilespmem:$0x660];
	v27 =	vmul.f32 v27, v25;
	v29 =	vmul.f32 v29, v15  }
0x43: {  	v58 =	vld [tilespmem:s22+$0x970];
	v56 =	vperm.xlane v36, v0;
	v59 =	vperm.xlane v37, v0;
	v31 =	vsel vm0, v55, v31  }
0x44: {  	v31 =	vmul.f32 v31, v17;
	v26 =	vadd.f32 v27, v26;
	v27 =	vld [tilespmem:s22+$0x950];
	v28 =	vadd.f32 v29, v28  }
0x45: {  	v61 =	vperm.xlane v38, v0;
	v57 =	vsel vm0, v39, v34;
	v33 =	vperm.xlane v54, v0;
	v29 =	vld.msk [tilespmem:s22+$0x960], $0x1  }
0x46: {  	v30 =	vadd.f32 v31, v30;
	v31 =	vld.msk [tilespmem:s22+$0x970], $0x1;
	[tilespmem:s22+$0xF900] =	vst v28;
	v28 =	vmul.f32 v32, v18;
	v32 =	vmul.f32 v57, v20  }
0x47: {  	v35 =	vsel vm0, v59, v61;
	v33 =	vsel vm0, v56, v33;
	[tilespmem:s22+$0xFDB0] =	vst v26;
	v26 =	vld [tilespmem:s22+$0x960]  }
0x48: {  	v60 =	vld.msk [tilespmem:s22+$0xD00], $0x1;
	v35 =	vmul.f32 v35, v19;
	v33 =	vmul.f32 v33, v22;
	v28 =	vadd.f32 v32, v28  }
0x49: {  	v62 =	vld [tilespmem:s22+$0xD00];
	[tilespmem:s22+$0xF910] =	vst v30;
	v30 =	vmul.f32 v36, v21;
	v63 =	vperm.xlane v27, v0  }
0x4a: {  	v42 =	vld.msk [tilespmem:s22+$0xD10], $0x1;
	v29 =	vperm.xlane v29, v0;
	[tilespmem:s22+$0xF920] =	vst v28;
	v28 =	vmul.f32 v37, v23  }
0x4b: {  	v43 =	vld [tilespmem:s22+$0xD10];
	v46 =	vperm.xlane v58, v0;
	v30 =	vadd.f32 v33, v30;
	v31 =	vperm.xlane v31, v0  }
0x4c: {  	v45 =	vld [tilespmem:s22+$0xD20];
	v44 =	vperm.xlane v26, v0;
	v29 =	vsel vm0, v63, v29;
	v28 =	vadd.f32 v35, v28  }
0x4d: {  	v27 =	vmul.f32 v27, v13;
	[tilespmem:s22+$0xF930] =	vst v30;
	v30 =	vld.msk [tilespmem:s22+$0xD20], $0x1;
	v29 =	vmul.f32 v29, v12  }
0x4e: {  	v47 =	vld [tilespmem:s22+$0xD30];
	v48 =	vperm.xlane v62, v0;
	[tilespmem:s22+$0xF940] =	vst v28;
	v28 =	vsel vm0, v44, v31;
	v31 =	vperm.xlane v60, v0  }
0x4f: {  	v26 =	vmul.f32 v26, v11;
	v27 =	vadd.f32 v29, v27;
	v29 =	vld.msk [tilespmem:s22+$0xD30], $0x1;
	v28 =	vmul.f32 v28, v10  }
0x50: {  	v50 =	vld [tilespmem:s22+$0x980];
	v49 =	vperm.xlane v43, v0;
	v33 =	vperm.xlane v42, v0;
	v31 =	vsel vm0, v46, v31  }
0x51: {  	[tilespmem:s22+$0xF950] =	vst v27;
	v27 =	vmul.f32 v58, v9;
	v26 =	vadd.f32 v28, v26;
	v28 =	vmul.f32 v31, v8;
	v31 =	vld.msk [tilespmem:s22+$0xD40], $0x1  }
0x52: {  	v52 =	vmul.f32 v43, v4;
	v33 =	vsel vm0, v48, v33;
	v30 =	vperm.xlane v30, v0  }
0x53: {  	v51 =	vld.msk [tilespmem:s22+$0x990], $0x1;
	v36 =	vmul.f32 v62, v7;
	[tilespmem:s22+$0xF960] =	vst v26;
	v26 =	vadd.f32 v28, v27;
	v27 =	vmul.f32 v33, v6  }
0x54: {  	v53 =	vld [tilespmem:s22+$0x990];
	v30 =	vsel vm0, v49, v30;
	v28 =	vperm.xlane v45, v0;
	v29 =	vperm.xlane v29, v0  }
0x55: {  	v38 =	vmul.f32 v50, v14;
	v54 =	vld.msk [tilespmem:s22+$0x9A0], $0x1;
	[tilespmem:s22+$0xF970] =	vst v26;
	v26 =	vadd.f32 v27, v36;
	v27 =	vmul.f32 v30, v5  }
0x56: {  	v55 =	vld [tilespmem:s22+$0x9A0];
	v30 =	vperm.xlane v47, v0;
	v28 =	vsel vm0, v28, v29;
	v29 =	vperm.xlane v31, v0  }
0x57: {  	v57 =	vld [tilespmem:s22+$0x9B0];
	v31 =	vmul.f32 v45, v2;
	[tilespmem:s22+$0xFD00] =	vst v26;
	v26 =	vadd.f32 v27, v52;
	v27 =	vmul.f32 v28, v3  }
0x58: {  	v56 =	vld.msk [tilespmem:s22+$0x9B0], $0x1;
	v28 =	vperm.xlane v50, v0;
	v29 =	vsel vm0, v30, v29;
	v30 =	vperm.xlane v51, v0  }
0x59: {  	v59 =	vld.msk [tilespmem:s22+$0x9D0], $0x1;
	v32 =	vmul.f32 v47, v24;
	[tilespmem:s22+$0xFD10] =	vst v26;
	v26 =	vadd.f32 v27, v31;
	v27 =	vmul.f32 v29, v25  }
0x5a: {  	v37 =	vmul.f32 v53, v16;
	v29 =	vperm.xlane v53, v0;
	v31 =	vld.msk [tilespmem:s22+$0x9C0], $0x1;
	v28 =	vsel vm0, v28, v30  }
0x5b: {  	v30 =	vperm.xlane v54, v0;
	[tilespmem:s22+$0xFD20] =	vst v26;
	v26 =	vadd.f32 v27, v32;
	v28 =	vmul.f32 v28, v15  }
0x5c: {  	v62 =	vperm.xlane v57, v0;
	v60 =	vperm.xlane v55, v0;
	v58 =	vld [tilespmem:s22+$0x9C0]  }
0x5d: {  	v27 =	vld [tilespmem:s22+$0x9D0];
	[tilespmem:s22+$0xFD30] =	vst v26;
	v26 =	vsel vm0, v29, v30;
	v28 =	vadd.f32 v28, v38;
	v30 =	vperm.xlane v56, v0  }
0x5e: {  	v63 =	vperm.xlane v59, v0;
	v35 =	vmul.f32 v55, v18;
	v29 =	vld.msk [tilespmem:s22+$0x9E0], $0x1  }
0x5f: {  	v61 =	vmul.f32 v26, v17;
	v26 =	vld [tilespmem:s22+$0x9E0];
	v31 =	vperm.xlane v31, v0;
	[tilespmem:s22+$0xF980] =	vst v28;
	v28 =	vsel vm0, v60, v30  }
0x60: {  	v33 =	vmul.f32 v57, v21;
	v30 =	vld.msk [tilespmem:s22+$0x9F0], $0x1;
	v36 =	vmul.f32 v28, v20  }
0x61: {  	v40 =	vperm.xlane v58, v0;
	v34 =	vadd.f32 v61, v37;
	v28 =	vld [tilespmem:s22+$0x9F0];
	v31 =	vsel vm0, v62, v31  }
0x62: {  	v32 =	vperm.xlane v27, v0;
	v37 =	vmul.f32 v31, v22;
	v31 =	vld.msk [tilespmem:s22+$0xD80], $0x1;
	v36 =	vadd.f32 v36, v35  }
0x63: {  	s24 =	simm.s32 $0x0;
	v38 =	vsel vm0, v40, v63;
	[tilespmem:s22+$0xF990] =	vst v34;
	v34 =	vmul.f32 v58, v23;
	v35 =	vperm.xlane v29, v0;
	v29 =	vld [tilespmem:s22+$0xD80]  }
.LBB2_3:
0x64: {  	s24 =	sadd.s32 $0x2, s24;
	[tilespmem:s22+$0xF9A0] =	vst v36;
	v33 =	vadd.f32 v37, v33;
	v36 =	vmul.f32 v38, v19;
	v37 =	vperm.xlane v26, v0;
	v38 =	vld.msk [tilespmem:s22+$0xD90], $0x1  }
0x65: {  	v27 =	vmul.f32 v27, v13;
	s0 =	sshrl.u32 s24, $0x3;
	p0 =	slt.u32 s24, $0x26;
	v32 =	vsel vm0, v32, v35;
	v30 =	vperm.xlane v30, v0;
	v35 =	vld [tilespmem:s22+$0xD90]  }
0x66: {  	s23 =	sadd.s32 $0x100, s23;
	s0 =	smul.u32 $0x1800, s0;
	[tilespmem:s22+$0xF9B0] =	vst v33;
	v33 =	vadd.f32 v36, v34;
	v32 =	vmul.f32 v32, v12;
	v34 =	vperm.xlane v28, v0;
	v36 =	vld.msk [tilespmem:s22+$0xDA0], $0x1  }
0x67: {  	v26 =	vmul.f32 v26, v11;
	s2 =	sand.u32 $0x300, s23;
	v30 =	vsel vm0, v37, v30;
	v31 =	vperm.xlane v31, v0;
	v37 =	vld [tilespmem:s22+$0xDA0]  }
0x68: {  	s0 =	sor.u32 s2, s0;
	[tilespmem:s22+$0xF9C0] =	vst v33;
	v27 =	vadd.f32 v32, v27;
	v30 =	vmul.f32 v30, v10;
	v32 =	vperm.xlane v29, v0;
	v33 =	vld.msk [tilespmem:s22+$0xDB0], $0x1  }
0x69: {  	v28 =	vmul.f32 v28, v9;
	v39 =	vld [tilespmem:s0+$0xDB0];
	v31 =	vsel vm0, v34, v31;
	v34 =	vperm.xlane v38, v0  }
0x6a: {  	v38 =	vld.msk [tilespmem:s0+$0xDC0], $0x1;
	[tilespmem:s22+$0xF9D0] =	vst v27;
	v26 =	vadd.f32 v30, v26;
	v27 =	vmul.f32 v31, v8;
	v30 =	vperm.xlane v35, v0  }
0x6b: {  	v29 =	vmul.f32 v29, v7;
	v31 =	vld [tilespmem:s0+$0x900];
	v32 =	vsel vm0, v32, v34;
	v34 =	vperm.xlane v36, v0  }
0x6c: {  	v36 =	vld.msk [tilespmem:s0+$0x910], $0x1;
	[tilespmem:s22+$0xF9E0] =	vst v26;
	v26 =	vadd.f32 v27, v28;
	v27 =	vmul.f32 v32, v6;
	v28 =	vperm.xlane v37, v0  }
0x6d: {  	v35 =	vmul.f32 v35, v4;
	v32 =	vld [tilespmem:s0+$0x910];
	v30 =	vsel vm0, v30, v34;
	v33 =	vperm.xlane v33, v0  }
0x6e: {  	v34 =	vld.msk [tilespmem:s0+$0x920], $0x1;
	[tilespmem:s22+$0xF9F0] =	vst v26;
	v26 =	vadd.f32 v27, v29;
	v27 =	vmul.f32 v30, v5;
	v29 =	vmul.f32 v37, v2  }
0x6f: {  	v37 =	vperm.xlane v39, v0;
	v30 =	vld [tilespmem:s0+$0x920];
	v38 =	vperm.xlane v38, v0;
	v28 =	vsel vm0, v28, v33  }
0x70: {  	v33 =	vperm.xlane v31, v0;
	v40 =	vld.msk [tilespmem:s0+$0x930], $0x1;
	[tilespmem:s22+$0xFD80] =	vst v26;
	v26 =	vadd.f32 v27, v35;
	v27 =	vmul.f32 v28, v3  }
0x71: {  	v28 =	vmul.f32 v31, v14;
	v31 =	vperm.xlane v36, v0;
	v35 =	vld [tilespmem:s0+$0x930];
	v36 =	vsel vm0, v37, v38  }
0x72: {  	v38 =	vmul.f32 v39, v24;
	v37 =	vld.msk [tilespmem:s0+$0x940], $0x1;
	v36 =	vmul.f32 v36, v25;
	[tilespmem:s22+$0xFD90] =	vst v26;
	v26 =	vadd.f32 v27, v29  }
0x73: {  	v29 =	vperm.xlane v32, v0;
	v27 =	vsel vm0, v33, v31;
	v31 =	vperm.xlane v34, v0;
	v33 =	vld [tilespmem:s0+$0x940]  }
0x74: {  	v27 =	vmul.f32 v27, v15;
	v34 =	vperm.xlane v30, v0;
	v39 =	vld.msk [tilespmem:s0+$0x950], $0x1;
	v36 =	vadd.f32 v36, v38;
	[tilespmem:s22+$0xFDA0] =	vst v26;
	s22 =	smov.u32 s0  }
0x75: {  	v26 =	vmul.f32 v32, v16;
	v29 =	vsel vm0, v29, v31;
	v31 =	vperm.xlane v40, v0;
	v32 =	vld [tilespmem:s22+$0x950]  }
0x76: {  	v27 =	vadd.f32 v27, v28;
	v28 =	vmul.f32 v29, v17;
	v29 =	vperm.xlane v35, v0;
	v38 =	vld.msk [tilespmem:s22+$0x960], $0x1;
	[tilespmem:s22+$0xFDB0] =	vst v36  }
0x77: {  	v30 =	vmul.f32 v30, v18;
	v31 =	vsel vm0, v34, v31;
	v34 =	vperm.xlane v37, v0;
	v36 =	vld [tilespmem:s22+$0x960]  }
0x78: {  	[tilespmem:s22+$0xF900] =	vst v27;
	v26 =	vadd.f32 v28, v26;
	v27 =	vmul.f32 v31, v20;
	v28 =	vperm.xlane v33, v0;
	v31 =	vld.msk [tilespmem:s22+$0x970], $0x1  }
0x79: {  	v35 =	vmul.f32 v35, v21;
	v29 =	vsel vm0, v29, v34;
	v34 =	vperm.xlane v39, v0;
	v37 =	vld [tilespmem:s22+$0x970]  }
0x7a: {  	[tilespmem:s22+$0xF910] =	vst v26;
	v26 =	vadd.f32 v27, v30;
	v27 =	vmul.f32 v29, v22;
	v29 =	vperm.xlane v32, v0;
	v30 =	vld.msk [tilespmem:s22+$0xD00], $0x1  }
0x7b: {  	v33 =	vmul.f32 v33, v23;
	v28 =	vsel vm0, v28, v34;
	v34 =	vperm.xlane v38, v0;
	v38 =	vld [tilespmem:s22+$0xD00]  }
0x7c: {  	[tilespmem:s22+$0xF920] =	vst v26;
	v26 =	vadd.f32 v27, v35;
	v27 =	vmul.f32 v28, v19;
	v28 =	vperm.xlane v36, v0;
	v35 =	vld.msk [tilespmem:s22+$0xD10], $0x1  }
0x7d: {  	v32 =	vmul.f32 v32, v13;
	v29 =	vsel vm0, v29, v34;
	v31 =	vperm.xlane v31, v0;
	v34 =	vld [tilespmem:s22+$0xD10]  }
0x7e: {  	[tilespmem:s22+$0xF930] =	vst v26;
	v26 =	vadd.f32 v27, v33;
	v27 =	vmul.f32 v29, v12;
	v29 =	vperm.xlane v37, v0;
	v33 =	vld.msk [tilespmem:s22+$0xD20], $0x1  }
0x7f: {  	v36 =	vmul.f32 v36, v11;
	v28 =	vsel vm0, v28, v31;
	v30 =	vperm.xlane v30, v0;
	v31 =	vld [tilespmem:s22+$0xD20]  }
0x80: {  	[tilespmem:s22+$0xF940] =	vst v26;
	v26 =	vadd.f32 v27, v32;
	v27 =	vmul.f32 v28, v10;
	v28 =	vperm.xlane v38, v0;
	v32 =	vld.msk [tilespmem:s22+$0xD30], $0x1  }
0x81: {  	v37 =	vmul.f32 v37, v9;
	v29 =	vsel vm0, v29, v30;
	v30 =	vperm.xlane v35, v0;
	v35 =	vld [tilespmem:s22+$0xD30]  }
0x82: {  	[tilespmem:s22+$0xF950] =	vst v26;
	v26 =	vadd.f32 v27, v36;
	v27 =	vmul.f32 v29, v8;
	v29 =	vperm.xlane v34, v0;
	v36 =	vld.msk [tilespmem:s22+$0xD40], $0x1  }
0x83: {  	v38 =	vmul.f32 v38, v7;
	v28 =	vsel vm0, v28, v30;
	v30 =	vperm.xlane v33, v0;
	v33 =	vld [tilespmem:s22+$0x980]  }
0x84: {  	[tilespmem:s22+$0xF960] =	vst v26;
	v26 =	vadd.f32 v27, v37;
	v27 =	vmul.f32 v28, v6;
	v28 =	vperm.xlane v31, v0;
	v37 =	vld.msk [tilespmem:s22+$0x990], $0x1  }
0x85: {  	v34 =	vmul.f32 v34, v4;
	v29 =	vsel vm0, v29, v30;
	v30 =	vperm.xlane v32, v0;
	v32 =	vld [tilespmem:s22+$0x990]  }
0x86: {  	[tilespmem:s22+$0xF970] =	vst v26;
	v26 =	vadd.f32 v27, v38;
	v27 =	vmul.f32 v29, v5;
	v29 =	vperm.xlane v35, v0;
	v38 =	vld.msk [tilespmem:s22+$0x9A0], $0x1  }
0x87: {  	v31 =	vmul.f32 v31, v2;
	v28 =	vsel vm0, v28, v30;
	v30 =	vperm.xlane v36, v0;
	v36 =	vld [tilespmem:s22+$0x9A0]  }
0x88: {  	[tilespmem:s22+$0xFD00] =	vst v26;
	v26 =	vadd.f32 v27, v34;
	v27 =	vmul.f32 v28, v3;
	v28 =	vperm.xlane v33, v0;
	v34 =	vld.msk [tilespmem:s22+$0x9B0], $0x1  }
0x89: {  	v35 =	vmul.f32 v35, v24;
	v29 =	vsel vm0, v29, v30;
	v30 =	vperm.xlane v37, v0;
	v37 =	vld [tilespmem:s22+$0x9B0]  }
0x8a: {  	[tilespmem:s22+$0xFD10] =	vst v26;
	v26 =	vadd.f32 v27, v31;
	v27 =	vmul.f32 v29, v25;
	v29 =	vperm.xlane v32, v0;
	v31 =	vld.msk [tilespmem:s22+$0x9C0], $0x1  }
0x8b: {  	v33 =	vmul.f32 v33, v14;
	v28 =	vsel vm0, v28, v30;
	v30 =	vperm.xlane v38, v0;
	v38 =	vld [tilespmem:s22+$0x9C0]  }
0x8c: {  	[tilespmem:s22+$0xFD20] =	vst v26;
	v26 =	vadd.f32 v27, v35;
	v28 =	vmul.f32 v28, v15;
	v35 =	vperm.xlane v36, v0;
	v39 =	vld.msk [tilespmem:s22+$0x9D0], $0x1  }
0x8d: {  	v32 =	vmul.f32 v32, v16;
	v29 =	vsel vm0, v29, v30;
	v30 =	vperm.xlane v34, v0;
	v27 =	vld [tilespmem:s22+$0x9D0]  }
0x8e: {  	[tilespmem:s22+$0xFD30] =	vst v26;
	v28 =	vadd.f32 v28, v33;
	v29 =	vmul.f32 v29, v17;
	v34 =	vperm.xlane v37, v0;
	v40 =	vld.msk [tilespmem:s22+$0x9E0], $0x1  }
.Ltmp0:
0x8f: {  	v36 =	vmul.f32 v36, v18;
	v30 =	vsel vm0, v35, v30;
	v31 =	vperm.xlane v31, v0;
	v26 =	vld [tilespmem:s22+$0x9E0];
	(pc) =	sbr.rel @p0 .LBB2_3-.Ltmp0, $4  }
0x90: {  	[tilespmem:s22+$0xF980] =	vst v28;
	v29 =	vadd.f32 v29, v32;
	v32 =	vmul.f32 v30, v20;
	v35 =	vperm.xlane v38, v0;
	v30 =	vld.msk [tilespmem:s22+$0x9F0], $0x1  }
0x91: {  	v33 =	vmul.f32 v37, v21;
	v31 =	vsel vm0, v34, v31;
	v39 =	vperm.xlane v39, v0;
	v28 =	vld [tilespmem:s22+$0x9F0]  }
0x92: {  	[tilespmem:s22+$0xF990] =	vst v29;
	v36 =	vadd.f32 v32, v36;
	v37 =	vmul.f32 v31, v22;
	v32 =	vperm.xlane v27, v0;
	v31 =	vld.msk [tilespmem:s22+$0xD80], $0x1  }
0x93: {  	v34 =	vmul.f32 v38, v23;
	v38 =	vsel vm0, v35, v39;
	v35 =	vperm.xlane v40, v0;
	v29 =	vld [tilespmem:s22+$0xD80]  }
0x94: {  	v14 =	vadd.f32 v37, v33;
	v15 =	vld.msk [tilespmem:s22+$0xD90], $0x1  }
0x95: {  	v16 =	vmul.f32 v38, v19;
	v17 =	vld [tilespmem:s22+$0xD90];
	v13 =	vmul.f32 v27, v13  }
0x96: {  	v18 =	vld.msk [tilespmem:s22+$0xDA0], $0x1;
	v19 =	vsel vm0, v32, v35;
	v20 =	vperm.xlane v30, v0;
	[tilespmem:s22+$0xF9B0] =	vst v14;
	v14 =	vperm.xlane v26, v0  }
0x97: {  	v21 =	vld [tilespmem:s22+$0xDA0];
	v11 =	vmul.f32 v26, v11;
	v16 =	vadd.f32 v16, v34;
	v12 =	vmul.f32 v19, v12  }
0x98: {  	v19 =	vperm.xlane v28, v0;
	v9 =	vmul.f32 v28, v9;
	v14 =	vsel vm0, v14, v20;
	v20 =	vld.msk [tilespmem:s22+$0xDB0], $0x1  }
0x99: {  	[tilespmem:s22+$0xF9C0] =	vst v16;
	v16 =	vperm.xlane v31, v0;
	v7 =	vmul.f32 v29, v7  }
0x9a: {  	v12 =	vadd.f32 v12, v13;
	v10 =	vmul.f32 v14, v10;
	v14 =	vperm.xlane v29, v0  }
0x9b: {  	v15 =	vperm.xlane v15, v0;
	v13 =	vperm.xlane v17, v0;
	v16 =	vsel vm0, v19, v16  }
0x9c: {  	v8 =	vmul.f32 v16, v8;
	v10 =	vadd.f32 v10, v11;
	v11 =	vperm.xlane v18, v0  }
0x9d: {  	v14 =	vsel vm0, v14, v15;
	v15 =	vperm.xlane v21, v0;
	v16 =	vperm.xlane v20, v0  }
0x9e: {  	[tilespmem:s22+$0xF9A0] =	vst v36;
	v6 =	vmul.f32 v14, v6;
	v8 =	vadd.f32 v8, v9;
	v9 =	vsel vm0, v13, v11  }
0x9f: {  	v4 =	vmul.f32 v17, v4;
	[tilespmem:s22+$0xF9D0] =	vst v12;
	v5 =	vmul.f32 v9, v5;
	v9 =	vsel vm0, v15, v16  }
0xa0: {  	v2 =	vmul.f32 v21, v2;
	[tilespmem:s22+$0xF9E0] =	vst v10;
	v6 =	vadd.f32 v6, v7;
	v3 =	vmul.f32 v9, v3  }
0xa1: {  	[tilespmem:s22+$0xF9F0] =	vst v8;
	v4 =	vadd.f32 v5, v4  }
0xa2: {  	[tilespmem:s22+$0xFD80] =	vst v6;
	v2 =	vadd.f32 v3, v2  }
0xa3: {  	[tilespmem:s22+$0xFD90] =	vst v4  }
0xa4: {  	[tilespmem:s22+$0xFDA0] =	vst v2  }
0xa5: {  	v25 =	vld [tilespmem:$0x3A0]  }
0xa6: {  	v26 =	vld [tilespmem:$0x680]  }
0xa7: {  	v23 =	vld [tilespmem:$0x3B0]  }
0xa8: {  	v24 =	vld [tilespmem:$0x690]  }
0xa9: {  	v22 =	vld [tilespmem:$0x3C0]  }
0xaa: {  	v21 =	vld [tilespmem:$0x6A0]  }
0xab: {  	v19 =	vld [tilespmem:$0x3D0]  }
0xac: {  	v20 =	vld [tilespmem:$0x6B0]  }
0xad: {  	v5 =	vld [tilespmem:$0x3E0]  }
0xae: {  	v6 =	vld [tilespmem:$0x6C0]  }
0xaf: {  	v3 =	vld [tilespmem:$0x3F0]  }
0xb0: {  	s0 =	simm.s32 $0x0;
	v10 =	vld [tilespmem:$0x6D0]  }
0xb1: {  	s2 =	simm.s32 $0x0;
	s6 =	smul.u32 $0x1800, s0;
	v2 =	vld [tilespmem:$0x400]  }
0xb2: {  	s24 =	sand.u32 $0x300, s2;
	v9 =	vld [tilespmem:$0x6E0]  }
0xb3: {  	s0 =	sor.u32 s24, s6;
	v4 =	vld [tilespmem:$0x410]  }
0xb4: {  	v14 =	vld [tilespmem:s0+$0xD40]  }
0xb5: {  	v12 =	vld.msk [tilespmem:s0+$0xD50], $0x1  }
0xb6: {  	v13 =	vld [tilespmem:s0+$0xD50]  }
0xb7: {  	v16 =	vld.msk [tilespmem:s0+$0xD60], $0x1  }
0xb8: {  	v27 =	vld [tilespmem:s0+$0xD60]  }
0xb9: {  	v17 =	vld.msk [tilespmem:s0+$0xD70], $0x1  }
0xba: {  	v60 =	vld [tilespmem:$0x6F0]  }
0xbb: {  	v61 =	vld [tilespmem:$0x420]  }
0xbc: {  	v7 =	vld [tilespmem:$0x700];
	v18 =	vperm.xlane v14, v0;
	v28 =	vperm.xlane v12, v0  }
0xbd: {  	v59 =	vld [tilespmem:$0x430];
	v29 =	vperm.xlane v13, v0;
	v30 =	vperm.xlane v16, v0  }
0xbe: {  	v8 =	vld [tilespmem:$0x710];
	v31 =	vperm.xlane v27, v0;
	v53 =	vperm.xlane v17, v0;
	v17 =	vsel vm0, v18, v28  }
0xbf: {  	v11 =	vld [tilespmem:$0x160];
	v28 =	vmul.f32 v14, v25;
	v14 =	vsel vm0, v29, v30;
	v54 =	vmul.f32 v17, v26  }
0xc0: {  	v15 =	vld [tilespmem:$0x440];
	v29 =	vmul.f32 v13, v23;
	v13 =	vsel vm0, v31, v53;
	v30 =	vmul.f32 v14, v24  }
0xc1: {  	v12 =	vld [tilespmem:$0x170];
	v27 =	vmul.f32 v27, v22;
	v31 =	vmul.f32 v13, v21;
	v28 =	vadd.f32 v54, v28  }
0xc2: {  	v17 =	vld [tilespmem:$0x720];
	v29 =	vadd.f32 v30, v29  }
0xc3: {  	v13 =	vld [tilespmem:$0x450];
	v27 =	vadd.f32 v31, v27;
	[tilespmem:s0+$0xFD40] =	vst v28  }
0xc4: {  	s9 =	sadd.s32 $0x800, s6;
	[tilespmem:s0+$0xFD50] =	vst v29  }
0xc5: {  	s23 =	sor.u32 s24, s9;
	v28 =	vld [tilespmem:s0+$0xD70];
	[tilespmem:s0+$0xFD60] =	vst v27  }
0xc6: {  	v27 =	vld.msk [tilespmem:s23+$0x900], $0x1;
	_ =	sdelay $0x4  }
0xc7: {  	v29 =	vperm.xlane v28, v0;
	v27 =	vperm.xlane v27, v0;
	_ =	sdelay $0x1  }
0xc8: {  	v27 =	vsel vm0, v29, v27  }
0xc9: {  	v28 =	vmul.f32 v28, v19;
	v27 =	vmul.f32 v27, v20;
	_ =	sdelay $0x1  }
0xca: {  	v27 =	vadd.f32 v27, v28;
	_ =	sdelay $0x1  }
0xcb: {  	[tilespmem:s0+$0xFD70] =	vst v27  }
0xcc: {  	v27 =	vld [tilespmem:s23+$0x970]  }
0xcd: {  	v28 =	vld [tilespmem:s23+$0x900]  }
0xce: {  	v29 =	vld.msk [tilespmem:s23+$0x910], $0x1  }
0xcf: {  	v30 =	vld [tilespmem:s23+$0x910]  }
0xd0: {  	v31 =	vld.msk [tilespmem:s23+$0x920], $0x1  }
0xd1: {  	v55 =	vld [tilespmem:s23+$0x920]  }
0xd2: {  	v56 =	vld [tilespmem:s23+$0x930]  }
0xd3: {  	v57 =	vld [tilespmem:s23+$0x940]  }
0xd4: {  	v58 =	vld [tilespmem:s23+$0x950]  }
0xd5: {  	v62 =	vld [tilespmem:s23+$0x960]  }
0xd6: {  	v36 =	vld.msk [tilespmem:s23+$0x930], $0x1;
	v63 =	vmul.f32 v28, v5  }
0xd7: {  	v39 =	vld.msk [tilespmem:s23+$0x940], $0x1;
	v40 =	vmul.f32 v30, v3;
	v41 =	vmul.f32 v55, v2  }
0xd8: {  	v43 =	vld.msk [tilespmem:s23+$0x950], $0x1;
	v42 =	vmul.f32 v56, v4;
	v44 =	vmul.f32 v57, v61  }
0xd9: {  	v46 =	vld.msk [tilespmem:s23+$0x960], $0x1;
	v45 =	vmul.f32 v58, v59;
	v27 =	vmul.f32 v27, v13  }
0xda: {  	v47 =	vld.msk [tilespmem:s23+$0x970], $0x1;
	v28 =	vperm.xlane v28, v0;
	v48 =	vmul.f32 v62, v15  }
0xdb: {  	v49 =	vld [tilespmem:s23+$0x960];
	v29 =	vperm.xlane v29, v0;
	v30 =	vperm.xlane v30, v0  }
0xdc: {  	v50 =	vld.msk [tilespmem:s23+$0x970], $0x7fff;
	v31 =	vperm.xlane v31, v0;
	v32 =	vperm.xlane v55, v0  }
0xdd: {  	v52 =	vld.msk [tilespmem:s23+$0x960], $0x7fff;
	v36 =	vperm.xlane v36, v0;
	v33 =	vperm.xlane v56, v0  }
0xde: {  	v51 =	vld [tilespmem:s23+$0x950];
	v39 =	vperm.xlane v39, v0;
	v34 =	vperm.xlane v57, v0  }
0xdf: {  	v43 =	vperm.xlane v43, v0;
	v35 =	vperm.xlane v58, v0  }
0xe0: {  	v46 =	vperm.xlane v46, v0;
	v37 =	vperm.xlane v62, v0  }
0xe1: {  	s25 =	simm.s32 $0x0;
	v47 =	vperm.xlane v47, v0;
	v49 =	vperm.xlane v49, v1  }
0xe2: {  	s26 =	simm.s32 $0x100;
	s2 =	smul.u32 $0x1800, s25;
	v50 =	vperm.xlane v50, v1;
	v54 =	vperm.xlane v52, v1  }
0xe3: {  	s0 =	sand.u32 $0x300, s26;
	v28 =	vsel vm0, v28, v29;
	v29 =	vperm.xlane v51, v1;
	v30 =	vsel vm0, v30, v31  }
0xe4: {  	s29 =	sor.u32 s0, s2;
	v31 =	vsel vm0, v32, v36;
	v55 =	vsel vm0, v33, v39;
	v28 =	vmul.f32 v28, v6  }
0xe5: {  	v57 =	vld [tilespmem:s29+$0xD40];
	v56 =	vsel vm0, v34, v43;
	v35 =	vsel vm0, v35, v46;
	v30 =	vmul.f32 v30, v10  }
0xe6: {  	v58 =	vld.msk [tilespmem:s29+$0xD50], $0x1;
	v62 =	vsel vm1, v49, v50;
	v31 =	vmul.f32 v31, v9;
	v28 =	vadd.f32 v28, v63  }
0xe7: {  	v32 =	vmul.f32 v55, v60;
	v43 =	vmul.f32 v62, v12;
	v30 =	vadd.f32 v30, v40;
	v63 =	vld [tilespmem:s29+$0xD50]  }
0xe8: {  	v29 =	vsel vm1, v29, v54;
	v40 =	vld.msk [tilespmem:s29+$0xD60], $0x1;
	[tilespmem:s23+$0xF900] =	vst v28;
	v28 =	vadd.f32 v31, v41;
	v31 =	vmul.f32 v56, v7  }
0xe9: {  	v29 =	vmul.f32 v29, v11;
	v27 =	vadd.f32 v43, v27;
	[tilespmem:s23+$0xF910] =	vst v30;
	v30 =	vadd.f32 v32, v42;
	v42 =	vld [tilespmem:s29+$0xD60]  }
0xea: {  	v41 =	vmul.f32 v35, v8;
	[tilespmem:s23+$0xF920] =	vst v28;
	v28 =	vadd.f32 v31, v44;
	v31 =	vsel vm0, v37, v47;
	v44 =	vld.msk [tilespmem:s29+$0xD70], $0x1  }
0xeb: {  	s22 =	sor.u32 $0x80, s24;
	v29 =	vadd.f32 v29, v48;
	[tilespmem:s23+$0xF970] =	vst v27;
	v31 =	vmul.f32 v31, v17  }
0xec: {  	s30 =	sor.u32 s6, s22;
	[tilespmem:s23+$0xF930] =	vst v30;
	v30 =	vadd.f32 v41, v45  }
0xed: {  	v46 =	vld [tilespmem:s30+$0xD50];
	v27 =	vperm.xlane v63, v0;
	v33 =	vperm.xlane v40, v0;
	[tilespmem:s23+$0xF940] =	vst v28;
	v29 =	vadd.f32 v31, v29  }
0xee: {  	v47 =	vld [tilespmem:s30+$0xD60];
	[tilespmem:s23+$0xF950] =	vst v30;
	v30 =	vperm.xlane v57, v0;
	v31 =	vperm.xlane v58, v0  }
0xef: {  	v28 =	vld [tilespmem:s30+$0xD40];
	v27 =	vsel vm0, v27, v33;
	[tilespmem:s23+$0xF960] =	vst v29;
	v29 =	vperm.xlane v42, v0;
	v48 =	vperm.xlane v44, v0  }
0xf0: {  	v50 =	vmul.f32 v63, v23;
	v27 =	vmul.f32 v27, v24;
	v30 =	vsel vm0, v30, v31;
	v31 =	vld.msk [tilespmem:s30+$0xD50], $0x1  }
0xf1: {  	v34 =	vmul.f32 v57, v25;
	v30 =	vmul.f32 v30, v26;
	v49 =	vld.msk [tilespmem:s30+$0xD60], $0x1;
	v29 =	vsel vm0, v29, v48  }
0xf2: {  	v52 =	vmul.f32 v42, v22;
	v51 =	vld.msk [tilespmem:s30+$0xD70], $0x1;
	v27 =	vadd.f32 v27, v50;
	v29 =	vmul.f32 v29, v21  }
0xf3: {  	v30 =	vadd.f32 v30, v34  }
0xf4: {  	[tilespmem:s29+$0xFD50] =	vst v27;
	v29 =	vadd.f32 v29, v52  }
0xf5: {  	s23 =	sadd.s32 $0x800, s2;
	[tilespmem:s29+$0xFD40] =	vst v30;
	v30 =	vperm.xlane v28, v0;
	v31 =	vperm.xlane v31, v0  }
0xf6: {  	v53 =	vld [tilespmem:s29+$0xD70];
	s7 =	sor.u32 s0, s23;
	v27 =	vperm.xlane v46, v0;
	v33 =	vperm.xlane v49, v0;
	[tilespmem:s29+$0xFD60] =	vst v29  }
0xf7: {  	v29 =	vperm.xlane v47, v0;
	v30 =	vsel vm0, v30, v31;
	v31 =	vperm.xlane v51, v0;
	v54 =	vld.msk [tilespmem:s7+$0x900], $0x1  }
0xf8: {  	s24 =	simm.s32 $0x0;
	v28 =	vmul.f32 v28, v25;
	v27 =	vsel vm0, v27, v33;
	v30 =	vmul.f32 v30, v26  }
0xf9: {  	s24 =	smul.u32 $0x1800, s24;
	s26 =	simm.s32 $0x200;
	v32 =	vmul.f32 v46, v23;
	v27 =	vmul.f32 v27, v24;
	v29 =	vsel vm0, v29, v31  }
0xfa: {  	s25 =	sand.u32 $0x300, s26;
	v31 =	vmul.f32 v47, v22;
	v28 =	vadd.f32 v30, v28;
	v29 =	vmul.f32 v29, v21  }
0xfb: {  	s28 =	sor.u32 s25, s24;
	v27 =	vadd.f32 v27, v32  }
0xfc: {  	v38 =	vld [tilespmem:s28+$0xD50];
	[tilespmem:s30+$0xFD40] =	vst v28;
	v28 =	vadd.f32 v29, v31;
	v29 =	vperm.xlane v53, v0;
	v30 =	vperm.xlane v54, v0  }
0xfd: {  	v36 =	vld [tilespmem:s28+$0xD40]  }
0xfe: {  	v55 =	vld.msk [tilespmem:s28+$0xD60], $0x1;
	[tilespmem:s30+$0xFD50] =	vst v27;
	v27 =	vsel vm0, v29, v30  }
0xff: {  	s22 =	sor.u32 s22, s9;
	v31 =	vld [tilespmem:s30+$0xD70];
	[tilespmem:s30+$0xFD60] =	vst v28;
	v30 =	vmul.f32 v53, v19;
	v27 =	vmul.f32 v27, v20  }
0x100: {  	v28 =	vld.msk [tilespmem:s22+$0x900], $0x1  }
0x101: {  	v37 =	vld [tilespmem:s28+$0xD60];
	v27 =	vadd.f32 v27, v30  }
0x102: {  	v34 =	vld.msk [tilespmem:s28+$0xD70], $0x1  }
0x103: {  	v29 =	vld.msk [tilespmem:s28+$0xD50], $0x1;
	[tilespmem:s29+$0xFD70] =	vst v27  }
0x104: {  	v30 =	vld [tilespmem:s7+$0x900]  }
0x105: {  	v27 =	vperm.xlane v31, v0;
	v28 =	vperm.xlane v28, v0;
	v33 =	vld.msk [tilespmem:s7+$0x910], $0x1  }
0x106: {  	v35 =	vld.msk [tilespmem:s7+$0x920], $0x1  }
0x107: {  	v39 =	vld [tilespmem:s7+$0x920];
	v27 =	vsel vm0, v27, v28  }
0x108: {  	v31 =	vmul.f32 v31, v19;
	v40 =	vld [tilespmem:s7+$0x930];
	v27 =	vmul.f32 v27, v20  }
0x109: {  	v45 =	vld [tilespmem:s7+$0x940]  }
0x10a: {  	v32 =	vld [tilespmem:s7+$0x950];
	v27 =	vadd.f32 v27, v31  }
0x10b: {  	v28 =	vld [tilespmem:s7+$0x910]  }
0x10c: {  	v31 =	vld.msk [tilespmem:s7+$0x930], $0x1;
	[tilespmem:s30+$0xFD70] =	vst v27  }
0x10d: {  	v27 =	vld [tilespmem:s22+$0x950]  }
0x10e: {  	v56 =	vld.msk [tilespmem:s22+$0x960], $0x7fff  }
0x10f: {  	v57 =	vld [tilespmem:s22+$0x960]  }
0x110: {  	v58 =	vld.msk [tilespmem:s22+$0x970], $0x1;
	[tilespmem:$0x1FF40] =	vst v5  }
0x111: {  	v43 =	vperm.xlane v36, v0;
	v36 =	vmul.f32 v36, v25;
	[tilespmem:$0x1FF50] =	vst v3  }
0x112: {  	v46 =	vperm.xlane v38, v0;
	v38 =	vmul.f32 v38, v23;
	v50 =	vld [tilespmem:s7+$0x960]  }
0x113: {  	v47 =	vperm.xlane v55, v0;
	v29 =	vperm.xlane v29, v0;
	v62 =	vld.msk [tilespmem:s7+$0x940], $0x1;
	[tilespmem:$0x1FF60] =	vst v2  }
0x114: {  	v48 =	vmul.f32 v30, v5;
	v52 =	vmul.f32 v39, v2;
	[tilespmem:$0x1FF70] =	vst v4  }
0x115: {  	v39 =	vperm.xlane v39, v0;
	v54 =	vld.msk [tilespmem:s7+$0x950], $0x1;
	v31 =	vperm.xlane v31, v0  }
0x116: {  	v55 =	vld.msk [tilespmem:s7+$0x960], $0x1;
	v27 =	vperm.xlane v27, v1;
	v41 =	vperm.xlane v56, v1  }
0x117: {  	v53 =	vmul.f32 v40, v4;
	v30 =	vperm.xlane v30, v0;
	v31 =	vsel vm0, v39, v31;
	v39 =	vld.msk [tilespmem:s22+$0x910], $0x1  }
0x118: {  	v63 =	vperm.xlane v57, v0;
	v44 =	vperm.xlane v58, v0;
	v56 =	vld.msk [tilespmem:s7+$0x970], $0x1;
	v27 =	vsel vm1, v27, v41  }
0x119: {  	v43 =	vsel vm0, v43, v29;
	v42 =	vmul.f32 v57, v15;
	v57 =	vld [tilespmem:s7+$0x950];
	v27 =	vmul.f32 v27, v11  }
0x11a: {  	v33 =	vperm.xlane v33, v0;
	v35 =	vperm.xlane v35, v0;
	v41 =	vsel vm0, v63, v44;
	v44 =	vld [tilespmem:s7+$0x960]  }
0x11b: {  	v49 =	vmul.f32 v28, v3;
	v58 =	vld.msk [tilespmem:s7+$0x960], $0x7fff;
	v41 =	vmul.f32 v41, v17;
	v27 =	vadd.f32 v27, v42  }
0x11c: {  	v28 =	vperm.xlane v28, v0;
	v29 =	vsel vm0, v30, v33;
	v30 =	vperm.xlane v45, v0;
	v42 =	vld.msk [tilespmem:s7+$0x970], $0x7fff  }
0x11d: {  	v29 =	vmul.f32 v29, v6;
	v33 =	vperm.xlane v54, v0;
	v41 =	vadd.f32 v41, v27;
	v27 =	vld [tilespmem:s22+$0x900];
	[tilespmem:$0x1FF80] =	vst v6  }
0x11e: {  	v40 =	vperm.xlane v40, v0;
	v35 =	vsel vm0, v28, v35;
	v51 =	vperm.xlane v62, v0;
	v28 =	vld [tilespmem:s22+$0x910]  }
0x11f: {  	v33 =	vsel vm0, v30, v33;
	v30 =	vperm.xlane v44, v1;
	v44 =	vadd.f32 v29, v48;
	v48 =	vld.msk [tilespmem:s22+$0x920], $0x1;
	[tilespmem:$0x1FF90] =	vst v10  }
0x120: {  	v45 =	vmul.f32 v45, v61;
	v35 =	vmul.f32 v35, v10;
	v29 =	vld [tilespmem:s22+$0x920];
	[tilespmem:s22+$0xF960] =	vst v41  }
0x121: {  	v31 =	vmul.f32 v31, v9;
	v40 =	vsel vm0, v40, v51;
	v41 =	vld [tilespmem:s7+$0x970];
	v42 =	vperm.xlane v42, v1;
	[tilespmem:$0x1FFA0] =	vst v9  }
0x122: {  	v35 =	vadd.f32 v35, v49;
	v62 =	vperm.xlane v32, v0;
	v40 =	vmul.f32 v40, v60;
	v54 =	vld.msk [tilespmem:s22+$0x930], $0x1;
	[tilespmem:$0x1FFB0] =	vst v60  }
0x123: {  	v52 =	vadd.f32 v31, v52;
	v31 =	vmul.f32 v33, v7;
	v42 =	vsel vm1, v30, v42;
	v30 =	vld [tilespmem:s22+$0x930];
	[tilespmem:$0x1FFC0] =	vst v7  }
0x124: {  	v32 =	vmul.f32 v32, v59;
	v63 =	vperm.xlane v55, v0;
	v40 =	vadd.f32 v40, v53;
	v53 =	vld.msk [tilespmem:s22+$0x940], $0x1  }
0x125: {  	v57 =	vperm.xlane v57, v1;
	v58 =	vperm.xlane v58, v1;
	v45 =	vadd.f32 v31, v45;
	v31 =	vld [tilespmem:s22+$0x940];
	[tilespmem:$0x1FFD0] =	vst v8  }
0x126: {  	v51 =	vsel vm0, v62, v63;
	v62 =	vperm.xlane v50, v0;
	v63 =	vperm.xlane v56, v0;
	[tilespmem:s7+$0xF900] =	vst v44  }
0x127: {  	v51 =	vmul.f32 v51, v8;
	v56 =	vmul.f32 v50, v15;
	v49 =	vsel vm1, v57, v58;
	v33 =	vld.msk [tilespmem:s22+$0x950], $0x1;
	[tilespmem:$0x1FFE0] =	vst v11  }
0x128: {  	v6 =	vmov v61;
	v61 =	vperm.xlane v34, v0;
	v49 =	vmul.f32 v49, v11;
	[tilespmem:s7+$0xF910] =	vst v35  }
0x129: {  	v9 =	vmov v59;
	v59 =	vadd.f32 v51, v32;
	v60 =	vperm.xlane v37, v0;
	v32 =	vld [tilespmem:s22+$0x950];
	[tilespmem:$0x1FFF0] =	vst v12  }
0x12a: {  	s0 =	sor.u32 $0x80, s0;
	v57 =	vsel vm0, v62, v63;
	v42 =	vmul.f32 v42, v12;
	v58 =	vmul.f32 v41, v13;
	[tilespmem:s7+$0xF920] =	vst v52;
	v34 =	vld.msk [tilespmem:s22+$0x960], $0x1  }
0x12b: {  	s30 =	sor.u32 s2, s0;
	v55 =	vmul.f32 v43, v26;
	v63 =	vmul.f32 v57, v17;
	v44 =	vadd.f32 v49, v56;
	[tilespmem:s7+$0xF930] =	vst v40;
	v35 =	vld [tilespmem:s22+$0x960]  }
0x12c: {  	v62 =	vsel vm0, v46, v47;
	v56 =	vsel vm0, v60, v61;
	v42 =	vadd.f32 v42, v58;
	[tilespmem:s7+$0xF940] =	vst v45;
	v45 =	vld [tilespmem:s30+$0xD40]  }
0x12d: {  	v37 =	vmul.f32 v37, v22;
	v57 =	vadd.f32 v63, v44;
	v58 =	vmul.f32 v56, v21;
	[tilespmem:s7+$0xF950] =	vst v59;
	v43 =	vld [tilespmem:s30+$0xD50]  }
0x12e: {  	v36 =	vadd.f32 v55, v36;
	v39 =	vperm.xlane v39, v0;
	v40 =	vmul.f32 v62, v24;
	[tilespmem:s7+$0xF970] =	vst v42;
	v42 =	vld [tilespmem:s30+$0xD60]  }
0x12f: {  	v60 =	vperm.xlane v28, v0;
	v61 =	vperm.xlane v48, v0;
	v44 =	vld [tilespmem:s28+$0xD70];
	[tilespmem:s7+$0xF960] =	vst v57;
	v37 =	vadd.f32 v58, v37  }
0x130: {  	v63 =	vperm.xlane v54, v0;
	v59 =	vperm.xlane v27, v0;
	[tilespmem:s28+$0xFD40] =	vst v36;
	v47 =	vld.msk [tilespmem:s30+$0xD50], $0x1;
	v38 =	vadd.f32 v40, v38  }
0x131: {  	v16 =	vmovc v15;
	s2 =	sadd.s32 $0x800, s24;
	v15 =	vmov v17;
	v62 =	vperm.xlane v29, v0;
	v41 =	vperm.xlane v53, v0;
	v48 =	vld.msk [tilespmem:s30+$0xD60], $0x1;
	[tilespmem:s28+$0xFD60] =	vst v37  }
0x132: {  	s29 =	sor.u32 s25, s2;
	v49 =	vld.msk [tilespmem:s30+$0xD70], $0x1;
	v36 =	vsel vm0, v59, v39;
	v37 =	vsel vm0, v60, v61;
	v39 =	vperm.xlane v30, v0;
	[tilespmem:s28+$0xFD50] =	vst v38  }
0x133: {  	s31 =	simm.s32 $0x4;
	v11 =	vmovc v13;
	v40 =	vperm.xlane v31, v0;
	v38 =	vsel vm0, v62, v63;
	v50 =	vld.msk [tilespmem:s29+$0x900], $0x1;
	v46 =	vmul.f32 v45, v25  }
.LBB2_5:
0x134: {  	v52 =	vld.msk [tilespmem:s22+$0x970], $0x7fff  }
0x135: {  	v8 =	vld [tilespmem:$0x1FF80]  }
0x136: {  	v12 =	vld [tilespmem:$0x1FF90]  }
0x137: {  	v10 =	vld [tilespmem:$0x1FFA0]  }
0x138: {  	v14 =	vld [tilespmem:$0x1FFB0]  }
0x139: {  	v5 =	vld [tilespmem:$0x1FFC0]  }
0x13a: {  	v7 =	vld [tilespmem:$0x1FFD0]  }
0x13b: {  	v13 =	vld [tilespmem:$0x1FFF0]  }
0x13c: {  	s31 =	sadd.s32 $0x2, s31;
	v3 =	vld [tilespmem:$0x1FF50]  }
0x13d: {  	v45 =	vperm.xlane v45, v0;
	v54 =	vperm.xlane v44, v0;
	v2 =	vld [tilespmem:$0x1FF60];
	s6 =	sshrl.u32 s31, $0x3  }
0x13e: {  	s26 =	sadd.s32 $0x100, s26;
	v4 =	vld [tilespmem:$0x1FF70];
	v60 =	vperm.xlane v47, v0;
	s9 =	smul.u32 $0x1800, s6;
	v48 =	vperm.xlane v48, v0  }
0x13f: {  	v17 =	vld [tilespmem:$0x1FFE0];
	v41 =	vsel vm0, v39, v41;
	s6 =	sand.u32 $0x300, s26;
	v51 =	vmul.f32 v43, v23;
	v61 =	vperm.xlane v43, v0  }
0x140: {  	v47 =	vld [tilespmem:s22+$0x970];
	v53 =	vperm.xlane v42, v0;
	v39 =	vsel vm0, v45, v60;
	v62 =	vperm.xlane v49, v0;
	s7 =	sor.u32 s6, s9  }
0x141: {  	v63 =	vperm.xlane v50, v0;
	v39 =	vmul.f32 v39, v26;
	v50 =	vld [tilespmem:s7+$0xD40];
	v43 =	vsel vm0, v61, v48  }
0x142: {  	v56 =	vmul.f32 v42, v22;
	v48 =	vld [tilespmem:s30+$0xD70];
	v45 =	vsel vm0, v53, v62;
	v43 =	vmul.f32 v43, v24  }
0x143: {  	v53 =	vld.msk [tilespmem:s7+$0xD50], $0x1;
	v49 =	vsel vm0, v54, v63;
	v39 =	vadd.f32 v39, v46;
	v45 =	vmul.f32 v45, v21  }
0x144: {  	v57 =	vmul.f32 v44, v19;
	v46 =	vld [tilespmem:s7+$0xD50];
	v49 =	vmul.f32 v49, v20;
	v43 =	vadd.f32 v43, v51  }
0x145: {  	v51 =	vld.msk [tilespmem:s7+$0xD60], $0x1;
	[tilespmem:s30+$0xFD40] =	vst v39;
	v42 =	vadd.f32 v45, v56  }
0x146: {  	v33 =	vperm.xlane v33, v0;
	v34 =	vperm.xlane v34, v0;
	v39 =	vld [tilespmem:s7+$0xD60];
	v44 =	vadd.f32 v49, v57;
	[tilespmem:s30+$0xFD50] =	vst v43  }
0x147: {  	v31 =	vmul.f32 v31, v6;
	v58 =	vperm.xlane v32, v0;
	v43 =	vld.msk [tilespmem:s7+$0xD70], $0x1;
	[tilespmem:s30+$0xFD60] =	vst v42  }
0x148: {  	s0 =	sor.u32 s0, s23;
	v35 =	vperm.xlane v35, v1;
	v36 =	vmul.f32 v36, v8;
	v57 =	vld [tilespmem:$0x1FF40];
	[tilespmem:s28+$0xFD70] =	vst v44  }
0x149: {  	v59 =	vperm.xlane v52, v1;
	v37 =	vmul.f32 v37, v12;
	v42 =	vld.msk [tilespmem:s0+$0x900], $0x1  }
0x14a: {  	v33 =	vsel vm0, v40, v33;
	v38 =	vmul.f32 v38, v10;
	v41 =	vmul.f32 v41, v14;
	v44 =	vld [tilespmem:s29+$0x970]  }
0x14b: {  	v33 =	vmul.f32 v33, v5;
	v28 =	vmul.f32 v28, v3;
	v45 =	vld [tilespmem:s29+$0x900]  }
0x14c: {  	v29 =	vmul.f32 v29, v2;
	v30 =	vmul.f32 v30, v4;
	v34 =	vsel vm0, v58, v34;
	v49 =	vld.msk [tilespmem:s29+$0x910], $0x1  }
0x14d: {  	v63 =	vmul.f32 v32, v9;
	v35 =	vsel vm1, v35, v59;
	v34 =	vmul.f32 v34, v7;
	v60 =	vld [tilespmem:s29+$0x910]  }
0x14e: {  	v28 =	vadd.f32 v37, v28;
	v35 =	vmul.f32 v35, v13;
	v62 =	vperm.xlane v48, v0;
	v61 =	vld.msk [tilespmem:s29+$0x920], $0x1  }
0x14f: {  	v30 =	vadd.f32 v41, v30;
	v37 =	vmul.f32 v46, v23;
	v56 =	vld.msk [tilespmem:s29+$0x930], $0x1;
	v42 =	vperm.xlane v42, v0  }
0x150: {  	[tilespmem:s22+$0xF910] =	vst v28;
	v28 =	vadd.f32 v38, v29;
	v38 =	vperm.xlane v46, v0;
	v46 =	vld [tilespmem:s29+$0x950];
	v27 =	vmul.f32 v27, v57  }
0x151: {  	v48 =	vmul.f32 v48, v19;
	v53 =	vperm.xlane v53, v0;
	v55 =	vld [tilespmem:s29+$0x920];
	v58 =	vsel vm0, v62, v42  }
0x152: {  	v29 =	vperm.xlane v50, v0;
	[tilespmem:s22+$0xF920] =	vst v28;
	v28 =	vld [tilespmem:s29+$0x960];
	v27 =	vadd.f32 v36, v27;
	v40 =	vmul.f32 v58, v20  }
0x153: {  	[tilespmem:s22+$0xF930] =	vst v30;
	v30 =	vadd.f32 v33, v31;
	v41 =	vperm.xlane v51, v0;
	v36 =	vmul.f32 v50, v25;
	v50 =	vld [tilespmem:s29+$0x940]  }
0x154: {  	[tilespmem:s22+$0xF900] =	vst v27;
	v27 =	vmul.f32 v47, v11;
	v47 =	vld [tilespmem:s29+$0x930];
	v31 =	vmul.f32 v45, v57;
	v48 =	vadd.f32 v40, v48  }
0x155: {  	v32 =	vadd.f32 v34, v63;
	v34 =	vmul.f32 v60, v3;
	v57 =	vmul.f32 v46, v9;
	v33 =	vld.msk [tilespmem:s29+$0x940], $0x1  }
0x156: {  	v44 =	vmul.f32 v44, v11;
	v45 =	vperm.xlane v45, v0;
	v62 =	vld [tilespmem:s29+$0x960];
	[tilespmem:s30+$0xFD70] =	vst v48  }
0x157: {  	v49 =	vperm.xlane v49, v0;
	v52 =	vperm.xlane v60, v0;
	v27 =	vadd.f32 v35, v27;
	v48 =	vld [tilespmem:s0+$0x950];
	[tilespmem:s22+$0xF940] =	vst v30  }
0x158: {  	v54 =	vperm.xlane v61, v0;
	v56 =	vperm.xlane v56, v0;
	v30 =	vld.msk [tilespmem:s0+$0x960], $0x7fff;
	[tilespmem:s22+$0xF950] =	vst v32  }
0x159: {  	v46 =	vperm.xlane v46, v0;
	v42 =	vperm.xlane v43, v0;
	v32 =	vld [tilespmem:s0+$0x960];
	[tilespmem:s22+$0xF970] =	vst v27;
	s22 =	smov.u32 s0  }
0x15a: {  	v43 =	vmul.f32 v55, v2;
	v55 =	vperm.xlane v55, v0;
	v27 =	vld.msk [tilespmem:s22+$0x970], $0x1  }
0x15b: {  	v2 =	vld [tilespmem:s29+$0x950];
	v45 =	vsel vm0, v45, v49;
	v51 =	vmul.f32 v50, v6;
	v58 =	vmul.f32 v28, v16  }
0x15c: {  	v50 =	vperm.xlane v50, v0;
	v45 =	vmul.f32 v45, v8;
	v59 =	vld.msk [tilespmem:s29+$0x950], $0x1  }
0x15d: {  	v60 =	vld.msk [tilespmem:s29+$0x960], $0x1;
	v48 =	vperm.xlane v48, v1;
	v30 =	vperm.xlane v30, v1  }
0x15e: {  	v53 =	vsel vm0, v29, v53;
	v40 =	vperm.xlane v39, v0;
	v35 =	vmul.f32 v47, v4;
	v61 =	vld.msk [tilespmem:s29+$0x970], $0x1  }
0x15f: {  	v63 =	vld.msk [tilespmem:s29+$0x970], $0x7fff;
	v30 =	vsel vm1, v48, v30;
	v48 =	vperm.xlane v32, v0;
	v27 =	vperm.xlane v27, v0  }
0x160: {  	v49 =	vsel vm0, v55, v56;
	v3 =	vld.msk [tilespmem:s29+$0x960], $0x7fff;
	v32 =	vmul.f32 v32, v16;
	v30 =	vmul.f32 v30, v17  }
0x161: {  	v47 =	vperm.xlane v47, v0;
	v4 =	vperm.xlane v28, v0;
	v28 =	vld [tilespmem:s22+$0x910];
	v48 =	vsel vm0, v48, v27  }
0x162: {  	v33 =	vperm.xlane v33, v0;
	v29 =	vld [tilespmem:s22+$0x920];
	v30 =	vadd.f32 v30, v32;
	v32 =	vmul.f32 v48, v15  }
0x163: {  	v45 =	vadd.f32 v45, v31;
	v49 =	vmul.f32 v49, v10;
	v31 =	vld [tilespmem:s22+$0x940];
	v59 =	vperm.xlane v59, v0  }
0x164: {  	v2 =	vperm.xlane v2, v1;
	v33 =	vsel vm0, v47, v33;
	v27 =	vld [tilespmem:s22+$0x900];
	v30 =	vadd.f32 v32, v30  }
0x165: {  	v61 =	vperm.xlane v61, v0;
	v3 =	vperm.xlane v3, v1;
	v47 =	vsel vm0, v50, v59;
	v50 =	vld.msk [tilespmem:s22+$0x940], $0x1  }
0x166: {  	v48 =	vperm.xlane v60, v0;
	v60 =	vld.msk [tilespmem:s22+$0x910], $0x1;
	v32 =	vperm.xlane v62, v1;
	[tilespmem:s22+$0xF960] =	vst v30;
	v30 =	vsel vm0, v52, v54  }
0x167: {  	v43 =	vadd.f32 v49, v43;
	v62 =	vperm.xlane v63, v1;
	v63 =	vld.msk [tilespmem:s22+$0x920], $0x1;
	v54 =	vmul.f32 v30, v12  }
0x168: {  	v2 =	vsel vm1, v2, v3;
	v46 =	vsel vm0, v46, v48;
	v48 =	vmul.f32 v33, v14;
	v52 =	vld.msk [tilespmem:s22+$0x930], $0x1  }
0x169: {  	v59 =	vsel vm1, v32, v62;
	[tilespmem:s29+$0xF900] =	vst v45;
	v62 =	vmul.f32 v47, v5;
	v32 =	vld [tilespmem:s22+$0x950];
	v34 =	vadd.f32 v54, v34  }
0x16a: {  	v2 =	vmul.f32 v2, v17;
	v3 =	vadd.f32 v48, v35;
	v33 =	vld.msk [tilespmem:s22+$0x950], $0x1;
	[tilespmem:s29+$0xF920] =	vst v43;
	v56 =	vmul.f32 v59, v13  }
0x16b: {  	v4 =	vsel vm0, v4, v61;
	v49 =	vmul.f32 v46, v7;
	v35 =	vld [tilespmem:s22+$0x960];
	v55 =	vadd.f32 v62, v51;
	[tilespmem:s29+$0xF910] =	vst v34  }
0x16c: {  	s0 =	sor.u32 $0x80, s25;
	v4 =	vmul.f32 v4, v15;
	v2 =	vadd.f32 v2, v58;
	v58 =	vadd.f32 v56, v44;
	v34 =	vld.msk [tilespmem:s22+$0x960], $0x1;
	[tilespmem:s29+$0xF930] =	vst v3  }
0x16d: {  	v38 =	vsel vm0, v38, v41;
	s30 =	sor.u32 s24, s0;
	v30 =	vld [tilespmem:s22+$0x930];
	v3 =	vadd.f32 v49, v57;
	v57 =	vmul.f32 v53, v26;
	[tilespmem:s29+$0xF940] =	vst v55  }
0x16e: {  	v38 =	vmul.f32 v38, v24;
	v40 =	vsel vm0, v40, v42;
	v2 =	vadd.f32 v4, v2;
	v45 =	vld [tilespmem:s30+$0xD40];
	[tilespmem:s29+$0xF970] =	vst v58  }
0x16f: {  	s28 =	smov.u32 s7;
	v4 =	vmul.f32 v39, v22;
	v43 =	vld [tilespmem:s30+$0xD50];
	v59 =	vmul.f32 v40, v21;
	[tilespmem:s29+$0xF950] =	vst v3;
	v3 =	vadd.f32 v57, v36  }
0x170: {  	p0 =	slt.u32 s31, $0x26;
	v37 =	vadd.f32 v38, v37;
	v41 =	vperm.xlane v50, v0;
	v44 =	vld [tilespmem:s28+$0xD70];
	[tilespmem:s29+$0xF960] =	vst v2  }
.Ltmp1:
0x171: {  	v42 =	vld [tilespmem:s30+$0xD60];
	v61 =	vperm.xlane v60, v0;
	v2 =	vperm.xlane v27, v0;
	[tilespmem:s28+$0xFD40] =	vst v3;
	v3 =	vadd.f32 v59, v4;
	(pc) =	sbr.rel @p0 .LBB2_5-.Ltmp1, $4  }
0x172: {  	s24 =	smov.u32 s9;
	v62 =	vperm.xlane v63, v0;
	v63 =	vperm.xlane v52, v0;
	v47 =	vld.msk [tilespmem:s30+$0xD50], $0x1;
	[tilespmem:s28+$0xFD50] =	vst v37  }
0x173: {  	s23 =	smov.u32 s2;
	s25 =	smov.u32 s6;
	s2 =	sadd.s32 $0x800, s24;
	v4 =	vperm.xlane v28, v0;
	v36 =	vsel vm0, v2, v61;
	v2 =	vperm.xlane v29, v0;
	v48 =	vld.msk [tilespmem:s30+$0xD60], $0x1;
	[tilespmem:s28+$0xFD60] =	vst v3  }
0x174: {  	v40 =	vperm.xlane v31, v0;
	v39 =	vperm.xlane v30, v0;
	s29 =	sor.u32 s25, s2;
	v49 =	vld.msk [tilespmem:s30+$0xD70], $0x1  }
0x175: {  	v46 =	vmul.f32 v45, v25;
	v37 =	vsel vm0, v4, v62;
	v50 =	vld.msk [tilespmem:s29+$0x900], $0x1;
	v38 =	vsel vm0, v2, v63  }
0x176: {  	_ =	sdelay $0x3  }
0x177: {  	v2 =	vperm.xlane v44, v0;
	v3 =	vperm.xlane v50, v0;
	_ =	sdelay $0x1  }
0x178: {  	v2 =	vsel vm0, v2, v3  }
0x179: {  	v3 =	vmul.f32 v44, v19;
	v2 =	vmul.f32 v2, v20;
	_ =	sdelay $0x1  }
0x17a: {  	v2 =	vadd.f32 v2, v3;
	_ =	sdelay $0x1  }
0x17b: {  	[tilespmem:s28+$0xFD70] =	vst v2  }
0x17c: {  	v2 =	vld [tilespmem:s29+$0x970]  }
0x17d: {  	v3 =	vld [tilespmem:s29+$0x900]  }
0x17e: {  	v4 =	vld.msk [tilespmem:s29+$0x910], $0x1  }
0x17f: {  	v61 =	vperm.xlane v47, v0;
	v47 =	vld [tilespmem:s29+$0x910]  }
0x180: {  	v62 =	vperm.xlane v43, v0;
	v48 =	vperm.xlane v48, v0;
	v51 =	vld [tilespmem:s29+$0x920]  }
0x181: {  	v53 =	vld [tilespmem:s29+$0x930]  }
0x182: {  	v52 =	vperm.xlane v42, v0;
	v49 =	vperm.xlane v49, v0;
	v63 =	vsel vm0, v62, v48;
	v48 =	vld [tilespmem:s29+$0x940]  }
0x183: {  	v50 =	vld.msk [tilespmem:s29+$0x920], $0x1  }
0x184: {  	v49 =	vsel vm0, v52, v49;
	v52 =	vld.msk [tilespmem:s29+$0x930], $0x1  }
0x185: {  	v60 =	vperm.xlane v45, v0;
	v62 =	vld [tilespmem:$0x1FF40]  }
0x186: {  	v45 =	vmul.f32 v63, v24;
	v63 =	vld [tilespmem:$0x1FF50]  }
0x187: {  	v44 =	vsel vm0, v60, v61;
	v13 =	vld [tilespmem:$0x1FF60]  }
0x188: {  	v44 =	vmul.f32 v44, v26;
	v54 =	vld [tilespmem:s29+$0x950]  }
0x189: {  	v43 =	vmul.f32 v43, v23;
	v57 =	vld.msk [tilespmem:s29+$0x940], $0x1  }
0x18a: {  	v42 =	vmul.f32 v42, v22;
	v49 =	vmul.f32 v49, v21;
	v44 =	vadd.f32 v44, v46;
	v18 =	vld [tilespmem:$0x1FF70]  }
0x18b: {  	v43 =	vadd.f32 v45, v43;
	[tilespmem:$0x1FF30] =	vst v6;
	v8 =	vld [tilespmem:$0x1FF80];
	v55 =	vmul.f32 v3, v62;
	v56 =	vmul.f32 v47, v63  }
0x18c: {  	v42 =	vadd.f32 v49, v42;
	v12 =	vld [tilespmem:$0x1FF90];
	[tilespmem:s30+$0xFD40] =	vst v44;
	v58 =	vmul.f32 v51, v13;
	v3 =	vperm.xlane v3, v0  }
0x18d: {  	v10 =	vld [tilespmem:$0x1FFA0];
	[tilespmem:s30+$0xFD50] =	vst v43;
	v4 =	vperm.xlane v4, v0;
	v47 =	vperm.xlane v47, v0  }
0x18e: {  	v61 =	vld.msk [tilespmem:s29+$0x950], $0x1;
	[tilespmem:s30+$0xFD60] =	vst v42;
	v45 =	vperm.xlane v50, v0;
	v49 =	vperm.xlane v52, v0  }
0x18f: {  	v14 =	vld [tilespmem:$0x1FFB0];
	v52 =	vperm.xlane v53, v0;
	v57 =	vperm.xlane v57, v0;
	v3 =	vsel vm0, v3, v4  }
0x190: {  	v50 =	vperm.xlane v51, v0;
	v51 =	vld.msk [tilespmem:s29+$0x960], $0x1;
	v45 =	vsel vm0, v47, v45;
	v3 =	vmul.f32 v3, v8  }
0x191: {  	v52 =	vsel vm0, v52, v57;
	v57 =	vld.msk [tilespmem:s29+$0x960], $0x7fff;
	v45 =	vmul.f32 v45, v12  }
0x192: {  	v59 =	vmul.f32 v53, v18;
	v53 =	vld [tilespmem:s29+$0x960];
	v3 =	vadd.f32 v3, v55  }
0x193: {  	v4 =	vld.msk [tilespmem:s29+$0x970], $0x7fff;
	v49 =	vsel vm0, v50, v49;
	v44 =	vadd.f32 v45, v56  }
0x194: {  	v49 =	vmul.f32 v49, v10;
	v55 =	vld.msk [tilespmem:s29+$0x970], $0x1;
	[tilespmem:s29+$0xF900] =	vst v3  }
0x195: {  	v60 =	vmul.f32 v48, v6;
	v6 =	vmov v9;
	v50 =	vmul.f32 v54, v9;
	v9 =	vld [tilespmem:$0x1FFC0];
	[tilespmem:s29+$0xF910] =	vst v44  }
0x196: {  	v56 =	vperm.xlane v57, v1;
	v57 =	vadd.f32 v49, v58;
	v58 =	vmul.f32 v52, v14;
	v52 =	vld [tilespmem:$0x1FFD0]  }
0x197: {  	v47 =	vld [tilespmem:s29+$0x950]  }
0x198: {  	v46 =	vld [tilespmem:s29+$0x960];
	v54 =	vperm.xlane v54, v0;
	v51 =	vperm.xlane v51, v0  }
0x199: {  	v48 =	vperm.xlane v48, v0;
	v61 =	vperm.xlane v61, v0  }
0x19a: {  	v53 =	vperm.xlane v53, v1;
	v51 =	vsel vm0, v54, v51;
	v4 =	vperm.xlane v4, v1;
	v17 =	vld [tilespmem:$0x1FFE0];
	[tilespmem:s29+$0xF920] =	vst v57  }
0x19b: {  	v3 =	vperm.xlane v55, v0;
	v55 =	vmul.f32 v51, v52;
	v51 =	vld [tilespmem:$0x1FFF0]  }
0x19c: {  	v4 =	vsel vm1, v53, v4;
	v53 =	vperm.xlane v47, v1  }
0x19d: {  	v48 =	vsel vm0, v48, v61;
	v45 =	vmul.f32 v46, v16  }
0x19e: {  	s0 =	sor.u32 s0, s23;
	v46 =	vperm.xlane v46, v0;
	v54 =	vld [tilespmem:s30+$0xD70];
	v43 =	vsel vm1, v53, v56;
	v48 =	vmul.f32 v48, v9  }
0x19f: {  	v2 =	vmul.f32 v2, v11;
	v59 =	vadd.f32 v58, v59;
	v56 =	vld.msk [tilespmem:s0+$0x900], $0x1;
	v43 =	vmul.f32 v43, v17  }
0x1a0: {  	v3 =	vsel vm0, v46, v3;
	v57 =	vadd.f32 v48, v60;
	v4 =	vmul.f32 v4, v51  }
0x1a1: {  	s9 =	sor.u32 $0x80, s25;
	v3 =	vmul.f32 v3, v15;
	[tilespmem:s29+$0xF930] =	vst v59;
	v58 =	vadd.f32 v55, v50;
	v43 =	vadd.f32 v43, v45  }
0x1a2: {  	s6 =	sor.u32 s24, s9;
	[tilespmem:s29+$0xF940] =	vst v57;
	v2 =	vadd.f32 v4, v2  }
0x1a3: {  	v42 =	vld [tilespmem:s6+$0xD50];
	[tilespmem:s29+$0xF950] =	vst v58;
	v3 =	vadd.f32 v3, v43  }
0x1a4: {  	v44 =	vld [tilespmem:s6+$0xD60];
	v59 =	vperm.xlane v56, v0;
	[tilespmem:s29+$0xF970] =	vst v2;
	v2 =	vperm.xlane v54, v0  }
0x1a5: {  	v33 =	vperm.xlane v33, v0;
	v34 =	vperm.xlane v34, v0;
	[tilespmem:s29+$0xF960] =	vst v3;
	v4 =	vld [tilespmem:s6+$0xD40]  }
0x1a6: {  	v35 =	vperm.xlane v35, v1;
	v28 =	vmul.f32 v28, v63;
	v3 =	vld.msk [tilespmem:s6+$0xD50], $0x1;
	v2 =	vsel vm0, v2, v59  }
0x1a7: {  	v53 =	vmul.f32 v54, v19;
	v60 =	vld.msk [tilespmem:s6+$0xD60], $0x1;
	v2 =	vmul.f32 v2, v20  }
0x1a8: {  	v29 =	vmul.f32 v29, v13;
	v30 =	vmul.f32 v30, v18;
	v54 =	vld.msk [tilespmem:s6+$0xD70], $0x1  }
0x1a9: {  	v23 =	vmul.f32 v42, v23;
	v22 =	vmul.f32 v44, v22;
	v2 =	vadd.f32 v2, v53  }
0x1aa: {  	v55 =	vperm.xlane v32, v0;
	v56 =	vld.msk [tilespmem:s22+$0x970], $0x7fff;
	v59 =	vperm.xlane v44, v0  }
0x1ab: {  	v58 =	vld [tilespmem:s22+$0x970];
	v57 =	vperm.xlane v4, v0;
	v3 =	vperm.xlane v3, v0;
	[tilespmem:s30+$0xFD70] =	vst v2  }
0x1ac: {  	v39 =	vsel vm0, v39, v41;
	v43 =	vperm.xlane v60, v0;
	v2 =	vperm.xlane v42, v0;
	v49 =	vld [tilespmem:s0+$0x950]  }
0x1ad: {  	v4 =	vmul.f32 v4, v25;
	v46 =	vperm.xlane v54, v0;
	v3 =	vsel vm0, v57, v3;
	v60 =	vld.msk [tilespmem:s0+$0x960], $0x7fff  }
0x1ae: {  	v53 =	vmul.f32 v37, v12;
	v25 =	vld [tilespmem:s0+$0x960];
	v3 =	vmul.f32 v3, v26;
	v2 =	vsel vm0, v2, v43  }
0x1af: {  	v54 =	vld.msk [tilespmem:s0+$0x910], $0x1;
	v57 =	vmul.f32 v32, v6;
	v2 =	vmul.f32 v2, v24;
	v24 =	vsel vm0, v59, v46  }
0x1b0: {  	v26 =	vld.msk [tilespmem:s0+$0x970], $0x1;
	v3 =	vadd.f32 v3, v4;
	v4 =	vmul.f32 v24, v21;
	v21 =	vmul.f32 v36, v8  }
0x1b1: {  	v24 =	vsel vm0, v40, v33;
	v33 =	vld [tilespmem:s0+$0x900];
	v40 =	vmul.f32 v58, v11;
	v2 =	vadd.f32 v2, v23  }
0x1b2: {  	v58 =	vld.msk [tilespmem:s0+$0x930], $0x1;
	v23 =	vperm.xlane v56, v1;
	[tilespmem:s6+$0xFD40] =	vst v3;
	v3 =	vadd.f32 v4, v22;
	v4 =	vmul.f32 v38, v10  }
0x1b3: {  	v22 =	vsel vm0, v55, v34;
	v55 =	vmul.f32 v39, v14;
	v39 =	vld [tilespmem:s0+$0x920];
	v59 =	vperm.xlane v60, v1;
	[tilespmem:s6+$0xFD50] =	vst v2  }
0x1b4: {  	s2 =	sor.u32 s9, s2;
	v37 =	vperm.xlane v54, v0;
	v2 =	vmul.f32 v24, v9;
	v23 =	vsel vm1, v35, v23;
	v24 =	vld [tilespmem:s6+$0xD70];
	[tilespmem:s6+$0xFD60] =	vst v3  }
0x1b5: {  	v3 =	vmul.f32 v23, v51;
	v23 =	vmul.f32 v27, v62;
	v27 =	vld.msk [tilespmem:s2+$0x900], $0x1  }
0x1b6: {  	v60 =	vld.msk [tilespmem:s0+$0x940], $0x1;
	v22 =	vmul.f32 v22, v52;
	v26 =	vperm.xlane v26, v0  }
0x1b7: {  	v42 =	vld [tilespmem:s0+$0x950];
	v50 =	vperm.xlane v33, v0;
	v41 =	vperm.xlane v58, v0  }
0x1b8: {  	v43 =	vld [tilespmem:s0+$0x930];
	v21 =	vadd.f32 v21, v23;
	v23 =	vperm.xlane v49, v1;
	v49 =	vperm.xlane v25, v0  }
0x1b9: {  	v28 =	vadd.f32 v53, v28;
	v56 =	vld.msk [tilespmem:s0+$0x920], $0x1;
	v25 =	vmul.f32 v25, v16;
	v54 =	vperm.xlane v39, v0  }
0x1ba: {  	v5 =	vmovc v15;
	v4 =	vadd.f32 v4, v29;
	v15 =	vld [tilespmem:$0x1FF30];
	v48 =	vperm.xlane v24, v0;
	v27 =	vperm.xlane v27, v0  }
0x1bb: {  	v29 =	vld.msk [tilespmem:s0+$0x950], $0x1;
	v36 =	vperm.xlane v60, v0;
	v39 =	vmul.f32 v39, v13;
	v23 =	vsel vm1, v23, v59  }
0x1bc: {  	v38 =	vld [tilespmem:s0+$0x910];
	v26 =	vsel vm0, v49, v26;
	v19 =	vmul.f32 v24, v19;
	v27 =	vsel vm0, v48, v27  }
0x1bd: {  	v24 =	vadd.f32 v55, v30;
	v30 =	vld [tilespmem:s0+$0x960];
	v59 =	vperm.xlane v42, v0;
	v20 =	vmul.f32 v27, v20  }
0x1be: {  	v22 =	vadd.f32 v22, v57;
	v55 =	vld [tilespmem:s0+$0x970];
	v23 =	vmul.f32 v23, v17;
	v26 =	vmul.f32 v26, v5  }
0x1bf: {  	v45 =	vld [tilespmem:s0+$0x940];
	v32 =	vsel vm0, v54, v41;
	v31 =	vmul.f32 v31, v15;
	v19 =	vadd.f32 v20, v19  }
0x1c0: {  	v29 =	vperm.xlane v29, v0;
	v32 =	vmul.f32 v32, v10;
	v23 =	vadd.f32 v23, v25;
	v27 =	vld.msk [tilespmem:s0+$0x960], $0x1  }
0x1c1: {  	v53 =	vld.msk [tilespmem:s0+$0x970], $0x7fff;
	v2 =	vadd.f32 v2, v31;
	v31 =	vperm.xlane v56, v0;
	v56 =	vperm.xlane v43, v0;
	[tilespmem:s6+$0xFD70] =	vst v19  }
0x1c2: {  	v30 =	vperm.xlane v30, v1;
	v23 =	vadd.f32 v26, v23;
	v20 =	vperm.xlane v38, v0;
	v57 =	vld [tilespmem:s2+$0x950]  }
0x1c3: {  	v26 =	vmul.f32 v43, v18;
	v55 =	vmul.f32 v55, v11;
	v34 =	vsel vm0, v56, v36;
	v58 =	vld.msk [tilespmem:s2+$0x960], $0x7fff  }
0x1c4: {  	v34 =	vmul.f32 v34, v14;
	v20 =	vsel vm0, v20, v31;
	v31 =	vperm.xlane v45, v0;
	v47 =	vld [tilespmem:s2+$0x960]  }
0x1c5: {  	v38 =	vmul.f32 v38, v63;
	v19 =	vsel vm0, v50, v37;
	v27 =	vperm.xlane v27, v0;
	v60 =	vld.msk [tilespmem:s2+$0x970], $0x1  }
0x1c6: {  	v19 =	vmul.f32 v19, v8;
	v35 =	vld [tilespmem:s2+$0x900];
	v29 =	vsel vm0, v31, v29;
	v31 =	vperm.xlane v53, v1  }
0x1c7: {  	v20 =	vmul.f32 v20, v12;
	v41 =	vld.msk [tilespmem:s2+$0x910], $0x1;
	v53 =	vmul.f32 v45, v15  }
0x1c8: {  	[tilespmem:s22+$0xF920] =	vst v4;
	v56 =	vld [tilespmem:s2+$0x930];
	v27 =	vsel vm0, v59, v27;
	v29 =	vmul.f32 v29, v9;
	v30 =	vsel vm1, v30, v31  }
0x1c9: {  	v3 =	vadd.f32 v3, v40;
	[tilespmem:s22+$0xF900] =	vst v21;
	v40 =	vld [tilespmem:s2+$0x920];
	v27 =	vmul.f32 v27, v52;
	v25 =	vmul.f32 v30, v51  }
0x1ca: {  	v7 =	vmov v16;
	[tilespmem:s22+$0xF930] =	vst v24;
	v24 =	vld [tilespmem:s2+$0x950];
	v30 =	vmul.f32 v33, v62;
	v21 =	vperm.xlane v57, v1  }
0x1cb: {  	[tilespmem:s22+$0xF950] =	vst v22;
	v4 =	vadd.f32 v34, v26;
	v31 =	vld [tilespmem:s2+$0x910];
	v57 =	vperm.xlane v58, v1;
	v59 =	vperm.xlane v47, v0  }
0x1cc: {  	v48 =	vmovc v18;
	v33 =	vld.msk [tilespmem:s2+$0x920], $0x1;
	v26 =	vadd.f32 v29, v53;
	v36 =	vperm.xlane v60, v0;
	v18 =	vmul.f32 v47, v7  }
0x1cd: {  	[tilespmem:s0+$0xF960] =	vst v23;
	v29 =	vld.msk [tilespmem:s2+$0x950], $0x1;
	v22 =	vperm.xlane v41, v0;
	v23 =	vperm.xlane v56, v0;
	v19 =	vadd.f32 v19, v30  }
0x1ce: {  	v58 =	vld.msk [tilespmem:s2+$0x940], $0x1;
	v30 =	vmul.f32 v42, v6;
	v42 =	vperm.xlane v40, v0;
	v21 =	vsel vm1, v21, v57  }
0x1cf: {  	[tilespmem:s22+$0xF910] =	vst v28;
	v28 =	vadd.f32 v32, v39;
	v60 =	vld [tilespmem:s2+$0x940];
	v6 =	vmul.f32 v24, v6;
	v16 =	vmul.f32 v21, v17  }
0x1d0: {  	[tilespmem:s22+$0xF940] =	vst v2;
	v54 =	vld.msk [tilespmem:s2+$0x930], $0x1;
	v21 =	vsel vm0, v59, v36;
	v2 =	vadd.f32 v27, v30;
	v27 =	vperm.xlane v35, v0  }
0x1d1: {  	v43 =	vld.msk [tilespmem:s2+$0x970], $0x7fff;
	v20 =	vadd.f32 v20, v38;
	v30 =	vperm.xlane v31, v0;
	v17 =	vmul.f32 v21, v5  }
0x1d2: {  	[tilespmem:s22+$0xF970] =	vst v3;
	v3 =	vadd.f32 v25, v55;
	v25 =	vperm.xlane v33, v0;
	v5 =	vmul.f32 v35, v62  }
0x1d3: {  	[tilespmem:s0+$0xF900] =	vst v19;
	v16 =	vadd.f32 v16, v18;
	v19 =	vsel vm0, v27, v22;
	v22 =	vperm.xlane v58, v0  }
0x1d4: {  	[tilespmem:s0+$0xF910] =	vst v20;
	v27 =	vperm.xlane v60, v0;
	v20 =	vsel vm0, v30, v25;
	v25 =	vperm.xlane v29, v0  }
0x1d5: {  	v61 =	vmov v11;
	v21 =	vld.msk [tilespmem:s2+$0x960], $0x1;
	v29 =	vperm.xlane v24, v0;
	v11 =	vmul.f32 v19, v8  }
0x1d6: {  	[tilespmem:s0+$0xF920] =	vst v28;
	v18 =	vld [tilespmem:s2+$0x960];
	v19 =	vperm.xlane v43, v1;
	v16 =	vadd.f32 v17, v16;
	v17 =	vperm.xlane v54, v0  }
0x1d7: {  	[tilespmem:s0+$0xF930] =	vst v4;
	v4 =	vsel vm0, v23, v22;
	v8 =	vmul.f32 v20, v12;
	v20 =	vmul.f32 v31, v63  }
0x1d8: {  	[tilespmem:s0+$0xF970] =	vst v3;
	v3 =	vmul.f32 v4, v14;
	v4 =	vmul.f32 v40, v13  }
0x1d9: {  	[tilespmem:s0+$0xF950] =	vst v2;
	v2 =	vld [tilespmem:s2+$0x970];
	v5 =	vadd.f32 v11, v5;
	v11 =	vmul.f32 v56, v48;
	v17 =	vsel vm0, v42, v17  }
0x1da: {  	[tilespmem:s0+$0xF940] =	vst v26;
	v22 =	vsel vm0, v27, v25;
	v21 =	vperm.xlane v21, v0;
	v7 =	vmul.f32 v17, v10  }
0x1db: {  	[tilespmem:s2+$0xF960] =	vst v16;
	v9 =	vmul.f32 v22, v9;
	v8 =	vadd.f32 v8, v20;
	v18 =	vperm.xlane v18, v1  }
0x1dc: {  	v10 =	vmul.f32 v60, v15;
	[tilespmem:s2+$0xF900] =	vst v5;
	v17 =	vsel vm0, v29, v21;
	v4 =	vadd.f32 v7, v4  }
0x1dd: {  	v3 =	vadd.f32 v3, v11;
	[tilespmem:s2+$0xF910] =	vst v8;
	v13 =	vsel vm1, v18, v19;
	v5 =	vmul.f32 v17, v52  }
0x1de: {  	v2 =	vmul.f32 v2, v61;
	v7 =	vmul.f32 v13, v51;
	[tilespmem:s2+$0xF920] =	vst v4;
	v4 =	vadd.f32 v9, v10  }
0x1df: {  	[tilespmem:s2+$0xF930] =	vst v3;
	v3 =	vadd.f32 v5, v6  }
0x1e0: {  	v2 =	vadd.f32 v7, v2;
	[tilespmem:s2+$0xF940] =	vst v4  }
0x1e1: {  	[tilespmem:s2+$0xF950] =	vst v3  }
0x1e2: {  	[tilespmem:s2+$0xF970] =	vst v2  }
0x1e3: {  	v14 =	vld [tilespmem:$0x180]  }
0x1e4: {  	v17 =	vld [tilespmem:$0x460]  }
0x1e5: {  	v12 =	vld [tilespmem:$0x190]  }
0x1e6: {  	v18 =	vld [tilespmem:$0x470]  }
0x1e7: {  	v10 =	vld [tilespmem:$0x1A0]  }
0x1e8: {  	v19 =	vld [tilespmem:$0x480]  }
0x1e9: {  	v9 =	vld [tilespmem:$0x1B0]  }
0x1ea: {  	v21 =	vld [tilespmem:$0x490]  }
0x1eb: {  	v8 =	vld [tilespmem:$0x1C0]  }
0x1ec: {  	v22 =	vld [tilespmem:$0x4A0]  }
0x1ed: {  	v7 =	vld [tilespmem:$0x1D0]  }
0x1ee: {  	v23 =	vld [tilespmem:$0x4B0]  }
0x1ef: {  	v5 =	vld [tilespmem:$0x1E0]  }
0x1f0: {  	s23 =	simm.s32 $0x0;
	v24 =	vld [tilespmem:$0x4C0]  }
0x1f1: {  	s24 =	smul.u32 $0x1800, s23;
	v4 =	vld [tilespmem:$0x1F0]  }
0x1f2: {  	s25 =	simm.s32 $0x0;
	v6 =	vld [tilespmem:$0x4D0]  }
0x1f3: {  	s26 =	sand.u32 $0x300, s25;
	s29 =	sadd.s32 $0xC00, s24;
	v2 =	vld [tilespmem:$0x200]  }
0x1f4: {  	s30 =	sor.u32 s26, s29;
	v3 =	vld [tilespmem:$0x4E0]  }
0x1f5: {  	v11 =	vld [tilespmem:s30+$0x900]  }
0x1f6: {  	v13 =	vld [tilespmem:s30+$0x910]  }
0x1f7: {  	v15 =	vld [tilespmem:s30+$0x920]  }
0x1f8: {  	v16 =	vld [tilespmem:s30+$0x930]  }
0x1f9: {  	v20 =	vld [tilespmem:s30+$0x940]  }
0x1fa: {  	s31 =	sadd.s32 $0x900, s24;
	v25 =	vld [tilespmem:s30+$0x950]  }
0x1fb: {  	s7 =	sadd.s32 s26, s31;
	v26 =	vld [tilespmem:s30+$0x960]  }
0x1fc: {  	v27 =	vld [tilespmem:s7+$0x870]  }
0x1fd: {  	v28 =	vld.msk [tilespmem:s30+$0x900], $0x7fff  }
0x1fe: {  	v29 =	vld [tilespmem:s30+$0x900]  }
0x1ff: {  	v30 =	vld.msk [tilespmem:s30+$0x910], $0x7fff  }
0x200: {  	v31 =	vld [tilespmem:s30+$0x910]  }
0x201: {  	v45 =	vld.msk [tilespmem:s30+$0x920], $0x7fff  }
0x202: {  	v46 =	vld [tilespmem:s30+$0x920]  }
0x203: {  	v47 =	vld.msk [tilespmem:s30+$0x930], $0x7fff;
	v48 =	vmul.f32 v11, v17  }
0x204: {  	v49 =	vld [tilespmem:s30+$0x930];
	v50 =	vmul.f32 v13, v18;
	v51 =	vmul.f32 v15, v19  }
0x205: {  	v55 =	vld.msk [tilespmem:s30+$0x960], $0x7fff;
	v52 =	vmul.f32 v16, v21;
	v53 =	vmul.f32 v20, v22  }
0x206: {  	v57 =	vld.msk [tilespmem:s30+$0x970], $0x7fff;
	v54 =	vmul.f32 v25, v23;
	v26 =	vmul.f32 v26, v24  }
0x207: {  	v56 =	vld [tilespmem:s30+$0x960];
	v25 =	vperm.xlane v27, v1;
	v27 =	vperm.xlane v28, v1  }
0x208: {  	v13 =	vld.msk [tilespmem:s30+$0x940], $0x7fff;
	v29 =	vperm.xlane v29, v1;
	v30 =	vperm.xlane v30, v1  }
0x209: {  	v15 =	vld [tilespmem:s30+$0x940];
	v31 =	vperm.xlane v31, v1;
	v32 =	vperm.xlane v45, v1  }
0x20a: {  	v20 =	vld.msk [tilespmem:s30+$0x950], $0x7fff;
	v33 =	vperm.xlane v46, v1;
	v34 =	vperm.xlane v47, v1  }
0x20b: {  	v28 =	vld [tilespmem:s30+$0x950];
	v36 =	vperm.xlane v49, v1;
	v61 =	vperm.xlane v57, v1  }
0x20c: {  	v62 =	vld [tilespmem:s30+$0x970];
	v29 =	vsel vm1, v29, v30;
	v30 =	vperm.xlane v56, v1;
	v31 =	vsel vm1, v31, v32  }
0x20d: {  	v11 =	vld [tilespmem:$0x210];
	v33 =	vsel vm1, v33, v34;
	v29 =	vmul.f32 v29, v12;
	v31 =	vmul.f32 v31, v10  }
0x20e: {  	v16 =	vld [tilespmem:$0x4F0];
	v33 =	vmul.f32 v33, v9;
	v58 =	vperm.xlane v13, v1  }
0x20f: {  	v59 =	vperm.xlane v15, v1;
	v60 =	vperm.xlane v20, v1;
	v13 =	vld [tilespmem:$0x220];
	v20 =	vsel vm1, v25, v27  }
0x210: {  	v27 =	vperm.xlane v28, v1;
	v15 =	vld [tilespmem:$0x500];
	v29 =	vadd.f32 v29, v50;
	v25 =	vmul.f32 v20, v14  }
0x211: {  	s22 =	sor.u32 $0x80, s26;
	v28 =	vperm.xlane v55, v1;
	v31 =	vadd.f32 v31, v51;
	v20 =	vld [tilespmem:$0x230];
	v36 =	vsel vm1, v36, v58  }
0x212: {  	s0 =	sor.u32 s22, s29;
	v42 =	vsel vm1, v59, v60;
	v35 =	vadd.f32 v25, v48;
	v25 =	vld [tilespmem:$0x510];
	v63 =	vmul.f32 v36, v8;
	[tilespmem:s30+$0xF910] =	vst v29  }
0x213: {  	v57 =	vld [tilespmem:s0+$0x960];
	v27 =	vsel vm1, v27, v28;
	v29 =	vadd.f32 v33, v52;
	v43 =	vmul.f32 v42, v7;
	[tilespmem:s30+$0xF920] =	vst v31  }
0x214: {  	s6 =	sadd.s32 s22, s31;
	v30 =	vsel vm1, v30, v61;
	v61 =	vld [tilespmem:s0+$0x900];
	v27 =	vmul.f32 v27, v5;
	[tilespmem:s30+$0xF900] =	vst v35;
	v28 =	vadd.f32 v63, v53  }
0x215: {  	v44 =	vmul.f32 v62, v6;
	v30 =	vmul.f32 v30, v4;
	v59 =	vld [tilespmem:s6+$0x870];
	[tilespmem:s30+$0xF930] =	vst v29;
	v29 =	vadd.f32 v43, v54  }
0x216: {  	v31 =	vld [tilespmem:s0+$0x900];
	v26 =	vadd.f32 v27, v26;
	[tilespmem:s30+$0xF940] =	vst v28  }
0x217: {  	v33 =	vld [tilespmem:s0+$0x910];
	[tilespmem:s30+$0xF950] =	vst v29;
	v28 =	vadd.f32 v30, v44  }
0x218: {  	s25 =	sadd.s32 $0x1000, s24;
	v42 =	vld [tilespmem:s0+$0x950];
	[tilespmem:s30+$0xF960] =	vst v26  }
0x219: {  	s7 =	sor.u32 s26, s25;
	[tilespmem:s30+$0xF970] =	vst v28;
	v28 =	vld [tilespmem:s30+$0x970]  }
0x21a: {  	v30 =	vld [tilespmem:s7+$0x900]  }
0x21b: {  	v45 =	vld [tilespmem:s7+$0x910]  }
0x21c: {  	v46 =	vld.msk [tilespmem:s7+$0x900], $0x7fff  }
0x21d: {  	v47 =	vld [tilespmem:s7+$0x900]  }
0x21e: {  	v48 =	vld.msk [tilespmem:s7+$0x910], $0x7fff  }
0x21f: {  	v49 =	vld [tilespmem:s7+$0x910]  }
0x220: {  	v50 =	vld.msk [tilespmem:s7+$0x920], $0x7fff  }
0x221: {  	v51 =	vld [tilespmem:s7+$0x920]  }
0x222: {  	v41 =	vperm.xlane v61, v1;
	v52 =	vld.msk [tilespmem:s7+$0x930], $0x7fff;
	v28 =	vperm.xlane v28, v1  }
0x223: {  	v53 =	vld [tilespmem:s7+$0x920];
	v30 =	vmul.f32 v30, v3;
	v32 =	vmul.f32 v45, v16  }
0x224: {  	v61 =	vld [tilespmem:s0+$0x970];
	v34 =	vperm.xlane v46, v1;
	v35 =	vperm.xlane v47, v1  }
0x225: {  	v54 =	vld [tilespmem:s7+$0x930];
	v36 =	vperm.xlane v48, v1;
	v37 =	vperm.xlane v49, v1  }
0x226: {  	v27 =	vld [tilespmem:s0+$0x920];
	v55 =	vperm.xlane v50, v1;
	v56 =	vperm.xlane v51, v1;
	v28 =	vsel vm1, v28, v34  }
0x227: {  	v63 =	vld [tilespmem:s0+$0x910];
	v58 =	vperm.xlane v52, v1;
	v35 =	vsel vm1, v35, v36;
	v28 =	vmul.f32 v28, v2  }
0x228: {  	v29 =	vld [tilespmem:s0+$0x930];
	v60 =	vmul.f32 v53, v15;
	v34 =	vsel vm1, v37, v55;
	v35 =	vmul.f32 v35, v11  }
0x229: {  	v26 =	vld [tilespmem:s0+$0x940];
	v62 =	vsel vm1, v56, v58;
	v28 =	vadd.f32 v28, v30;
	v30 =	vmul.f32 v34, v13  }
0x22a: {  	v48 =	vmul.f32 v54, v25;
	v49 =	vld [tilespmem:s0+$0x920];
	v32 =	vadd.f32 v35, v32;
	v34 =	vmul.f32 v62, v20  }
0x22b: {  	v51 =	vld [tilespmem:s0+$0x940];
	[tilespmem:s7+$0xF900] =	vst v28;
	v28 =	vadd.f32 v30, v60  }
0x22c: {  	v52 =	vld [tilespmem:s0+$0x960];
	[tilespmem:s7+$0xF910] =	vst v32;
	v50 =	vadd.f32 v34, v48  }
0x22d: {  	v30 =	vld [tilespmem:s0+$0x930];
	[tilespmem:s7+$0xF920] =	vst v28  }
0x22e: {  	v28 =	vld [tilespmem:s0+$0x950];
	[tilespmem:s7+$0xF930] =	vst v50  }
0x22f: {  	v53 =	vld.msk [tilespmem:s0+$0x900], $0x7fff  }
0x230: {  	v54 =	vld.msk [tilespmem:s0+$0x910], $0x7fff  }
0x231: {  	v39 =	vmul.f32 v57, v24;
	v40 =	vperm.xlane v59, v1;
	v55 =	vld.msk [tilespmem:s0+$0x920], $0x7fff  }
0x232: {  	s29 =	simm.s32 $0x0;
	v31 =	vmul.f32 v31, v17;
	v33 =	vmul.f32 v33, v18;
	v56 =	vld.msk [tilespmem:s0+$0x930], $0x7fff  }
0x233: {  	s6 =	smul.u32 $0x1800, s29;
	v42 =	vmul.f32 v42, v23;
	v27 =	vmul.f32 v27, v19;
	v57 =	vld.msk [tilespmem:s0+$0x940], $0x7fff  }
0x234: {  	s23 =	simm.s32 $0x100;
	v29 =	vmul.f32 v29, v21;
	v26 =	vmul.f32 v26, v22;
	v58 =	vld.msk [tilespmem:s0+$0x950], $0x7fff  }
0x235: {  	s9 =	sand.u32 $0x300, s23;
	s30 =	sadd.s32 $0xC00, s6;
	v36 =	vperm.xlane v63, v1;
	v38 =	vperm.xlane v49, v1;
	v59 =	vld.msk [tilespmem:s0+$0x960], $0x7fff  }
0x236: {  	s31 =	sor.u32 s9, s30;
	v34 =	vperm.xlane v51, v1;
	v32 =	vperm.xlane v52, v1;
	v60 =	vld.msk [tilespmem:s0+$0x970], $0x7fff  }
0x237: {  	s22 =	sor.u32 s22, s25;
	s25 =	sor.u32 $0x80, s9;
	v46 =	vld [tilespmem:s31+$0x910];
	v30 =	vperm.xlane v30, v1;
	v28 =	vperm.xlane v28, v1  }
0x238: {  	s24 =	sor.u32 s25, s30;
	v47 =	vld [tilespmem:s31+$0x920];
	v35 =	vperm.xlane v53, v1;
	v37 =	vperm.xlane v54, v1  }
0x239: {  	v51 =	vld [tilespmem:s24+$0x950];
	v43 =	vperm.xlane v55, v1;
	v44 =	vperm.xlane v56, v1  }
0x23a: {  	v50 =	vld [tilespmem:s31+$0x900];
	v62 =	vperm.xlane v57, v1;
	v63 =	vperm.xlane v58, v1  }
0x23b: {  	v52 =	vperm.xlane v59, v1;
	v53 =	vperm.xlane v60, v1;
	v54 =	vld [tilespmem:s31+$0x930];
	v35 =	vsel vm1, v40, v35  }
0x23c: {  	v57 =	vld [tilespmem:s31+$0x940];
	v37 =	vsel vm1, v41, v37;
	v36 =	vsel vm1, v36, v43;
	v35 =	vmul.f32 v35, v14  }
0x23d: {  	s28 =	sadd.s32 $0x900, s6;
	v58 =	vld [tilespmem:s31+$0x950];
	v56 =	vsel vm1, v38, v44;
	v30 =	vsel vm1, v30, v62;
	v55 =	vmul.f32 v36, v10  }
0x23e: {  	s26 =	sadd.s32 s9, s28;
	v59 =	vld [tilespmem:s31+$0x960];
	v36 =	vmul.f32 v56, v9;
	v30 =	vmul.f32 v30, v8;
	v31 =	vadd.f32 v35, v31  }
0x23f: {  	v60 =	vld [tilespmem:s26+$0x870];
	v28 =	vsel vm1, v28, v52;
	v37 =	vmul.f32 v37, v12;
	v27 =	vadd.f32 v55, v27  }
0x240: {  	v62 =	vld [tilespmem:s31+$0x920];
	v29 =	vadd.f32 v36, v29;
	v26 =	vadd.f32 v30, v26;
	[tilespmem:s0+$0xF900] =	vst v31;
	v31 =	vsel vm1, v34, v63  }
0x241: {  	v30 =	vld.msk [tilespmem:s31+$0x900], $0x7fff;
	[tilespmem:s0+$0xF920] =	vst v27;
	v27 =	vmul.f32 v28, v5;
	v28 =	vsel vm1, v32, v53;
	v31 =	vmul.f32 v31, v7  }
0x242: {  	v33 =	vadd.f32 v37, v33;
	v38 =	vmul.f32 v57, v22;
	v55 =	vld.msk [tilespmem:s31+$0x940], $0x7fff;
	[tilespmem:s0+$0xF930] =	vst v29;
	v28 =	vmul.f32 v28, v4  }
0x243: {  	v57 =	vld.msk [tilespmem:s31+$0x950], $0x7fff;
	[tilespmem:s0+$0xF940] =	vst v26;
	v26 =	vadd.f32 v27, v39;
	v29 =	vadd.f32 v31, v42;
	v31 =	vmul.f32 v61, v6  }
0x244: {  	v37 =	vmul.f32 v58, v23;
	v58 =	vld.msk [tilespmem:s31+$0x960], $0x7fff;
	[tilespmem:s0+$0xF910] =	vst v33  }
0x245: {  	v63 =	vld.msk [tilespmem:s31+$0x930], $0x7fff;
	[tilespmem:s0+$0xF960] =	vst v26;
	v28 =	vadd.f32 v28, v31  }
0x246: {  	v53 =	vld [tilespmem:s31+$0x930];
	[tilespmem:s0+$0xF950] =	vst v29  }
0x247: {  	v41 =	vmul.f32 v46, v18;
	v27 =	vld.msk [tilespmem:s31+$0x910], $0x7fff;
	[tilespmem:s0+$0xF970] =	vst v28  }
0x248: {  	v54 =	vmul.f32 v54, v21;
	v34 =	vmul.f32 v59, v24;
	v28 =	vld [tilespmem:s22+$0x920]  }
0x249: {  	v33 =	vperm.xlane v60, v1;
	v35 =	vperm.xlane v62, v1;
	v31 =	vld.msk [tilespmem:s22+$0x930], $0x7fff  }
0x24a: {  	v39 =	vmul.f32 v50, v17;
	v61 =	vld [tilespmem:s31+$0x900];
	v30 =	vperm.xlane v30, v1  }
0x24b: {  	v42 =	vmul.f32 v47, v19;
	v45 =	vperm.xlane v55, v1;
	v26 =	vld.msk [tilespmem:s31+$0x920], $0x7fff  }
0x24c: {  	v62 =	vperm.xlane v58, v1;
	v36 =	vperm.xlane v63, v1;
	v30 =	vsel vm1, v33, v30;
	v52 =	vld [tilespmem:s22+$0x930]  }
0x24d: {  	v29 =	vld [tilespmem:s31+$0x910];
	v43 =	vperm.xlane v53, v1;
	v30 =	vmul.f32 v30, v14  }
0x24e: {  	v56 =	vld [tilespmem:s31+$0x940];
	v28 =	vperm.xlane v28, v1;
	v31 =	vperm.xlane v31, v1  }
0x24f: {  	v59 =	vld [tilespmem:s31+$0x960];
	v27 =	vperm.xlane v27, v1;
	v35 =	vsel vm1, v35, v36;
	v32 =	vperm.xlane v61, v1  }
0x250: {  	v60 =	vld.msk [tilespmem:s31+$0x970], $0x7fff;
	v61 =	vperm.xlane v57, v1;
	v35 =	vmul.f32 v35, v9;
	v28 =	vsel vm1, v28, v31  }
0x251: {  	v40 =	vmul.f32 v52, v25;
	v31 =	vld [tilespmem:s31+$0x950];
	v28 =	vmul.f32 v28, v20  }
0x252: {  	v50 =	vld [tilespmem:s0+$0x970];
	v30 =	vadd.f32 v30, v39;
	v26 =	vperm.xlane v26, v1;
	v29 =	vperm.xlane v29, v1  }
0x253: {  	v36 =	vld [tilespmem:s24+$0x910];
	v57 =	vsel vm1, v43, v45;
	v27 =	vsel vm1, v32, v27;
	v28 =	vadd.f32 v28, v40  }
0x254: {  	v47 =	vld.msk [tilespmem:s22+$0x900], $0x7fff;
	[tilespmem:s31+$0xF900] =	vst v30;
	v30 =	vmul.f32 v57, v8;
	v27 =	vmul.f32 v27, v12;
	v26 =	vsel vm1, v29, v26  }
0x255: {  	v26 =	vmul.f32 v26, v10;
	[tilespmem:s22+$0xF930] =	vst v28;
	v28 =	vperm.xlane v56, v1;
	v56 =	vld [tilespmem:s31+$0x970]  }
0x256: {  	v63 =	vld [tilespmem:s22+$0x900];
	v29 =	vperm.xlane v60, v1;
	v27 =	vadd.f32 v27, v41;
	v31 =	vperm.xlane v31, v1  }
0x257: {  	v53 =	vld.msk [tilespmem:s22+$0x910], $0x7fff;
	v52 =	vperm.xlane v59, v1;
	v26 =	vadd.f32 v26, v42;
	v28 =	vsel vm1, v28, v61  }
0x258: {  	v33 =	vld [tilespmem:s22+$0x910];
	[tilespmem:s31+$0xF910] =	vst v27;
	v27 =	vadd.f32 v35, v54;
	v31 =	vsel vm1, v31, v62;
	v28 =	vmul.f32 v28, v7  }
0x259: {  	v32 =	vld [tilespmem:s24+$0x910];
	v29 =	vsel vm1, v52, v29;
	[tilespmem:s31+$0xF920] =	vst v26;
	v26 =	vadd.f32 v30, v38;
	v30 =	vmul.f32 v31, v5  }
0x25a: {  	v41 =	vld.msk [tilespmem:s22+$0x920], $0x7fff;
	[tilespmem:s31+$0xF930] =	vst v27;
	v27 =	vadd.f32 v28, v37;
	v28 =	vmul.f32 v29, v4;
	v29 =	vmul.f32 v56, v6  }
0x25b: {  	v42 =	vld [tilespmem:s22+$0x900];
	[tilespmem:s31+$0xF940] =	vst v26;
	v26 =	vadd.f32 v30, v34  }
0x25c: {  	v52 =	vld [tilespmem:s24+$0x960];
	[tilespmem:s31+$0xF950] =	vst v27;
	v27 =	vadd.f32 v28, v29  }
0x25d: {  	s26 =	sadd.s32 $0x1000, s6;
	v38 =	vld [tilespmem:s24+$0x930];
	[tilespmem:s31+$0xF960] =	vst v26  }
0x25e: {  	s30 =	sor.u32 s9, s26;
	v26 =	vld [tilespmem:s31+$0x970];
	[tilespmem:s31+$0xF970] =	vst v27  }
0x25f: {  	v27 =	vld [tilespmem:s30+$0x900]  }
0x260: {  	v58 =	vld [tilespmem:s30+$0x910]  }
0x261: {  	v59 =	vld.msk [tilespmem:s30+$0x900], $0x7fff  }
0x262: {  	v60 =	vld [tilespmem:s30+$0x900]  }
0x263: {  	v61 =	vld.msk [tilespmem:s30+$0x910], $0x7fff  }
0x264: {  	v54 =	vld [tilespmem:s30+$0x910]  }
0x265: {  	v55 =	vld.msk [tilespmem:s30+$0x920], $0x7fff  }
0x266: {  	v43 =	vperm.xlane v47, v1;
	v62 =	vld [tilespmem:s30+$0x920]  }
0x267: {  	v44 =	vperm.xlane v63, v1;
	v46 =	vperm.xlane v53, v1;
	v63 =	vld.msk [tilespmem:s30+$0x930], $0x7fff  }
0x268: {  	v56 =	vld [tilespmem:s30+$0x920];
	v26 =	vperm.xlane v26, v1;
	v27 =	vmul.f32 v27, v3  }
0x269: {  	v40 =	vld [tilespmem:s22+$0x910];
	v48 =	vmul.f32 v58, v16;
	v57 =	vperm.xlane v59, v1  }
0x26a: {  	v31 =	vld [tilespmem:s24+$0x900];
	v58 =	vperm.xlane v60, v1;
	v59 =	vperm.xlane v61, v1  }
0x26b: {  	v60 =	vperm.xlane v54, v1;
	v61 =	vld [tilespmem:s30+$0x930];
	v39 =	vperm.xlane v55, v1  }
0x26c: {  	v30 =	vld [tilespmem:s24+$0x920];
	v45 =	vperm.xlane v62, v1;
	v62 =	vperm.xlane v63, v1;
	v26 =	vsel vm1, v26, v57  }
0x26d: {  	v28 =	vld [tilespmem:s24+$0x930];
	v53 =	vmul.f32 v56, v15;
	v35 =	vsel vm1, v58, v59;
	v26 =	vmul.f32 v26, v2  }
0x26e: {  	v29 =	vld [tilespmem:s24+$0x940];
	s31 =	sadd.s32 s25, s28;
	v37 =	vsel vm1, v60, v39;
	v54 =	vsel vm1, v45, v62;
	v63 =	vmul.f32 v35, v11  }
0x26f: {  	v34 =	vld [tilespmem:s31+$0x870];
	v58 =	vperm.xlane v40, v1;
	v26 =	vadd.f32 v26, v27;
	v27 =	vmul.f32 v37, v13  }
0x270: {  	v39 =	vld [tilespmem:s24+$0x940];
	v56 =	vmul.f32 v54, v20;
	v55 =	vadd.f32 v63, v48;
	v57 =	vmul.f32 v61, v25  }
0x271: {  	v59 =	vperm.xlane v50, v1;
	v60 =	vsel vm1, v44, v46;
	v40 =	vld [tilespmem:s24+$0x950];
	[tilespmem:s30+$0xF900] =	vst v26;
	v26 =	vadd.f32 v27, v53  }
0x272: {  	v62 =	vmul.f32 v42, v3;
	v42 =	vld [tilespmem:s24+$0x960];
	v27 =	vperm.xlane v41, v1;
	[tilespmem:s30+$0xF910] =	vst v55;
	v61 =	vadd.f32 v56, v57  }
0x273: {  	v33 =	vmul.f32 v33, v16;
	v35 =	vld [tilespmem:s24+$0x900];
	v43 =	vsel vm1, v59, v43;
	v41 =	vmul.f32 v60, v11;
	[tilespmem:s30+$0xF920] =	vst v26  }
0x274: {  	v37 =	vld [tilespmem:s24+$0x920];
	v26 =	vsel vm1, v58, v27;
	v27 =	vmul.f32 v43, v2;
	[tilespmem:s30+$0xF930] =	vst v61  }
0x275: {  	v32 =	vmul.f32 v32, v18;
	v29 =	vmul.f32 v29, v22;
	v63 =	vadd.f32 v41, v33;
	v41 =	vld.msk [tilespmem:s24+$0x900], $0x7fff  }
0x276: {  	v33 =	vmul.f32 v31, v17;
	v31 =	vmul.f32 v30, v19;
	v43 =	vld.msk [tilespmem:s24+$0x910], $0x7fff;
	v27 =	vadd.f32 v27, v62  }
0x277: {  	v30 =	vmul.f32 v28, v21;
	v28 =	vmul.f32 v51, v23;
	v44 =	vld.msk [tilespmem:s24+$0x920], $0x7fff;
	[tilespmem:s22+$0xF910] =	vst v63  }
0x278: {  	s28 =	simm.s32 $0x2;
	v26 =	vmul.f32 v26, v13;
	v45 =	vld.msk [tilespmem:s24+$0x930], $0x7fff;
	[tilespmem:s22+$0xF900] =	vst v27;
	v27 =	vmul.f32 v52, v24  }
.LBB2_7:
0x279: {  	s28 =	sadd.s32 $0x2, s28;
	v34 =	vperm.xlane v34, v1;
	v35 =	vperm.xlane v35, v1;
	v46 =	vld.msk [tilespmem:s24+$0x940], $0x7fff  }
0x27a: {  	v36 =	vperm.xlane v36, v1;
	v37 =	vperm.xlane v37, v1;
	s0 =	sshrl.u32 s28, $0x3;
	p0 =	slt.u32 s28, $0x26;
	v47 =	vld.msk [tilespmem:s24+$0x950], $0x7fff  }
0x27b: {  	v38 =	vperm.xlane v38, v1;
	v39 =	vperm.xlane v39, v1;
	s2 =	smul.u32 $0x1800, s0;
	v48 =	vld.msk [tilespmem:s24+$0x960], $0x7fff  }
0x27c: {  	v40 =	vperm.xlane v40, v1;
	v42 =	vperm.xlane v42, v1;
	s23 =	sadd.s32 $0x100, s23;
	v49 =	vld.msk [tilespmem:s24+$0x970], $0x7fff  }
0x27d: {  	s6 =	sand.u32 $0x300, s23;
	v41 =	vperm.xlane v41, v1;
	v43 =	vperm.xlane v43, v1;
	s29 =	sadd.s32 $0xC00, s2;
	v50 =	vld [tilespmem:s22+$0x920]  }
0x27e: {  	v44 =	vperm.xlane v44, v1;
	v45 =	vperm.xlane v45, v1;
	s9 =	sor.u32 s6, s29;
	v51 =	vld [tilespmem:s24+$0x970]  }
0x27f: {  	v34 =	vsel vm1, v34, v41;
	v41 =	vperm.xlane v46, v1;
	v52 =	vld [tilespmem:s9+$0x900];
	v46 =	vperm.xlane v47, v1  }
0x280: {  	v34 =	vmul.f32 v34, v14;
	v35 =	vsel vm1, v35, v43;
	v47 =	vld [tilespmem:s9+$0x910];
	v43 =	vperm.xlane v48, v1  }
0x281: {  	v35 =	vmul.f32 v35, v12;
	v36 =	vsel vm1, v36, v44;
	v48 =	vld [tilespmem:s9+$0x920];
	v44 =	vperm.xlane v49, v1  }
0x282: {  	v33 =	vadd.f32 v34, v33;
	v34 =	vmul.f32 v36, v10;
	v36 =	vsel vm1, v37, v45;
	v49 =	vld [tilespmem:s9+$0x930]  }
0x283: {  	v32 =	vadd.f32 v35, v32;
	v35 =	vmul.f32 v36, v9;
	v36 =	vsel vm1, v38, v41;
	v37 =	vld [tilespmem:s9+$0x940]  }
0x284: {  	s0 =	sadd.s32 $0x900, s2;
	v31 =	vadd.f32 v34, v31;
	v34 =	vsel vm1, v39, v46;
	v38 =	vld [tilespmem:s9+$0x950];
	[tilespmem:s24+$0xF900] =	vst v33;
	v33 =	vmul.f32 v36, v8  }
0x285: {  	s7 =	sadd.s32 s6, s0;
	v30 =	vadd.f32 v35, v30;
	v36 =	vld [tilespmem:s9+$0x960];
	[tilespmem:s24+$0xF910] =	vst v32;
	v32 =	vmul.f32 v34, v7;
	v34 =	vsel vm1, v40, v43  }
0x286: {  	v35 =	vld [tilespmem:s7+$0x870];
	[tilespmem:s24+$0xF920] =	vst v31;
	v29 =	vadd.f32 v33, v29;
	v31 =	vmul.f32 v34, v5;
	v33 =	vsel vm1, v42, v44  }
0x287: {  	v34 =	vld.msk [tilespmem:s9+$0x900], $0x7fff;
	[tilespmem:s24+$0xF930] =	vst v30;
	v28 =	vadd.f32 v32, v28;
	v30 =	vmul.f32 v33, v4;
	v32 =	vmul.f32 v51, v6  }
0x288: {  	v33 =	vld [tilespmem:s9+$0x900];
	[tilespmem:s24+$0xF940] =	vst v29;
	v27 =	vadd.f32 v31, v27;
	v29 =	vmul.f32 v50, v15  }
0x289: {  	v31 =	vld.msk [tilespmem:s9+$0x910], $0x7fff;
	[tilespmem:s24+$0xF950] =	vst v28;
	v28 =	vadd.f32 v30, v32  }
0x28a: {  	v30 =	vld [tilespmem:s9+$0x910];
	[tilespmem:s24+$0xF960] =	vst v27;
	v26 =	vadd.f32 v26, v29  }
0x28b: {  	s7 =	sor.u32 s25, s26;
	v27 =	vld.msk [tilespmem:s9+$0x920], $0x7fff;
	[tilespmem:s24+$0xF970] =	vst v28  }
0x28c: {  	v28 =	vld [tilespmem:s7+$0x920];
	[tilespmem:s22+$0xF920] =	vst v26;
	s22 =	smov.u32 s7  }
0x28d: {  	v26 =	vld.msk [tilespmem:s22+$0x930], $0x7fff  }
0x28e: {  	v29 =	vld [tilespmem:s9+$0x920]  }
0x28f: {  	v32 =	vmul.f32 v52, v17;
	v39 =	vld.msk [tilespmem:s9+$0x930], $0x7fff  }
0x290: {  	v40 =	vmul.f32 v47, v18;
	v41 =	vmul.f32 v48, v19;
	v42 =	vld [tilespmem:s22+$0x930]  }
0x291: {  	v43 =	vmul.f32 v49, v21;
	v37 =	vmul.f32 v37, v22;
	v44 =	vld [tilespmem:s9+$0x930]  }
0x292: {  	v28 =	vperm.xlane v28, v1;
	v45 =	vld.msk [tilespmem:s9+$0x940], $0x7fff;
	v26 =	vperm.xlane v26, v1  }
0x293: {  	v38 =	vmul.f32 v38, v23;
	v36 =	vmul.f32 v36, v24;
	v46 =	vld [tilespmem:s9+$0x940]  }
0x294: {  	v35 =	vperm.xlane v35, v1;
	v34 =	vperm.xlane v34, v1;
	v47 =	vld.msk [tilespmem:s9+$0x950], $0x7fff;
	v26 =	vsel vm1, v28, v26  }
0x295: {  	v28 =	vld [tilespmem:s9+$0x950];
	v26 =	vmul.f32 v26, v20;
	v42 =	vmul.f32 v42, v25  }
0x296: {  	v33 =	vperm.xlane v33, v1;
	v31 =	vperm.xlane v31, v1;
	v48 =	vld.msk [tilespmem:s9+$0x960], $0x7fff  }
0x297: {  	v30 =	vperm.xlane v30, v1;
	v27 =	vperm.xlane v27, v1;
	v49 =	vld [tilespmem:s9+$0x960];
	v26 =	vadd.f32 v26, v42  }
0x298: {  	v29 =	vperm.xlane v29, v1;
	v39 =	vperm.xlane v39, v1;
	v42 =	vld.msk [tilespmem:s9+$0x970], $0x7fff  }
0x299: {  	v44 =	vperm.xlane v44, v1;
	v45 =	vperm.xlane v45, v1;
	v50 =	vld [tilespmem:s24+$0x970];
	[tilespmem:s22+$0xF930] =	vst v26  }
0x29a: {  	v26 =	vperm.xlane v46, v1;
	v46 =	vperm.xlane v47, v1;
	v47 =	vld.msk [tilespmem:s22+$0x900], $0x7fff  }
0x29b: {  	v34 =	vsel vm1, v35, v34;
	v28 =	vperm.xlane v28, v1;
	v35 =	vperm.xlane v48, v1;
	v48 =	vld [tilespmem:s22+$0x900]  }
0x29c: {  	v34 =	vmul.f32 v34, v14;
	v31 =	vsel vm1, v33, v31;
	v33 =	vperm.xlane v49, v1;
	v49 =	vld.msk [tilespmem:s22+$0x910], $0x7fff  }
0x29d: {  	v31 =	vmul.f32 v31, v12;
	v27 =	vsel vm1, v30, v27;
	v30 =	vperm.xlane v42, v1;
	v42 =	vld [tilespmem:s22+$0x910]  }
0x29e: {  	v32 =	vadd.f32 v34, v32;
	v27 =	vmul.f32 v27, v10;
	v29 =	vsel vm1, v29, v39;
	v34 =	vld [tilespmem:s9+$0x970]  }
0x29f: {  	v31 =	vadd.f32 v31, v40;
	v29 =	vmul.f32 v29, v9;
	v39 =	vsel vm1, v44, v45;
	v40 =	vld.msk [tilespmem:s22+$0x920], $0x7fff  }
0x2a0: {  	s25 =	sor.u32 $0x80, s6;
	v27 =	vadd.f32 v27, v41;
	v26 =	vsel vm1, v26, v46;
	[tilespmem:s9+$0xF900] =	vst v32;
	v32 =	vmul.f32 v39, v8;
	v39 =	vld [tilespmem:s22+$0x900]  }
0x2a1: {  	v29 =	vadd.f32 v29, v43;
	s24 =	sor.u32 s25, s29;
	v26 =	vmul.f32 v26, v7;
	v28 =	vsel vm1, v28, v35;
	[tilespmem:s9+$0xF910] =	vst v31;
	v31 =	vld [tilespmem:s22+$0x910]  }
0x2a2: {  	v28 =	vmul.f32 v28, v5;
	v30 =	vsel vm1, v33, v30;
	[tilespmem:s9+$0xF920] =	vst v27;
	v27 =	vadd.f32 v32, v37;
	v32 =	vld [tilespmem:s24+$0x900]  }
0x2a3: {  	v26 =	vadd.f32 v26, v38;
	[tilespmem:s9+$0xF930] =	vst v29;
	v29 =	vmul.f32 v30, v4;
	v30 =	vmul.f32 v34, v6;
	v44 =	vld [tilespmem:s24+$0x910]  }
0x2a4: {  	v33 =	vperm.xlane v47, v1;
	v34 =	vperm.xlane v48, v1;
	[tilespmem:s9+$0xF940] =	vst v27;
	v27 =	vadd.f32 v28, v36;
	v28 =	vld [tilespmem:s24+$0x920]  }
0x2a5: {  	v35 =	vperm.xlane v42, v1;
	[tilespmem:s9+$0xF950] =	vst v26;
	v26 =	vadd.f32 v29, v30;
	v29 =	vld [tilespmem:s24+$0x930];
	v30 =	vperm.xlane v49, v1  }
0x2a6: {  	s26 =	sadd.s32 $0x1000, s2;
	v36 =	vperm.xlane v50, v1;
	v37 =	vperm.xlane v40, v1;
	[tilespmem:s9+$0xF960] =	vst v27;
	v27 =	vld [tilespmem:s24+$0x940]  }
0x2a7: {  	s2 =	sor.u32 s6, s26;
	v39 =	vmul.f32 v39, v3;
	[tilespmem:s9+$0xF970] =	vst v26;
	v38 =	vld [tilespmem:s9+$0x970];
	v26 =	vsel vm1, v34, v30;
	v30 =	vmul.f32 v31, v16  }
0x2a8: {  	v33 =	vsel vm1, v36, v33;
	v31 =	vld [tilespmem:s2+$0x900];
	v34 =	vmul.f32 v26, v11;
	v26 =	vsel vm1, v35, v37  }
0x2a9: {  	v33 =	vmul.f32 v33, v2;
	v35 =	vld [tilespmem:s2+$0x910];
	v26 =	vmul.f32 v26, v13  }
0x2aa: {  	v36 =	vld.msk [tilespmem:s2+$0x900], $0x7fff;
	v30 =	vadd.f32 v34, v30  }
0x2ab: {  	v33 =	vadd.f32 v33, v39;
	v34 =	vld [tilespmem:s2+$0x900]  }
0x2ac: {  	v37 =	vld.msk [tilespmem:s2+$0x910], $0x7fff;
	[tilespmem:s22+$0xF910] =	vst v30  }
0x2ad: {  	v30 =	vld [tilespmem:s2+$0x910];
	[tilespmem:s22+$0xF900] =	vst v33  }
0x2ae: {  	v33 =	vld.msk [tilespmem:s2+$0x920], $0x7fff  }
0x2af: {  	v39 =	vld [tilespmem:s2+$0x920]  }
0x2b0: {  	v38 =	vperm.xlane v38, v1;
	v40 =	vld.msk [tilespmem:s2+$0x930], $0x7fff  }
0x2b1: {  	v31 =	vmul.f32 v31, v3;
	v41 =	vmul.f32 v35, v16;
	v35 =	vld [tilespmem:s2+$0x920]  }
0x2b2: {  	v36 =	vperm.xlane v36, v1;
	v34 =	vperm.xlane v34, v1;
	v46 =	vld [tilespmem:s24+$0x950]  }
0x2b3: {  	v37 =	vperm.xlane v37, v1;
	v30 =	vperm.xlane v30, v1;
	v42 =	vld [tilespmem:s2+$0x930]  }
0x2b4: {  	s0 =	sadd.s32 s25, s0;
	v36 =	vsel vm1, v38, v36;
	v33 =	vperm.xlane v33, v1;
	v38 =	vperm.xlane v39, v1;
	v47 =	vld [tilespmem:s24+$0x960]  }
0x2b5: {  	v36 =	vmul.f32 v36, v2;
	v37 =	vsel vm1, v34, v37;
	v39 =	vperm.xlane v40, v1;
	v34 =	vld [tilespmem:s0+$0x870]  }
0x2b6: {  	v37 =	vmul.f32 v37, v11;
	v30 =	vsel vm1, v30, v33;
	v33 =	vmul.f32 v35, v15;
	v35 =	vld [tilespmem:s24+$0x900]  }
0x2b7: {  	v31 =	vadd.f32 v36, v31;
	v30 =	vmul.f32 v30, v13;
	v38 =	vsel vm1, v38, v39;
	v36 =	vld [tilespmem:s24+$0x910]  }
0x2b8: {  	v39 =	vadd.f32 v37, v41;
	v40 =	vmul.f32 v38, v20;
	v41 =	vmul.f32 v42, v25;
	v37 =	vld [tilespmem:s24+$0x920]  }
0x2b9: {  	v30 =	vadd.f32 v30, v33;
	[tilespmem:s2+$0xF900] =	vst v31;
	v38 =	vld [tilespmem:s24+$0x930]  }
0x2ba: {  	[tilespmem:s2+$0xF910] =	vst v39;
	v31 =	vadd.f32 v40, v41;
	v39 =	vld [tilespmem:s24+$0x940]  }
0x2bb: {  	[tilespmem:s2+$0xF920] =	vst v30;
	v40 =	vld [tilespmem:s24+$0x950]  }
.Ltmp2:
0x2bc: {  	[tilespmem:s2+$0xF930] =	vst v31;
	v42 =	vld [tilespmem:s24+$0x960];
	(pc) =	sbr.rel @p0 .LBB2_7-.Ltmp2, $4  }
0x2bd: {  	v33 =	vmul.f32 v32, v17;
	v41 =	vld.msk [tilespmem:s24+$0x900], $0x7fff  }
0x2be: {  	v32 =	vmul.f32 v44, v18;
	v31 =	vmul.f32 v28, v19;
	v43 =	vld.msk [tilespmem:s24+$0x910], $0x7fff  }
0x2bf: {  	v30 =	vmul.f32 v29, v21;
	v29 =	vmul.f32 v27, v22;
	v44 =	vld.msk [tilespmem:s24+$0x920], $0x7fff  }
0x2c0: {  	v27 =	vmul.f32 v47, v24;
	v28 =	vmul.f32 v46, v23;
	v45 =	vld.msk [tilespmem:s24+$0x930], $0x7fff  }
0x2c1: {  	v17 =	vperm.xlane v34, v1;
	v18 =	vperm.xlane v35, v1;
	v19 =	vld.msk [tilespmem:s24+$0x940], $0x7fff  }
0x2c2: {  	v21 =	vperm.xlane v36, v1;
	v22 =	vperm.xlane v37, v1;
	v23 =	vld.msk [tilespmem:s24+$0x950], $0x7fff  }
0x2c3: {  	v24 =	vperm.xlane v38, v1;
	v46 =	vperm.xlane v39, v1;
	v47 =	vld.msk [tilespmem:s24+$0x960], $0x7fff  }
0x2c4: {  	v48 =	vperm.xlane v40, v1;
	v49 =	vld.msk [tilespmem:s24+$0x970], $0x7fff;
	v51 =	vperm.xlane v41, v1  }
0x2c5: {  	v50 =	vperm.xlane v42, v1;
	v52 =	vperm.xlane v43, v1  }
0x2c6: {  	v53 =	vperm.xlane v44, v1;
	v17 =	vsel vm1, v17, v51;
	v54 =	vperm.xlane v45, v1  }
0x2c7: {  	v14 =	vmul.f32 v17, v14;
	v19 =	vperm.xlane v19, v1  }
0x2c8: {  	v17 =	vsel vm1, v18, v52;
	v23 =	vperm.xlane v23, v1;
	v18 =	vperm.xlane v47, v1  }
0x2c9: {  	v12 =	vmul.f32 v17, v12;
	v17 =	vsel vm1, v21, v53;
	v21 =	vperm.xlane v49, v1  }
0x2ca: {  	v55 =	vld [tilespmem:s24+$0x970];
	v14 =	vadd.f32 v14, v33;
	v10 =	vmul.f32 v17, v10;
	v17 =	vsel vm1, v22, v54  }
0x2cb: {  	v12 =	vadd.f32 v12, v32;
	v9 =	vmul.f32 v17, v9;
	v17 =	vsel vm1, v24, v19  }
0x2cc: {  	[tilespmem:s24+$0xF900] =	vst v14;
	v10 =	vadd.f32 v10, v31;
	v8 =	vmul.f32 v17, v8;
	v14 =	vsel vm1, v46, v23  }
0x2cd: {  	[tilespmem:s24+$0xF910] =	vst v12;
	v9 =	vadd.f32 v9, v30;
	v7 =	vmul.f32 v14, v7;
	v12 =	vsel vm1, v48, v18  }
0x2ce: {  	[tilespmem:s24+$0xF920] =	vst v10;
	v8 =	vadd.f32 v8, v29;
	v5 =	vmul.f32 v12, v5;
	v10 =	vsel vm1, v50, v21  }
0x2cf: {  	v6 =	vmul.f32 v55, v6;
	[tilespmem:s24+$0xF930] =	vst v9;
	v7 =	vadd.f32 v7, v28;
	v4 =	vmul.f32 v10, v4  }
0x2d0: {  	[tilespmem:s24+$0xF940] =	vst v8;
	v5 =	vadd.f32 v5, v27  }
0x2d1: {  	[tilespmem:s24+$0xF950] =	vst v7;
	v4 =	vadd.f32 v4, v6  }
0x2d2: {  	v8 =	vld [tilespmem:s24+$0x970];
	[tilespmem:s24+$0xF960] =	vst v5  }
0x2d3: {  	s0 =	sor.u32 s25, s26;
	v5 =	vld [tilespmem:s22+$0x920];
	[tilespmem:s24+$0xF970] =	vst v4  }
0x2d4: {  	v4 =	vld [tilespmem:s0+$0x920]  }
0x2d5: {  	v6 =	vld.msk [tilespmem:s0+$0x930], $0x7fff  }
0x2d6: {  	v7 =	vld [tilespmem:s0+$0x930]  }
0x2d7: {  	v9 =	vld.msk [tilespmem:s0+$0x900], $0x7fff  }
0x2d8: {  	v10 =	vld [tilespmem:s0+$0x900]  }
0x2d9: {  	v12 =	vld.msk [tilespmem:s0+$0x910], $0x7fff  }
0x2da: {  	v14 =	vld [tilespmem:s0+$0x910];
	v4 =	vperm.xlane v4, v1;
	v6 =	vperm.xlane v6, v1  }
0x2db: {  	v17 =	vld.msk [tilespmem:s0+$0x920], $0x7fff  }
0x2dc: {  	v8 =	vperm.xlane v8, v1;
	v5 =	vmul.f32 v5, v15;
	v4 =	vsel vm1, v4, v6;
	v6 =	vld [tilespmem:s0+$0x910]  }
0x2dd: {  	v18 =	vld [tilespmem:s0+$0x900];
	v7 =	vmul.f32 v7, v25;
	v4 =	vmul.f32 v4, v20  }
0x2de: {  	v19 =	vld [tilespmem:s0+$0x920];
	v10 =	vperm.xlane v10, v1;
	v12 =	vperm.xlane v12, v1  }
0x2df: {  	v5 =	vadd.f32 v26, v5;
	v4 =	vadd.f32 v4, v7;
	v7 =	vperm.xlane v9, v1  }
0x2e0: {  	v10 =	vsel vm1, v10, v12;
	v9 =	vperm.xlane v14, v1;
	v14 =	vperm.xlane v17, v1  }
0x2e1: {  	v6 =	vmul.f32 v6, v16;
	v7 =	vsel vm1, v8, v7;
	v8 =	vmul.f32 v10, v11  }
0x2e2: {  	v3 =	vmul.f32 v18, v3;
	v9 =	vsel vm1, v9, v14;
	v2 =	vmul.f32 v7, v2  }
0x2e3: {  	[tilespmem:s22+$0xF920] =	vst v5;
	v5 =	vmul.f32 v9, v13;
	v7 =	vmul.f32 v19, v15;
	v6 =	vadd.f32 v8, v6  }
0x2e4: {  	[tilespmem:s0+$0xF930] =	vst v4;
	v2 =	vadd.f32 v2, v3  }
0x2e5: {  	v3 =	vadd.f32 v5, v7;
	[tilespmem:s0+$0xF910] =	vst v6  }
0x2e6: {  	[tilespmem:s0+$0xF900] =	vst v2  }
0x2e7: {  	[tilespmem:s0+$0xF920] =	vst v3  }
0x2e8: {  	v16 =	vld [tilespmem:$0x240]  }
0x2e9: {  	v21 =	vld [tilespmem:$0x520]  }
0x2ea: {  	v13 =	vld [tilespmem:$0x250]  }
0x2eb: {  	v20 =	vld [tilespmem:$0x530]  }
0x2ec: {  	v12 =	vld [tilespmem:$0x260]  }
0x2ed: {  	v14 =	vld [tilespmem:$0x540]  }
0x2ee: {  	v10 =	vld [tilespmem:$0x270]  }
0x2ef: {  	s29 =	simm.s32 $0x0;
	v11 =	vld [tilespmem:$0x550]  }
0x2f0: {  	s0 =	smul.u32 $0x1800, s29;
	v4 =	vld [tilespmem:$0x280]  }
0x2f1: {  	s2 =	simm.s32 $0x0;
	v2 =	vld [tilespmem:$0x560]  }
0x2f2: {  	s9 =	sand.u32 $0x300, s2;
	v7 =	vld [tilespmem:$0x290];
	s6 =	sadd.s32 $0x1000, s0  }
0x2f3: {  	v3 =	vld [tilespmem:$0x570];
	s2 =	sor.u32 s9, s6  }
0x2f4: {  	v8 =	vld [tilespmem:s2+$0x940]  }
0x2f5: {  	v9 =	vld [tilespmem:s2+$0x950]  }
0x2f6: {  	v15 =	vld [tilespmem:s2+$0x930]  }
0x2f7: {  	v17 =	vld.msk [tilespmem:s2+$0x940], $0x7fff  }
0x2f8: {  	v18 =	vld [tilespmem:s2+$0x940]  }
0x2f9: {  	v19 =	vld.msk [tilespmem:s2+$0x950], $0x7fff  }
0x2fa: {  	v22 =	vld [tilespmem:s2+$0x950]  }
0x2fb: {  	v23 =	vld.msk [tilespmem:s2+$0x960], $0x7fff  }
0x2fc: {  	v24 =	vld [tilespmem:s2+$0x960]  }
0x2fd: {  	v28 =	vld [tilespmem:s2+$0x960];
	v25 =	vmul.f32 v8, v21  }
0x2fe: {  	v26 =	vld.msk [tilespmem:s2+$0x970], $0x7fff;
	v15 =	vperm.xlane v15, v1;
	v27 =	vmul.f32 v9, v20  }
0x2ff: {  	v5 =	vld [tilespmem:$0x2A0];
	v17 =	vperm.xlane v17, v1;
	v18 =	vperm.xlane v18, v1  }
0x300: {  	v6 =	vld [tilespmem:$0x580];
	v22 =	vperm.xlane v22, v1;
	v23 =	vperm.xlane v23, v1  }
0x301: {  	v29 =	vld [tilespmem:s2+$0x970];
	v19 =	vperm.xlane v19, v1;
	v24 =	vperm.xlane v24, v1;
	v15 =	vsel vm1, v15, v17  }
0x302: {  	v8 =	vld [tilespmem:$0x2B0];
	v22 =	vsel vm1, v22, v23;
	v23 =	vmul.f32 v28, v14;
	v30 =	vmul.f32 v15, v16  }
0x303: {  	v9 =	vld [tilespmem:$0x590];
	v15 =	vsel vm1, v18, v19;
	v18 =	vperm.xlane v26, v1;
	v22 =	vmul.f32 v22, v12  }
0x304: {  	v17 =	vld [tilespmem:$0x2D0];
	v26 =	vmul.f32 v15, v13  }
0x305: {  	v19 =	vld [tilespmem:$0x5B0];
	v25 =	vadd.f32 v30, v25;
	v24 =	vsel vm1, v24, v18;
	v22 =	vadd.f32 v22, v23  }
0x306: {  	v15 =	vld [tilespmem:$0x2C0];
	v26 =	vadd.f32 v26, v27;
	v24 =	vmul.f32 v24, v10;
	v27 =	vmul.f32 v29, v11  }
0x307: {  	v18 =	vld [tilespmem:$0x5A0];
	[tilespmem:s2+$0xF940] =	vst v25  }
0x308: {  	[tilespmem:s2+$0xF960] =	vst v22;
	v23 =	vadd.f32 v24, v27  }
0x309: {  	s0 =	sadd.s32 $0x1400, s0;
	[tilespmem:s2+$0xF950] =	vst v26  }
0x30a: {  	s30 =	sor.u32 s9, s0;
	v22 =	vld [tilespmem:s2+$0x970];
	[tilespmem:s2+$0xF970] =	vst v23  }
0x30b: {  	v23 =	vld [tilespmem:s30+$0x900]  }
0x30c: {  	v24 =	vld [tilespmem:s30+$0x910]  }
0x30d: {  	v25 =	vld [tilespmem:s30+$0x920]  }
0x30e: {  	v27 =	vld [tilespmem:s30+$0x900]  }
0x30f: {  	v30 =	vld [tilespmem:s30+$0x940]  }
0x310: {  	v28 =	vld.msk [tilespmem:s30+$0x910], $0x7fff  }
0x311: {  	v58 =	vld.msk [tilespmem:s30+$0x950], $0x1  }
0x312: {  	v26 =	vld.msk [tilespmem:s30+$0x900], $0x7fff  }
0x313: {  	v29 =	vld [tilespmem:s30+$0x910];
	v22 =	vperm.xlane v22, v1;
	v23 =	vmul.f32 v23, v2  }
0x314: {  	v24 =	vmul.f32 v24, v3;
	v59 =	vmul.f32 v30, v17  }
0x315: {  	v31 =	vld.msk [tilespmem:s30+$0x920], $0x7fff;
	v27 =	vperm.xlane v27, v1;
	v28 =	vperm.xlane v28, v1  }
0x316: {  	v56 =	vld [tilespmem:s30+$0x920];
	v30 =	vperm.xlane v30, v0;
	v34 =	vperm.xlane v58, v0  }
0x317: {  	v57 =	vld.msk [tilespmem:s30+$0x930], $0x7fff;
	v25 =	vmul.f32 v25, v6;
	v26 =	vperm.xlane v26, v1  }
0x318: {  	s31 =	simm.s32 $0x0;
	v60 =	vld [tilespmem:s30+$0x930];
	v29 =	vperm.xlane v29, v1;
	v27 =	vsel vm1, v27, v28;
	v28 =	vsel vm0, v30, v34  }
0x319: {  	s2 =	smul.u32 $0x1800, s31;
	v61 =	vld.msk [tilespmem:s30+$0x940], $0x7fff;
	v22 =	vsel vm1, v22, v26;
	v27 =	vmul.f32 v27, v7;
	v28 =	vmul.f32 v28, v19  }
0x31a: {  	s25 =	simm.s32 $0x100;
	v62 =	vld [tilespmem:s30+$0x930];
	v31 =	vperm.xlane v31, v1;
	v22 =	vmul.f32 v22, v4  }
0x31b: {  	s24 =	sand.u32 $0x300, s25;
	s23 =	sadd.s32 $0x1000, s2;
	v32 =	vperm.xlane v56, v1;
	v24 =	vadd.f32 v27, v24;
	v27 =	vadd.f32 v28, v59  }
0x31c: {  	s28 =	sor.u32 s24, s23;
	v26 =	vperm.xlane v57, v1;
	v29 =	vsel vm1, v29, v31;
	v30 =	vld [tilespmem:s30+$0x940];
	v22 =	vadd.f32 v22, v23  }
0x31d: {  	v43 =	vld.msk [tilespmem:s28+$0x940], $0x7fff;
	v23 =	vmul.f32 v29, v5;
	[tilespmem:s30+$0xF910] =	vst v24;
	v24 =	vperm.xlane v27, v1  }
0x31e: {  	s9 =	sor.u32 $0x80, s9;
	v45 =	vld [tilespmem:s28+$0x940];
	v36 =	vperm.xlane v60, v1;
	v26 =	vsel vm1, v32, v26;
	v29 =	vperm.xlane v61, v1;
	[tilespmem:s30+$0xF900] =	vst v22  }
0x31f: {  	s6 =	sor.u32 s9, s6;
	v47 =	vld.msk [tilespmem:s28+$0x950], $0x7fff;
	v22 =	vadd.f32 v23, v25;
	v23 =	vmul.f32 v26, v8;
	v25 =	vmul.f32 v62, v9;
	[tilespmem:s30+$0xF950] =	vst.msk $0x1, v24  }
0x320: {  	v27 =	vsel vm1, v36, v29;
	[tilespmem:s30+$0xF940] =	vst v24;
	v24 =	vld [tilespmem:s6+$0x950]  }
0x321: {  	[tilespmem:s30+$0xF920] =	vst v22;
	v22 =	vadd.f32 v23, v25;
	v23 =	vmul.f32 v27, v15;
	v25 =	vmul.f32 v30, v18;
	v29 =	vld [tilespmem:s6+$0x940]  }
0x322: {  	v31 =	vld [tilespmem:s6+$0x950]  }
0x323: {  	v40 =	vld [tilespmem:s6+$0x960];
	[tilespmem:s30+$0xF930] =	vst v22;
	v22 =	vadd.f32 v23, v25  }
0x324: {  	v23 =	vld [tilespmem:s6+$0x940]  }
0x325: {  	[tilespmem:s30+$0xF940] =	vst v22;
	v22 =	vld [tilespmem:s6+$0x930]  }
0x326: {  	v25 =	vld.msk [tilespmem:s6+$0x940], $0x7fff  }
0x327: {  	v30 =	vld.msk [tilespmem:s6+$0x950], $0x7fff  }
0x328: {  	v63 =	vld.msk [tilespmem:s6+$0x960], $0x7fff  }
0x329: {  	v41 =	vld.msk [tilespmem:s6+$0x970], $0x7fff;
	v24 =	vmul.f32 v24, v20  }
0x32a: {  	v42 =	vld [tilespmem:s6+$0x960];
	v29 =	vperm.xlane v29, v1;
	v31 =	vperm.xlane v31, v1  }
0x32b: {  	v28 =	vld [tilespmem:s28+$0x950];
	v22 =	vperm.xlane v22, v1;
	v25 =	vperm.xlane v25, v1  }
0x32c: {  	v44 =	vld [tilespmem:s6+$0x970];
	v46 =	vperm.xlane v40, v1;
	v30 =	vperm.xlane v30, v1  }
0x32d: {  	v26 =	vld [tilespmem:s28+$0x940];
	v23 =	vmul.f32 v23, v21;
	v22 =	vsel vm1, v22, v25;
	v25 =	vperm.xlane v63, v1  }
0x32e: {  	v27 =	vld [tilespmem:s28+$0x930];
	v29 =	vsel vm1, v29, v30;
	v30 =	vperm.xlane v41, v1;
	v22 =	vmul.f32 v22, v16  }
0x32f: {  	v48 =	vld [tilespmem:s28+$0x950];
	v29 =	vmul.f32 v29, v13;
	v25 =	vsel vm1, v31, v25;
	v31 =	vmul.f32 v42, v14  }
0x330: {  	v49 =	vld.msk [tilespmem:s28+$0x960], $0x7fff;
	v22 =	vadd.f32 v22, v23;
	v23 =	vmul.f32 v25, v12;
	v25 =	vsel vm1, v46, v30  }
0x331: {  	v30 =	vld [tilespmem:s28+$0x960];
	v24 =	vadd.f32 v29, v24;
	v29 =	vmul.f32 v44, v11;
	v25 =	vmul.f32 v25, v10  }
0x332: {  	v50 =	vld.msk [tilespmem:s28+$0x970], $0x7fff;
	v26 =	vmul.f32 v26, v21;
	[tilespmem:s6+$0xF940] =	vst v22;
	v22 =	vadd.f32 v23, v31  }
0x333: {  	v23 =	vperm.xlane v27, v1;
	v27 =	vmul.f32 v28, v20;
	v28 =	vld [tilespmem:s28+$0x960];
	[tilespmem:s6+$0xF950] =	vst v24;
	v24 =	vadd.f32 v25, v29  }
0x334: {  	v51 =	vld [tilespmem:s28+$0x970];
	v31 =	vperm.xlane v48, v1;
	v25 =	vperm.xlane v43, v1;
	[tilespmem:s6+$0xF960] =	vst v22  }
0x335: {  	s22 =	sor.u32 s9, s0;
	v58 =	vld [tilespmem:s6+$0x970];
	v29 =	vperm.xlane v45, v1;
	v22 =	vperm.xlane v47, v1;
	[tilespmem:s6+$0xF970] =	vst v24  }
0x336: {  	v23 =	vsel vm1, v23, v25;
	v24 =	vperm.xlane v49, v1;
	v25 =	vperm.xlane v30, v1;
	v30 =	vld [tilespmem:s22+$0x940]  }
0x337: {  	v23 =	vmul.f32 v23, v16;
	v22 =	vsel vm1, v29, v22;
	v29 =	vperm.xlane v50, v1;
	v52 =	vld.msk [tilespmem:s22+$0x950], $0x1  }
0x338: {  	v22 =	vmul.f32 v22, v13;
	v24 =	vsel vm1, v31, v24;
	v28 =	vmul.f32 v28, v14;
	v31 =	vld.msk [tilespmem:s22+$0x900], $0x7fff  }
0x339: {  	v23 =	vadd.f32 v23, v26;
	v24 =	vmul.f32 v24, v12;
	v25 =	vsel vm1, v25, v29;
	v26 =	vld [tilespmem:s22+$0x930]  }
0x33a: {  	v29 =	vld.msk [tilespmem:s22+$0x940], $0x7fff;
	v22 =	vadd.f32 v22, v27;
	v25 =	vmul.f32 v25, v10;
	v27 =	vmul.f32 v51, v11  }
0x33b: {  	[tilespmem:s28+$0xF940] =	vst v23;
	v23 =	vadd.f32 v24, v28;
	v24 =	vld [tilespmem:s22+$0x900]  }
0x33c: {  	[tilespmem:s28+$0xF950] =	vst v22;
	v22 =	vadd.f32 v25, v27;
	v25 =	vld.msk [tilespmem:s22+$0x910], $0x7fff  }
0x33d: {  	s26 =	sadd.s32 $0x1400, s2;
	v27 =	vld [tilespmem:s28+$0x970];
	[tilespmem:s28+$0xF960] =	vst v23  }
0x33e: {  	s0 =	sor.u32 s24, s26;
	v23 =	vld [tilespmem:s22+$0x940];
	[tilespmem:s28+$0xF970] =	vst v22  }
0x33f: {  	v28 =	vld [tilespmem:s0+$0x900]  }
0x340: {  	v32 =	vperm.xlane v52, v0;
	v22 =	vperm.xlane v30, v0;
	v53 =	vld [tilespmem:s0+$0x910]  }
0x341: {  	v54 =	vld [tilespmem:s0+$0x920]  }
0x342: {  	v30 =	vmul.f32 v30, v17;
	v26 =	vperm.xlane v26, v1;
	v55 =	vld.msk [tilespmem:s0+$0x900], $0x7fff;
	v22 =	vsel vm0, v22, v32  }
0x343: {  	v29 =	vperm.xlane v29, v1;
	v56 =	vld [tilespmem:s0+$0x900];
	v22 =	vmul.f32 v22, v19  }
0x344: {  	v57 =	vld.msk [tilespmem:s0+$0x910], $0x7fff;
	v24 =	vperm.xlane v24, v1  }
0x345: {  	v59 =	vld [tilespmem:s0+$0x910];
	v26 =	vsel vm1, v26, v29;
	v25 =	vperm.xlane v25, v1;
	v22 =	vadd.f32 v22, v30  }
0x346: {  	v60 =	vld [tilespmem:s0+$0x940];
	v26 =	vmul.f32 v26, v15;
	v23 =	vmul.f32 v23, v18  }
0x347: {  	v61 =	vld.msk [tilespmem:s0+$0x920], $0x7fff;
	v24 =	vsel vm1, v24, v25;
	v25 =	vperm.xlane v22, v1  }
0x348: {  	v63 =	vperm.xlane v58, v1;
	v62 =	vperm.xlane v31, v1;
	v33 =	vld.msk [tilespmem:s0+$0x930], $0x7fff;
	v23 =	vadd.f32 v26, v23  }
0x349: {  	v32 =	vperm.xlane v27, v1;
	v22 =	vmul.f32 v24, v7;
	v24 =	vld [tilespmem:s0+$0x920];
	[tilespmem:s22+$0xF940] =	vst v25  }
0x34a: {  	v30 =	vmul.f32 v28, v2;
	v28 =	vmul.f32 v53, v3;
	[tilespmem:s22+$0xF940] =	vst v23;
	v23 =	vld.msk [tilespmem:s0+$0x950], $0x1  }
0x34b: {  	v37 =	vld [tilespmem:s0+$0x930];
	v27 =	vmul.f32 v54, v6;
	v29 =	vmul.f32 v60, v17  }
0x34c: {  	v34 =	vld.msk [tilespmem:s0+$0x940], $0x7fff;
	v40 =	vperm.xlane v55, v1;
	v36 =	vperm.xlane v56, v1  }
0x34d: {  	v26 =	vld [tilespmem:s22+$0x910];
	v39 =	vperm.xlane v57, v1;
	v35 =	vperm.xlane v59, v1  }
0x34e: {  	v38 =	vperm.xlane v61, v1;
	v41 =	vperm.xlane v60, v0;
	[tilespmem:s22+$0xF950] =	vst.msk $0x1, v25;
	v25 =	vld.msk [tilespmem:s22+$0x920], $0x7fff  }
0x34f: {  	s28 =	simm.s32 $0x2;
	v31 =	vperm.xlane v24, v1;
	v24 =	vsel vm1, v63, v62;
	v42 =	vperm.xlane v23, v0;
	v23 =	vld [tilespmem:s22+$0x920]  }
.LBB2_9:
0x350: {  	s28 =	sadd.s32 $0x2, s28;
	v32 =	vsel vm1, v32, v40;
	v33 =	vperm.xlane v33, v1;
	v40 =	vld [tilespmem:s0+$0x930];
	v37 =	vperm.xlane v37, v1  }
0x351: {  	v36 =	vsel vm1, v36, v39;
	s2 =	sshrl.u32 s28, $0x3;
	p0 =	slt.u32 s28, $0x26;
	v32 =	vmul.f32 v32, v4;
	v39 =	vsel vm0, v41, v42;
	v41 =	vld.msk [tilespmem:s22+$0x930], $0x7fff  }
0x352: {  	v35 =	vsel vm1, v35, v38;
	v36 =	vmul.f32 v36, v7;
	s2 =	smul.u32 $0x1800, s2;
	v38 =	vmul.f32 v39, v19;
	v39 =	vld [tilespmem:s0+$0x940]  }
0x353: {  	s25 =	sadd.s32 $0x100, s25;
	v30 =	vadd.f32 v32, v30;
	v32 =	vmul.f32 v35, v5;
	v34 =	vperm.xlane v34, v1;
	v35 =	vld [tilespmem:s22+$0x900]  }
0x354: {  	s6 =	sand.u32 $0x300, s25;
	v31 =	vsel vm1, v31, v33;
	v28 =	vadd.f32 v36, v28;
	s7 =	sadd.s32 $0x1000, s2;
	v29 =	vadd.f32 v38, v29;
	v33 =	vld [tilespmem:s22+$0x910]  }
0x355: {  	s9 =	sor.u32 s6, s7;
	[tilespmem:s0+$0xF900] =	vst v30;
	v27 =	vadd.f32 v32, v27;
	v30 =	vmul.f32 v31, v8;
	v31 =	vmul.f32 v40, v9;
	v32 =	vld [tilespmem:s22+$0x920]  }
0x356: {  	v26 =	vperm.xlane v26, v1;
	v36 =	vld [tilespmem:s9+$0x940];
	[tilespmem:s0+$0xF910] =	vst v28;
	v28 =	vperm.xlane v29, v1;
	v29 =	vsel vm1, v37, v34  }
0x357: {  	s29 =	sor.u32 $0x80, s24;
	s24 =	smov.u32 s6;
	v34 =	vld [tilespmem:s9+$0x950];
	[tilespmem:s0+$0xF920] =	vst v27;
	v27 =	vadd.f32 v30, v31;
	v29 =	vmul.f32 v29, v15;
	v30 =	vmul.f32 v39, v18  }
0x358: {  	v25 =	vperm.xlane v25, v1;
	v23 =	vperm.xlane v23, v1;
	s6 =	sor.u32 s29, s23;
	s23 =	smov.u32 s7;
	v31 =	vld [tilespmem:s9+$0x930];
	[tilespmem:s0+$0xF950] =	vst.msk $0x1, v28  }
0x359: {  	v24 =	vmul.f32 v24, v4;
	[tilespmem:s0+$0xF930] =	vst v27;
	v27 =	vadd.f32 v29, v30;
	v29 =	vld [tilespmem:s6+$0x940];
	v30 =	vperm.xlane v41, v1  }
0x35a: {  	v25 =	vsel vm1, v26, v25;
	v35 =	vmul.f32 v35, v2;
	v33 =	vmul.f32 v33, v3;
	[tilespmem:s0+$0xF940] =	vst v28;
	v28 =	vld [tilespmem:s6+$0x950]  }
0x35b: {  	v25 =	vmul.f32 v25, v5;
	[tilespmem:s0+$0xF940] =	vst v27;
	v26 =	vld [tilespmem:s6+$0x930];
	v27 =	vmul.f32 v32, v6;
	v23 =	vsel vm1, v23, v30  }
0x35c: {  	v24 =	vadd.f32 v24, v35;
	v22 =	vadd.f32 v22, v33;
	v30 =	vld.msk [tilespmem:s6+$0x940], $0x7fff;
	v23 =	vmul.f32 v23, v8  }
0x35d: {  	v32 =	vld [tilespmem:s6+$0x940];
	v25 =	vadd.f32 v25, v27  }
0x35e: {  	v27 =	vld.msk [tilespmem:s6+$0x950], $0x7fff;
	[tilespmem:s22+$0xF900] =	vst v24  }
0x35f: {  	v24 =	vld [tilespmem:s6+$0x950];
	[tilespmem:s22+$0xF910] =	vst v22  }
0x360: {  	v22 =	vld.msk [tilespmem:s6+$0x960], $0x7fff;
	[tilespmem:s22+$0xF920] =	vst v25  }
0x361: {  	v25 =	vld [tilespmem:s6+$0x960]  }
0x362: {  	v29 =	vmul.f32 v29, v21;
	v33 =	vld.msk [tilespmem:s6+$0x970], $0x7fff  }
0x363: {  	v28 =	vmul.f32 v28, v20;
	v26 =	vperm.xlane v26, v1;
	v35 =	vld [tilespmem:s6+$0x960]  }
0x364: {  	v30 =	vperm.xlane v30, v1;
	v32 =	vperm.xlane v32, v1;
	v37 =	vld.msk [tilespmem:s9+$0x940], $0x7fff  }
0x365: {  	v27 =	vperm.xlane v27, v1;
	v24 =	vperm.xlane v24, v1;
	v38 =	vld [tilespmem:s6+$0x970]  }
0x366: {  	v26 =	vsel vm1, v26, v30;
	v22 =	vperm.xlane v22, v1;
	v39 =	vld [tilespmem:s9+$0x940];
	v25 =	vperm.xlane v25, v1  }
0x367: {  	v26 =	vmul.f32 v26, v16;
	v27 =	vsel vm1, v32, v27;
	v30 =	vld.msk [tilespmem:s9+$0x950], $0x7fff;
	v32 =	vperm.xlane v33, v1  }
0x368: {  	v27 =	vmul.f32 v27, v13;
	v22 =	vsel vm1, v24, v22;
	v33 =	vld [tilespmem:s9+$0x950];
	v24 =	vmul.f32 v35, v14  }
0x369: {  	v26 =	vadd.f32 v26, v29;
	v22 =	vmul.f32 v22, v12;
	v35 =	vld.msk [tilespmem:s9+$0x960], $0x7fff;
	v25 =	vsel vm1, v25, v32  }
0x36a: {  	v27 =	vadd.f32 v27, v28;
	v29 =	vld [tilespmem:s9+$0x960];
	v25 =	vmul.f32 v25, v10;
	v28 =	vmul.f32 v38, v11  }
0x36b: {  	v32 =	vmul.f32 v36, v21;
	v22 =	vadd.f32 v22, v24;
	v36 =	vld.msk [tilespmem:s9+$0x970], $0x7fff;
	[tilespmem:s6+$0xF940] =	vst v26  }
0x36c: {  	v24 =	vperm.xlane v31, v1;
	v26 =	vmul.f32 v34, v20;
	v31 =	vld [tilespmem:s9+$0x960];
	[tilespmem:s6+$0xF950] =	vst v27;
	v25 =	vadd.f32 v25, v28  }
0x36d: {  	v27 =	vperm.xlane v37, v1;
	v28 =	vperm.xlane v39, v1;
	[tilespmem:s6+$0xF960] =	vst v22;
	v22 =	vld [tilespmem:s22+$0x930]  }
0x36e: {  	s7 =	sor.u32 s29, s26;
	v30 =	vperm.xlane v30, v1;
	v33 =	vperm.xlane v33, v1;
	v34 =	vld [tilespmem:s9+$0x970];
	[tilespmem:s6+$0xF970] =	vst v25  }
0x36f: {  	v24 =	vsel vm1, v24, v27;
	v25 =	vperm.xlane v35, v1;
	v27 =	vperm.xlane v29, v1;
	v29 =	vld [tilespmem:s7+$0x940]  }
0x370: {  	v28 =	vsel vm1, v28, v30;
	v24 =	vmul.f32 v24, v16;
	v30 =	vperm.xlane v36, v1;
	v35 =	vld.msk [tilespmem:s7+$0x950], $0x1  }
0x371: {  	v28 =	vmul.f32 v28, v13;
	v25 =	vsel vm1, v33, v25;
	v31 =	vmul.f32 v31, v14;
	v33 =	vld.msk [tilespmem:s7+$0x900], $0x7fff  }
0x372: {  	v24 =	vadd.f32 v24, v32;
	v25 =	vmul.f32 v25, v12;
	v27 =	vsel vm1, v27, v30;
	v30 =	vld [tilespmem:s7+$0x930]  }
0x373: {  	v26 =	vadd.f32 v28, v26;
	v27 =	vmul.f32 v27, v10;
	v28 =	vmul.f32 v34, v11;
	v32 =	vld.msk [tilespmem:s7+$0x940], $0x7fff  }
0x374: {  	v22 =	vmul.f32 v22, v9;
	[tilespmem:s9+$0xF940] =	vst v24;
	v24 =	vadd.f32 v25, v31;
	v25 =	vld [tilespmem:s7+$0x900]  }
0x375: {  	[tilespmem:s9+$0xF950] =	vst v26;
	v26 =	vadd.f32 v27, v28;
	v27 =	vld.msk [tilespmem:s7+$0x910], $0x7fff;
	v28 =	vperm.xlane v29, v0;
	v31 =	vperm.xlane v35, v0  }
0x376: {  	s26 =	sadd.s32 $0x1400, s2;
	v22 =	vadd.f32 v23, v22;
	[tilespmem:s9+$0xF960] =	vst v24;
	v24 =	vperm.xlane v33, v1;
	v33 =	vld [tilespmem:s7+$0x940]  }
0x377: {  	s0 =	sor.u32 s24, s26;
	[tilespmem:s9+$0xF970] =	vst v26;
	v23 =	vld [tilespmem:s9+$0x970];
	v26 =	vmul.f32 v29, v17;
	v28 =	vsel vm0, v28, v31;
	v29 =	vperm.xlane v30, v1  }
0x378: {  	v30 =	vld [tilespmem:s0+$0x900];
	v28 =	vmul.f32 v28, v19;
	v31 =	vperm.xlane v32, v1;
	[tilespmem:s22+$0xF930] =	vst v22;
	s22 =	smov.u32 s7  }
0x379: {  	v34 =	vld [tilespmem:s0+$0x910];
	v22 =	vperm.xlane v25, v1  }
0x37a: {  	v25 =	vld [tilespmem:s0+$0x920];
	v27 =	vperm.xlane v27, v1;
	v26 =	vadd.f32 v28, v26;
	v28 =	vsel vm1, v29, v31  }
0x37b: {  	v31 =	vld.msk [tilespmem:s0+$0x900], $0x7fff;
	v28 =	vmul.f32 v28, v15;
	v29 =	vmul.f32 v33, v18  }
0x37c: {  	v35 =	vld [tilespmem:s0+$0x900];
	v22 =	vsel vm1, v22, v27;
	v26 =	vperm.xlane v26, v1  }
0x37d: {  	v38 =	vld.msk [tilespmem:s0+$0x910], $0x7fff;
	v22 =	vmul.f32 v22, v7;
	v27 =	vadd.f32 v28, v29  }
0x37e: {  	v28 =	vld [tilespmem:s6+$0x970];
	[tilespmem:s22+$0xF940] =	vst v26  }
0x37f: {  	v41 =	vld [tilespmem:s0+$0x910];
	[tilespmem:s22+$0xF940] =	vst v27  }
0x380: {  	v42 =	vld [tilespmem:s0+$0x940];
	[tilespmem:s22+$0xF950] =	vst.msk $0x1, v26  }
0x381: {  	v43 =	vld.msk [tilespmem:s0+$0x920], $0x7fff  }
0x382: {  	v44 =	vld [tilespmem:s0+$0x920]  }
0x383: {  	v32 =	vperm.xlane v23, v1;
	v33 =	vld.msk [tilespmem:s0+$0x930], $0x7fff;
	v23 =	vperm.xlane v28, v1  }
0x384: {  	v30 =	vmul.f32 v30, v2;
	v28 =	vmul.f32 v34, v3;
	v45 =	vld.msk [tilespmem:s0+$0x950], $0x1  }
.Ltmp3:
0x385: {  	v27 =	vmul.f32 v25, v6;
	v29 =	vmul.f32 v42, v17;
	v37 =	vld [tilespmem:s0+$0x930];
	v24 =	vsel vm1, v23, v24;
	(pc) =	sbr.rel @p0 .LBB2_9-.Ltmp3, $4  }
0x386: {  	v40 =	vperm.xlane v31, v1;
	v36 =	vperm.xlane v35, v1;
	v26 =	vld [tilespmem:s22+$0x910]  }
0x387: {  	v39 =	vperm.xlane v38, v1;
	v35 =	vperm.xlane v41, v1;
	v25 =	vld.msk [tilespmem:s22+$0x920], $0x7fff  }
0x388: {  	v38 =	vperm.xlane v43, v1;
	v31 =	vperm.xlane v44, v1;
	v34 =	vld.msk [tilespmem:s0+$0x940], $0x7fff  }
0x389: {  	v41 =	vperm.xlane v42, v0;
	v42 =	vperm.xlane v45, v0;
	v23 =	vld [tilespmem:s22+$0x920]  }
0x38a: {  	v32 =	vsel vm1, v32, v40;
	v33 =	vperm.xlane v33, v1;
	v54 =	vld [tilespmem:s0+$0x930];
	v37 =	vperm.xlane v37, v1  }
0x38b: {  	v36 =	vsel vm1, v36, v39;
	v32 =	vmul.f32 v32, v4;
	v55 =	vsel vm0, v41, v42  }
0x38c: {  	v35 =	vsel vm1, v35, v38;
	v57 =	vld [tilespmem:s0+$0x940];
	v36 =	vmul.f32 v36, v7;
	v56 =	vmul.f32 v55, v19  }
0x38d: {  	v58 =	vmul.f32 v35, v5;
	v31 =	vsel vm1, v31, v33;
	v30 =	vadd.f32 v32, v30  }
0x38e: {  	v34 =	vperm.xlane v34, v1;
	v28 =	vadd.f32 v36, v28;
	v29 =	vadd.f32 v56, v29  }
0x38f: {  	v27 =	vadd.f32 v58, v27;
	[tilespmem:s0+$0xF900] =	vst v30;
	v30 =	vmul.f32 v31, v8;
	v31 =	vmul.f32 v54, v9  }
0x390: {  	[tilespmem:s0+$0xF910] =	vst v28;
	v28 =	vperm.xlane v29, v1;
	v29 =	vsel vm1, v37, v34  }
0x391: {  	v59 =	vld [tilespmem:s22+$0x900];
	s6 =	sor.u32 $0x80, s24;
	[tilespmem:s0+$0xF920] =	vst v27;
	v27 =	vadd.f32 v30, v31;
	v29 =	vmul.f32 v29, v15;
	v30 =	vmul.f32 v57, v18  }
0x392: {  	s2 =	sor.u32 s6, s23;
	v31 =	vld [tilespmem:s22+$0x920];
	[tilespmem:s0+$0xF950] =	vst.msk $0x1, v28  }
0x393: {  	[tilespmem:s0+$0xF930] =	vst v27;
	v27 =	vadd.f32 v29, v30;
	v29 =	vld [tilespmem:s2+$0x940]  }
0x394: {  	[tilespmem:s0+$0xF940] =	vst v28;
	v28 =	vld [tilespmem:s2+$0x950]  }
0x395: {  	v61 =	vld [tilespmem:s2+$0x940]  }
0x396: {  	v63 =	vld [tilespmem:s2+$0x950]  }
0x397: {  	v40 =	vld [tilespmem:s2+$0x960]  }
0x398: {  	v26 =	vperm.xlane v26, v1;
	v25 =	vperm.xlane v25, v1;
	[tilespmem:s0+$0xF940] =	vst v27;
	v27 =	vld [tilespmem:s2+$0x930]  }
0x399: {  	v30 =	vld.msk [tilespmem:s2+$0x940], $0x7fff  }
0x39a: {  	v24 =	vmul.f32 v24, v4;
	v25 =	vsel vm1, v26, v25;
	v26 =	vld.msk [tilespmem:s2+$0x960], $0x7fff  }
0x39b: {  	v32 =	vmul.f32 v59, v2;
	v25 =	vmul.f32 v25, v5;
	v62 =	vld.msk [tilespmem:s2+$0x950], $0x7fff  }
0x39c: {  	v31 =	vmul.f32 v31, v6;
	v21 =	vmul.f32 v29, v21;
	v29 =	vld.msk [tilespmem:s2+$0x970], $0x7fff  }
0x39d: {  	v20 =	vmul.f32 v28, v20;
	v28 =	vld [tilespmem:s2+$0x960];
	v41 =	vperm.xlane v61, v1  }
0x39e: {  	v24 =	vadd.f32 v24, v32;
	v27 =	vperm.xlane v27, v1;
	v30 =	vperm.xlane v30, v1  }
0x39f: {  	v43 =	vld [tilespmem:s2+$0x970];
	v25 =	vadd.f32 v25, v31;
	v42 =	vperm.xlane v63, v1;
	v26 =	vperm.xlane v26, v1  }
0x3a0: {  	v31 =	vperm.xlane v62, v1;
	v27 =	vsel vm1, v27, v30;
	v30 =	vperm.xlane v40, v1  }
0x3a1: {  	[tilespmem:s22+$0xF900] =	vst v24;
	v29 =	vperm.xlane v29, v1;
	v24 =	vsel vm1, v42, v26;
	v16 =	vmul.f32 v27, v16  }
0x3a2: {  	v14 =	vmul.f32 v28, v14;
	v27 =	vsel vm1, v41, v31;
	v12 =	vmul.f32 v24, v12  }
0x3a3: {  	v13 =	vmul.f32 v27, v13;
	v16 =	vadd.f32 v16, v21;
	v21 =	vsel vm1, v30, v29  }
0x3a4: {  	v11 =	vmul.f32 v43, v11;
	[tilespmem:s22+$0xF920] =	vst v25;
	v12 =	vadd.f32 v12, v14;
	v10 =	vmul.f32 v21, v10  }
0x3a5: {  	v60 =	vld [tilespmem:s22+$0x910];
	v13 =	vadd.f32 v13, v20;
	[tilespmem:s2+$0xF940] =	vst v16  }
0x3a6: {  	v44 =	vld.msk [tilespmem:s22+$0x930], $0x7fff;
	[tilespmem:s2+$0xF960] =	vst v12;
	v10 =	vadd.f32 v10, v11  }
0x3a7: {  	v25 =	vld [tilespmem:s2+$0x970];
	[tilespmem:s2+$0xF950] =	vst v13  }
0x3a8: {  	s26 =	sor.u32 s6, s26;
	v11 =	vld [tilespmem:s22+$0x930];
	[tilespmem:s2+$0xF970] =	vst v10  }
0x3a9: {  	v10 =	vld [tilespmem:s26+$0x940]  }
0x3aa: {  	v33 =	vmul.f32 v60, v3;
	v12 =	vld.msk [tilespmem:s26+$0x950], $0x1  }
0x3ab: {  	v13 =	vld.msk [tilespmem:s26+$0x900], $0x7fff  }
0x3ac: {  	v22 =	vadd.f32 v22, v33;
	v14 =	vld [tilespmem:s26+$0x930]  }
0x3ad: {  	v16 =	vld.msk [tilespmem:s26+$0x940], $0x7fff  }
0x3ae: {  	[tilespmem:s22+$0xF910] =	vst v22;
	v22 =	vperm.xlane v44, v1;
	v21 =	vperm.xlane v23, v1;
	v20 =	vld [tilespmem:s26+$0x900]  }
0x3af: {  	v23 =	vld.msk [tilespmem:s26+$0x910], $0x7fff  }
0x3b0: {  	v21 =	vsel vm1, v21, v22;
	v24 =	vld [tilespmem:s26+$0x940];
	v22 =	vperm.xlane v10, v0;
	v12 =	vperm.xlane v12, v0  }
0x3b1: {  	v21 =	vmul.f32 v21, v8;
	v26 =	vld [tilespmem:s26+$0x910];
	v14 =	vperm.xlane v14, v1  }
0x3b2: {  	v16 =	vperm.xlane v16, v1;
	v10 =	vmul.f32 v10, v17;
	v17 =	vld [tilespmem:s26+$0x920];
	v12 =	vsel vm0, v22, v12  }
0x3b3: {  	v11 =	vmul.f32 v11, v9;
	v22 =	vld.msk [tilespmem:s26+$0x920], $0x7fff;
	v12 =	vmul.f32 v12, v19  }
0x3b4: {  	v14 =	vsel vm1, v14, v16;
	v16 =	vld.msk [tilespmem:s26+$0x930], $0x7fff;
	v19 =	vperm.xlane v20, v1;
	v20 =	vperm.xlane v23, v1  }
0x3b5: {  	v13 =	vperm.xlane v13, v1;
	v10 =	vadd.f32 v12, v10;
	v12 =	vmul.f32 v14, v15;
	v14 =	vld [tilespmem:s26+$0x900]  }
0x3b6: {  	v15 =	vmul.f32 v24, v18;
	v18 =	vsel vm1, v19, v20;
	v19 =	vperm.xlane v25, v1;
	v20 =	vld [tilespmem:s26+$0x910]  }
0x3b7: {  	v11 =	vadd.f32 v21, v11;
	v7 =	vmul.f32 v18, v7;
	v18 =	vld [tilespmem:s26+$0x920];
	v10 =	vperm.xlane v10, v1  }
0x3b8: {  	v13 =	vsel vm1, v19, v13;
	v19 =	vperm.xlane v26, v1;
	v21 =	vperm.xlane v22, v1;
	v22 =	vld [tilespmem:s26+$0x930]  }
0x3b9: {  	[tilespmem:s22+$0xF930] =	vst v11;
	v12 =	vadd.f32 v12, v15;
	v15 =	vperm.xlane v17, v1;
	v11 =	vperm.xlane v16, v1  }
0x3ba: {  	v4 =	vmul.f32 v13, v4;
	v2 =	vmul.f32 v14, v2  }
0x3bb: {  	s28 =	smul.u32 $0xF000, s19;
	v13 =	vsel vm1, v19, v21;
	[tilespmem:s26+$0xF940] =	vst v10;
	v11 =	vsel vm1, v15, v11;
	v3 =	vmul.f32 v20, v3  }
0x3bc: {  	[tilespmem:s26+$0xF950] =	vst.msk $0x1, v10;
	v5 =	vmul.f32 v13, v5;
	v6 =	vmul.f32 v18, v6;
	v2 =	vadd.f32 v4, v2  }
0x3bd: {  	p0 =	seq.s32 s19, $0x11;
	s2 =	sadd.s32 s5, s28;
	[tilespmem:s26+$0xF940] =	vst v12;
	v3 =	vadd.f32 v7, v3;
	v4 =	vmul.f32 v11, v8;
	v7 =	vmul.f32 v22, v9  }
0x3be: {  	s6 =	sshrl.u32 @!p0 s21, $0x3;
	s2 =	sshrl.u32 s2, $0x3;
	v5 =	vadd.f32 v5, v6;
	[tilespmem:s26+$0xF900] =	vst v2  }
0x3bf: {  	s29 =	sadd.s32 s3, s2;
	s2 =	smul.u32 @!p0 $0x1800, s6;
	[tilespmem:s26+$0xF910] =	vst v3;
	v2 =	vadd.f32 v4, v7  }
0x3c0: {  	[tilespmem:s26+$0xF920] =	vst v5  }
0x3c1: {  	s0 =	sadd.s32 @!p0 s5, s2;
	[tilespmem:s26+$0xF930] =	vst v2  }
0x3c2: {  	[hbm4b:s29+s4] =	stream.linear.scatter [tilespmem:s13], [sflag:$0x4], $0x7800, $0x38;
	[tilespmem:$0x1E900] =	vst v63  }
0x3c3: {  	p1 =	seq.s32 @!p0 s19, $0x0;
	s0 =	sadd.s32 @!p0 $0xF000, s0;
	_ =	swait.ge [sflag:s14], $0x7800  }
0x3c4: {  	s6 =	simm.s32 @!p0 $0x900;
	s0 =	sshrl.u32 @!p0 s0, $0x3;
	[sflag:s14] =	ssyncset.done $0x0  }
0x3c5: {  	s2 =	simm.s32 @!p0 $0x0;
	s0 =	sadd.s32 @!p0 s1, s0;
	[sflag:s14] =	ssyncadd.s32 $0xFFFF8800  }
0x3c6: {  	[tilespmem:s6], [sflag:$0x2] =	stream.linear.gather @!p0 [hbm4b:s0+s2], $0x7800, $0x38;
	[tilespmem:$0x1E900] =	vst v63  }
0x3c7: {  	p0 =	por p0, !p1  }
0x3c8: {  	_ =	swait.ge @p0 [sflag:s17], $0x7800  }
0x3c9: {  	[sflag:s17] =	ssyncset.done @p0 $0x0  }
0x3ca: {  	[sflag:s17] =	ssyncadd.s32 @p0 $0xFFFF8800  }
0x3cb: {  	v14 =	vld [tilespmem:$0x2E0]  }
0x3cc: {  	v15 =	vld [tilespmem:$0x5C0]  }
0x3cd: {  	v16 =	vld [tilespmem:$0x2F0]  }
0x3ce: {  	v17 =	vld [tilespmem:$0x5D0]  }
0x3cf: {  	v18 =	vld [tilespmem:$0x300]  }
0x3d0: {  	v20 =	vld [tilespmem:$0x5E0]  }
0x3d1: {  	v21 =	vld [tilespmem:$0x310]  }
0x3d2: {  	v22 =	vld [tilespmem:$0x5F0]  }
0x3d3: {  	v23 =	vld [tilespmem:$0x320]  }
0x3d4: {  	v19 =	vld [tilespmem:$0x600]  }
0x3d5: {  	v13 =	vld [tilespmem:$0x330]  }
0x3d6: {  	v12 =	vld [tilespmem:$0x610]  }
0x3d7: {  	v11 =	vld [tilespmem:$0x340]  }
0x3d8: {  	v10 =	vld [tilespmem:$0x620]  }
0x3d9: {  	v9 =	vld [tilespmem:$0x350]  }
0x3da: {  	v8 =	vld [tilespmem:$0x630]  }
0x3db: {  	v7 =	vld [tilespmem:$0x360]  }
0x3dc: {  	v6 =	vld [tilespmem:$0x640]  }
0x3dd: {  	s30 =	simm.s32 $0x0;
	v4 =	vld [tilespmem:$0x370]  }
0x3de: {  	s22 =	simm.s32 $0x0;
	s0 =	smul.u32 $0x1800, s30;
	v5 =	vld [tilespmem:$0x650]  }
0x3df: {  	s31 =	sand.u32 $0x300, s22;
	v24 =	vld [tilespmem:$0x390]  }
0x3e0: {  	s21 =	sor.u32 s31, s0;
	v25 =	vld [tilespmem:$0x670]  }
0x3e1: {  	v26 =	vld [tilespmem:s21+$0x85B0]  }
0x3e2: {  	v27 =	vld.msk [tilespmem:s21+$0x85C0], $0x1  }
0x3e3: {  	v28 =	vld [tilespmem:s21+$0x8100]  }
0x3e4: {  	v29 =	vld.msk [tilespmem:s21+$0x8110], $0x1  }
0x3e5: {  	v30 =	vld [tilespmem:s21+$0x8110]  }
0x3e6: {  	v31 =	vld.msk [tilespmem:s21+$0x8120], $0x1  }
0x3e7: {  	v45 =	vld [tilespmem:s21+$0x8120]  }
0x3e8: {  	v47 =	vld.msk [tilespmem:s21+$0x8130], $0x1;
	v46 =	vperm.xlane v26, v0;
	v27 =	vperm.xlane v27, v0  }
0x3e9: {  	v49 =	vld [tilespmem:s21+$0x8130];
	v48 =	vperm.xlane v28, v0;
	v29 =	vperm.xlane v29, v0  }
0x3ea: {  	v50 =	vld.msk [tilespmem:s21+$0x8140], $0x1;
	v28 =	vmul.f32 v28, v14;
	v26 =	vmul.f32 v26, v24  }
0x3eb: {  	v52 =	vld [tilespmem:s21+$0x8140];
	v51 =	vperm.xlane v30, v0;
	v31 =	vperm.xlane v31, v0  }
0x3ec: {  	v53 =	vld.msk [tilespmem:s21+$0x8150], $0x1;
	v54 =	vperm.xlane v45, v0;
	v30 =	vmul.f32 v30, v16  }
0x3ed: {  	v2 =	vld [tilespmem:$0x380];
	v34 =	vperm.xlane v47, v0;
	v27 =	vsel vm0, v46, v27;
	v29 =	vsel vm0, v48, v29  }
0x3ee: {  	v3 =	vld [tilespmem:$0x660];
	v27 =	vmul.f32 v27, v25;
	v29 =	vmul.f32 v29, v15  }
0x3ef: {  	v61 =	vld [tilespmem:s21+$0x8500];
	v55 =	vperm.xlane v49, v0;
	v33 =	vperm.xlane v50, v0;
	v31 =	vsel vm0, v51, v31  }
0x3f0: {  	v31 =	vmul.f32 v31, v17;
	v26 =	vadd.f32 v27, v26;
	v27 =	vld [tilespmem:s21+$0x8150];
	v28 =	vadd.f32 v29, v28  }
0x3f1: {  	v58 =	vperm.xlane v52, v0;
	v60 =	vperm.xlane v53, v0;
	v56 =	vsel vm0, v54, v34;
	v29 =	vld.msk [tilespmem:s21+$0x8160], $0x1  }
0x3f2: {  	v32 =	vmul.f32 v56, v20;
	v30 =	vadd.f32 v31, v30;
	v31 =	vld.msk [tilespmem:s21+$0x8170], $0x1;
	[tilespmem:s21+$0x17100] =	vst v28;
	v28 =	vmul.f32 v45, v18  }
0x3f3: {  	v33 =	vsel vm0, v55, v33;
	v35 =	vsel vm0, v58, v60;
	[tilespmem:s21+$0x175B0] =	vst v26;
	v26 =	vld [tilespmem:s21+$0x8160]  }
0x3f4: {  	v57 =	vld [tilespmem:s21+$0x8170];
	v33 =	vmul.f32 v33, v22;
	v35 =	vmul.f32 v35, v19;
	v28 =	vadd.f32 v32, v28  }
0x3f5: {  	v59 =	vld.msk [tilespmem:s21+$0x8500], $0x1;
	[tilespmem:s21+$0x17110] =	vst v30;
	v30 =	vmul.f32 v49, v21;
	v62 =	vperm.xlane v27, v0  }
0x3f6: {  	v63 =	vld.msk [tilespmem:s21+$0x8510], $0x1;
	v29 =	vperm.xlane v29, v0;
	[tilespmem:s21+$0x17120] =	vst v28;
	v28 =	vmul.f32 v52, v23  }
0x3f7: {  	v42 =	vld [tilespmem:s21+$0x8510];
	v47 =	vperm.xlane v61, v0;
	v30 =	vadd.f32 v33, v30;
	v31 =	vperm.xlane v31, v0  }
0x3f8: {  	v44 =	vld [tilespmem:s21+$0x8520];
	v43 =	vperm.xlane v26, v0;
	v29 =	vsel vm0, v62, v29;
	v28 =	vadd.f32 v35, v28  }
0x3f9: {  	v27 =	vmul.f32 v27, v13;
	[tilespmem:s21+$0x17130] =	vst v30;
	v30 =	vld.msk [tilespmem:s21+$0x8520], $0x1;
	v29 =	vmul.f32 v29, v12  }
0x3fa: {  	v46 =	vld [tilespmem:s21+$0x8530];
	v45 =	vperm.xlane v57, v0;
	[tilespmem:s21+$0x17140] =	vst v28;
	v28 =	vsel vm0, v43, v31;
	v31 =	vperm.xlane v59, v0  }
0x3fb: {  	v26 =	vmul.f32 v26, v11;
	v27 =	vadd.f32 v29, v27;
	v29 =	vld.msk [tilespmem:s21+$0x8530], $0x1;
	v28 =	vmul.f32 v28, v10  }
0x3fc: {  	v36 =	vmul.f32 v61, v7;
	v56 =	vld [tilespmem:s21+$0x81B0];
	v33 =	vperm.xlane v63, v0;
	v31 =	vsel vm0, v45, v31  }
0x3fd: {  	[tilespmem:s21+$0x17150] =	vst v27;
	v27 =	vmul.f32 v57, v9;
	v26 =	vadd.f32 v28, v26;
	v28 =	vmul.f32 v31, v8;
	v31 =	vld.msk [tilespmem:s21+$0x8540], $0x1  }
0x3fe: {  	v50 =	vld.msk [tilespmem:s21+$0x8190], $0x1;
	v48 =	vperm.xlane v42, v0;
	v33 =	vsel vm0, v47, v33;
	v30 =	vperm.xlane v30, v0  }
0x3ff: {  	v51 =	vmul.f32 v42, v4;
	v49 =	vld [tilespmem:s21+$0x8180];
	[tilespmem:s21+$0x17160] =	vst v26;
	v26 =	vadd.f32 v28, v27;
	v27 =	vmul.f32 v33, v6  }
0x400: {  	v53 =	vld.msk [tilespmem:s21+$0x81A0], $0x1;
	v30 =	vsel vm0, v48, v30;
	v28 =	vperm.xlane v44, v0;
	v29 =	vperm.xlane v29, v0  }
0x401: {  	v61 =	vperm.xlane v56, v0;
	v52 =	vld [tilespmem:s21+$0x8190];
	[tilespmem:s21+$0x17170] =	vst v26;
	v26 =	vadd.f32 v27, v36;
	v27 =	vmul.f32 v30, v5  }
0x402: {  	v54 =	vld [tilespmem:s21+$0x81A0];
	v30 =	vperm.xlane v46, v0;
	v28 =	vsel vm0, v28, v29;
	v29 =	vperm.xlane v31, v0  }
0x403: {  	v58 =	vld.msk [tilespmem:s21+$0x81D0], $0x1;
	v31 =	vmul.f32 v44, v2;
	[tilespmem:s21+$0x17500] =	vst v26;
	v26 =	vadd.f32 v27, v51;
	v27 =	vmul.f32 v28, v3  }
0x404: {  	v55 =	vld.msk [tilespmem:s21+$0x81B0], $0x1;
	v28 =	vperm.xlane v49, v0;
	v29 =	vsel vm0, v30, v29;
	v30 =	vperm.xlane v50, v0  }
0x405: {  	v32 =	vmul.f32 v46, v24;
	[tilespmem:s21+$0x17510] =	vst v26;
	v26 =	vadd.f32 v27, v31;
	v27 =	vmul.f32 v29, v25  }
0x406: {  	v38 =	vmul.f32 v49, v14;
	v29 =	vperm.xlane v52, v0;
	v31 =	vld.msk [tilespmem:s21+$0x81C0], $0x1;
	v28 =	vsel vm0, v28, v30  }
0x407: {  	v30 =	vperm.xlane v53, v0;
	[tilespmem:s21+$0x17520] =	vst v26;
	v26 =	vadd.f32 v27, v32;
	v28 =	vmul.f32 v28, v15  }
0x408: {  	v63 =	vperm.xlane v58, v0;
	v59 =	vperm.xlane v54, v0;
	v57 =	vld [tilespmem:s21+$0x81C0]  }
0x409: {  	v27 =	vld [tilespmem:s21+$0x81D0];
	[tilespmem:s21+$0x17530] =	vst v26;
	v26 =	vsel vm0, v29, v30;
	v28 =	vadd.f32 v28, v38;
	v30 =	vperm.xlane v55, v0  }
0x40a: {  	v35 =	vmul.f32 v54, v18;
	v37 =	vmul.f32 v52, v16;
	v29 =	vld.msk [tilespmem:s21+$0x81E0], $0x1  }
0x40b: {  	v60 =	vmul.f32 v26, v17;
	v26 =	vld [tilespmem:s21+$0x81E0];
	v31 =	vperm.xlane v31, v0;
	[tilespmem:s21+$0x17180] =	vst v28;
	v28 =	vsel vm0, v59, v30  }
0x40c: {  	v33 =	vmul.f32 v56, v21;
	v30 =	vld.msk [tilespmem:s21+$0x81F0], $0x1;
	v36 =	vmul.f32 v28, v20  }
0x40d: {  	v62 =	vperm.xlane v57, v0;
	v34 =	vadd.f32 v60, v37;
	v28 =	vld [tilespmem:s21+$0x81F0];
	v31 =	vsel vm0, v61, v31  }
0x40e: {  	v32 =	vperm.xlane v27, v0;
	v37 =	vmul.f32 v31, v22;
	v31 =	vld.msk [tilespmem:s21+$0x8580], $0x1;
	v36 =	vadd.f32 v36, v35  }
0x40f: {  	s23 =	simm.s32 $0x0;
	v38 =	vsel vm0, v62, v63;
	[tilespmem:s21+$0x17190] =	vst v34;
	v34 =	vmul.f32 v57, v23;
	v35 =	vperm.xlane v29, v0;
	v29 =	vld [tilespmem:s21+$0x8580]  }
.LBB2_11:
0x410: {  	s23 =	sadd.s32 $0x2, s23;
	[tilespmem:s21+$0x171A0] =	vst v36;
	v33 =	vadd.f32 v37, v33;
	v36 =	vmul.f32 v38, v19;
	v37 =	vperm.xlane v26, v0;
	v38 =	vld.msk [tilespmem:s21+$0x8590], $0x1  }
0x411: {  	v27 =	vmul.f32 v27, v13;
	s0 =	sshrl.u32 s23, $0x3;
	p0 =	slt.u32 s23, $0x26;
	v32 =	vsel vm0, v32, v35;
	v30 =	vperm.xlane v30, v0;
	v35 =	vld [tilespmem:s21+$0x8590]  }
0x412: {  	s22 =	sadd.s32 $0x100, s22;
	s0 =	smul.u32 $0x1800, s0;
	[tilespmem:s21+$0x171B0] =	vst v33;
	v33 =	vadd.f32 v36, v34;
	v32 =	vmul.f32 v32, v12;
	v34 =	vperm.xlane v28, v0;
	v36 =	vld.msk [tilespmem:s21+$0x85A0], $0x1  }
0x413: {  	v26 =	vmul.f32 v26, v11;
	s2 =	sand.u32 $0x300, s22;
	v30 =	vsel vm0, v37, v30;
	v31 =	vperm.xlane v31, v0;
	v37 =	vld [tilespmem:s21+$0x85A0]  }
0x414: {  	s0 =	sor.u32 s2, s0;
	[tilespmem:s21+$0x171C0] =	vst v33;
	v27 =	vadd.f32 v32, v27;
	v30 =	vmul.f32 v30, v10;
	v32 =	vperm.xlane v29, v0;
	v33 =	vld.msk [tilespmem:s21+$0x85B0], $0x1  }
0x415: {  	v28 =	vmul.f32 v28, v9;
	v39 =	vld [tilespmem:s0+$0x85B0];
	v31 =	vsel vm0, v34, v31;
	v34 =	vperm.xlane v38, v0  }
0x416: {  	v38 =	vld.msk [tilespmem:s0+$0x85C0], $0x1;
	[tilespmem:s21+$0x171D0] =	vst v27;
	v26 =	vadd.f32 v30, v26;
	v27 =	vmul.f32 v31, v8;
	v30 =	vperm.xlane v35, v0  }
0x417: {  	v29 =	vmul.f32 v29, v7;
	v31 =	vld [tilespmem:s0+$0x8100];
	v32 =	vsel vm0, v32, v34;
	v34 =	vperm.xlane v36, v0  }
0x418: {  	v36 =	vld.msk [tilespmem:s0+$0x8110], $0x1;
	[tilespmem:s21+$0x171E0] =	vst v26;
	v26 =	vadd.f32 v27, v28;
	v27 =	vmul.f32 v32, v6;
	v28 =	vperm.xlane v37, v0  }
0x419: {  	v35 =	vmul.f32 v35, v4;
	v32 =	vld [tilespmem:s0+$0x8110];
	v30 =	vsel vm0, v30, v34;
	v33 =	vperm.xlane v33, v0  }
0x41a: {  	v34 =	vld.msk [tilespmem:s0+$0x8120], $0x1;
	[tilespmem:s21+$0x171F0] =	vst v26;
	v26 =	vadd.f32 v27, v29;
	v27 =	vmul.f32 v30, v5;
	v29 =	vmul.f32 v37, v2  }
0x41b: {  	v37 =	vperm.xlane v39, v0;
	v30 =	vld [tilespmem:s0+$0x8120];
	v38 =	vperm.xlane v38, v0;
	v28 =	vsel vm0, v28, v33  }
0x41c: {  	v33 =	vperm.xlane v31, v0;
	v40 =	vld.msk [tilespmem:s0+$0x8130], $0x1;
	[tilespmem:s21+$0x17580] =	vst v26;
	v26 =	vadd.f32 v27, v35;
	v27 =	vmul.f32 v28, v3  }
0x41d: {  	v28 =	vmul.f32 v31, v14;
	v31 =	vperm.xlane v36, v0;
	v35 =	vld [tilespmem:s0+$0x8130];
	v36 =	vsel vm0, v37, v38  }
0x41e: {  	v38 =	vmul.f32 v39, v24;
	v37 =	vld.msk [tilespmem:s0+$0x8140], $0x1;
	v36 =	vmul.f32 v36, v25;
	[tilespmem:s21+$0x17590] =	vst v26;
	v26 =	vadd.f32 v27, v29  }
0x41f: {  	v29 =	vperm.xlane v32, v0;
	v27 =	vsel vm0, v33, v31;
	v31 =	vperm.xlane v34, v0;
	v33 =	vld [tilespmem:s0+$0x8140]  }
0x420: {  	v27 =	vmul.f32 v27, v15;
	v34 =	vperm.xlane v30, v0;
	v39 =	vld.msk [tilespmem:s0+$0x8150], $0x1;
	v36 =	vadd.f32 v36, v38;
	[tilespmem:s21+$0x175A0] =	vst v26;
	s21 =	smov.u32 s0  }
0x421: {  	v26 =	vmul.f32 v32, v16;
	v29 =	vsel vm0, v29, v31;
	v31 =	vperm.xlane v40, v0;
	v32 =	vld [tilespmem:s21+$0x8150]  }
0x422: {  	v27 =	vadd.f32 v27, v28;
	v28 =	vmul.f32 v29, v17;
	v29 =	vperm.xlane v35, v0;
	v38 =	vld.msk [tilespmem:s21+$0x8160], $0x1;
	[tilespmem:s21+$0x175B0] =	vst v36  }
0x423: {  	v30 =	vmul.f32 v30, v18;
	v31 =	vsel vm0, v34, v31;
	v34 =	vperm.xlane v37, v0;
	v36 =	vld [tilespmem:s21+$0x8160]  }
0x424: {  	[tilespmem:s21+$0x17100] =	vst v27;
	v26 =	vadd.f32 v28, v26;
	v27 =	vmul.f32 v31, v20;
	v28 =	vperm.xlane v33, v0;
	v31 =	vld.msk [tilespmem:s21+$0x8170], $0x1  }
0x425: {  	v35 =	vmul.f32 v35, v21;
	v29 =	vsel vm0, v29, v34;
	v34 =	vperm.xlane v39, v0;
	v37 =	vld [tilespmem:s21+$0x8170]  }
0x426: {  	[tilespmem:s21+$0x17110] =	vst v26;
	v26 =	vadd.f32 v27, v30;
	v27 =	vmul.f32 v29, v22;
	v29 =	vperm.xlane v32, v0;
	v30 =	vld.msk [tilespmem:s21+$0x8500], $0x1  }
0x427: {  	v33 =	vmul.f32 v33, v23;
	v28 =	vsel vm0, v28, v34;
	v34 =	vperm.xlane v38, v0;
	v38 =	vld [tilespmem:s21+$0x8500]  }
0x428: {  	[tilespmem:s21+$0x17120] =	vst v26;
	v26 =	vadd.f32 v27, v35;
	v27 =	vmul.f32 v28, v19;
	v28 =	vperm.xlane v36, v0;
	v35 =	vld.msk [tilespmem:s21+$0x8510], $0x1  }
0x429: {  	v32 =	vmul.f32 v32, v13;
	v29 =	vsel vm0, v29, v34;
	v31 =	vperm.xlane v31, v0;
	v34 =	vld [tilespmem:s21+$0x8510]  }
0x42a: {  	[tilespmem:s21+$0x17130] =	vst v26;
	v26 =	vadd.f32 v27, v33;
	v27 =	vmul.f32 v29, v12;
	v29 =	vperm.xlane v37, v0;
	v33 =	vld.msk [tilespmem:s21+$0x8520], $0x1  }
0x42b: {  	v36 =	vmul.f32 v36, v11;
	v28 =	vsel vm0, v28, v31;
	v30 =	vperm.xlane v30, v0;
	v31 =	vld [tilespmem:s21+$0x8520]  }
0x42c: {  	[tilespmem:s21+$0x17140] =	vst v26;
	v26 =	vadd.f32 v27, v32;
	v27 =	vmul.f32 v28, v10;
	v28 =	vperm.xlane v38, v0;
	v32 =	vld.msk [tilespmem:s21+$0x8530], $0x1  }
0x42d: {  	v37 =	vmul.f32 v37, v9;
	v29 =	vsel vm0, v29, v30;
	v30 =	vperm.xlane v35, v0;
	v35 =	vld [tilespmem:s21+$0x8530]  }
0x42e: {  	[tilespmem:s21+$0x17150] =	vst v26;
	v26 =	vadd.f32 v27, v36;
	v27 =	vmul.f32 v29, v8;
	v29 =	vperm.xlane v34, v0;
	v36 =	vld.msk [tilespmem:s21+$0x8540], $0x1  }
0x42f: {  	v38 =	vmul.f32 v38, v7;
	v28 =	vsel vm0, v28, v30;
	v30 =	vperm.xlane v33, v0;
	v33 =	vld [tilespmem:s21+$0x8180]  }
0x430: {  	[tilespmem:s21+$0x17160] =	vst v26;
	v26 =	vadd.f32 v27, v37;
	v27 =	vmul.f32 v28, v6;
	v28 =	vperm.xlane v31, v0;
	v37 =	vld.msk [tilespmem:s21+$0x8190], $0x1  }
0x431: {  	v34 =	vmul.f32 v34, v4;
	v29 =	vsel vm0, v29, v30;
	v30 =	vperm.xlane v32, v0;
	v32 =	vld [tilespmem:s21+$0x8190]  }
0x432: {  	[tilespmem:s21+$0x17170] =	vst v26;
	v26 =	vadd.f32 v27, v38;
	v27 =	vmul.f32 v29, v5;
	v29 =	vperm.xlane v35, v0;
	v38 =	vld.msk [tilespmem:s21+$0x81A0], $0x1  }
0x433: {  	v31 =	vmul.f32 v31, v2;
	v28 =	vsel vm0, v28, v30;
	v30 =	vperm.xlane v36, v0;
	v36 =	vld [tilespmem:s21+$0x81A0]  }
0x434: {  	[tilespmem:s21+$0x17500] =	vst v26;
	v26 =	vadd.f32 v27, v34;
	v27 =	vmul.f32 v28, v3;
	v28 =	vperm.xlane v33, v0;
	v34 =	vld.msk [tilespmem:s21+$0x81B0], $0x1  }
0x435: {  	v35 =	vmul.f32 v35, v24;
	v29 =	vsel vm0, v29, v30;
	v30 =	vperm.xlane v37, v0;
	v37 =	vld [tilespmem:s21+$0x81B0]  }
0x436: {  	[tilespmem:s21+$0x17510] =	vst v26;
	v26 =	vadd.f32 v27, v31;
	v27 =	vmul.f32 v29, v25;
	v29 =	vperm.xlane v32, v0;
	v31 =	vld.msk [tilespmem:s21+$0x81C0], $0x1  }
0x437: {  	v33 =	vmul.f32 v33, v14;
	v28 =	vsel vm0, v28, v30;
	v30 =	vperm.xlane v38, v0;
	v38 =	vld [tilespmem:s21+$0x81C0]  }
0x438: {  	[tilespmem:s21+$0x17520] =	vst v26;
	v26 =	vadd.f32 v27, v35;
	v28 =	vmul.f32 v28, v15;
	v35 =	vperm.xlane v36, v0;
	v39 =	vld.msk [tilespmem:s21+$0x81D0], $0x1  }
0x439: {  	v32 =	vmul.f32 v32, v16;
	v29 =	vsel vm0, v29, v30;
	v30 =	vperm.xlane v34, v0;
	v27 =	vld [tilespmem:s21+$0x81D0]  }
0x43a: {  	[tilespmem:s21+$0x17530] =	vst v26;
	v28 =	vadd.f32 v28, v33;
	v29 =	vmul.f32 v29, v17;
	v34 =	vperm.xlane v37, v0;
	v40 =	vld.msk [tilespmem:s21+$0x81E0], $0x1  }
.Ltmp4:
0x43b: {  	v36 =	vmul.f32 v36, v18;
	v30 =	vsel vm0, v35, v30;
	v31 =	vperm.xlane v31, v0;
	v26 =	vld [tilespmem:s21+$0x81E0];
	(pc) =	sbr.rel @p0 .LBB2_11-.Ltmp4, $4  }
0x43c: {  	[tilespmem:s21+$0x17180] =	vst v28;
	v29 =	vadd.f32 v29, v32;
	v32 =	vmul.f32 v30, v20;
	v35 =	vperm.xlane v38, v0;
	v30 =	vld.msk [tilespmem:s21+$0x81F0], $0x1  }
0x43d: {  	v33 =	vmul.f32 v37, v21;
	v31 =	vsel vm0, v34, v31;
	v39 =	vperm.xlane v39, v0;
	v28 =	vld [tilespmem:s21+$0x81F0]  }
0x43e: {  	[tilespmem:s21+$0x17190] =	vst v29;
	v36 =	vadd.f32 v32, v36;
	v37 =	vmul.f32 v31, v22;
	v32 =	vperm.xlane v27, v0;
	v31 =	vld.msk [tilespmem:s21+$0x8580], $0x1  }
0x43f: {  	v34 =	vmul.f32 v38, v23;
	v38 =	vsel vm0, v35, v39;
	v35 =	vperm.xlane v40, v0;
	v29 =	vld [tilespmem:s21+$0x8580]  }
0x440: {  	v14 =	vadd.f32 v37, v33;
	v15 =	vld.msk [tilespmem:s21+$0x8590], $0x1  }
0x441: {  	v16 =	vmul.f32 v38, v19;
	v17 =	vld [tilespmem:s21+$0x8590];
	v13 =	vmul.f32 v27, v13  }
0x442: {  	v18 =	vld.msk [tilespmem:s21+$0x85A0], $0x1;
	v19 =	vsel vm0, v32, v35;
	v20 =	vperm.xlane v30, v0;
	[tilespmem:s21+$0x171B0] =	vst v14;
	v14 =	vperm.xlane v26, v0  }
0x443: {  	v21 =	vld [tilespmem:s21+$0x85A0];
	v11 =	vmul.f32 v26, v11;
	v16 =	vadd.f32 v16, v34;
	v12 =	vmul.f32 v19, v12  }
0x444: {  	v19 =	vperm.xlane v28, v0;
	v9 =	vmul.f32 v28, v9;
	v14 =	vsel vm0, v14, v20;
	v20 =	vld.msk [tilespmem:s21+$0x85B0], $0x1  }
0x445: {  	[tilespmem:s21+$0x171C0] =	vst v16;
	v16 =	vperm.xlane v31, v0;
	v7 =	vmul.f32 v29, v7  }
0x446: {  	v12 =	vadd.f32 v12, v13;
	v10 =	vmul.f32 v14, v10;
	v14 =	vperm.xlane v29, v0  }
0x447: {  	v15 =	vperm.xlane v15, v0;
	v13 =	vperm.xlane v17, v0;
	v16 =	vsel vm0, v19, v16  }
0x448: {  	v8 =	vmul.f32 v16, v8;
	v10 =	vadd.f32 v10, v11;
	v11 =	vperm.xlane v18, v0  }
0x449: {  	v14 =	vsel vm0, v14, v15;
	v15 =	vperm.xlane v21, v0;
	v16 =	vperm.xlane v20, v0  }
0x44a: {  	[tilespmem:s21+$0x171A0] =	vst v36;
	v6 =	vmul.f32 v14, v6;
	v8 =	vadd.f32 v8, v9;
	v9 =	vsel vm0, v13, v11  }
0x44b: {  	v4 =	vmul.f32 v17, v4;
	[tilespmem:s21+$0x171D0] =	vst v12;
	v5 =	vmul.f32 v9, v5;
	v9 =	vsel vm0, v15, v16  }
0x44c: {  	v2 =	vmul.f32 v21, v2;
	[tilespmem:s21+$0x171E0] =	vst v10;
	v6 =	vadd.f32 v6, v7;
	v3 =	vmul.f32 v9, v3  }
0x44d: {  	[tilespmem:s21+$0x171F0] =	vst v8;
	v4 =	vadd.f32 v5, v4  }
0x44e: {  	[tilespmem:s21+$0x17580] =	vst v6;
	v2 =	vadd.f32 v3, v2  }
0x44f: {  	[tilespmem:s21+$0x17590] =	vst v4  }
0x450: {  	[tilespmem:s21+$0x175A0] =	vst v2  }
0x451: {  	v25 =	vld [tilespmem:$0x3A0]  }
0x452: {  	v26 =	vld [tilespmem:$0x680]  }
0x453: {  	v23 =	vld [tilespmem:$0x3B0]  }
0x454: {  	v24 =	vld [tilespmem:$0x690]  }
0x455: {  	v22 =	vld [tilespmem:$0x3C0]  }
0x456: {  	v21 =	vld [tilespmem:$0x6A0]  }
0x457: {  	v19 =	vld [tilespmem:$0x3D0]  }
0x458: {  	v20 =	vld [tilespmem:$0x6B0]  }
0x459: {  	v5 =	vld [tilespmem:$0x3E0]  }
0x45a: {  	v6 =	vld [tilespmem:$0x6C0]  }
0x45b: {  	v3 =	vld [tilespmem:$0x3F0]  }
0x45c: {  	s0 =	simm.s32 $0x0;
	v10 =	vld [tilespmem:$0x6D0]  }
0x45d: {  	s2 =	simm.s32 $0x0;
	s6 =	smul.u32 $0x1800, s0;
	v2 =	vld [tilespmem:$0x400]  }
0x45e: {  	s24 =	sand.u32 $0x300, s2;
	v9 =	vld [tilespmem:$0x6E0]  }
0x45f: {  	s0 =	sor.u32 s24, s6;
	v4 =	vld [tilespmem:$0x410]  }
0x460: {  	v14 =	vld [tilespmem:s0+$0x8540]  }
0x461: {  	v12 =	vld.msk [tilespmem:s0+$0x8550], $0x1  }
0x462: {  	v13 =	vld [tilespmem:s0+$0x8550]  }
0x463: {  	v16 =	vld.msk [tilespmem:s0+$0x8560], $0x1  }
0x464: {  	v27 =	vld [tilespmem:s0+$0x8560]  }
0x465: {  	v17 =	vld.msk [tilespmem:s0+$0x8570], $0x1  }
0x466: {  	v60 =	vld [tilespmem:$0x6F0]  }
0x467: {  	v61 =	vld [tilespmem:$0x420]  }
0x468: {  	v7 =	vld [tilespmem:$0x700];
	v18 =	vperm.xlane v14, v0;
	v28 =	vperm.xlane v12, v0  }
0x469: {  	v59 =	vld [tilespmem:$0x430];
	v29 =	vperm.xlane v13, v0;
	v30 =	vperm.xlane v16, v0  }
0x46a: {  	v8 =	vld [tilespmem:$0x710];
	v31 =	vperm.xlane v27, v0;
	v53 =	vperm.xlane v17, v0;
	v17 =	vsel vm0, v18, v28  }
0x46b: {  	v11 =	vld [tilespmem:$0x160];
	v28 =	vmul.f32 v14, v25;
	v14 =	vsel vm0, v29, v30;
	v54 =	vmul.f32 v17, v26  }
0x46c: {  	v15 =	vld [tilespmem:$0x440];
	v29 =	vmul.f32 v13, v23;
	v13 =	vsel vm0, v31, v53;
	v30 =	vmul.f32 v14, v24  }
0x46d: {  	v12 =	vld [tilespmem:$0x170];
	v27 =	vmul.f32 v27, v22;
	v31 =	vmul.f32 v13, v21;
	v28 =	vadd.f32 v54, v28  }
0x46e: {  	v17 =	vld [tilespmem:$0x720];
	v29 =	vadd.f32 v30, v29  }
0x46f: {  	v13 =	vld [tilespmem:$0x450];
	v27 =	vadd.f32 v31, v27;
	[tilespmem:s0+$0x17540] =	vst v28  }
0x470: {  	s9 =	sadd.s32 $0x800, s6;
	[tilespmem:s0+$0x17550] =	vst v29  }
0x471: {  	s22 =	sor.u32 s24, s9;
	v28 =	vld [tilespmem:s0+$0x8570];
	[tilespmem:s0+$0x17560] =	vst v27  }
0x472: {  	v27 =	vld.msk [tilespmem:s22+$0x8100], $0x1;
	_ =	sdelay $0x4  }
0x473: {  	v29 =	vperm.xlane v28, v0;
	v27 =	vperm.xlane v27, v0;
	_ =	sdelay $0x1  }
0x474: {  	v27 =	vsel vm0, v29, v27  }
0x475: {  	v28 =	vmul.f32 v28, v19;
	v27 =	vmul.f32 v27, v20;
	_ =	sdelay $0x1  }
0x476: {  	v27 =	vadd.f32 v27, v28;
	_ =	sdelay $0x1  }
0x477: {  	[tilespmem:s0+$0x17570] =	vst v27  }
0x478: {  	v27 =	vld [tilespmem:s22+$0x8170]  }
0x479: {  	v28 =	vld [tilespmem:s22+$0x8100]  }
0x47a: {  	v29 =	vld.msk [tilespmem:s22+$0x8110], $0x1  }
0x47b: {  	v30 =	vld [tilespmem:s22+$0x8110]  }
0x47c: {  	v31 =	vld.msk [tilespmem:s22+$0x8120], $0x1  }
0x47d: {  	v55 =	vld [tilespmem:s22+$0x8120]  }
0x47e: {  	v56 =	vld [tilespmem:s22+$0x8130]  }
0x47f: {  	v57 =	vld [tilespmem:s22+$0x8140]  }
0x480: {  	v58 =	vld [tilespmem:s22+$0x8150]  }
0x481: {  	v62 =	vld [tilespmem:s22+$0x8160]  }
0x482: {  	v36 =	vld.msk [tilespmem:s22+$0x8130], $0x1;
	v63 =	vmul.f32 v28, v5  }
0x483: {  	v39 =	vld.msk [tilespmem:s22+$0x8140], $0x1;
	v40 =	vmul.f32 v30, v3;
	v41 =	vmul.f32 v55, v2  }
0x484: {  	v43 =	vld.msk [tilespmem:s22+$0x8150], $0x1;
	v42 =	vmul.f32 v56, v4;
	v44 =	vmul.f32 v57, v61  }
0x485: {  	v46 =	vld.msk [tilespmem:s22+$0x8160], $0x1;
	v45 =	vmul.f32 v58, v59;
	v27 =	vmul.f32 v27, v13  }
0x486: {  	v47 =	vld.msk [tilespmem:s22+$0x8170], $0x1;
	v28 =	vperm.xlane v28, v0;
	v48 =	vmul.f32 v62, v15  }
0x487: {  	v49 =	vld [tilespmem:s22+$0x8160];
	v29 =	vperm.xlane v29, v0;
	v30 =	vperm.xlane v30, v0  }
0x488: {  	v50 =	vld.msk [tilespmem:s22+$0x8170], $0x7fff;
	v31 =	vperm.xlane v31, v0;
	v32 =	vperm.xlane v55, v0  }
0x489: {  	v52 =	vld.msk [tilespmem:s22+$0x8160], $0x7fff;
	v36 =	vperm.xlane v36, v0;
	v33 =	vperm.xlane v56, v0  }
0x48a: {  	v51 =	vld [tilespmem:s22+$0x8150];
	v39 =	vperm.xlane v39, v0;
	v34 =	vperm.xlane v57, v0  }
0x48b: {  	v43 =	vperm.xlane v43, v0;
	v35 =	vperm.xlane v58, v0  }
0x48c: {  	v46 =	vperm.xlane v46, v0;
	v37 =	vperm.xlane v62, v0  }
0x48d: {  	s25 =	simm.s32 $0x0;
	v47 =	vperm.xlane v47, v0;
	v49 =	vperm.xlane v49, v1  }
0x48e: {  	s26 =	simm.s32 $0x100;
	s2 =	smul.u32 $0x1800, s25;
	v50 =	vperm.xlane v50, v1;
	v54 =	vperm.xlane v52, v1  }
0x48f: {  	s0 =	sand.u32 $0x300, s26;
	v28 =	vsel vm0, v28, v29;
	v29 =	vperm.xlane v51, v1;
	v30 =	vsel vm0, v30, v31  }
0x490: {  	s28 =	sor.u32 s0, s2;
	v31 =	vsel vm0, v32, v36;
	v55 =	vsel vm0, v33, v39;
	v28 =	vmul.f32 v28, v6  }
0x491: {  	v57 =	vld [tilespmem:s28+$0x8540];
	v56 =	vsel vm0, v34, v43;
	v35 =	vsel vm0, v35, v46;
	v30 =	vmul.f32 v30, v10  }
0x492: {  	v58 =	vld.msk [tilespmem:s28+$0x8550], $0x1;
	v62 =	vsel vm1, v49, v50;
	v31 =	vmul.f32 v31, v9;
	v28 =	vadd.f32 v28, v63  }
0x493: {  	v32 =	vmul.f32 v55, v60;
	v43 =	vmul.f32 v62, v12;
	v30 =	vadd.f32 v30, v40;
	v63 =	vld [tilespmem:s28+$0x8550]  }
0x494: {  	v29 =	vsel vm1, v29, v54;
	v40 =	vld.msk [tilespmem:s28+$0x8560], $0x1;
	[tilespmem:s22+$0x17100] =	vst v28;
	v28 =	vadd.f32 v31, v41;
	v31 =	vmul.f32 v56, v7  }
0x495: {  	v29 =	vmul.f32 v29, v11;
	v27 =	vadd.f32 v43, v27;
	[tilespmem:s22+$0x17110] =	vst v30;
	v30 =	vadd.f32 v32, v42;
	v42 =	vld [tilespmem:s28+$0x8560]  }
0x496: {  	v41 =	vmul.f32 v35, v8;
	[tilespmem:s22+$0x17120] =	vst v28;
	v28 =	vadd.f32 v31, v44;
	v31 =	vsel vm0, v37, v47;
	v44 =	vld.msk [tilespmem:s28+$0x8570], $0x1  }
0x497: {  	s21 =	sor.u32 $0x80, s24;
	v29 =	vadd.f32 v29, v48;
	[tilespmem:s22+$0x17170] =	vst v27;
	v31 =	vmul.f32 v31, v17  }
0x498: {  	s29 =	sor.u32 s6, s21;
	[tilespmem:s22+$0x17130] =	vst v30;
	v30 =	vadd.f32 v41, v45  }
0x499: {  	v46 =	vld [tilespmem:s29+$0x8550];
	v27 =	vperm.xlane v63, v0;
	v33 =	vperm.xlane v40, v0;
	[tilespmem:s22+$0x17140] =	vst v28;
	v29 =	vadd.f32 v31, v29  }
0x49a: {  	v47 =	vld [tilespmem:s29+$0x8560];
	[tilespmem:s22+$0x17150] =	vst v30;
	v30 =	vperm.xlane v57, v0;
	v31 =	vperm.xlane v58, v0  }
0x49b: {  	v28 =	vld [tilespmem:s29+$0x8540];
	v27 =	vsel vm0, v27, v33;
	[tilespmem:s22+$0x17160] =	vst v29;
	v29 =	vperm.xlane v42, v0;
	v48 =	vperm.xlane v44, v0  }
0x49c: {  	v50 =	vmul.f32 v63, v23;
	v27 =	vmul.f32 v27, v24;
	v30 =	vsel vm0, v30, v31;
	v31 =	vld.msk [tilespmem:s29+$0x8550], $0x1  }
0x49d: {  	v34 =	vmul.f32 v57, v25;
	v30 =	vmul.f32 v30, v26;
	v49 =	vld.msk [tilespmem:s29+$0x8560], $0x1;
	v29 =	vsel vm0, v29, v48  }
0x49e: {  	v52 =	vmul.f32 v42, v22;
	v51 =	vld.msk [tilespmem:s29+$0x8570], $0x1;
	v27 =	vadd.f32 v27, v50;
	v29 =	vmul.f32 v29, v21  }
0x49f: {  	v30 =	vadd.f32 v30, v34  }
0x4a0: {  	[tilespmem:s28+$0x17550] =	vst v27;
	v29 =	vadd.f32 v29, v52  }
0x4a1: {  	s22 =	sadd.s32 $0x800, s2;
	[tilespmem:s28+$0x17540] =	vst v30;
	v30 =	vperm.xlane v28, v0;
	v31 =	vperm.xlane v31, v0  }
0x4a2: {  	v53 =	vld [tilespmem:s28+$0x8570];
	s31 =	sor.u32 s0, s22;
	v27 =	vperm.xlane v46, v0;
	v33 =	vperm.xlane v49, v0;
	[tilespmem:s28+$0x17560] =	vst v29  }
0x4a3: {  	v29 =	vperm.xlane v47, v0;
	v30 =	vsel vm0, v30, v31;
	v31 =	vperm.xlane v51, v0;
	v54 =	vld.msk [tilespmem:s31+$0x8100], $0x1  }
0x4a4: {  	s7 =	simm.s32 $0x0;
	v28 =	vmul.f32 v28, v25;
	v27 =	vsel vm0, v27, v33;
	v30 =	vmul.f32 v30, v26  }
0x4a5: {  	s23 =	smul.u32 $0x1800, s7;
	s25 =	simm.s32 $0x200;
	v32 =	vmul.f32 v46, v23;
	v27 =	vmul.f32 v27, v24;
	v29 =	vsel vm0, v29, v31  }
0x4a6: {  	s24 =	sand.u32 $0x300, s25;
	v31 =	vmul.f32 v47, v22;
	v28 =	vadd.f32 v30, v28;
	v29 =	vmul.f32 v29, v21  }
0x4a7: {  	s26 =	sor.u32 s24, s23;
	v27 =	vadd.f32 v27, v32  }
0x4a8: {  	v38 =	vld [tilespmem:s26+$0x8550];
	[tilespmem:s29+$0x17540] =	vst v28;
	v28 =	vadd.f32 v29, v31;
	v29 =	vperm.xlane v53, v0;
	v30 =	vperm.xlane v54, v0  }
0x4a9: {  	v36 =	vld [tilespmem:s26+$0x8540]  }
0x4aa: {  	v55 =	vld.msk [tilespmem:s26+$0x8560], $0x1;
	[tilespmem:s29+$0x17550] =	vst v27;
	v27 =	vsel vm0, v29, v30  }
0x4ab: {  	s21 =	sor.u32 s21, s9;
	v31 =	vld [tilespmem:s29+$0x8570];
	[tilespmem:s29+$0x17560] =	vst v28;
	v30 =	vmul.f32 v53, v19;
	v27 =	vmul.f32 v27, v20  }
0x4ac: {  	v28 =	vld.msk [tilespmem:s21+$0x8100], $0x1  }
0x4ad: {  	v37 =	vld [tilespmem:s26+$0x8560];
	v27 =	vadd.f32 v27, v30  }
0x4ae: {  	v34 =	vld.msk [tilespmem:s26+$0x8570], $0x1  }
0x4af: {  	v29 =	vld.msk [tilespmem:s26+$0x8550], $0x1;
	[tilespmem:s28+$0x17570] =	vst v27  }
0x4b0: {  	v30 =	vld [tilespmem:s31+$0x8100]  }
0x4b1: {  	v27 =	vperm.xlane v31, v0;
	v28 =	vperm.xlane v28, v0;
	v33 =	vld.msk [tilespmem:s31+$0x8110], $0x1  }
0x4b2: {  	v35 =	vld.msk [tilespmem:s31+$0x8120], $0x1  }
0x4b3: {  	v39 =	vld [tilespmem:s31+$0x8120];
	v27 =	vsel vm0, v27, v28  }
0x4b4: {  	v31 =	vmul.f32 v31, v19;
	v40 =	vld [tilespmem:s31+$0x8130];
	v27 =	vmul.f32 v27, v20  }
0x4b5: {  	v45 =	vld [tilespmem:s31+$0x8140]  }
0x4b6: {  	v32 =	vld [tilespmem:s31+$0x8150];
	v27 =	vadd.f32 v27, v31  }
0x4b7: {  	v28 =	vld [tilespmem:s31+$0x8110]  }
0x4b8: {  	v31 =	vld.msk [tilespmem:s31+$0x8130], $0x1;
	[tilespmem:s29+$0x17570] =	vst v27  }
0x4b9: {  	v27 =	vld [tilespmem:s21+$0x8150]  }
0x4ba: {  	v56 =	vld.msk [tilespmem:s21+$0x8160], $0x7fff  }
0x4bb: {  	v57 =	vld [tilespmem:s21+$0x8160]  }
0x4bc: {  	v58 =	vld.msk [tilespmem:s21+$0x8170], $0x1;
	[tilespmem:$0x1FE70] =	vst v5  }
0x4bd: {  	v43 =	vperm.xlane v36, v0;
	v36 =	vmul.f32 v36, v25;
	[tilespmem:$0x1FE80] =	vst v3  }
0x4be: {  	v46 =	vperm.xlane v38, v0;
	v38 =	vmul.f32 v38, v23;
	v50 =	vld [tilespmem:s31+$0x8160]  }
0x4bf: {  	v47 =	vperm.xlane v55, v0;
	v29 =	vperm.xlane v29, v0;
	v62 =	vld.msk [tilespmem:s31+$0x8140], $0x1;
	[tilespmem:$0x1FE90] =	vst v2  }
0x4c0: {  	v48 =	vmul.f32 v30, v5;
	v52 =	vmul.f32 v39, v2;
	[tilespmem:$0x1FEA0] =	vst v4  }
0x4c1: {  	v39 =	vperm.xlane v39, v0;
	v54 =	vld.msk [tilespmem:s31+$0x8150], $0x1;
	v31 =	vperm.xlane v31, v0  }
0x4c2: {  	v55 =	vld.msk [tilespmem:s31+$0x8160], $0x1;
	v27 =	vperm.xlane v27, v1;
	v41 =	vperm.xlane v56, v1  }
0x4c3: {  	v53 =	vmul.f32 v40, v4;
	v30 =	vperm.xlane v30, v0;
	v31 =	vsel vm0, v39, v31;
	v39 =	vld.msk [tilespmem:s21+$0x8110], $0x1  }
0x4c4: {  	v63 =	vperm.xlane v57, v0;
	v44 =	vperm.xlane v58, v0;
	v56 =	vld.msk [tilespmem:s31+$0x8170], $0x1;
	v27 =	vsel vm1, v27, v41  }
0x4c5: {  	v43 =	vsel vm0, v43, v29;
	v42 =	vmul.f32 v57, v15;
	v57 =	vld [tilespmem:s31+$0x8150];
	v27 =	vmul.f32 v27, v11  }
0x4c6: {  	v33 =	vperm.xlane v33, v0;
	v35 =	vperm.xlane v35, v0;
	v41 =	vsel vm0, v63, v44;
	v44 =	vld [tilespmem:s31+$0x8160]  }
0x4c7: {  	v49 =	vmul.f32 v28, v3;
	v58 =	vld.msk [tilespmem:s31+$0x8160], $0x7fff;
	v41 =	vmul.f32 v41, v17;
	v27 =	vadd.f32 v27, v42  }
0x4c8: {  	v28 =	vperm.xlane v28, v0;
	v29 =	vsel vm0, v30, v33;
	v30 =	vperm.xlane v45, v0;
	v42 =	vld.msk [tilespmem:s31+$0x8170], $0x7fff  }
0x4c9: {  	v29 =	vmul.f32 v29, v6;
	v33 =	vperm.xlane v54, v0;
	v41 =	vadd.f32 v41, v27;
	v27 =	vld [tilespmem:s21+$0x8100];
	[tilespmem:$0x1FEB0] =	vst v6  }
0x4ca: {  	v40 =	vperm.xlane v40, v0;
	v35 =	vsel vm0, v28, v35;
	v51 =	vperm.xlane v62, v0;
	v28 =	vld [tilespmem:s21+$0x8110]  }
0x4cb: {  	v33 =	vsel vm0, v30, v33;
	v30 =	vperm.xlane v44, v1;
	v44 =	vadd.f32 v29, v48;
	v48 =	vld.msk [tilespmem:s21+$0x8120], $0x1;
	[tilespmem:$0x1FEC0] =	vst v10  }
0x4cc: {  	v45 =	vmul.f32 v45, v61;
	v35 =	vmul.f32 v35, v10;
	v29 =	vld [tilespmem:s21+$0x8120];
	[tilespmem:s21+$0x17160] =	vst v41  }
0x4cd: {  	v31 =	vmul.f32 v31, v9;
	v40 =	vsel vm0, v40, v51;
	v41 =	vld [tilespmem:s31+$0x8170];
	v42 =	vperm.xlane v42, v1;
	[tilespmem:$0x1FED0] =	vst v9  }
0x4ce: {  	v35 =	vadd.f32 v35, v49;
	v62 =	vperm.xlane v32, v0;
	v40 =	vmul.f32 v40, v60;
	v54 =	vld.msk [tilespmem:s21+$0x8130], $0x1;
	[tilespmem:$0x1FEE0] =	vst v60  }
0x4cf: {  	v52 =	vadd.f32 v31, v52;
	v31 =	vmul.f32 v33, v7;
	v42 =	vsel vm1, v30, v42;
	v30 =	vld [tilespmem:s21+$0x8130];
	[tilespmem:$0x1FEF0] =	vst v7  }
0x4d0: {  	v32 =	vmul.f32 v32, v59;
	v63 =	vperm.xlane v55, v0;
	v40 =	vadd.f32 v40, v53;
	v53 =	vld.msk [tilespmem:s21+$0x8140], $0x1  }
0x4d1: {  	v57 =	vperm.xlane v57, v1;
	v58 =	vperm.xlane v58, v1;
	v45 =	vadd.f32 v31, v45;
	v31 =	vld [tilespmem:s21+$0x8140];
	[tilespmem:$0x1FF00] =	vst v8  }
0x4d2: {  	v51 =	vsel vm0, v62, v63;
	v62 =	vperm.xlane v50, v0;
	v63 =	vperm.xlane v56, v0;
	[tilespmem:s31+$0x17100] =	vst v44  }
0x4d3: {  	v51 =	vmul.f32 v51, v8;
	v56 =	vmul.f32 v50, v15;
	v49 =	vsel vm1, v57, v58;
	v33 =	vld.msk [tilespmem:s21+$0x8150], $0x1;
	[tilespmem:$0x1FF10] =	vst v11  }
0x4d4: {  	v6 =	vmov v61;
	v61 =	vperm.xlane v34, v0;
	v49 =	vmul.f32 v49, v11;
	[tilespmem:s31+$0x17110] =	vst v35  }
0x4d5: {  	v9 =	vmov v59;
	v59 =	vadd.f32 v51, v32;
	v60 =	vperm.xlane v37, v0;
	v32 =	vld [tilespmem:s21+$0x8150];
	[tilespmem:$0x1FF20] =	vst v12  }
0x4d6: {  	s0 =	sor.u32 $0x80, s0;
	v57 =	vsel vm0, v62, v63;
	v42 =	vmul.f32 v42, v12;
	v58 =	vmul.f32 v41, v13;
	[tilespmem:s31+$0x17120] =	vst v52;
	v34 =	vld.msk [tilespmem:s21+$0x8160], $0x1  }
0x4d7: {  	s29 =	sor.u32 s2, s0;
	v55 =	vmul.f32 v43, v26;
	v63 =	vmul.f32 v57, v17;
	v44 =	vadd.f32 v49, v56;
	[tilespmem:s31+$0x17130] =	vst v40;
	v35 =	vld [tilespmem:s21+$0x8160]  }
0x4d8: {  	v62 =	vsel vm0, v46, v47;
	v56 =	vsel vm0, v60, v61;
	v42 =	vadd.f32 v42, v58;
	[tilespmem:s31+$0x17140] =	vst v45;
	v45 =	vld [tilespmem:s29+$0x8540]  }
0x4d9: {  	v37 =	vmul.f32 v37, v22;
	v57 =	vadd.f32 v63, v44;
	v58 =	vmul.f32 v56, v21;
	[tilespmem:s31+$0x17150] =	vst v59;
	v43 =	vld [tilespmem:s29+$0x8550]  }
0x4da: {  	v36 =	vadd.f32 v55, v36;
	v39 =	vperm.xlane v39, v0;
	v40 =	vmul.f32 v62, v24;
	[tilespmem:s31+$0x17170] =	vst v42;
	v42 =	vld [tilespmem:s29+$0x8560]  }
0x4db: {  	v60 =	vperm.xlane v28, v0;
	v61 =	vperm.xlane v48, v0;
	v44 =	vld [tilespmem:s26+$0x8570];
	[tilespmem:s31+$0x17160] =	vst v57;
	v37 =	vadd.f32 v58, v37  }
0x4dc: {  	v63 =	vperm.xlane v54, v0;
	v59 =	vperm.xlane v27, v0;
	[tilespmem:s26+$0x17540] =	vst v36;
	v47 =	vld.msk [tilespmem:s29+$0x8550], $0x1;
	v38 =	vadd.f32 v40, v38  }
0x4dd: {  	v16 =	vmovc v15;
	s2 =	sadd.s32 $0x800, s23;
	v15 =	vmov v17;
	v62 =	vperm.xlane v29, v0;
	v41 =	vperm.xlane v53, v0;
	v48 =	vld.msk [tilespmem:s29+$0x8560], $0x1;
	[tilespmem:s26+$0x17560] =	vst v37  }
0x4de: {  	s28 =	sor.u32 s24, s2;
	v49 =	vld.msk [tilespmem:s29+$0x8570], $0x1;
	v36 =	vsel vm0, v59, v39;
	v37 =	vsel vm0, v60, v61;
	v39 =	vperm.xlane v30, v0;
	[tilespmem:s26+$0x17550] =	vst v38  }
0x4df: {  	s30 =	simm.s32 $0x4;
	v11 =	vmovc v13;
	v40 =	vperm.xlane v31, v0;
	v38 =	vsel vm0, v62, v63;
	v50 =	vld.msk [tilespmem:s28+$0x8100], $0x1;
	v46 =	vmul.f32 v45, v25  }
.LBB2_13:
0x4e0: {  	v52 =	vld.msk [tilespmem:s21+$0x8170], $0x7fff  }
0x4e1: {  	v8 =	vld [tilespmem:$0x1FEB0]  }
0x4e2: {  	v12 =	vld [tilespmem:$0x1FEC0]  }
0x4e3: {  	v10 =	vld [tilespmem:$0x1FED0]  }
0x4e4: {  	v14 =	vld [tilespmem:$0x1FEE0]  }
0x4e5: {  	v5 =	vld [tilespmem:$0x1FEF0]  }
0x4e6: {  	v7 =	vld [tilespmem:$0x1FF00]  }
0x4e7: {  	v13 =	vld [tilespmem:$0x1FF20]  }
0x4e8: {  	s30 =	sadd.s32 $0x2, s30;
	v3 =	vld [tilespmem:$0x1FE80]  }
0x4e9: {  	v45 =	vperm.xlane v45, v0;
	v54 =	vperm.xlane v44, v0;
	v2 =	vld [tilespmem:$0x1FE90];
	s6 =	sshrl.u32 s30, $0x3  }
0x4ea: {  	s25 =	sadd.s32 $0x100, s25;
	v4 =	vld [tilespmem:$0x1FEA0];
	v60 =	vperm.xlane v47, v0;
	s9 =	smul.u32 $0x1800, s6;
	v48 =	vperm.xlane v48, v0  }
0x4eb: {  	v17 =	vld [tilespmem:$0x1FF10];
	v41 =	vsel vm0, v39, v41;
	s31 =	sand.u32 $0x300, s25;
	v51 =	vmul.f32 v43, v23;
	v61 =	vperm.xlane v43, v0  }
0x4ec: {  	v47 =	vld [tilespmem:s21+$0x8170];
	v53 =	vperm.xlane v42, v0;
	v39 =	vsel vm0, v45, v60;
	v62 =	vperm.xlane v49, v0;
	s7 =	sor.u32 s31, s9  }
0x4ed: {  	v63 =	vperm.xlane v50, v0;
	v39 =	vmul.f32 v39, v26;
	v50 =	vld [tilespmem:s7+$0x8540];
	v43 =	vsel vm0, v61, v48  }
0x4ee: {  	v56 =	vmul.f32 v42, v22;
	v48 =	vld [tilespmem:s29+$0x8570];
	v45 =	vsel vm0, v53, v62;
	v43 =	vmul.f32 v43, v24  }
0x4ef: {  	v53 =	vld.msk [tilespmem:s7+$0x8550], $0x1;
	v49 =	vsel vm0, v54, v63;
	v39 =	vadd.f32 v39, v46;
	v45 =	vmul.f32 v45, v21  }
0x4f0: {  	v57 =	vmul.f32 v44, v19;
	v46 =	vld [tilespmem:s7+$0x8550];
	v49 =	vmul.f32 v49, v20;
	v43 =	vadd.f32 v43, v51  }
0x4f1: {  	v51 =	vld.msk [tilespmem:s7+$0x8560], $0x1;
	[tilespmem:s29+$0x17540] =	vst v39;
	v42 =	vadd.f32 v45, v56  }
0x4f2: {  	v33 =	vperm.xlane v33, v0;
	v34 =	vperm.xlane v34, v0;
	v39 =	vld [tilespmem:s7+$0x8560];
	v44 =	vadd.f32 v49, v57;
	[tilespmem:s29+$0x17550] =	vst v43  }
0x4f3: {  	v31 =	vmul.f32 v31, v6;
	v58 =	vperm.xlane v32, v0;
	v43 =	vld.msk [tilespmem:s7+$0x8570], $0x1;
	[tilespmem:s29+$0x17560] =	vst v42  }
0x4f4: {  	s0 =	sor.u32 s0, s22;
	v35 =	vperm.xlane v35, v1;
	v36 =	vmul.f32 v36, v8;
	v57 =	vld [tilespmem:$0x1FE70];
	[tilespmem:s26+$0x17570] =	vst v44  }
0x4f5: {  	v59 =	vperm.xlane v52, v1;
	v37 =	vmul.f32 v37, v12;
	v42 =	vld.msk [tilespmem:s0+$0x8100], $0x1  }
0x4f6: {  	v33 =	vsel vm0, v40, v33;
	v38 =	vmul.f32 v38, v10;
	v41 =	vmul.f32 v41, v14;
	v44 =	vld [tilespmem:s28+$0x8170]  }
0x4f7: {  	v33 =	vmul.f32 v33, v5;
	v28 =	vmul.f32 v28, v3;
	v45 =	vld [tilespmem:s28+$0x8100]  }
0x4f8: {  	v29 =	vmul.f32 v29, v2;
	v30 =	vmul.f32 v30, v4;
	v34 =	vsel vm0, v58, v34;
	v49 =	vld.msk [tilespmem:s28+$0x8110], $0x1  }
0x4f9: {  	v63 =	vmul.f32 v32, v9;
	v35 =	vsel vm1, v35, v59;
	v34 =	vmul.f32 v34, v7;
	v60 =	vld [tilespmem:s28+$0x8110]  }
0x4fa: {  	v28 =	vadd.f32 v37, v28;
	v35 =	vmul.f32 v35, v13;
	v62 =	vperm.xlane v48, v0;
	v61 =	vld.msk [tilespmem:s28+$0x8120], $0x1  }
0x4fb: {  	v30 =	vadd.f32 v41, v30;
	v37 =	vmul.f32 v46, v23;
	v56 =	vld.msk [tilespmem:s28+$0x8130], $0x1;
	v42 =	vperm.xlane v42, v0  }
0x4fc: {  	[tilespmem:s21+$0x17110] =	vst v28;
	v28 =	vadd.f32 v38, v29;
	v38 =	vperm.xlane v46, v0;
	v46 =	vld [tilespmem:s28+$0x8150];
	v27 =	vmul.f32 v27, v57  }
0x4fd: {  	v48 =	vmul.f32 v48, v19;
	v53 =	vperm.xlane v53, v0;
	v55 =	vld [tilespmem:s28+$0x8120];
	v58 =	vsel vm0, v62, v42  }
0x4fe: {  	v29 =	vperm.xlane v50, v0;
	[tilespmem:s21+$0x17120] =	vst v28;
	v28 =	vld [tilespmem:s28+$0x8160];
	v27 =	vadd.f32 v36, v27;
	v40 =	vmul.f32 v58, v20  }
0x4ff: {  	[tilespmem:s21+$0x17130] =	vst v30;
	v30 =	vadd.f32 v33, v31;
	v41 =	vperm.xlane v51, v0;
	v36 =	vmul.f32 v50, v25;
	v50 =	vld [tilespmem:s28+$0x8140]  }
0x500: {  	[tilespmem:s21+$0x17100] =	vst v27;
	v27 =	vmul.f32 v47, v11;
	v47 =	vld [tilespmem:s28+$0x8130];
	v31 =	vmul.f32 v45, v57;
	v48 =	vadd.f32 v40, v48  }
0x501: {  	v32 =	vadd.f32 v34, v63;
	v34 =	vmul.f32 v60, v3;
	v57 =	vmul.f32 v46, v9;
	v33 =	vld.msk [tilespmem:s28+$0x8140], $0x1  }
0x502: {  	v44 =	vmul.f32 v44, v11;
	v45 =	vperm.xlane v45, v0;
	v62 =	vld [tilespmem:s28+$0x8160];
	[tilespmem:s29+$0x17570] =	vst v48  }
0x503: {  	v49 =	vperm.xlane v49, v0;
	v52 =	vperm.xlane v60, v0;
	v27 =	vadd.f32 v35, v27;
	v48 =	vld [tilespmem:s0+$0x8150];
	[tilespmem:s21+$0x17140] =	vst v30  }
0x504: {  	v54 =	vperm.xlane v61, v0;
	v56 =	vperm.xlane v56, v0;
	v30 =	vld.msk [tilespmem:s0+$0x8160], $0x7fff;
	[tilespmem:s21+$0x17150] =	vst v32  }
0x505: {  	v46 =	vperm.xlane v46, v0;
	v42 =	vperm.xlane v43, v0;
	v32 =	vld [tilespmem:s0+$0x8160];
	[tilespmem:s21+$0x17170] =	vst v27;
	s21 =	smov.u32 s0  }
0x506: {  	v43 =	vmul.f32 v55, v2;
	v55 =	vperm.xlane v55, v0;
	v27 =	vld.msk [tilespmem:s21+$0x8170], $0x1  }
0x507: {  	v2 =	vld [tilespmem:s28+$0x8150];
	v45 =	vsel vm0, v45, v49;
	v51 =	vmul.f32 v50, v6;
	v58 =	vmul.f32 v28, v16  }
0x508: {  	v50 =	vperm.xlane v50, v0;
	v45 =	vmul.f32 v45, v8;
	v59 =	vld.msk [tilespmem:s28+$0x8150], $0x1  }
0x509: {  	v60 =	vld.msk [tilespmem:s28+$0x8160], $0x1;
	v48 =	vperm.xlane v48, v1;
	v30 =	vperm.xlane v30, v1  }
0x50a: {  	v53 =	vsel vm0, v29, v53;
	v40 =	vperm.xlane v39, v0;
	v35 =	vmul.f32 v47, v4;
	v61 =	vld.msk [tilespmem:s28+$0x8170], $0x1  }
0x50b: {  	v63 =	vld.msk [tilespmem:s28+$0x8170], $0x7fff;
	v30 =	vsel vm1, v48, v30;
	v48 =	vperm.xlane v32, v0;
	v27 =	vperm.xlane v27, v0  }
0x50c: {  	v49 =	vsel vm0, v55, v56;
	v3 =	vld.msk [tilespmem:s28+$0x8160], $0x7fff;
	v32 =	vmul.f32 v32, v16;
	v30 =	vmul.f32 v30, v17  }
0x50d: {  	v47 =	vperm.xlane v47, v0;
	v4 =	vperm.xlane v28, v0;
	v28 =	vld [tilespmem:s21+$0x8110];
	v48 =	vsel vm0, v48, v27  }
0x50e: {  	v33 =	vperm.xlane v33, v0;
	v29 =	vld [tilespmem:s21+$0x8120];
	v30 =	vadd.f32 v30, v32;
	v32 =	vmul.f32 v48, v15  }
0x50f: {  	v45 =	vadd.f32 v45, v31;
	v49 =	vmul.f32 v49, v10;
	v31 =	vld [tilespmem:s21+$0x8140];
	v59 =	vperm.xlane v59, v0  }
0x510: {  	v2 =	vperm.xlane v2, v1;
	v33 =	vsel vm0, v47, v33;
	v27 =	vld [tilespmem:s21+$0x8100];
	v30 =	vadd.f32 v32, v30  }
0x511: {  	v61 =	vperm.xlane v61, v0;
	v3 =	vperm.xlane v3, v1;
	v47 =	vsel vm0, v50, v59;
	v50 =	vld.msk [tilespmem:s21+$0x8140], $0x1  }
0x512: {  	v48 =	vperm.xlane v60, v0;
	v60 =	vld.msk [tilespmem:s21+$0x8110], $0x1;
	v32 =	vperm.xlane v62, v1;
	[tilespmem:s21+$0x17160] =	vst v30;
	v30 =	vsel vm0, v52, v54  }
0x513: {  	v43 =	vadd.f32 v49, v43;
	v62 =	vperm.xlane v63, v1;
	v63 =	vld.msk [tilespmem:s21+$0x8120], $0x1;
	v54 =	vmul.f32 v30, v12  }
0x514: {  	v2 =	vsel vm1, v2, v3;
	v46 =	vsel vm0, v46, v48;
	v48 =	vmul.f32 v33, v14;
	v52 =	vld.msk [tilespmem:s21+$0x8130], $0x1  }
0x515: {  	v59 =	vsel vm1, v32, v62;
	[tilespmem:s28+$0x17100] =	vst v45;
	v62 =	vmul.f32 v47, v5;
	v32 =	vld [tilespmem:s21+$0x8150];
	v34 =	vadd.f32 v54, v34  }
0x516: {  	v2 =	vmul.f32 v2, v17;
	v3 =	vadd.f32 v48, v35;
	v33 =	vld.msk [tilespmem:s21+$0x8150], $0x1;
	[tilespmem:s28+$0x17120] =	vst v43;
	v56 =	vmul.f32 v59, v13  }
0x517: {  	v4 =	vsel vm0, v4, v61;
	v49 =	vmul.f32 v46, v7;
	v35 =	vld [tilespmem:s21+$0x8160];
	v55 =	vadd.f32 v62, v51;
	[tilespmem:s28+$0x17110] =	vst v34  }
0x518: {  	s0 =	sor.u32 $0x80, s24;
	v4 =	vmul.f32 v4, v15;
	v2 =	vadd.f32 v2, v58;
	v58 =	vadd.f32 v56, v44;
	v34 =	vld.msk [tilespmem:s21+$0x8160], $0x1;
	[tilespmem:s28+$0x17130] =	vst v3  }
0x519: {  	v38 =	vsel vm0, v38, v41;
	s29 =	sor.u32 s23, s0;
	v30 =	vld [tilespmem:s21+$0x8130];
	v3 =	vadd.f32 v49, v57;
	v57 =	vmul.f32 v53, v26;
	[tilespmem:s28+$0x17140] =	vst v55  }
0x51a: {  	v38 =	vmul.f32 v38, v24;
	v40 =	vsel vm0, v40, v42;
	v2 =	vadd.f32 v4, v2;
	v45 =	vld [tilespmem:s29+$0x8540];
	[tilespmem:s28+$0x17170] =	vst v58  }
0x51b: {  	s26 =	smov.u32 s7;
	v4 =	vmul.f32 v39, v22;
	v43 =	vld [tilespmem:s29+$0x8550];
	v59 =	vmul.f32 v40, v21;
	[tilespmem:s28+$0x17150] =	vst v3;
	v3 =	vadd.f32 v57, v36  }
0x51c: {  	p0 =	slt.u32 s30, $0x26;
	v37 =	vadd.f32 v38, v37;
	v41 =	vperm.xlane v50, v0;
	v44 =	vld [tilespmem:s26+$0x8570];
	[tilespmem:s28+$0x17160] =	vst v2  }
.Ltmp5:
0x51d: {  	v42 =	vld [tilespmem:s29+$0x8560];
	v61 =	vperm.xlane v60, v0;
	v2 =	vperm.xlane v27, v0;
	[tilespmem:s26+$0x17540] =	vst v3;
	v3 =	vadd.f32 v59, v4;
	(pc) =	sbr.rel @p0 .LBB2_13-.Ltmp5, $4  }
0x51e: {  	s23 =	smov.u32 s9;
	v62 =	vperm.xlane v63, v0;
	v63 =	vperm.xlane v52, v0;
	v47 =	vld.msk [tilespmem:s29+$0x8550], $0x1;
	[tilespmem:s26+$0x17550] =	vst v37  }
0x51f: {  	s22 =	smov.u32 s2;
	s24 =	smov.u32 s31;
	s2 =	sadd.s32 $0x800, s23;
	v4 =	vperm.xlane v28, v0;
	v36 =	vsel vm0, v2, v61;
	v2 =	vperm.xlane v29, v0;
	v48 =	vld.msk [tilespmem:s29+$0x8560], $0x1;
	[tilespmem:s26+$0x17560] =	vst v3  }
0x520: {  	v40 =	vperm.xlane v31, v0;
	v39 =	vperm.xlane v30, v0;
	s28 =	sor.u32 s24, s2;
	v49 =	vld.msk [tilespmem:s29+$0x8570], $0x1  }
0x521: {  	v46 =	vmul.f32 v45, v25;
	v37 =	vsel vm0, v4, v62;
	v50 =	vld.msk [tilespmem:s28+$0x8100], $0x1;
	v38 =	vsel vm0, v2, v63  }
0x522: {  	_ =	sdelay $0x3  }
0x523: {  	v2 =	vperm.xlane v44, v0;
	v3 =	vperm.xlane v50, v0;
	_ =	sdelay $0x1  }
0x524: {  	v2 =	vsel vm0, v2, v3  }
0x525: {  	v3 =	vmul.f32 v44, v19;
	v2 =	vmul.f32 v2, v20;
	_ =	sdelay $0x1  }
0x526: {  	v2 =	vadd.f32 v2, v3;
	_ =	sdelay $0x1  }
0x527: {  	[tilespmem:s26+$0x17570] =	vst v2  }
0x528: {  	v2 =	vld [tilespmem:s28+$0x8170]  }
0x529: {  	v3 =	vld [tilespmem:s28+$0x8100]  }
0x52a: {  	v4 =	vld.msk [tilespmem:s28+$0x8110], $0x1  }
0x52b: {  	v61 =	vperm.xlane v47, v0;
	v47 =	vld [tilespmem:s28+$0x8110]  }
0x52c: {  	v62 =	vperm.xlane v43, v0;
	v48 =	vperm.xlane v48, v0;
	v51 =	vld [tilespmem:s28+$0x8120]  }
0x52d: {  	v53 =	vld [tilespmem:s28+$0x8130]  }
0x52e: {  	v52 =	vperm.xlane v42, v0;
	v49 =	vperm.xlane v49, v0;
	v63 =	vsel vm0, v62, v48;
	v48 =	vld [tilespmem:s28+$0x8140]  }
0x52f: {  	v50 =	vld.msk [tilespmem:s28+$0x8120], $0x1  }
0x530: {  	v49 =	vsel vm0, v52, v49;
	v52 =	vld.msk [tilespmem:s28+$0x8130], $0x1  }
0x531: {  	v60 =	vperm.xlane v45, v0;
	v62 =	vld [tilespmem:$0x1FE70]  }
0x532: {  	v45 =	vmul.f32 v63, v24;
	v63 =	vld [tilespmem:$0x1FE80]  }
0x533: {  	v44 =	vsel vm0, v60, v61;
	v13 =	vld [tilespmem:$0x1FE90]  }
0x534: {  	v44 =	vmul.f32 v44, v26;
	v54 =	vld [tilespmem:s28+$0x8150]  }
0x535: {  	v43 =	vmul.f32 v43, v23;
	v57 =	vld.msk [tilespmem:s28+$0x8140], $0x1  }
0x536: {  	v42 =	vmul.f32 v42, v22;
	v49 =	vmul.f32 v49, v21;
	v44 =	vadd.f32 v44, v46;
	v18 =	vld [tilespmem:$0x1FEA0]  }
0x537: {  	v43 =	vadd.f32 v45, v43;
	[tilespmem:$0x1FE60] =	vst v6;
	v8 =	vld [tilespmem:$0x1FEB0];
	v55 =	vmul.f32 v3, v62;
	v56 =	vmul.f32 v47, v63  }
0x538: {  	v42 =	vadd.f32 v49, v42;
	v12 =	vld [tilespmem:$0x1FEC0];
	[tilespmem:s29+$0x17540] =	vst v44;
	v58 =	vmul.f32 v51, v13;
	v3 =	vperm.xlane v3, v0  }
0x539: {  	v10 =	vld [tilespmem:$0x1FED0];
	[tilespmem:s29+$0x17550] =	vst v43;
	v4 =	vperm.xlane v4, v0;
	v47 =	vperm.xlane v47, v0  }
0x53a: {  	v61 =	vld.msk [tilespmem:s28+$0x8150], $0x1;
	[tilespmem:s29+$0x17560] =	vst v42;
	v45 =	vperm.xlane v50, v0;
	v49 =	vperm.xlane v52, v0  }
0x53b: {  	v14 =	vld [tilespmem:$0x1FEE0];
	v52 =	vperm.xlane v53, v0;
	v57 =	vperm.xlane v57, v0;
	v3 =	vsel vm0, v3, v4  }
0x53c: {  	v50 =	vperm.xlane v51, v0;
	v51 =	vld.msk [tilespmem:s28+$0x8160], $0x1;
	v45 =	vsel vm0, v47, v45;
	v3 =	vmul.f32 v3, v8  }
0x53d: {  	v52 =	vsel vm0, v52, v57;
	v57 =	vld.msk [tilespmem:s28+$0x8160], $0x7fff;
	v45 =	vmul.f32 v45, v12  }
0x53e: {  	v59 =	vmul.f32 v53, v18;
	v53 =	vld [tilespmem:s28+$0x8160];
	v3 =	vadd.f32 v3, v55  }
0x53f: {  	v4 =	vld.msk [tilespmem:s28+$0x8170], $0x7fff;
	v49 =	vsel vm0, v50, v49;
	v44 =	vadd.f32 v45, v56  }
0x540: {  	v49 =	vmul.f32 v49, v10;
	v55 =	vld.msk [tilespmem:s28+$0x8170], $0x1;
	[tilespmem:s28+$0x17100] =	vst v3  }
0x541: {  	v60 =	vmul.f32 v48, v6;
	v6 =	vmov v9;
	v50 =	vmul.f32 v54, v9;
	v9 =	vld [tilespmem:$0x1FEF0];
	[tilespmem:s28+$0x17110] =	vst v44  }
0x542: {  	v56 =	vperm.xlane v57, v1;
	v57 =	vadd.f32 v49, v58;
	v58 =	vmul.f32 v52, v14;
	v52 =	vld [tilespmem:$0x1FF00]  }
0x543: {  	v47 =	vld [tilespmem:s28+$0x8150]  }
0x544: {  	v46 =	vld [tilespmem:s28+$0x8160];
	v54 =	vperm.xlane v54, v0;
	v51 =	vperm.xlane v51, v0  }
0x545: {  	v48 =	vperm.xlane v48, v0;
	v61 =	vperm.xlane v61, v0  }
0x546: {  	v53 =	vperm.xlane v53, v1;
	v51 =	vsel vm0, v54, v51;
	v4 =	vperm.xlane v4, v1;
	v17 =	vld [tilespmem:$0x1FF10];
	[tilespmem:s28+$0x17120] =	vst v57  }
0x547: {  	v3 =	vperm.xlane v55, v0;
	v55 =	vmul.f32 v51, v52;
	v51 =	vld [tilespmem:$0x1FF20]  }
0x548: {  	v4 =	vsel vm1, v53, v4;
	v53 =	vperm.xlane v47, v1  }
0x549: {  	v48 =	vsel vm0, v48, v61;
	v45 =	vmul.f32 v46, v16  }
0x54a: {  	s0 =	sor.u32 s0, s22;
	v46 =	vperm.xlane v46, v0;
	v54 =	vld [tilespmem:s29+$0x8570];
	v43 =	vsel vm1, v53, v56;
	v48 =	vmul.f32 v48, v9  }
0x54b: {  	v2 =	vmul.f32 v2, v11;
	v59 =	vadd.f32 v58, v59;
	v56 =	vld.msk [tilespmem:s0+$0x8100], $0x1;
	v43 =	vmul.f32 v43, v17  }
0x54c: {  	v3 =	vsel vm0, v46, v3;
	v57 =	vadd.f32 v48, v60;
	v4 =	vmul.f32 v4, v51  }
0x54d: {  	s9 =	sor.u32 $0x80, s24;
	v3 =	vmul.f32 v3, v15;
	[tilespmem:s28+$0x17130] =	vst v59;
	v58 =	vadd.f32 v55, v50;
	v43 =	vadd.f32 v43, v45  }
0x54e: {  	s6 =	sor.u32 s23, s9;
	[tilespmem:s28+$0x17140] =	vst v57;
	v2 =	vadd.f32 v4, v2  }
0x54f: {  	v42 =	vld [tilespmem:s6+$0x8550];
	[tilespmem:s28+$0x17150] =	vst v58;
	v3 =	vadd.f32 v3, v43  }
0x550: {  	v44 =	vld [tilespmem:s6+$0x8560];
	v59 =	vperm.xlane v56, v0;
	[tilespmem:s28+$0x17170] =	vst v2;
	v2 =	vperm.xlane v54, v0  }
0x551: {  	v33 =	vperm.xlane v33, v0;
	v34 =	vperm.xlane v34, v0;
	[tilespmem:s28+$0x17160] =	vst v3;
	v4 =	vld [tilespmem:s6+$0x8540]  }
0x552: {  	v35 =	vperm.xlane v35, v1;
	v28 =	vmul.f32 v28, v63;
	v3 =	vld.msk [tilespmem:s6+$0x8550], $0x1;
	v2 =	vsel vm0, v2, v59  }
0x553: {  	v53 =	vmul.f32 v54, v19;
	v60 =	vld.msk [tilespmem:s6+$0x8560], $0x1;
	v2 =	vmul.f32 v2, v20  }
0x554: {  	v29 =	vmul.f32 v29, v13;
	v30 =	vmul.f32 v30, v18;
	v54 =	vld.msk [tilespmem:s6+$0x8570], $0x1  }
0x555: {  	v23 =	vmul.f32 v42, v23;
	v22 =	vmul.f32 v44, v22;
	v2 =	vadd.f32 v2, v53  }
0x556: {  	v55 =	vperm.xlane v32, v0;
	v56 =	vld.msk [tilespmem:s21+$0x8170], $0x7fff;
	v59 =	vperm.xlane v44, v0  }
0x557: {  	v58 =	vld [tilespmem:s21+$0x8170];
	v57 =	vperm.xlane v4, v0;
	v3 =	vperm.xlane v3, v0;
	[tilespmem:s29+$0x17570] =	vst v2  }
0x558: {  	v39 =	vsel vm0, v39, v41;
	v43 =	vperm.xlane v60, v0;
	v2 =	vperm.xlane v42, v0;
	v49 =	vld [tilespmem:s0+$0x8150]  }
0x559: {  	v4 =	vmul.f32 v4, v25;
	v46 =	vperm.xlane v54, v0;
	v3 =	vsel vm0, v57, v3;
	v60 =	vld.msk [tilespmem:s0+$0x8160], $0x7fff  }
0x55a: {  	v53 =	vmul.f32 v37, v12;
	v25 =	vld [tilespmem:s0+$0x8160];
	v3 =	vmul.f32 v3, v26;
	v2 =	vsel vm0, v2, v43  }
0x55b: {  	v54 =	vld.msk [tilespmem:s0+$0x8110], $0x1;
	v57 =	vmul.f32 v32, v6;
	v2 =	vmul.f32 v2, v24;
	v24 =	vsel vm0, v59, v46  }
0x55c: {  	v26 =	vld.msk [tilespmem:s0+$0x8170], $0x1;
	v3 =	vadd.f32 v3, v4;
	v4 =	vmul.f32 v24, v21;
	v21 =	vmul.f32 v36, v8  }
0x55d: {  	v24 =	vsel vm0, v40, v33;
	v33 =	vld [tilespmem:s0+$0x8100];
	v40 =	vmul.f32 v58, v11;
	v2 =	vadd.f32 v2, v23  }
0x55e: {  	v58 =	vld.msk [tilespmem:s0+$0x8130], $0x1;
	v23 =	vperm.xlane v56, v1;
	[tilespmem:s6+$0x17540] =	vst v3;
	v3 =	vadd.f32 v4, v22;
	v4 =	vmul.f32 v38, v10  }
0x55f: {  	v22 =	vsel vm0, v55, v34;
	v55 =	vmul.f32 v39, v14;
	v39 =	vld [tilespmem:s0+$0x8120];
	v59 =	vperm.xlane v60, v1;
	[tilespmem:s6+$0x17550] =	vst v2  }
0x560: {  	s2 =	sor.u32 s9, s2;
	v37 =	vperm.xlane v54, v0;
	v2 =	vmul.f32 v24, v9;
	v23 =	vsel vm1, v35, v23;
	v24 =	vld [tilespmem:s6+$0x8570];
	[tilespmem:s6+$0x17560] =	vst v3  }
0x561: {  	v3 =	vmul.f32 v23, v51;
	v23 =	vmul.f32 v27, v62;
	v27 =	vld.msk [tilespmem:s2+$0x8100], $0x1  }
0x562: {  	v60 =	vld.msk [tilespmem:s0+$0x8140], $0x1;
	v22 =	vmul.f32 v22, v52;
	v26 =	vperm.xlane v26, v0  }
0x563: {  	v42 =	vld [tilespmem:s0+$0x8150];
	v50 =	vperm.xlane v33, v0;
	v41 =	vperm.xlane v58, v0  }
0x564: {  	v43 =	vld [tilespmem:s0+$0x8130];
	v21 =	vadd.f32 v21, v23;
	v23 =	vperm.xlane v49, v1;
	v49 =	vperm.xlane v25, v0  }
0x565: {  	v28 =	vadd.f32 v53, v28;
	v56 =	vld.msk [tilespmem:s0+$0x8120], $0x1;
	v25 =	vmul.f32 v25, v16;
	v54 =	vperm.xlane v39, v0  }
0x566: {  	v5 =	vmovc v15;
	v4 =	vadd.f32 v4, v29;
	v15 =	vld [tilespmem:$0x1FE60];
	v48 =	vperm.xlane v24, v0;
	v27 =	vperm.xlane v27, v0  }
0x567: {  	v29 =	vld.msk [tilespmem:s0+$0x8150], $0x1;
	v36 =	vperm.xlane v60, v0;
	v39 =	vmul.f32 v39, v13;
	v23 =	vsel vm1, v23, v59  }
0x568: {  	v38 =	vld [tilespmem:s0+$0x8110];
	v26 =	vsel vm0, v49, v26;
	v19 =	vmul.f32 v24, v19;
	v27 =	vsel vm0, v48, v27  }
0x569: {  	v24 =	vadd.f32 v55, v30;
	v30 =	vld [tilespmem:s0+$0x8160];
	v59 =	vperm.xlane v42, v0;
	v20 =	vmul.f32 v27, v20  }
0x56a: {  	v22 =	vadd.f32 v22, v57;
	v55 =	vld [tilespmem:s0+$0x8170];
	v23 =	vmul.f32 v23, v17;
	v26 =	vmul.f32 v26, v5  }
0x56b: {  	v45 =	vld [tilespmem:s0+$0x8140];
	v32 =	vsel vm0, v54, v41;
	v31 =	vmul.f32 v31, v15;
	v19 =	vadd.f32 v20, v19  }
0x56c: {  	v29 =	vperm.xlane v29, v0;
	v32 =	vmul.f32 v32, v10;
	v23 =	vadd.f32 v23, v25;
	v27 =	vld.msk [tilespmem:s0+$0x8160], $0x1  }
0x56d: {  	v53 =	vld.msk [tilespmem:s0+$0x8170], $0x7fff;
	v2 =	vadd.f32 v2, v31;
	v31 =	vperm.xlane v56, v0;
	v56 =	vperm.xlane v43, v0;
	[tilespmem:s6+$0x17570] =	vst v19  }
0x56e: {  	v30 =	vperm.xlane v30, v1;
	v23 =	vadd.f32 v26, v23;
	v20 =	vperm.xlane v38, v0;
	v57 =	vld [tilespmem:s2+$0x8150]  }
0x56f: {  	v26 =	vmul.f32 v43, v18;
	v55 =	vmul.f32 v55, v11;
	v34 =	vsel vm0, v56, v36;
	v58 =	vld.msk [tilespmem:s2+$0x8160], $0x7fff  }
0x570: {  	v34 =	vmul.f32 v34, v14;
	v20 =	vsel vm0, v20, v31;
	v31 =	vperm.xlane v45, v0;
	v47 =	vld [tilespmem:s2+$0x8160]  }
0x571: {  	v38 =	vmul.f32 v38, v63;
	v19 =	vsel vm0, v50, v37;
	v27 =	vperm.xlane v27, v0;
	v60 =	vld.msk [tilespmem:s2+$0x8170], $0x1  }
0x572: {  	v19 =	vmul.f32 v19, v8;
	v35 =	vld [tilespmem:s2+$0x8100];
	v29 =	vsel vm0, v31, v29;
	v31 =	vperm.xlane v53, v1  }
0x573: {  	v20 =	vmul.f32 v20, v12;
	v41 =	vld.msk [tilespmem:s2+$0x8110], $0x1;
	v53 =	vmul.f32 v45, v15  }
0x574: {  	[tilespmem:s21+$0x17120] =	vst v4;
	v56 =	vld [tilespmem:s2+$0x8130];
	v27 =	vsel vm0, v59, v27;
	v29 =	vmul.f32 v29, v9;
	v30 =	vsel vm1, v30, v31  }
0x575: {  	v3 =	vadd.f32 v3, v40;
	[tilespmem:s21+$0x17100] =	vst v21;
	v40 =	vld [tilespmem:s2+$0x8120];
	v27 =	vmul.f32 v27, v52;
	v25 =	vmul.f32 v30, v51  }
0x576: {  	v7 =	vmov v16;
	[tilespmem:s21+$0x17130] =	vst v24;
	v24 =	vld [tilespmem:s2+$0x8150];
	v30 =	vmul.f32 v33, v62;
	v21 =	vperm.xlane v57, v1  }
0x577: {  	[tilespmem:s21+$0x17150] =	vst v22;
	v4 =	vadd.f32 v34, v26;
	v31 =	vld [tilespmem:s2+$0x8110];
	v57 =	vperm.xlane v58, v1;
	v59 =	vperm.xlane v47, v0  }
0x578: {  	v48 =	vmovc v18;
	v33 =	vld.msk [tilespmem:s2+$0x8120], $0x1;
	v26 =	vadd.f32 v29, v53;
	v36 =	vperm.xlane v60, v0;
	v18 =	vmul.f32 v47, v7  }
0x579: {  	[tilespmem:s0+$0x17160] =	vst v23;
	v29 =	vld.msk [tilespmem:s2+$0x8150], $0x1;
	v22 =	vperm.xlane v41, v0;
	v23 =	vperm.xlane v56, v0;
	v19 =	vadd.f32 v19, v30  }
0x57a: {  	v58 =	vld.msk [tilespmem:s2+$0x8140], $0x1;
	v30 =	vmul.f32 v42, v6;
	v42 =	vperm.xlane v40, v0;
	v21 =	vsel vm1, v21, v57  }
0x57b: {  	[tilespmem:s21+$0x17110] =	vst v28;
	v28 =	vadd.f32 v32, v39;
	v60 =	vld [tilespmem:s2+$0x8140];
	v6 =	vmul.f32 v24, v6;
	v16 =	vmul.f32 v21, v17  }
0x57c: {  	[tilespmem:s21+$0x17140] =	vst v2;
	v54 =	vld.msk [tilespmem:s2+$0x8130], $0x1;
	v21 =	vsel vm0, v59, v36;
	v2 =	vadd.f32 v27, v30;
	v27 =	vperm.xlane v35, v0  }
0x57d: {  	v43 =	vld.msk [tilespmem:s2+$0x8170], $0x7fff;
	v20 =	vadd.f32 v20, v38;
	v30 =	vperm.xlane v31, v0;
	v17 =	vmul.f32 v21, v5  }
0x57e: {  	[tilespmem:s21+$0x17170] =	vst v3;
	v3 =	vadd.f32 v25, v55;
	v25 =	vperm.xlane v33, v0;
	v5 =	vmul.f32 v35, v62  }
0x57f: {  	[tilespmem:s0+$0x17100] =	vst v19;
	v16 =	vadd.f32 v16, v18;
	v19 =	vsel vm0, v27, v22;
	v22 =	vperm.xlane v58, v0  }
0x580: {  	[tilespmem:s0+$0x17110] =	vst v20;
	v27 =	vperm.xlane v60, v0;
	v20 =	vsel vm0, v30, v25;
	v25 =	vperm.xlane v29, v0  }
0x581: {  	v61 =	vmov v11;
	v21 =	vld.msk [tilespmem:s2+$0x8160], $0x1;
	v29 =	vperm.xlane v24, v0;
	v11 =	vmul.f32 v19, v8  }
0x582: {  	[tilespmem:s0+$0x17120] =	vst v28;
	v18 =	vld [tilespmem:s2+$0x8160];
	v19 =	vperm.xlane v43, v1;
	v16 =	vadd.f32 v17, v16;
	v17 =	vperm.xlane v54, v0  }
0x583: {  	[tilespmem:s0+$0x17130] =	vst v4;
	v4 =	vsel vm0, v23, v22;
	v8 =	vmul.f32 v20, v12;
	v20 =	vmul.f32 v31, v63  }
0x584: {  	[tilespmem:s0+$0x17170] =	vst v3;
	v3 =	vmul.f32 v4, v14;
	v4 =	vmul.f32 v40, v13  }
0x585: {  	[tilespmem:s0+$0x17150] =	vst v2;
	v2 =	vld [tilespmem:s2+$0x8170];
	v5 =	vadd.f32 v11, v5;
	v11 =	vmul.f32 v56, v48;
	v17 =	vsel vm0, v42, v17  }
0x586: {  	[tilespmem:s0+$0x17140] =	vst v26;
	v22 =	vsel vm0, v27, v25;
	v21 =	vperm.xlane v21, v0;
	v7 =	vmul.f32 v17, v10  }
0x587: {  	[tilespmem:s2+$0x17160] =	vst v16;
	v9 =	vmul.f32 v22, v9;
	v8 =	vadd.f32 v8, v20;
	v18 =	vperm.xlane v18, v1  }
0x588: {  	v10 =	vmul.f32 v60, v15;
	[tilespmem:s2+$0x17100] =	vst v5;
	v17 =	vsel vm0, v29, v21;
	v4 =	vadd.f32 v7, v4  }
0x589: {  	v3 =	vadd.f32 v3, v11;
	[tilespmem:s2+$0x17110] =	vst v8;
	v13 =	vsel vm1, v18, v19;
	v5 =	vmul.f32 v17, v52  }
0x58a: {  	v2 =	vmul.f32 v2, v61;
	v7 =	vmul.f32 v13, v51;
	[tilespmem:s2+$0x17120] =	vst v4;
	v4 =	vadd.f32 v9, v10  }
0x58b: {  	[tilespmem:s2+$0x17130] =	vst v3;
	v3 =	vadd.f32 v5, v6  }
0x58c: {  	v2 =	vadd.f32 v7, v2;
	[tilespmem:s2+$0x17140] =	vst v4  }
0x58d: {  	[tilespmem:s2+$0x17150] =	vst v3  }
0x58e: {  	[tilespmem:s2+$0x17170] =	vst v2  }
0x58f: {  	v14 =	vld [tilespmem:$0x180]  }
0x590: {  	v17 =	vld [tilespmem:$0x460]  }
0x591: {  	v12 =	vld [tilespmem:$0x190]  }
0x592: {  	v18 =	vld [tilespmem:$0x470]  }
0x593: {  	v10 =	vld [tilespmem:$0x1A0]  }
0x594: {  	v19 =	vld [tilespmem:$0x480]  }
0x595: {  	v9 =	vld [tilespmem:$0x1B0]  }
0x596: {  	v21 =	vld [tilespmem:$0x490]  }
0x597: {  	v8 =	vld [tilespmem:$0x1C0]  }
0x598: {  	v22 =	vld [tilespmem:$0x4A0]  }
0x599: {  	v7 =	vld [tilespmem:$0x1D0]  }
0x59a: {  	v23 =	vld [tilespmem:$0x4B0]  }
0x59b: {  	v5 =	vld [tilespmem:$0x1E0]  }
0x59c: {  	s24 =	simm.s32 $0x0;
	v24 =	vld [tilespmem:$0x4C0]  }
0x59d: {  	s25 =	smul.u32 $0x1800, s24;
	v4 =	vld [tilespmem:$0x1F0]  }
0x59e: {  	s26 =	simm.s32 $0x0;
	v6 =	vld [tilespmem:$0x4D0]  }
0x59f: {  	s28 =	sand.u32 $0x300, s26;
	s29 =	sadd.s32 $0xC00, s25;
	v2 =	vld [tilespmem:$0x200]  }
0x5a0: {  	s30 =	sor.u32 s28, s29;
	v3 =	vld [tilespmem:$0x4E0]  }
0x5a1: {  	v11 =	vld [tilespmem:s30+$0x8100]  }
0x5a2: {  	v13 =	vld [tilespmem:s30+$0x8110]  }
0x5a3: {  	v15 =	vld [tilespmem:s30+$0x8120]  }
0x5a4: {  	v16 =	vld [tilespmem:s30+$0x8130]  }
0x5a5: {  	v20 =	vld [tilespmem:s30+$0x8140]  }
0x5a6: {  	s31 =	sadd.s32 $0x8100, s25;
	v25 =	vld [tilespmem:s30+$0x8150]  }
0x5a7: {  	s7 =	sadd.s32 s28, s31;
	v26 =	vld [tilespmem:s30+$0x8160]  }
0x5a8: {  	v27 =	vld [tilespmem:s7+$0x870]  }
0x5a9: {  	v28 =	vld.msk [tilespmem:s30+$0x8100], $0x7fff  }
0x5aa: {  	v29 =	vld [tilespmem:s30+$0x8100]  }
0x5ab: {  	v30 =	vld.msk [tilespmem:s30+$0x8110], $0x7fff  }
0x5ac: {  	v31 =	vld [tilespmem:s30+$0x8110]  }
0x5ad: {  	v45 =	vld.msk [tilespmem:s30+$0x8120], $0x7fff  }
0x5ae: {  	v46 =	vld [tilespmem:s30+$0x8120]  }
0x5af: {  	v47 =	vld.msk [tilespmem:s30+$0x8130], $0x7fff;
	v48 =	vmul.f32 v11, v17  }
0x5b0: {  	v49 =	vld [tilespmem:s30+$0x8130];
	v50 =	vmul.f32 v13, v18;
	v51 =	vmul.f32 v15, v19  }
0x5b1: {  	v55 =	vld.msk [tilespmem:s30+$0x8160], $0x7fff;
	v52 =	vmul.f32 v16, v21;
	v53 =	vmul.f32 v20, v22  }
0x5b2: {  	v57 =	vld.msk [tilespmem:s30+$0x8170], $0x7fff;
	v54 =	vmul.f32 v25, v23;
	v26 =	vmul.f32 v26, v24  }
0x5b3: {  	v56 =	vld [tilespmem:s30+$0x8160];
	v25 =	vperm.xlane v27, v1;
	v27 =	vperm.xlane v28, v1  }
0x5b4: {  	v13 =	vld.msk [tilespmem:s30+$0x8140], $0x7fff;
	v29 =	vperm.xlane v29, v1;
	v30 =	vperm.xlane v30, v1  }
0x5b5: {  	v15 =	vld [tilespmem:s30+$0x8140];
	v31 =	vperm.xlane v31, v1;
	v32 =	vperm.xlane v45, v1  }
0x5b6: {  	v20 =	vld.msk [tilespmem:s30+$0x8150], $0x7fff;
	v33 =	vperm.xlane v46, v1;
	v34 =	vperm.xlane v47, v1  }
0x5b7: {  	v28 =	vld [tilespmem:s30+$0x8150];
	v36 =	vperm.xlane v49, v1;
	v61 =	vperm.xlane v57, v1  }
0x5b8: {  	v62 =	vld [tilespmem:s30+$0x8170];
	v29 =	vsel vm1, v29, v30;
	v30 =	vperm.xlane v56, v1;
	v31 =	vsel vm1, v31, v32  }
0x5b9: {  	v11 =	vld [tilespmem:$0x210];
	v33 =	vsel vm1, v33, v34;
	v29 =	vmul.f32 v29, v12;
	v31 =	vmul.f32 v31, v10  }
0x5ba: {  	v16 =	vld [tilespmem:$0x4F0];
	v33 =	vmul.f32 v33, v9;
	v58 =	vperm.xlane v13, v1  }
0x5bb: {  	v59 =	vperm.xlane v15, v1;
	v60 =	vperm.xlane v20, v1;
	v13 =	vld [tilespmem:$0x220];
	v20 =	vsel vm1, v25, v27  }
0x5bc: {  	v27 =	vperm.xlane v28, v1;
	v15 =	vld [tilespmem:$0x500];
	v29 =	vadd.f32 v29, v50;
	v25 =	vmul.f32 v20, v14  }
0x5bd: {  	s21 =	sor.u32 $0x80, s28;
	v28 =	vperm.xlane v55, v1;
	v31 =	vadd.f32 v31, v51;
	v20 =	vld [tilespmem:$0x230];
	v36 =	vsel vm1, v36, v58  }
0x5be: {  	s0 =	sor.u32 s21, s29;
	v42 =	vsel vm1, v59, v60;
	v35 =	vadd.f32 v25, v48;
	v25 =	vld [tilespmem:$0x510];
	v63 =	vmul.f32 v36, v8;
	[tilespmem:s30+$0x17110] =	vst v29  }
0x5bf: {  	v57 =	vld [tilespmem:s0+$0x8160];
	v27 =	vsel vm1, v27, v28;
	v29 =	vadd.f32 v33, v52;
	v43 =	vmul.f32 v42, v7;
	[tilespmem:s30+$0x17120] =	vst v31  }
0x5c0: {  	s6 =	sadd.s32 s21, s31;
	v30 =	vsel vm1, v30, v61;
	v61 =	vld [tilespmem:s0+$0x8100];
	v27 =	vmul.f32 v27, v5;
	[tilespmem:s30+$0x17100] =	vst v35;
	v28 =	vadd.f32 v63, v53  }
0x5c1: {  	v44 =	vmul.f32 v62, v6;
	v30 =	vmul.f32 v30, v4;
	v59 =	vld [tilespmem:s6+$0x870];
	[tilespmem:s30+$0x17130] =	vst v29;
	v29 =	vadd.f32 v43, v54  }
0x5c2: {  	v31 =	vld [tilespmem:s0+$0x8100];
	v26 =	vadd.f32 v27, v26;
	[tilespmem:s30+$0x17140] =	vst v28  }
0x5c3: {  	v33 =	vld [tilespmem:s0+$0x8110];
	[tilespmem:s30+$0x17150] =	vst v29;
	v28 =	vadd.f32 v30, v44  }
0x5c4: {  	s24 =	sadd.s32 $0x1000, s25;
	v42 =	vld [tilespmem:s0+$0x8150];
	[tilespmem:s30+$0x17160] =	vst v26  }
0x5c5: {  	s7 =	sor.u32 s28, s24;
	[tilespmem:s30+$0x17170] =	vst v28;
	v28 =	vld [tilespmem:s30+$0x8170]  }
0x5c6: {  	v30 =	vld [tilespmem:s7+$0x8100]  }
0x5c7: {  	v45 =	vld [tilespmem:s7+$0x8110]  }
0x5c8: {  	v46 =	vld.msk [tilespmem:s7+$0x8100], $0x7fff  }
0x5c9: {  	v47 =	vld [tilespmem:s7+$0x8100]  }
0x5ca: {  	v48 =	vld.msk [tilespmem:s7+$0x8110], $0x7fff  }
0x5cb: {  	v49 =	vld [tilespmem:s7+$0x8110]  }
0x5cc: {  	v50 =	vld.msk [tilespmem:s7+$0x8120], $0x7fff  }
0x5cd: {  	v51 =	vld [tilespmem:s7+$0x8120]  }
0x5ce: {  	v41 =	vperm.xlane v61, v1;
	v52 =	vld.msk [tilespmem:s7+$0x8130], $0x7fff;
	v28 =	vperm.xlane v28, v1  }
0x5cf: {  	v53 =	vld [tilespmem:s7+$0x8120];
	v30 =	vmul.f32 v30, v3;
	v32 =	vmul.f32 v45, v16  }
0x5d0: {  	v61 =	vld [tilespmem:s0+$0x8170];
	v34 =	vperm.xlane v46, v1;
	v35 =	vperm.xlane v47, v1  }
0x5d1: {  	v54 =	vld [tilespmem:s7+$0x8130];
	v36 =	vperm.xlane v48, v1;
	v37 =	vperm.xlane v49, v1  }
0x5d2: {  	v27 =	vld [tilespmem:s0+$0x8120];
	v55 =	vperm.xlane v50, v1;
	v56 =	vperm.xlane v51, v1;
	v28 =	vsel vm1, v28, v34  }
0x5d3: {  	v63 =	vld [tilespmem:s0+$0x8110];
	v58 =	vperm.xlane v52, v1;
	v35 =	vsel vm1, v35, v36;
	v28 =	vmul.f32 v28, v2  }
0x5d4: {  	v29 =	vld [tilespmem:s0+$0x8130];
	v60 =	vmul.f32 v53, v15;
	v34 =	vsel vm1, v37, v55;
	v35 =	vmul.f32 v35, v11  }
0x5d5: {  	v26 =	vld [tilespmem:s0+$0x8140];
	v62 =	vsel vm1, v56, v58;
	v28 =	vadd.f32 v28, v30;
	v30 =	vmul.f32 v34, v13  }
0x5d6: {  	v48 =	vmul.f32 v54, v25;
	v49 =	vld [tilespmem:s0+$0x8120];
	v32 =	vadd.f32 v35, v32;
	v34 =	vmul.f32 v62, v20  }
0x5d7: {  	v51 =	vld [tilespmem:s0+$0x8140];
	[tilespmem:s7+$0x17100] =	vst v28;
	v28 =	vadd.f32 v30, v60  }
0x5d8: {  	v52 =	vld [tilespmem:s0+$0x8160];
	[tilespmem:s7+$0x17110] =	vst v32;
	v50 =	vadd.f32 v34, v48  }
0x5d9: {  	v30 =	vld [tilespmem:s0+$0x8130];
	[tilespmem:s7+$0x17120] =	vst v28  }
0x5da: {  	v28 =	vld [tilespmem:s0+$0x8150];
	[tilespmem:s7+$0x17130] =	vst v50  }
0x5db: {  	v53 =	vld.msk [tilespmem:s0+$0x8100], $0x7fff  }
0x5dc: {  	v54 =	vld.msk [tilespmem:s0+$0x8110], $0x7fff  }
0x5dd: {  	v39 =	vmul.f32 v57, v24;
	v40 =	vperm.xlane v59, v1;
	v55 =	vld.msk [tilespmem:s0+$0x8120], $0x7fff  }
0x5de: {  	s25 =	simm.s32 $0x0;
	v31 =	vmul.f32 v31, v17;
	v33 =	vmul.f32 v33, v18;
	v56 =	vld.msk [tilespmem:s0+$0x8130], $0x7fff  }
0x5df: {  	s6 =	smul.u32 $0x1800, s25;
	v42 =	vmul.f32 v42, v23;
	v27 =	vmul.f32 v27, v19;
	v57 =	vld.msk [tilespmem:s0+$0x8140], $0x7fff  }
0x5e0: {  	s22 =	simm.s32 $0x100;
	v29 =	vmul.f32 v29, v21;
	v26 =	vmul.f32 v26, v22;
	v58 =	vld.msk [tilespmem:s0+$0x8150], $0x7fff  }
0x5e1: {  	s9 =	sand.u32 $0x300, s22;
	s26 =	sadd.s32 $0xC00, s6;
	v36 =	vperm.xlane v63, v1;
	v38 =	vperm.xlane v49, v1;
	v59 =	vld.msk [tilespmem:s0+$0x8160], $0x7fff  }
0x5e2: {  	s30 =	sor.u32 s9, s26;
	v34 =	vperm.xlane v51, v1;
	v32 =	vperm.xlane v52, v1;
	v60 =	vld.msk [tilespmem:s0+$0x8170], $0x7fff  }
0x5e3: {  	s21 =	sor.u32 s21, s24;
	s24 =	sor.u32 $0x80, s9;
	v46 =	vld [tilespmem:s30+$0x8110];
	v30 =	vperm.xlane v30, v1;
	v28 =	vperm.xlane v28, v1  }
0x5e4: {  	s23 =	sor.u32 s24, s26;
	v47 =	vld [tilespmem:s30+$0x8120];
	v35 =	vperm.xlane v53, v1;
	v37 =	vperm.xlane v54, v1  }
0x5e5: {  	v51 =	vld [tilespmem:s23+$0x8150];
	v43 =	vperm.xlane v55, v1;
	v44 =	vperm.xlane v56, v1  }
0x5e6: {  	v50 =	vld [tilespmem:s30+$0x8100];
	v62 =	vperm.xlane v57, v1;
	v63 =	vperm.xlane v58, v1  }
0x5e7: {  	v52 =	vperm.xlane v59, v1;
	v53 =	vperm.xlane v60, v1;
	v54 =	vld [tilespmem:s30+$0x8130];
	v35 =	vsel vm1, v40, v35  }
0x5e8: {  	v57 =	vld [tilespmem:s30+$0x8140];
	v37 =	vsel vm1, v41, v37;
	v36 =	vsel vm1, v36, v43;
	v35 =	vmul.f32 v35, v14  }
0x5e9: {  	s31 =	sadd.s32 $0x8100, s6;
	v58 =	vld [tilespmem:s30+$0x8150];
	v56 =	vsel vm1, v38, v44;
	v30 =	vsel vm1, v30, v62;
	v55 =	vmul.f32 v36, v10  }
0x5ea: {  	s29 =	sadd.s32 s9, s31;
	v59 =	vld [tilespmem:s30+$0x8160];
	v36 =	vmul.f32 v56, v9;
	v30 =	vmul.f32 v30, v8;
	v31 =	vadd.f32 v35, v31  }
0x5eb: {  	v60 =	vld [tilespmem:s29+$0x870];
	v28 =	vsel vm1, v28, v52;
	v37 =	vmul.f32 v37, v12;
	v27 =	vadd.f32 v55, v27  }
0x5ec: {  	v62 =	vld [tilespmem:s30+$0x8120];
	v29 =	vadd.f32 v36, v29;
	v26 =	vadd.f32 v30, v26;
	[tilespmem:s0+$0x17100] =	vst v31;
	v31 =	vsel vm1, v34, v63  }
0x5ed: {  	v30 =	vld.msk [tilespmem:s30+$0x8100], $0x7fff;
	[tilespmem:s0+$0x17120] =	vst v27;
	v27 =	vmul.f32 v28, v5;
	v28 =	vsel vm1, v32, v53;
	v31 =	vmul.f32 v31, v7  }
0x5ee: {  	v33 =	vadd.f32 v37, v33;
	v38 =	vmul.f32 v57, v22;
	v55 =	vld.msk [tilespmem:s30+$0x8140], $0x7fff;
	[tilespmem:s0+$0x17130] =	vst v29;
	v28 =	vmul.f32 v28, v4  }
0x5ef: {  	v57 =	vld.msk [tilespmem:s30+$0x8150], $0x7fff;
	[tilespmem:s0+$0x17140] =	vst v26;
	v26 =	vadd.f32 v27, v39;
	v29 =	vadd.f32 v31, v42;
	v31 =	vmul.f32 v61, v6  }
0x5f0: {  	v37 =	vmul.f32 v58, v23;
	v58 =	vld.msk [tilespmem:s30+$0x8160], $0x7fff;
	[tilespmem:s0+$0x17110] =	vst v33  }
0x5f1: {  	v63 =	vld.msk [tilespmem:s30+$0x8130], $0x7fff;
	[tilespmem:s0+$0x17160] =	vst v26;
	v28 =	vadd.f32 v28, v31  }
0x5f2: {  	v53 =	vld [tilespmem:s30+$0x8130];
	[tilespmem:s0+$0x17150] =	vst v29  }
0x5f3: {  	v41 =	vmul.f32 v46, v18;
	v27 =	vld.msk [tilespmem:s30+$0x8110], $0x7fff;
	[tilespmem:s0+$0x17170] =	vst v28  }
0x5f4: {  	v54 =	vmul.f32 v54, v21;
	v34 =	vmul.f32 v59, v24;
	v28 =	vld [tilespmem:s21+$0x8120]  }
0x5f5: {  	v33 =	vperm.xlane v60, v1;
	v35 =	vperm.xlane v62, v1;
	v31 =	vld.msk [tilespmem:s21+$0x8130], $0x7fff  }
0x5f6: {  	v39 =	vmul.f32 v50, v17;
	v61 =	vld [tilespmem:s30+$0x8100];
	v30 =	vperm.xlane v30, v1  }
0x5f7: {  	v42 =	vmul.f32 v47, v19;
	v45 =	vperm.xlane v55, v1;
	v26 =	vld.msk [tilespmem:s30+$0x8120], $0x7fff  }
0x5f8: {  	v62 =	vperm.xlane v58, v1;
	v36 =	vperm.xlane v63, v1;
	v30 =	vsel vm1, v33, v30;
	v52 =	vld [tilespmem:s21+$0x8130]  }
0x5f9: {  	v29 =	vld [tilespmem:s30+$0x8110];
	v43 =	vperm.xlane v53, v1;
	v30 =	vmul.f32 v30, v14  }
0x5fa: {  	v56 =	vld [tilespmem:s30+$0x8140];
	v28 =	vperm.xlane v28, v1;
	v31 =	vperm.xlane v31, v1  }
0x5fb: {  	v59 =	vld [tilespmem:s30+$0x8160];
	v27 =	vperm.xlane v27, v1;
	v35 =	vsel vm1, v35, v36;
	v32 =	vperm.xlane v61, v1  }
0x5fc: {  	v60 =	vld.msk [tilespmem:s30+$0x8170], $0x7fff;
	v61 =	vperm.xlane v57, v1;
	v35 =	vmul.f32 v35, v9;
	v28 =	vsel vm1, v28, v31  }
0x5fd: {  	v40 =	vmul.f32 v52, v25;
	v31 =	vld [tilespmem:s30+$0x8150];
	v28 =	vmul.f32 v28, v20  }
0x5fe: {  	v50 =	vld [tilespmem:s0+$0x8170];
	v30 =	vadd.f32 v30, v39;
	v26 =	vperm.xlane v26, v1;
	v29 =	vperm.xlane v29, v1  }
0x5ff: {  	v36 =	vld [tilespmem:s23+$0x8110];
	v57 =	vsel vm1, v43, v45;
	v27 =	vsel vm1, v32, v27;
	v28 =	vadd.f32 v28, v40  }
0x600: {  	v47 =	vld.msk [tilespmem:s21+$0x8100], $0x7fff;
	[tilespmem:s30+$0x17100] =	vst v30;
	v30 =	vmul.f32 v57, v8;
	v27 =	vmul.f32 v27, v12;
	v26 =	vsel vm1, v29, v26  }
0x601: {  	v26 =	vmul.f32 v26, v10;
	[tilespmem:s21+$0x17130] =	vst v28;
	v28 =	vperm.xlane v56, v1;
	v56 =	vld [tilespmem:s30+$0x8170]  }
0x602: {  	v63 =	vld [tilespmem:s21+$0x8100];
	v29 =	vperm.xlane v60, v1;
	v27 =	vadd.f32 v27, v41;
	v31 =	vperm.xlane v31, v1  }
0x603: {  	v53 =	vld.msk [tilespmem:s21+$0x8110], $0x7fff;
	v52 =	vperm.xlane v59, v1;
	v26 =	vadd.f32 v26, v42;
	v28 =	vsel vm1, v28, v61  }
0x604: {  	v33 =	vld [tilespmem:s21+$0x8110];
	[tilespmem:s30+$0x17110] =	vst v27;
	v27 =	vadd.f32 v35, v54;
	v31 =	vsel vm1, v31, v62;
	v28 =	vmul.f32 v28, v7  }
0x605: {  	v32 =	vld [tilespmem:s23+$0x8110];
	v29 =	vsel vm1, v52, v29;
	[tilespmem:s30+$0x17120] =	vst v26;
	v26 =	vadd.f32 v30, v38;
	v30 =	vmul.f32 v31, v5  }
0x606: {  	v41 =	vld.msk [tilespmem:s21+$0x8120], $0x7fff;
	[tilespmem:s30+$0x17130] =	vst v27;
	v27 =	vadd.f32 v28, v37;
	v28 =	vmul.f32 v29, v4;
	v29 =	vmul.f32 v56, v6  }
0x607: {  	v42 =	vld [tilespmem:s21+$0x8100];
	[tilespmem:s30+$0x17140] =	vst v26;
	v26 =	vadd.f32 v30, v34  }
0x608: {  	v52 =	vld [tilespmem:s23+$0x8160];
	[tilespmem:s30+$0x17150] =	vst v27;
	v27 =	vadd.f32 v28, v29  }
0x609: {  	s25 =	sadd.s32 $0x1000, s6;
	v38 =	vld [tilespmem:s23+$0x8130];
	[tilespmem:s30+$0x17160] =	vst v26  }
0x60a: {  	v26 =	vld [tilespmem:s30+$0x8170];
	[tilespmem:s30+$0x17170] =	vst v27;
	s30 =	sor.u32 s9, s25  }
0x60b: {  	v27 =	vld [tilespmem:s30+$0x8100]  }
0x60c: {  	v58 =	vld [tilespmem:s30+$0x8110]  }
0x60d: {  	v59 =	vld.msk [tilespmem:s30+$0x8100], $0x7fff  }
0x60e: {  	v60 =	vld [tilespmem:s30+$0x8100]  }
0x60f: {  	v61 =	vld.msk [tilespmem:s30+$0x8110], $0x7fff  }
0x610: {  	v54 =	vld [tilespmem:s30+$0x8110]  }
0x611: {  	v55 =	vld.msk [tilespmem:s30+$0x8120], $0x7fff  }
0x612: {  	v43 =	vperm.xlane v47, v1;
	v62 =	vld [tilespmem:s30+$0x8120]  }
0x613: {  	v44 =	vperm.xlane v63, v1;
	v46 =	vperm.xlane v53, v1;
	v63 =	vld.msk [tilespmem:s30+$0x8130], $0x7fff  }
0x614: {  	v56 =	vld [tilespmem:s30+$0x8120];
	v26 =	vperm.xlane v26, v1;
	v27 =	vmul.f32 v27, v3  }
0x615: {  	v40 =	vld [tilespmem:s21+$0x8110];
	v48 =	vmul.f32 v58, v16;
	v57 =	vperm.xlane v59, v1  }
0x616: {  	v31 =	vld [tilespmem:s23+$0x8100];
	v58 =	vperm.xlane v60, v1;
	v59 =	vperm.xlane v61, v1  }
0x617: {  	v60 =	vperm.xlane v54, v1;
	v61 =	vld [tilespmem:s30+$0x8130];
	v39 =	vperm.xlane v55, v1  }
0x618: {  	s31 =	sadd.s32 s24, s31;
	v30 =	vld [tilespmem:s23+$0x8120];
	v45 =	vperm.xlane v62, v1;
	v62 =	vperm.xlane v63, v1;
	v26 =	vsel vm1, v26, v57  }
0x619: {  	v34 =	vld [tilespmem:s31+$0x870];
	v53 =	vmul.f32 v56, v15;
	v35 =	vsel vm1, v58, v59;
	v26 =	vmul.f32 v26, v2  }
0x61a: {  	v28 =	vld [tilespmem:s23+$0x8130];
	v37 =	vsel vm1, v60, v39;
	v54 =	vsel vm1, v45, v62;
	v63 =	vmul.f32 v35, v11  }
0x61b: {  	v29 =	vld [tilespmem:s23+$0x8140];
	v58 =	vperm.xlane v40, v1;
	v26 =	vadd.f32 v26, v27;
	v27 =	vmul.f32 v37, v13  }
0x61c: {  	v39 =	vld [tilespmem:s23+$0x8140];
	v56 =	vmul.f32 v54, v20;
	v55 =	vadd.f32 v63, v48;
	v57 =	vmul.f32 v61, v25  }
0x61d: {  	v59 =	vperm.xlane v50, v1;
	v60 =	vsel vm1, v44, v46;
	v40 =	vld [tilespmem:s23+$0x8150];
	[tilespmem:s30+$0x17100] =	vst v26;
	v26 =	vadd.f32 v27, v53  }
0x61e: {  	v62 =	vmul.f32 v42, v3;
	v42 =	vld [tilespmem:s23+$0x8160];
	v27 =	vperm.xlane v41, v1;
	[tilespmem:s30+$0x17110] =	vst v55;
	v61 =	vadd.f32 v56, v57  }
0x61f: {  	v33 =	vmul.f32 v33, v16;
	v35 =	vld [tilespmem:s23+$0x8100];
	v43 =	vsel vm1, v59, v43;
	v41 =	vmul.f32 v60, v11;
	[tilespmem:s30+$0x17120] =	vst v26  }
0x620: {  	v37 =	vld [tilespmem:s23+$0x8120];
	v26 =	vsel vm1, v58, v27;
	v27 =	vmul.f32 v43, v2;
	[tilespmem:s30+$0x17130] =	vst v61  }
0x621: {  	v32 =	vmul.f32 v32, v18;
	v29 =	vmul.f32 v29, v22;
	v63 =	vadd.f32 v41, v33;
	v41 =	vld.msk [tilespmem:s23+$0x8100], $0x7fff  }
0x622: {  	v33 =	vmul.f32 v31, v17;
	v31 =	vmul.f32 v30, v19;
	v43 =	vld.msk [tilespmem:s23+$0x8110], $0x7fff;
	v27 =	vadd.f32 v27, v62  }
0x623: {  	v30 =	vmul.f32 v28, v21;
	v28 =	vmul.f32 v51, v23;
	v44 =	vld.msk [tilespmem:s23+$0x8120], $0x7fff;
	[tilespmem:s21+$0x17110] =	vst v63  }
0x624: {  	s26 =	simm.s32 $0x2;
	v26 =	vmul.f32 v26, v13;
	v45 =	vld.msk [tilespmem:s23+$0x8130], $0x7fff;
	[tilespmem:s21+$0x17100] =	vst v27;
	v27 =	vmul.f32 v52, v24  }
.LBB2_15:
0x625: {  	s26 =	sadd.s32 $0x2, s26;
	v34 =	vperm.xlane v34, v1;
	v35 =	vperm.xlane v35, v1;
	v46 =	vld.msk [tilespmem:s23+$0x8140], $0x7fff  }
0x626: {  	v36 =	vperm.xlane v36, v1;
	v37 =	vperm.xlane v37, v1;
	s0 =	sshrl.u32 s26, $0x3;
	p0 =	slt.u32 s26, $0x26;
	v47 =	vld.msk [tilespmem:s23+$0x8150], $0x7fff  }
0x627: {  	v38 =	vperm.xlane v38, v1;
	v39 =	vperm.xlane v39, v1;
	s2 =	smul.u32 $0x1800, s0;
	v48 =	vld.msk [tilespmem:s23+$0x8160], $0x7fff  }
0x628: {  	v40 =	vperm.xlane v40, v1;
	v42 =	vperm.xlane v42, v1;
	s22 =	sadd.s32 $0x100, s22;
	v49 =	vld.msk [tilespmem:s23+$0x8170], $0x7fff  }
0x629: {  	s6 =	sand.u32 $0x300, s22;
	v41 =	vperm.xlane v41, v1;
	v43 =	vperm.xlane v43, v1;
	s28 =	sadd.s32 $0xC00, s2;
	v50 =	vld [tilespmem:s21+$0x8120]  }
0x62a: {  	v44 =	vperm.xlane v44, v1;
	v45 =	vperm.xlane v45, v1;
	s9 =	sor.u32 s6, s28;
	v51 =	vld [tilespmem:s23+$0x8170]  }
0x62b: {  	v34 =	vsel vm1, v34, v41;
	v41 =	vperm.xlane v46, v1;
	v52 =	vld [tilespmem:s9+$0x8100];
	v46 =	vperm.xlane v47, v1  }
0x62c: {  	v34 =	vmul.f32 v34, v14;
	v35 =	vsel vm1, v35, v43;
	v47 =	vld [tilespmem:s9+$0x8110];
	v43 =	vperm.xlane v48, v1  }
0x62d: {  	v35 =	vmul.f32 v35, v12;
	v36 =	vsel vm1, v36, v44;
	v48 =	vld [tilespmem:s9+$0x8120];
	v44 =	vperm.xlane v49, v1  }
0x62e: {  	v33 =	vadd.f32 v34, v33;
	v34 =	vmul.f32 v36, v10;
	v36 =	vsel vm1, v37, v45;
	v49 =	vld [tilespmem:s9+$0x8130]  }
0x62f: {  	v32 =	vadd.f32 v35, v32;
	v35 =	vmul.f32 v36, v9;
	v36 =	vsel vm1, v38, v41;
	v37 =	vld [tilespmem:s9+$0x8140]  }
0x630: {  	s0 =	sadd.s32 $0x8100, s2;
	v31 =	vadd.f32 v34, v31;
	v34 =	vsel vm1, v39, v46;
	v38 =	vld [tilespmem:s9+$0x8150];
	[tilespmem:s23+$0x17100] =	vst v33;
	v33 =	vmul.f32 v36, v8  }
0x631: {  	s7 =	sadd.s32 s6, s0;
	v30 =	vadd.f32 v35, v30;
	v36 =	vld [tilespmem:s9+$0x8160];
	[tilespmem:s23+$0x17110] =	vst v32;
	v32 =	vmul.f32 v34, v7;
	v34 =	vsel vm1, v40, v43  }
0x632: {  	v35 =	vld [tilespmem:s7+$0x870];
	[tilespmem:s23+$0x17120] =	vst v31;
	v29 =	vadd.f32 v33, v29;
	v31 =	vmul.f32 v34, v5;
	v33 =	vsel vm1, v42, v44  }
0x633: {  	v34 =	vld.msk [tilespmem:s9+$0x8100], $0x7fff;
	[tilespmem:s23+$0x17130] =	vst v30;
	v28 =	vadd.f32 v32, v28;
	v30 =	vmul.f32 v33, v4;
	v32 =	vmul.f32 v51, v6  }
0x634: {  	v33 =	vld [tilespmem:s9+$0x8100];
	[tilespmem:s23+$0x17140] =	vst v29;
	v27 =	vadd.f32 v31, v27;
	v29 =	vmul.f32 v50, v15  }
0x635: {  	v31 =	vld.msk [tilespmem:s9+$0x8110], $0x7fff;
	[tilespmem:s23+$0x17150] =	vst v28;
	v28 =	vadd.f32 v30, v32  }
0x636: {  	v30 =	vld [tilespmem:s9+$0x8110];
	[tilespmem:s23+$0x17160] =	vst v27;
	v26 =	vadd.f32 v26, v29  }
0x637: {  	s7 =	sor.u32 s24, s25;
	v27 =	vld.msk [tilespmem:s9+$0x8120], $0x7fff;
	[tilespmem:s23+$0x17170] =	vst v28  }
0x638: {  	v28 =	vld [tilespmem:s7+$0x8120];
	[tilespmem:s21+$0x17120] =	vst v26;
	s21 =	smov.u32 s7  }
0x639: {  	v26 =	vld.msk [tilespmem:s21+$0x8130], $0x7fff  }
0x63a: {  	v29 =	vld [tilespmem:s9+$0x8120]  }
0x63b: {  	v32 =	vmul.f32 v52, v17;
	v39 =	vld.msk [tilespmem:s9+$0x8130], $0x7fff  }
0x63c: {  	v40 =	vmul.f32 v47, v18;
	v41 =	vmul.f32 v48, v19;
	v42 =	vld [tilespmem:s21+$0x8130]  }
0x63d: {  	v43 =	vmul.f32 v49, v21;
	v37 =	vmul.f32 v37, v22;
	v44 =	vld [tilespmem:s9+$0x8130]  }
0x63e: {  	v28 =	vperm.xlane v28, v1;
	v45 =	vld.msk [tilespmem:s9+$0x8140], $0x7fff;
	v26 =	vperm.xlane v26, v1  }
0x63f: {  	v38 =	vmul.f32 v38, v23;
	v36 =	vmul.f32 v36, v24;
	v46 =	vld [tilespmem:s9+$0x8140]  }
0x640: {  	v35 =	vperm.xlane v35, v1;
	v34 =	vperm.xlane v34, v1;
	v47 =	vld.msk [tilespmem:s9+$0x8150], $0x7fff;
	v26 =	vsel vm1, v28, v26  }
0x641: {  	v28 =	vld [tilespmem:s9+$0x8150];
	v26 =	vmul.f32 v26, v20;
	v42 =	vmul.f32 v42, v25  }
0x642: {  	v33 =	vperm.xlane v33, v1;
	v31 =	vperm.xlane v31, v1;
	v48 =	vld.msk [tilespmem:s9+$0x8160], $0x7fff  }
0x643: {  	v30 =	vperm.xlane v30, v1;
	v27 =	vperm.xlane v27, v1;
	v49 =	vld [tilespmem:s9+$0x8160];
	v26 =	vadd.f32 v26, v42  }
0x644: {  	v29 =	vperm.xlane v29, v1;
	v39 =	vperm.xlane v39, v1;
	v42 =	vld.msk [tilespmem:s9+$0x8170], $0x7fff  }
0x645: {  	v44 =	vperm.xlane v44, v1;
	v45 =	vperm.xlane v45, v1;
	v50 =	vld [tilespmem:s23+$0x8170];
	[tilespmem:s21+$0x17130] =	vst v26  }
0x646: {  	v26 =	vperm.xlane v46, v1;
	v46 =	vperm.xlane v47, v1;
	v47 =	vld.msk [tilespmem:s21+$0x8100], $0x7fff  }
0x647: {  	v34 =	vsel vm1, v35, v34;
	v28 =	vperm.xlane v28, v1;
	v35 =	vperm.xlane v48, v1;
	v48 =	vld [tilespmem:s21+$0x8100]  }
0x648: {  	v34 =	vmul.f32 v34, v14;
	v31 =	vsel vm1, v33, v31;
	v33 =	vperm.xlane v49, v1;
	v49 =	vld.msk [tilespmem:s21+$0x8110], $0x7fff  }
0x649: {  	v31 =	vmul.f32 v31, v12;
	v27 =	vsel vm1, v30, v27;
	v30 =	vperm.xlane v42, v1;
	v42 =	vld [tilespmem:s21+$0x8110]  }
0x64a: {  	v32 =	vadd.f32 v34, v32;
	v27 =	vmul.f32 v27, v10;
	v29 =	vsel vm1, v29, v39;
	v34 =	vld [tilespmem:s9+$0x8170]  }
0x64b: {  	v31 =	vadd.f32 v31, v40;
	v29 =	vmul.f32 v29, v9;
	v39 =	vsel vm1, v44, v45;
	v40 =	vld.msk [tilespmem:s21+$0x8120], $0x7fff  }
0x64c: {  	s24 =	sor.u32 $0x80, s6;
	v27 =	vadd.f32 v27, v41;
	v26 =	vsel vm1, v26, v46;
	[tilespmem:s9+$0x17100] =	vst v32;
	v32 =	vmul.f32 v39, v8;
	v39 =	vld [tilespmem:s21+$0x8100]  }
0x64d: {  	v29 =	vadd.f32 v29, v43;
	s23 =	sor.u32 s24, s28;
	v26 =	vmul.f32 v26, v7;
	v28 =	vsel vm1, v28, v35;
	[tilespmem:s9+$0x17110] =	vst v31;
	v31 =	vld [tilespmem:s21+$0x8110]  }
0x64e: {  	v28 =	vmul.f32 v28, v5;
	v30 =	vsel vm1, v33, v30;
	[tilespmem:s9+$0x17120] =	vst v27;
	v27 =	vadd.f32 v32, v37;
	v32 =	vld [tilespmem:s23+$0x8100]  }
0x64f: {  	v26 =	vadd.f32 v26, v38;
	[tilespmem:s9+$0x17130] =	vst v29;
	v29 =	vmul.f32 v30, v4;
	v30 =	vmul.f32 v34, v6;
	v44 =	vld [tilespmem:s23+$0x8110]  }
0x650: {  	v33 =	vperm.xlane v47, v1;
	v34 =	vperm.xlane v48, v1;
	[tilespmem:s9+$0x17140] =	vst v27;
	v27 =	vadd.f32 v28, v36;
	v28 =	vld [tilespmem:s23+$0x8120]  }
0x651: {  	v35 =	vperm.xlane v42, v1;
	[tilespmem:s9+$0x17150] =	vst v26;
	v26 =	vadd.f32 v29, v30;
	v29 =	vld [tilespmem:s23+$0x8130];
	v30 =	vperm.xlane v49, v1  }
0x652: {  	s25 =	sadd.s32 $0x1000, s2;
	v36 =	vperm.xlane v50, v1;
	v37 =	vperm.xlane v40, v1;
	[tilespmem:s9+$0x17160] =	vst v27;
	v27 =	vld [tilespmem:s23+$0x8140]  }
0x653: {  	s2 =	sor.u32 s6, s25;
	v39 =	vmul.f32 v39, v3;
	[tilespmem:s9+$0x17170] =	vst v26;
	v38 =	vld [tilespmem:s9+$0x8170];
	v26 =	vsel vm1, v34, v30;
	v30 =	vmul.f32 v31, v16  }
0x654: {  	v33 =	vsel vm1, v36, v33;
	v31 =	vld [tilespmem:s2+$0x8100];
	v34 =	vmul.f32 v26, v11;
	v26 =	vsel vm1, v35, v37  }
0x655: {  	v33 =	vmul.f32 v33, v2;
	v35 =	vld [tilespmem:s2+$0x8110];
	v26 =	vmul.f32 v26, v13  }
0x656: {  	v36 =	vld.msk [tilespmem:s2+$0x8100], $0x7fff;
	v30 =	vadd.f32 v34, v30  }
0x657: {  	v33 =	vadd.f32 v33, v39;
	v34 =	vld [tilespmem:s2+$0x8100]  }
0x658: {  	v37 =	vld.msk [tilespmem:s2+$0x8110], $0x7fff;
	[tilespmem:s21+$0x17110] =	vst v30  }
0x659: {  	v30 =	vld [tilespmem:s2+$0x8110];
	[tilespmem:s21+$0x17100] =	vst v33  }
0x65a: {  	v33 =	vld.msk [tilespmem:s2+$0x8120], $0x7fff  }
0x65b: {  	v39 =	vld [tilespmem:s2+$0x8120]  }
0x65c: {  	v38 =	vperm.xlane v38, v1;
	v40 =	vld.msk [tilespmem:s2+$0x8130], $0x7fff  }
0x65d: {  	v31 =	vmul.f32 v31, v3;
	v41 =	vmul.f32 v35, v16;
	v35 =	vld [tilespmem:s2+$0x8120]  }
0x65e: {  	v36 =	vperm.xlane v36, v1;
	v34 =	vperm.xlane v34, v1;
	v46 =	vld [tilespmem:s23+$0x8150]  }
0x65f: {  	v37 =	vperm.xlane v37, v1;
	v30 =	vperm.xlane v30, v1;
	v42 =	vld [tilespmem:s2+$0x8130]  }
0x660: {  	s0 =	sadd.s32 s24, s0;
	v36 =	vsel vm1, v38, v36;
	v33 =	vperm.xlane v33, v1;
	v38 =	vperm.xlane v39, v1;
	v47 =	vld [tilespmem:s23+$0x8160]  }
0x661: {  	v36 =	vmul.f32 v36, v2;
	v37 =	vsel vm1, v34, v37;
	v39 =	vperm.xlane v40, v1;
	v34 =	vld [tilespmem:s0+$0x870]  }
0x662: {  	v37 =	vmul.f32 v37, v11;
	v30 =	vsel vm1, v30, v33;
	v33 =	vmul.f32 v35, v15;
	v35 =	vld [tilespmem:s23+$0x8100]  }
0x663: {  	v31 =	vadd.f32 v36, v31;
	v30 =	vmul.f32 v30, v13;
	v38 =	vsel vm1, v38, v39;
	v36 =	vld [tilespmem:s23+$0x8110]  }
0x664: {  	v39 =	vadd.f32 v37, v41;
	v40 =	vmul.f32 v38, v20;
	v41 =	vmul.f32 v42, v25;
	v37 =	vld [tilespmem:s23+$0x8120]  }
0x665: {  	v30 =	vadd.f32 v30, v33;
	[tilespmem:s2+$0x17100] =	vst v31;
	v38 =	vld [tilespmem:s23+$0x8130]  }
0x666: {  	[tilespmem:s2+$0x17110] =	vst v39;
	v31 =	vadd.f32 v40, v41;
	v39 =	vld [tilespmem:s23+$0x8140]  }
0x667: {  	[tilespmem:s2+$0x17120] =	vst v30;
	v40 =	vld [tilespmem:s23+$0x8150]  }
.Ltmp6:
0x668: {  	[tilespmem:s2+$0x17130] =	vst v31;
	v42 =	vld [tilespmem:s23+$0x8160];
	(pc) =	sbr.rel @p0 .LBB2_15-.Ltmp6, $4  }
0x669: {  	v33 =	vmul.f32 v32, v17;
	v41 =	vld.msk [tilespmem:s23+$0x8100], $0x7fff  }
0x66a: {  	v32 =	vmul.f32 v44, v18;
	v31 =	vmul.f32 v28, v19;
	v43 =	vld.msk [tilespmem:s23+$0x8110], $0x7fff  }
0x66b: {  	v30 =	vmul.f32 v29, v21;
	v29 =	vmul.f32 v27, v22;
	v44 =	vld.msk [tilespmem:s23+$0x8120], $0x7fff  }
0x66c: {  	v27 =	vmul.f32 v47, v24;
	v28 =	vmul.f32 v46, v23;
	v45 =	vld.msk [tilespmem:s23+$0x8130], $0x7fff  }
0x66d: {  	v17 =	vperm.xlane v34, v1;
	v18 =	vperm.xlane v35, v1;
	v19 =	vld.msk [tilespmem:s23+$0x8140], $0x7fff  }
0x66e: {  	v21 =	vperm.xlane v36, v1;
	v22 =	vperm.xlane v37, v1;
	v23 =	vld.msk [tilespmem:s23+$0x8150], $0x7fff  }
0x66f: {  	v24 =	vperm.xlane v38, v1;
	v46 =	vperm.xlane v39, v1;
	v47 =	vld.msk [tilespmem:s23+$0x8160], $0x7fff  }
0x670: {  	v48 =	vperm.xlane v40, v1;
	v49 =	vld.msk [tilespmem:s23+$0x8170], $0x7fff;
	v51 =	vperm.xlane v41, v1  }
0x671: {  	v50 =	vperm.xlane v42, v1;
	v52 =	vperm.xlane v43, v1  }
0x672: {  	v53 =	vperm.xlane v44, v1;
	v17 =	vsel vm1, v17, v51;
	v54 =	vperm.xlane v45, v1  }
0x673: {  	v14 =	vmul.f32 v17, v14;
	v19 =	vperm.xlane v19, v1  }
0x674: {  	v17 =	vsel vm1, v18, v52;
	v23 =	vperm.xlane v23, v1;
	v18 =	vperm.xlane v47, v1  }
0x675: {  	v12 =	vmul.f32 v17, v12;
	v17 =	vsel vm1, v21, v53;
	v21 =	vperm.xlane v49, v1  }
0x676: {  	v55 =	vld [tilespmem:s23+$0x8170];
	v14 =	vadd.f32 v14, v33;
	v10 =	vmul.f32 v17, v10;
	v17 =	vsel vm1, v22, v54  }
0x677: {  	v12 =	vadd.f32 v12, v32;
	v9 =	vmul.f32 v17, v9;
	v17 =	vsel vm1, v24, v19  }
0x678: {  	[tilespmem:s23+$0x17100] =	vst v14;
	v10 =	vadd.f32 v10, v31;
	v8 =	vmul.f32 v17, v8;
	v14 =	vsel vm1, v46, v23  }
0x679: {  	[tilespmem:s23+$0x17110] =	vst v12;
	v9 =	vadd.f32 v9, v30;
	v7 =	vmul.f32 v14, v7;
	v12 =	vsel vm1, v48, v18  }
0x67a: {  	[tilespmem:s23+$0x17120] =	vst v10;
	v8 =	vadd.f32 v8, v29;
	v5 =	vmul.f32 v12, v5;
	v10 =	vsel vm1, v50, v21  }
0x67b: {  	v6 =	vmul.f32 v55, v6;
	[tilespmem:s23+$0x17130] =	vst v9;
	v7 =	vadd.f32 v7, v28;
	v4 =	vmul.f32 v10, v4  }
0x67c: {  	[tilespmem:s23+$0x17140] =	vst v8;
	v5 =	vadd.f32 v5, v27  }
0x67d: {  	[tilespmem:s23+$0x17150] =	vst v7;
	v4 =	vadd.f32 v4, v6  }
0x67e: {  	v8 =	vld [tilespmem:s23+$0x8170];
	[tilespmem:s23+$0x17160] =	vst v5  }
0x67f: {  	s0 =	sor.u32 s24, s25;
	v5 =	vld [tilespmem:s21+$0x8120];
	[tilespmem:s23+$0x17170] =	vst v4  }
0x680: {  	v4 =	vld [tilespmem:s0+$0x8120]  }
0x681: {  	v6 =	vld.msk [tilespmem:s0+$0x8130], $0x7fff  }
0x682: {  	v7 =	vld [tilespmem:s0+$0x8130]  }
0x683: {  	v9 =	vld.msk [tilespmem:s0+$0x8100], $0x7fff  }
0x684: {  	v10 =	vld [tilespmem:s0+$0x8100]  }
0x685: {  	v12 =	vld.msk [tilespmem:s0+$0x8110], $0x7fff  }
0x686: {  	v14 =	vld [tilespmem:s0+$0x8110];
	v4 =	vperm.xlane v4, v1;
	v6 =	vperm.xlane v6, v1  }
0x687: {  	v17 =	vld.msk [tilespmem:s0+$0x8120], $0x7fff  }
0x688: {  	v8 =	vperm.xlane v8, v1;
	v5 =	vmul.f32 v5, v15;
	v4 =	vsel vm1, v4, v6;
	v6 =	vld [tilespmem:s0+$0x8110]  }
0x689: {  	v18 =	vld [tilespmem:s0+$0x8100];
	v7 =	vmul.f32 v7, v25;
	v4 =	vmul.f32 v4, v20  }
0x68a: {  	v19 =	vld [tilespmem:s0+$0x8120];
	v10 =	vperm.xlane v10, v1;
	v12 =	vperm.xlane v12, v1  }
0x68b: {  	v5 =	vadd.f32 v26, v5;
	v4 =	vadd.f32 v4, v7;
	v7 =	vperm.xlane v9, v1  }
0x68c: {  	v10 =	vsel vm1, v10, v12;
	v9 =	vperm.xlane v14, v1;
	v14 =	vperm.xlane v17, v1  }
0x68d: {  	v6 =	vmul.f32 v6, v16;
	v7 =	vsel vm1, v8, v7;
	v8 =	vmul.f32 v10, v11  }
0x68e: {  	v3 =	vmul.f32 v18, v3;
	v9 =	vsel vm1, v9, v14;
	v2 =	vmul.f32 v7, v2  }
0x68f: {  	[tilespmem:s21+$0x17120] =	vst v5;
	v5 =	vmul.f32 v9, v13;
	v7 =	vmul.f32 v19, v15;
	v6 =	vadd.f32 v8, v6  }
0x690: {  	[tilespmem:s0+$0x17130] =	vst v4;
	v2 =	vadd.f32 v2, v3  }
0x691: {  	v3 =	vadd.f32 v5, v7;
	[tilespmem:s0+$0x17110] =	vst v6  }
0x692: {  	[tilespmem:s0+$0x17100] =	vst v2  }
0x693: {  	[tilespmem:s0+$0x17120] =	vst v3  }
0x694: {  	v16 =	vld [tilespmem:$0x240]  }
0x695: {  	v21 =	vld [tilespmem:$0x520]  }
0x696: {  	v13 =	vld [tilespmem:$0x250]  }
0x697: {  	v20 =	vld [tilespmem:$0x530]  }
0x698: {  	v12 =	vld [tilespmem:$0x260]  }
0x699: {  	v14 =	vld [tilespmem:$0x540]  }
0x69a: {  	v10 =	vld [tilespmem:$0x270]  }
0x69b: {  	s29 =	simm.s32 $0x0;
	v11 =	vld [tilespmem:$0x550]  }
0x69c: {  	s0 =	smul.u32 $0x1800, s29;
	v4 =	vld [tilespmem:$0x280]  }
0x69d: {  	s2 =	simm.s32 $0x0;
	v2 =	vld [tilespmem:$0x560]  }
0x69e: {  	s9 =	sand.u32 $0x300, s2;
	v7 =	vld [tilespmem:$0x290];
	s6 =	sadd.s32 $0x1000, s0  }
0x69f: {  	v3 =	vld [tilespmem:$0x570];
	s2 =	sor.u32 s9, s6  }
0x6a0: {  	v8 =	vld [tilespmem:s2+$0x8140]  }
0x6a1: {  	v9 =	vld [tilespmem:s2+$0x8150]  }
0x6a2: {  	v15 =	vld [tilespmem:s2+$0x8130]  }
0x6a3: {  	v17 =	vld.msk [tilespmem:s2+$0x8140], $0x7fff  }
0x6a4: {  	v18 =	vld [tilespmem:s2+$0x8140]  }
0x6a5: {  	v19 =	vld.msk [tilespmem:s2+$0x8150], $0x7fff  }
0x6a6: {  	v22 =	vld [tilespmem:s2+$0x8150]  }
0x6a7: {  	v23 =	vld.msk [tilespmem:s2+$0x8160], $0x7fff  }
0x6a8: {  	v24 =	vld [tilespmem:s2+$0x8160]  }
0x6a9: {  	v28 =	vld [tilespmem:s2+$0x8160];
	v25 =	vmul.f32 v8, v21  }
0x6aa: {  	v26 =	vld.msk [tilespmem:s2+$0x8170], $0x7fff;
	v15 =	vperm.xlane v15, v1;
	v27 =	vmul.f32 v9, v20  }
0x6ab: {  	v5 =	vld [tilespmem:$0x2A0];
	v17 =	vperm.xlane v17, v1;
	v18 =	vperm.xlane v18, v1  }
0x6ac: {  	v6 =	vld [tilespmem:$0x580];
	v22 =	vperm.xlane v22, v1;
	v23 =	vperm.xlane v23, v1  }
0x6ad: {  	v29 =	vld [tilespmem:s2+$0x8170];
	v19 =	vperm.xlane v19, v1;
	v24 =	vperm.xlane v24, v1;
	v15 =	vsel vm1, v15, v17  }
0x6ae: {  	v8 =	vld [tilespmem:$0x2B0];
	v22 =	vsel vm1, v22, v23;
	v23 =	vmul.f32 v28, v14;
	v30 =	vmul.f32 v15, v16  }
0x6af: {  	v9 =	vld [tilespmem:$0x590];
	v15 =	vsel vm1, v18, v19;
	v18 =	vperm.xlane v26, v1;
	v22 =	vmul.f32 v22, v12  }
0x6b0: {  	v17 =	vld [tilespmem:$0x2D0];
	v26 =	vmul.f32 v15, v13  }
0x6b1: {  	v19 =	vld [tilespmem:$0x5B0];
	v25 =	vadd.f32 v30, v25;
	v24 =	vsel vm1, v24, v18;
	v22 =	vadd.f32 v22, v23  }
0x6b2: {  	v15 =	vld [tilespmem:$0x2C0];
	v26 =	vadd.f32 v26, v27;
	v24 =	vmul.f32 v24, v10;
	v27 =	vmul.f32 v29, v11  }
0x6b3: {  	v18 =	vld [tilespmem:$0x5A0];
	[tilespmem:s2+$0x17140] =	vst v25  }
0x6b4: {  	[tilespmem:s2+$0x17160] =	vst v22;
	v23 =	vadd.f32 v24, v27  }
0x6b5: {  	s0 =	sadd.s32 $0x1400, s0;
	[tilespmem:s2+$0x17150] =	vst v26  }
0x6b6: {  	s30 =	sor.u32 s9, s0;
	v22 =	vld [tilespmem:s2+$0x8170];
	[tilespmem:s2+$0x17170] =	vst v23  }
0x6b7: {  	v23 =	vld [tilespmem:s30+$0x8100]  }
0x6b8: {  	v24 =	vld [tilespmem:s30+$0x8110]  }
0x6b9: {  	v25 =	vld [tilespmem:s30+$0x8120]  }
0x6ba: {  	v27 =	vld [tilespmem:s30+$0x8100]  }
0x6bb: {  	v30 =	vld [tilespmem:s30+$0x8140]  }
0x6bc: {  	v28 =	vld.msk [tilespmem:s30+$0x8110], $0x7fff  }
0x6bd: {  	v58 =	vld.msk [tilespmem:s30+$0x8150], $0x1  }
0x6be: {  	v26 =	vld.msk [tilespmem:s30+$0x8100], $0x7fff  }
0x6bf: {  	v29 =	vld [tilespmem:s30+$0x8110];
	v22 =	vperm.xlane v22, v1;
	v23 =	vmul.f32 v23, v2  }
0x6c0: {  	v24 =	vmul.f32 v24, v3;
	v59 =	vmul.f32 v30, v17  }
0x6c1: {  	v31 =	vld.msk [tilespmem:s30+$0x8120], $0x7fff;
	v27 =	vperm.xlane v27, v1;
	v28 =	vperm.xlane v28, v1  }
0x6c2: {  	v56 =	vld [tilespmem:s30+$0x8120];
	v30 =	vperm.xlane v30, v0;
	v34 =	vperm.xlane v58, v0  }
0x6c3: {  	v57 =	vld.msk [tilespmem:s30+$0x8130], $0x7fff;
	v25 =	vmul.f32 v25, v6;
	v26 =	vperm.xlane v26, v1  }
0x6c4: {  	s31 =	simm.s32 $0x0;
	v60 =	vld [tilespmem:s30+$0x8130];
	v29 =	vperm.xlane v29, v1;
	v27 =	vsel vm1, v27, v28;
	v28 =	vsel vm0, v30, v34  }
0x6c5: {  	s2 =	smul.u32 $0x1800, s31;
	v61 =	vld.msk [tilespmem:s30+$0x8140], $0x7fff;
	v22 =	vsel vm1, v22, v26;
	v27 =	vmul.f32 v27, v7;
	v28 =	vmul.f32 v28, v19  }
0x6c6: {  	s24 =	simm.s32 $0x100;
	v62 =	vld [tilespmem:s30+$0x8130];
	v31 =	vperm.xlane v31, v1;
	v22 =	vmul.f32 v22, v4  }
0x6c7: {  	s23 =	sand.u32 $0x300, s24;
	s22 =	sadd.s32 $0x1000, s2;
	v32 =	vperm.xlane v56, v1;
	v24 =	vadd.f32 v27, v24;
	v27 =	vadd.f32 v28, v59  }
0x6c8: {  	s26 =	sor.u32 s23, s22;
	v26 =	vperm.xlane v57, v1;
	v29 =	vsel vm1, v29, v31;
	v30 =	vld [tilespmem:s30+$0x8140];
	v22 =	vadd.f32 v22, v23  }
0x6c9: {  	v43 =	vld.msk [tilespmem:s26+$0x8140], $0x7fff;
	v23 =	vmul.f32 v29, v5;
	[tilespmem:s30+$0x17110] =	vst v24;
	v24 =	vperm.xlane v27, v1  }
0x6ca: {  	s9 =	sor.u32 $0x80, s9;
	v45 =	vld [tilespmem:s26+$0x8140];
	v36 =	vperm.xlane v60, v1;
	v26 =	vsel vm1, v32, v26;
	v29 =	vperm.xlane v61, v1;
	[tilespmem:s30+$0x17100] =	vst v22  }
0x6cb: {  	s6 =	sor.u32 s9, s6;
	v47 =	vld.msk [tilespmem:s26+$0x8150], $0x7fff;
	v22 =	vadd.f32 v23, v25;
	v23 =	vmul.f32 v26, v8;
	v25 =	vmul.f32 v62, v9;
	[tilespmem:s30+$0x17150] =	vst.msk $0x1, v24  }
0x6cc: {  	v27 =	vsel vm1, v36, v29;
	[tilespmem:s30+$0x17140] =	vst v24;
	v24 =	vld [tilespmem:s6+$0x8150]  }
0x6cd: {  	[tilespmem:s30+$0x17120] =	vst v22;
	v22 =	vadd.f32 v23, v25;
	v23 =	vmul.f32 v27, v15;
	v25 =	vmul.f32 v30, v18;
	v29 =	vld [tilespmem:s6+$0x8140]  }
0x6ce: {  	v31 =	vld [tilespmem:s6+$0x8150]  }
0x6cf: {  	v40 =	vld [tilespmem:s6+$0x8160];
	[tilespmem:s30+$0x17130] =	vst v22;
	v22 =	vadd.f32 v23, v25  }
0x6d0: {  	v23 =	vld [tilespmem:s6+$0x8140]  }
0x6d1: {  	[tilespmem:s30+$0x17140] =	vst v22;
	v22 =	vld [tilespmem:s6+$0x8130]  }
0x6d2: {  	v25 =	vld.msk [tilespmem:s6+$0x8140], $0x7fff  }
0x6d3: {  	v30 =	vld.msk [tilespmem:s6+$0x8150], $0x7fff  }
0x6d4: {  	v63 =	vld.msk [tilespmem:s6+$0x8160], $0x7fff  }
0x6d5: {  	v41 =	vld.msk [tilespmem:s6+$0x8170], $0x7fff;
	v24 =	vmul.f32 v24, v20  }
0x6d6: {  	v42 =	vld [tilespmem:s6+$0x8160];
	v29 =	vperm.xlane v29, v1;
	v31 =	vperm.xlane v31, v1  }
0x6d7: {  	v28 =	vld [tilespmem:s26+$0x8150];
	v22 =	vperm.xlane v22, v1;
	v25 =	vperm.xlane v25, v1  }
0x6d8: {  	v44 =	vld [tilespmem:s6+$0x8170];
	v46 =	vperm.xlane v40, v1;
	v30 =	vperm.xlane v30, v1  }
0x6d9: {  	v26 =	vld [tilespmem:s26+$0x8140];
	v23 =	vmul.f32 v23, v21;
	v22 =	vsel vm1, v22, v25;
	v25 =	vperm.xlane v63, v1  }
0x6da: {  	v27 =	vld [tilespmem:s26+$0x8130];
	v29 =	vsel vm1, v29, v30;
	v30 =	vperm.xlane v41, v1;
	v22 =	vmul.f32 v22, v16  }
0x6db: {  	v48 =	vld [tilespmem:s26+$0x8150];
	v29 =	vmul.f32 v29, v13;
	v25 =	vsel vm1, v31, v25;
	v31 =	vmul.f32 v42, v14  }
0x6dc: {  	v49 =	vld.msk [tilespmem:s26+$0x8160], $0x7fff;
	v22 =	vadd.f32 v22, v23;
	v23 =	vmul.f32 v25, v12;
	v25 =	vsel vm1, v46, v30  }
0x6dd: {  	v30 =	vld [tilespmem:s26+$0x8160];
	v24 =	vadd.f32 v29, v24;
	v29 =	vmul.f32 v44, v11;
	v25 =	vmul.f32 v25, v10  }
0x6de: {  	v50 =	vld.msk [tilespmem:s26+$0x8170], $0x7fff;
	v26 =	vmul.f32 v26, v21;
	[tilespmem:s6+$0x17140] =	vst v22;
	v22 =	vadd.f32 v23, v31  }
0x6df: {  	v23 =	vperm.xlane v27, v1;
	v27 =	vmul.f32 v28, v20;
	v28 =	vld [tilespmem:s26+$0x8160];
	[tilespmem:s6+$0x17150] =	vst v24;
	v24 =	vadd.f32 v25, v29  }
0x6e0: {  	v51 =	vld [tilespmem:s26+$0x8170];
	v31 =	vperm.xlane v48, v1;
	v25 =	vperm.xlane v43, v1;
	[tilespmem:s6+$0x17160] =	vst v22  }
0x6e1: {  	s21 =	sor.u32 s9, s0;
	v58 =	vld [tilespmem:s6+$0x8170];
	v29 =	vperm.xlane v45, v1;
	v22 =	vperm.xlane v47, v1;
	[tilespmem:s6+$0x17170] =	vst v24  }
0x6e2: {  	v23 =	vsel vm1, v23, v25;
	v24 =	vperm.xlane v49, v1;
	v25 =	vperm.xlane v30, v1;
	v30 =	vld [tilespmem:s21+$0x8140]  }
0x6e3: {  	v23 =	vmul.f32 v23, v16;
	v22 =	vsel vm1, v29, v22;
	v29 =	vperm.xlane v50, v1;
	v52 =	vld.msk [tilespmem:s21+$0x8150], $0x1  }
0x6e4: {  	v22 =	vmul.f32 v22, v13;
	v24 =	vsel vm1, v31, v24;
	v28 =	vmul.f32 v28, v14;
	v31 =	vld.msk [tilespmem:s21+$0x8100], $0x7fff  }
0x6e5: {  	v23 =	vadd.f32 v23, v26;
	v24 =	vmul.f32 v24, v12;
	v25 =	vsel vm1, v25, v29;
	v26 =	vld [tilespmem:s21+$0x8130]  }
0x6e6: {  	v29 =	vld.msk [tilespmem:s21+$0x8140], $0x7fff;
	v22 =	vadd.f32 v22, v27;
	v25 =	vmul.f32 v25, v10;
	v27 =	vmul.f32 v51, v11  }
0x6e7: {  	[tilespmem:s26+$0x17140] =	vst v23;
	v23 =	vadd.f32 v24, v28;
	v24 =	vld [tilespmem:s21+$0x8100]  }
0x6e8: {  	[tilespmem:s26+$0x17150] =	vst v22;
	v22 =	vadd.f32 v25, v27;
	v25 =	vld.msk [tilespmem:s21+$0x8110], $0x7fff  }
0x6e9: {  	s25 =	sadd.s32 $0x1400, s2;
	v27 =	vld [tilespmem:s26+$0x8170];
	[tilespmem:s26+$0x17160] =	vst v23  }
0x6ea: {  	s0 =	sor.u32 s23, s25;
	v23 =	vld [tilespmem:s21+$0x8140];
	[tilespmem:s26+$0x17170] =	vst v22  }
0x6eb: {  	v28 =	vld [tilespmem:s0+$0x8100]  }
0x6ec: {  	v32 =	vperm.xlane v52, v0;
	v22 =	vperm.xlane v30, v0;
	v53 =	vld [tilespmem:s0+$0x8110]  }
0x6ed: {  	v54 =	vld [tilespmem:s0+$0x8120]  }
0x6ee: {  	v30 =	vmul.f32 v30, v17;
	v26 =	vperm.xlane v26, v1;
	v55 =	vld.msk [tilespmem:s0+$0x8100], $0x7fff;
	v22 =	vsel vm0, v22, v32  }
0x6ef: {  	v29 =	vperm.xlane v29, v1;
	v56 =	vld [tilespmem:s0+$0x8100];
	v22 =	vmul.f32 v22, v19  }
0x6f0: {  	v57 =	vld.msk [tilespmem:s0+$0x8110], $0x7fff;
	v24 =	vperm.xlane v24, v1  }
0x6f1: {  	v59 =	vld [tilespmem:s0+$0x8110];
	v26 =	vsel vm1, v26, v29;
	v25 =	vperm.xlane v25, v1;
	v22 =	vadd.f32 v22, v30  }
0x6f2: {  	v60 =	vld [tilespmem:s0+$0x8140];
	v26 =	vmul.f32 v26, v15;
	v23 =	vmul.f32 v23, v18  }
0x6f3: {  	v61 =	vld.msk [tilespmem:s0+$0x8120], $0x7fff;
	v24 =	vsel vm1, v24, v25;
	v25 =	vperm.xlane v22, v1  }
0x6f4: {  	v63 =	vperm.xlane v58, v1;
	v62 =	vperm.xlane v31, v1;
	v33 =	vld.msk [tilespmem:s0+$0x8130], $0x7fff;
	v23 =	vadd.f32 v26, v23  }
0x6f5: {  	v32 =	vperm.xlane v27, v1;
	v22 =	vmul.f32 v24, v7;
	v24 =	vld [tilespmem:s0+$0x8120];
	[tilespmem:s21+$0x17140] =	vst v25  }
0x6f6: {  	v30 =	vmul.f32 v28, v2;
	v28 =	vmul.f32 v53, v3;
	[tilespmem:s21+$0x17140] =	vst v23;
	v23 =	vld.msk [tilespmem:s0+$0x8150], $0x1  }
0x6f7: {  	v37 =	vld [tilespmem:s0+$0x8130];
	v27 =	vmul.f32 v54, v6;
	v29 =	vmul.f32 v60, v17  }
0x6f8: {  	v34 =	vld.msk [tilespmem:s0+$0x8140], $0x7fff;
	v40 =	vperm.xlane v55, v1;
	v36 =	vperm.xlane v56, v1  }
0x6f9: {  	v26 =	vld [tilespmem:s21+$0x8110];
	v39 =	vperm.xlane v57, v1;
	v35 =	vperm.xlane v59, v1  }
0x6fa: {  	v38 =	vperm.xlane v61, v1;
	v41 =	vperm.xlane v60, v0;
	[tilespmem:s21+$0x17150] =	vst.msk $0x1, v25;
	v25 =	vld.msk [tilespmem:s21+$0x8120], $0x7fff  }
0x6fb: {  	s26 =	simm.s32 $0x2;
	v31 =	vperm.xlane v24, v1;
	v24 =	vsel vm1, v63, v62;
	v42 =	vperm.xlane v23, v0;
	v23 =	vld [tilespmem:s21+$0x8120]  }
.LBB2_17:
0x6fc: {  	s26 =	sadd.s32 $0x2, s26;
	v32 =	vsel vm1, v32, v40;
	v33 =	vperm.xlane v33, v1;
	v40 =	vld [tilespmem:s0+$0x8130];
	v37 =	vperm.xlane v37, v1  }
0x6fd: {  	v36 =	vsel vm1, v36, v39;
	s2 =	sshrl.u32 s26, $0x3;
	p0 =	slt.u32 s26, $0x26;
	v32 =	vmul.f32 v32, v4;
	v39 =	vsel vm0, v41, v42;
	v41 =	vld.msk [tilespmem:s21+$0x8130], $0x7fff  }
0x6fe: {  	v35 =	vsel vm1, v35, v38;
	v36 =	vmul.f32 v36, v7;
	s2 =	smul.u32 $0x1800, s2;
	v38 =	vmul.f32 v39, v19;
	v39 =	vld [tilespmem:s0+$0x8140]  }
0x6ff: {  	s24 =	sadd.s32 $0x100, s24;
	v30 =	vadd.f32 v32, v30;
	v32 =	vmul.f32 v35, v5;
	v34 =	vperm.xlane v34, v1;
	v35 =	vld [tilespmem:s21+$0x8100]  }
0x700: {  	s6 =	sand.u32 $0x300, s24;
	v31 =	vsel vm1, v31, v33;
	v28 =	vadd.f32 v36, v28;
	s7 =	sadd.s32 $0x1000, s2;
	v29 =	vadd.f32 v38, v29;
	v33 =	vld [tilespmem:s21+$0x8110]  }
0x701: {  	s9 =	sor.u32 s6, s7;
	[tilespmem:s0+$0x17100] =	vst v30;
	v27 =	vadd.f32 v32, v27;
	v30 =	vmul.f32 v31, v8;
	v31 =	vmul.f32 v40, v9;
	v32 =	vld [tilespmem:s21+$0x8120]  }
0x702: {  	v26 =	vperm.xlane v26, v1;
	v36 =	vld [tilespmem:s9+$0x8140];
	[tilespmem:s0+$0x17110] =	vst v28;
	v28 =	vperm.xlane v29, v1;
	v29 =	vsel vm1, v37, v34  }
0x703: {  	s28 =	sor.u32 $0x80, s23;
	s23 =	smov.u32 s6;
	v34 =	vld [tilespmem:s9+$0x8150];
	[tilespmem:s0+$0x17120] =	vst v27;
	v27 =	vadd.f32 v30, v31;
	v29 =	vmul.f32 v29, v15;
	v30 =	vmul.f32 v39, v18  }
0x704: {  	v25 =	vperm.xlane v25, v1;
	v23 =	vperm.xlane v23, v1;
	s6 =	sor.u32 s28, s22;
	s22 =	smov.u32 s7;
	v31 =	vld [tilespmem:s9+$0x8130];
	[tilespmem:s0+$0x17150] =	vst.msk $0x1, v28  }
0x705: {  	v24 =	vmul.f32 v24, v4;
	[tilespmem:s0+$0x17130] =	vst v27;
	v27 =	vadd.f32 v29, v30;
	v29 =	vld [tilespmem:s6+$0x8140];
	v30 =	vperm.xlane v41, v1  }
0x706: {  	v25 =	vsel vm1, v26, v25;
	v35 =	vmul.f32 v35, v2;
	v33 =	vmul.f32 v33, v3;
	[tilespmem:s0+$0x17140] =	vst v28;
	v28 =	vld [tilespmem:s6+$0x8150]  }
0x707: {  	v25 =	vmul.f32 v25, v5;
	[tilespmem:s0+$0x17140] =	vst v27;
	v26 =	vld [tilespmem:s6+$0x8130];
	v27 =	vmul.f32 v32, v6;
	v23 =	vsel vm1, v23, v30  }
0x708: {  	v24 =	vadd.f32 v24, v35;
	v22 =	vadd.f32 v22, v33;
	v30 =	vld.msk [tilespmem:s6+$0x8140], $0x7fff;
	v23 =	vmul.f32 v23, v8  }
0x709: {  	v32 =	vld [tilespmem:s6+$0x8140];
	v25 =	vadd.f32 v25, v27  }
0x70a: {  	v27 =	vld.msk [tilespmem:s6+$0x8150], $0x7fff;
	[tilespmem:s21+$0x17100] =	vst v24  }
0x70b: {  	v24 =	vld [tilespmem:s6+$0x8150];
	[tilespmem:s21+$0x17110] =	vst v22  }
0x70c: {  	v22 =	vld.msk [tilespmem:s6+$0x8160], $0x7fff;
	[tilespmem:s21+$0x17120] =	vst v25  }
0x70d: {  	v25 =	vld [tilespmem:s6+$0x8160]  }
0x70e: {  	v29 =	vmul.f32 v29, v21;
	v33 =	vld.msk [tilespmem:s6+$0x8170], $0x7fff  }
0x70f: {  	v28 =	vmul.f32 v28, v20;
	v26 =	vperm.xlane v26, v1;
	v35 =	vld [tilespmem:s6+$0x8160]  }
0x710: {  	v30 =	vperm.xlane v30, v1;
	v32 =	vperm.xlane v32, v1;
	v37 =	vld.msk [tilespmem:s9+$0x8140], $0x7fff  }
0x711: {  	v27 =	vperm.xlane v27, v1;
	v24 =	vperm.xlane v24, v1;
	v38 =	vld [tilespmem:s6+$0x8170]  }
0x712: {  	v26 =	vsel vm1, v26, v30;
	v22 =	vperm.xlane v22, v1;
	v39 =	vld [tilespmem:s9+$0x8140];
	v25 =	vperm.xlane v25, v1  }
0x713: {  	v26 =	vmul.f32 v26, v16;
	v27 =	vsel vm1, v32, v27;
	v30 =	vld.msk [tilespmem:s9+$0x8150], $0x7fff;
	v32 =	vperm.xlane v33, v1  }
0x714: {  	v27 =	vmul.f32 v27, v13;
	v22 =	vsel vm1, v24, v22;
	v33 =	vld [tilespmem:s9+$0x8150];
	v24 =	vmul.f32 v35, v14  }
0x715: {  	v26 =	vadd.f32 v26, v29;
	v22 =	vmul.f32 v22, v12;
	v35 =	vld.msk [tilespmem:s9+$0x8160], $0x7fff;
	v25 =	vsel vm1, v25, v32  }
0x716: {  	v27 =	vadd.f32 v27, v28;
	v29 =	vld [tilespmem:s9+$0x8160];
	v25 =	vmul.f32 v25, v10;
	v28 =	vmul.f32 v38, v11  }
0x717: {  	v32 =	vmul.f32 v36, v21;
	v22 =	vadd.f32 v22, v24;
	v36 =	vld.msk [tilespmem:s9+$0x8170], $0x7fff;
	[tilespmem:s6+$0x17140] =	vst v26  }
0x718: {  	v24 =	vperm.xlane v31, v1;
	v26 =	vmul.f32 v34, v20;
	v31 =	vld [tilespmem:s9+$0x8160];
	[tilespmem:s6+$0x17150] =	vst v27;
	v25 =	vadd.f32 v25, v28  }
0x719: {  	v27 =	vperm.xlane v37, v1;
	v28 =	vperm.xlane v39, v1;
	[tilespmem:s6+$0x17160] =	vst v22;
	v22 =	vld [tilespmem:s21+$0x8130]  }
0x71a: {  	s7 =	sor.u32 s28, s25;
	v30 =	vperm.xlane v30, v1;
	v33 =	vperm.xlane v33, v1;
	v34 =	vld [tilespmem:s9+$0x8170];
	[tilespmem:s6+$0x17170] =	vst v25  }
0x71b: {  	v24 =	vsel vm1, v24, v27;
	v25 =	vperm.xlane v35, v1;
	v27 =	vperm.xlane v29, v1;
	v29 =	vld [tilespmem:s7+$0x8140]  }
0x71c: {  	v28 =	vsel vm1, v28, v30;
	v24 =	vmul.f32 v24, v16;
	v30 =	vperm.xlane v36, v1;
	v35 =	vld.msk [tilespmem:s7+$0x8150], $0x1  }
0x71d: {  	v28 =	vmul.f32 v28, v13;
	v25 =	vsel vm1, v33, v25;
	v31 =	vmul.f32 v31, v14;
	v33 =	vld.msk [tilespmem:s7+$0x8100], $0x7fff  }
0x71e: {  	v24 =	vadd.f32 v24, v32;
	v25 =	vmul.f32 v25, v12;
	v27 =	vsel vm1, v27, v30;
	v30 =	vld [tilespmem:s7+$0x8130]  }
0x71f: {  	v26 =	vadd.f32 v28, v26;
	v27 =	vmul.f32 v27, v10;
	v28 =	vmul.f32 v34, v11;
	v32 =	vld.msk [tilespmem:s7+$0x8140], $0x7fff  }
0x720: {  	v22 =	vmul.f32 v22, v9;
	[tilespmem:s9+$0x17140] =	vst v24;
	v24 =	vadd.f32 v25, v31;
	v25 =	vld [tilespmem:s7+$0x8100]  }
0x721: {  	[tilespmem:s9+$0x17150] =	vst v26;
	v26 =	vadd.f32 v27, v28;
	v27 =	vld.msk [tilespmem:s7+$0x8110], $0x7fff;
	v28 =	vperm.xlane v29, v0;
	v31 =	vperm.xlane v35, v0  }
0x722: {  	s25 =	sadd.s32 $0x1400, s2;
	v22 =	vadd.f32 v23, v22;
	[tilespmem:s9+$0x17160] =	vst v24;
	v24 =	vperm.xlane v33, v1;
	v33 =	vld [tilespmem:s7+$0x8140]  }
0x723: {  	s0 =	sor.u32 s23, s25;
	[tilespmem:s9+$0x17170] =	vst v26;
	v23 =	vld [tilespmem:s9+$0x8170];
	v26 =	vmul.f32 v29, v17;
	v28 =	vsel vm0, v28, v31;
	v29 =	vperm.xlane v30, v1  }
0x724: {  	v30 =	vld [tilespmem:s0+$0x8100];
	v28 =	vmul.f32 v28, v19;
	v31 =	vperm.xlane v32, v1;
	[tilespmem:s21+$0x17130] =	vst v22;
	s21 =	smov.u32 s7  }
0x725: {  	v34 =	vld [tilespmem:s0+$0x8110];
	v22 =	vperm.xlane v25, v1  }
0x726: {  	v25 =	vld [tilespmem:s0+$0x8120];
	v27 =	vperm.xlane v27, v1;
	v26 =	vadd.f32 v28, v26;
	v28 =	vsel vm1, v29, v31  }
0x727: {  	v31 =	vld.msk [tilespmem:s0+$0x8100], $0x7fff;
	v28 =	vmul.f32 v28, v15;
	v29 =	vmul.f32 v33, v18  }
0x728: {  	v35 =	vld [tilespmem:s0+$0x8100];
	v22 =	vsel vm1, v22, v27;
	v26 =	vperm.xlane v26, v1  }
0x729: {  	v38 =	vld.msk [tilespmem:s0+$0x8110], $0x7fff;
	v22 =	vmul.f32 v22, v7;
	v27 =	vadd.f32 v28, v29  }
0x72a: {  	v28 =	vld [tilespmem:s6+$0x8170];
	[tilespmem:s21+$0x17140] =	vst v26  }
0x72b: {  	v41 =	vld [tilespmem:s0+$0x8110];
	[tilespmem:s21+$0x17140] =	vst v27  }
0x72c: {  	v42 =	vld [tilespmem:s0+$0x8140];
	[tilespmem:s21+$0x17150] =	vst.msk $0x1, v26  }
0x72d: {  	v43 =	vld.msk [tilespmem:s0+$0x8120], $0x7fff  }
0x72e: {  	v44 =	vld [tilespmem:s0+$0x8120]  }
0x72f: {  	v32 =	vperm.xlane v23, v1;
	v33 =	vld.msk [tilespmem:s0+$0x8130], $0x7fff;
	v23 =	vperm.xlane v28, v1  }
0x730: {  	v30 =	vmul.f32 v30, v2;
	v28 =	vmul.f32 v34, v3;
	v45 =	vld.msk [tilespmem:s0+$0x8150], $0x1  }
.Ltmp7:
0x731: {  	v27 =	vmul.f32 v25, v6;
	v29 =	vmul.f32 v42, v17;
	v37 =	vld [tilespmem:s0+$0x8130];
	v24 =	vsel vm1, v23, v24;
	(pc) =	sbr.rel @p0 .LBB2_17-.Ltmp7, $4  }
0x732: {  	v40 =	vperm.xlane v31, v1;
	v36 =	vperm.xlane v35, v1;
	v26 =	vld [tilespmem:s21+$0x8110]  }
0x733: {  	v39 =	vperm.xlane v38, v1;
	v35 =	vperm.xlane v41, v1;
	v25 =	vld.msk [tilespmem:s21+$0x8120], $0x7fff  }
0x734: {  	v38 =	vperm.xlane v43, v1;
	v31 =	vperm.xlane v44, v1;
	v34 =	vld.msk [tilespmem:s0+$0x8140], $0x7fff  }
0x735: {  	v41 =	vperm.xlane v42, v0;
	v42 =	vperm.xlane v45, v0;
	v23 =	vld [tilespmem:s21+$0x8120]  }
0x736: {  	_ = 	snop  }
0x737: {  	v57 =	vsel vm0, v41, v42  }
0x738: {  	v58 =	vmul.f32 v57, v19  }
0x739: {  	v36 =	vsel vm1, v36, v39  }
0x73a: {  	v32 =	vsel vm1, v32, v40;
	v56 =	vld [tilespmem:s0+$0x8130];
	v36 =	vmul.f32 v36, v7;
	v29 =	vadd.f32 v58, v29  }
0x73b: {  	v33 =	vperm.xlane v33, v1;
	v35 =	vsel vm1, v35, v38;
	v59 =	vld [tilespmem:s0+$0x8140];
	v32 =	vmul.f32 v32, v4  }
0x73c: {  	v60 =	vmul.f32 v35, v5;
	v28 =	vadd.f32 v36, v28;
	v36 =	vperm.xlane v29, v1  }
0x73d: {  	v37 =	vperm.xlane v37, v1;
	s6 =	sor.u32 $0x80, s23;
	v30 =	vadd.f32 v32, v30;
	v34 =	vperm.xlane v34, v1  }
0x73e: {  	v63 =	vld [tilespmem:s21+$0x8100];
	s2 =	sor.u32 s6, s22;
	v31 =	vsel vm1, v31, v33;
	v27 =	vadd.f32 v60, v27;
	[tilespmem:s0+$0x17150] =	vst.msk $0x1, v36  }
0x73f: {  	v61 =	vmul.f32 v31, v8;
	[tilespmem:s0+$0x17100] =	vst v30;
	v62 =	vmul.f32 v56, v9;
	v38 =	vsel vm1, v37, v34;
	v45 =	vld [tilespmem:s2+$0x8140]  }
0x740: {  	[tilespmem:s0+$0x17110] =	vst v28;
	v42 =	vmul.f32 v59, v18;
	v29 =	vmul.f32 v38, v15;
	v46 =	vld [tilespmem:s2+$0x8150]  }
0x741: {  	[tilespmem:s0+$0x17120] =	vst v27;
	v41 =	vadd.f32 v61, v62;
	v47 =	vld [tilespmem:s2+$0x8130]  }
0x742: {  	v44 =	vadd.f32 v29, v42;
	[tilespmem:s0+$0x17140] =	vst v36;
	v49 =	vld [tilespmem:s2+$0x8140]  }
0x743: {  	[tilespmem:s0+$0x17130] =	vst v41;
	v51 =	vld [tilespmem:s2+$0x8150]  }
0x744: {  	v53 =	vld [tilespmem:s2+$0x8160];
	[tilespmem:s0+$0x17140] =	vst v44  }
0x745: {  	v48 =	vld.msk [tilespmem:s2+$0x8140], $0x7fff  }
0x746: {  	v50 =	vld.msk [tilespmem:s2+$0x8150], $0x7fff  }
0x747: {  	v26 =	vperm.xlane v26, v1;
	v25 =	vperm.xlane v25, v1;
	v52 =	vld.msk [tilespmem:s2+$0x8160], $0x7fff  }
0x748: {  	v32 =	vmul.f32 v63, v2;
	v54 =	vld.msk [tilespmem:s2+$0x8170], $0x7fff;
	v21 =	vmul.f32 v45, v21  }
0x749: {  	v55 =	vld [tilespmem:s2+$0x8160];
	v27 =	vperm.xlane v47, v1;
	v20 =	vmul.f32 v46, v20  }
0x74a: {  	v56 =	vperm.xlane v49, v1;
	v30 =	vperm.xlane v48, v1  }
0x74b: {  	v25 =	vsel vm1, v26, v25;
	v59 =	vld [tilespmem:s2+$0x8170];
	v58 =	vperm.xlane v51, v1;
	v57 =	vperm.xlane v50, v1  }
0x74c: {  	v60 =	vperm.xlane v53, v1;
	v26 =	vperm.xlane v52, v1;
	v27 =	vsel vm1, v27, v30  }
0x74d: {  	v29 =	vperm.xlane v54, v1;
	v62 =	vsel vm1, v56, v57;
	v16 =	vmul.f32 v27, v16  }
0x74e: {  	v14 =	vmul.f32 v55, v14;
	v63 =	vsel vm1, v58, v26;
	v13 =	vmul.f32 v62, v13  }
0x74f: {  	v29 =	vsel vm1, v60, v29;
	v12 =	vmul.f32 v63, v12;
	v16 =	vadd.f32 v16, v21  }
0x750: {  	v40 =	vld [tilespmem:s21+$0x8110];
	v11 =	vmul.f32 v59, v11;
	v10 =	vmul.f32 v29, v10;
	v13 =	vadd.f32 v13, v20  }
0x751: {  	v43 =	vld [tilespmem:s21+$0x8120];
	v12 =	vadd.f32 v12, v14;
	[tilespmem:s2+$0x17140] =	vst v16  }
0x752: {  	v61 =	vld.msk [tilespmem:s21+$0x8130], $0x7fff;
	v10 =	vadd.f32 v10, v11;
	[tilespmem:s2+$0x17150] =	vst v13  }
0x753: {  	v38 =	vld [tilespmem:s2+$0x8170];
	[tilespmem:s2+$0x17160] =	vst v12  }
0x754: {  	s30 =	sor.u32 s6, s25;
	v30 =	vld [tilespmem:s21+$0x8130];
	[tilespmem:s2+$0x17170] =	vst v10  }
0x755: {  	v10 =	vld [tilespmem:s30+$0x8140]  }
0x756: {  	v25 =	vmul.f32 v25, v5;
	v31 =	vmul.f32 v43, v6;
	v12 =	vld.msk [tilespmem:s30+$0x8150], $0x1  }
0x757: {  	v24 =	vmul.f32 v24, v4;
	v13 =	vld.msk [tilespmem:s30+$0x8100], $0x7fff  }
0x758: {  	v25 =	vadd.f32 v25, v31;
	v31 =	vld [tilespmem:s30+$0x8130]  }
0x759: {  	v33 =	vmul.f32 v40, v3;
	v24 =	vadd.f32 v24, v32;
	v32 =	vld [tilespmem:s30+$0x8100]  }
0x75a: {  	v35 =	vld.msk [tilespmem:s30+$0x8110], $0x7fff  }
0x75b: {  	v22 =	vadd.f32 v22, v33;
	v33 =	vperm.xlane v23, v1;
	v34 =	vperm.xlane v61, v1;
	v39 =	vld [tilespmem:s30+$0x8110]  }
0x75c: {  	v40 =	vld.msk [tilespmem:s30+$0x8120], $0x7fff  }
0x75d: {  	v21 =	vsel vm1, v33, v34;
	v41 =	vld [tilespmem:s30+$0x8120]  }
0x75e: {  	v49 =	vperm.xlane v38, v1;
	v21 =	vmul.f32 v21, v8;
	v44 =	vld.msk [tilespmem:s30+$0x8130], $0x7fff  }
0x75f: {  	v11 =	vmul.f32 v30, v9;
	v46 =	vld [tilespmem:s30+$0x8100];
	v37 =	vperm.xlane v10, v0  }
0x760: {  	v50 =	vld [tilespmem:s30+$0x8110];
	v12 =	vperm.xlane v12, v0;
	v14 =	vperm.xlane v31, v1  }
0x761: {  	v10 =	vmul.f32 v10, v17;
	v42 =	vperm.xlane v32, v1  }
0x762: {  	v43 =	vperm.xlane v35, v1;
	v13 =	vperm.xlane v13, v1  }
0x763: {  	v52 =	vld [tilespmem:s30+$0x8120];
	v53 =	vperm.xlane v39, v1;
	v54 =	vperm.xlane v40, v1  }
0x764: {  	v16 =	vld.msk [tilespmem:s30+$0x8140], $0x7fff;
	v11 =	vadd.f32 v21, v11;
	v56 =	vperm.xlane v41, v1;
	v58 =	vperm.xlane v44, v1  }
0x765: {  	v55 =	vld [tilespmem:s30+$0x8130];
	v2 =	vmul.f32 v46, v2;
	v3 =	vmul.f32 v50, v3;
	v13 =	vsel vm1, v49, v13  }
0x766: {  	[tilespmem:s21+$0x17100] =	vst v24;
	v12 =	vsel vm0, v37, v12;
	v48 =	vsel vm1, v42, v43;
	v57 =	vmul.f32 v13, v4  }
0x767: {  	[tilespmem:s21+$0x17110] =	vst v22;
	v36 =	vld [tilespmem:s30+$0x8140];
	v59 =	vsel vm1, v53, v54;
	v12 =	vmul.f32 v12, v19;
	v51 =	vmul.f32 v48, v7  }
0x768: {  	[tilespmem:s21+$0x17120] =	vst v25;
	v61 =	vmul.f32 v52, v6;
	v60 =	vmul.f32 v59, v5;
	v2 =	vadd.f32 v57, v2  }
0x769: {  	[tilespmem:s21+$0x17130] =	vst v11;
	v16 =	vperm.xlane v16, v1;
	v10 =	vadd.f32 v12, v10;
	v3 =	vadd.f32 v51, v3  }
0x76a: {  	v63 =	vmul.f32 v55, v9;
	v11 =	vsel vm1, v56, v58;
	v5 =	vadd.f32 v60, v61;
	[tilespmem:s30+$0x17100] =	vst v2  }
0x76b: {  	s19 =	sadd.s32 $0x1, s19;
	v14 =	vsel vm1, v14, v16;
	v62 =	vmul.f32 v11, v8;
	v10 =	vperm.xlane v10, v1;
	[tilespmem:s30+$0x17110] =	vst v3  }
0x76c: {  	p0 =	sne.s32 s19, $0x12;
	v47 =	vmul.f32 v36, v18;
	v45 =	vmul.f32 v14, v15;
	[tilespmem:s30+$0x17120] =	vst v5  }
.Ltmp8:
0x76d: {  	v2 =	vadd.f32 v62, v63;
	[tilespmem:s30+$0x17140] =	vst v10;
	(pc) =	sbr.rel @p0 .LBB2_2-.Ltmp8, $4  }
0x76e: {  	v12 =	vadd.f32 v45, v47;
	[tilespmem:s30+$0x17150] =	vst.msk $0x1, v10  }
0x76f: {  	[tilespmem:s30+$0x17130] =	vst v2  }
0x770: {  	s31 =	sadd.s32 s3, s20;
	[tilespmem:s30+$0x17140] =	vst v12  }
0x771: {  	[hbm4b:s31+s4] =	stream.linear.scatter [tilespmem:s15], [sflag:$0x5], $0x7800, $0x38;
	[tilespmem:$0x1E900] =	vst v63  }
0x772: {  	s18 =	sadd.s32 $0x1, s18  }
0x773: {  	_ =	swait.ge [sflag:s16], $0x7800;
	p0 =	sne.s32 s18, s8  }
.Ltmp9:
0x774: {  	[sflag:s16] =	ssyncset.done $0x0;
	(pc) =	sbr.rel @p0 .LBB2_1-.Ltmp9, $4  }
0x775: {  	[sflag:s16] =	ssyncadd.s32 $0xFFFF8800  }
0x776: {  	_ =	swait.ge [sflag:s17], $0x7800  }
0x777: {  	[sflag:s17] =	ssyncset.done $0x0  }
0x778: {  	[sflag:s17] =	ssyncadd.s32 $0xFFFF8800  }
0x779: {  	_ =	sfence.sel $0x180000  }
0x77a: {  	[bflag:$0x0] =	sbarrier.arrive $0xFFFF  }
0x77b: {  	_ =	strace $0x90000047  }
0x77c: {  	s0 =	stileid.u32;
	[bflag:$0x2] =	sbarrier.arrive $0xFFFF  }
0x77d: {  	p0 =	sne.s32 s0, $0x0;
	s0 =	rddreg [dreg:$0x3]  }
0x77e: {  	s0 =	sadd.s32 @!p0 $0x100000, s0  }
0x77f: {  	[sflag:s0] =	ssyncadd.tile.s32 @!p0 $0x1;
	_ =	shalt  }
.Lfunc_end2:
_tile_overlayer_lowered:
.L_overlay_start_2:
0x780: {  	(tag) =	ssettag $0x2  }
0x781: {  	s0 =	rddreg [dreg:$0x0];
	s2 =	stileid.u32  }
0x782: {  	s1 =	rddreg [dreg:$0x1];
	p0 =	sne.s32 s2, $0x0  }
0x783: {  	s3 =	rddreg [dreg:$0x2];
	[bflag:$0x3] =	sbarrier.arrive $0xFFFF;
	s2 =	simm.s32 @!p0 $0x1C06  }
0x784: {  	[timem:s3], [sflag:s2] =	dma.local @!p0 [hbm:s0], s1  }
0x785: {  	s0 =	simm.s32 @!p0 $0x6  }
0x786: {  	_ =	swait.ge @!p0 [sflag:s0], s1  }
0x787: {  	s1 =	ssub.s32 @!p0 $0x0, s1;
	[sflag:s0] =	ssyncset.done @!p0 $0x0  }
0x788: {  	[sflag:s0] =	ssyncadd.s32 @!p0 s1  }
0x789: {  	[bflag:$0x3] =	sbarrier.arrive $0xFFFF  }
0x78a: {  	_ =	shalt  }

</sc_bundles>
